<compile_context>
chip_gen: v7x
topology: tpu7x:2x2x1
jax: 0.10.2.dev20260603
libtpu: 0.0.44.dev20260713+nightly
codegen_flags: <defaults>
</compile_context>

<pallas_src>
import functools

import jax
import jax.numpy as jnp
from jax import lax
from jax.experimental import pallas as pl
from jax.experimental.pallas import tpu as pltpu
from jax.experimental.pallas import tpu_sc as plsc

EMB = 32
VOC = 1000000
NTILE = VOC // 128
VFULL = NTILE * 128
VPAD = VFULL + 128
NBLK = NTILE + 1


def _iota16():
    return lax.iota(jnp.int32, 16)


def _winfo():
    info = plsc.get_sparse_core_info()
    return info.num_cores, info.num_subcores


@functools.lru_cache(maxsize=None)
def _build_blocks():
    nc, ns = _winfo()
    nw = nc * ns
    nuni = (NTILE // (2 * nw)) * 2
    nuni4 = (nuni // 4) * 4
    nrem = NTILE - nuni * nw
    mesh = plsc.VectorSubcoreMesh(core_axis_name="c", subcore_axis_name="s")

    @functools.partial(
        pl.kernel,
        out_type=jax.ShapeDtypeStruct((NBLK * 32, 128), jnp.float32),
        mesh=mesh,
        scratch_types=[
            pltpu.VMEM((32, 128), jnp.float32),
            pltpu.VMEM((32, 128), jnp.float32),
            pltpu.VMEM((32, 128), jnp.float32),
            pltpu.VMEM((32, 128), jnp.float32),
            pltpu.SemaphoreType.DMA,
            pltpu.SemaphoreType.DMA,
            pltpu.SemaphoreType.DMA,
            pltpu.SemaphoreType.DMA,
            pltpu.SemaphoreType.DMA,
            pltpu.SemaphoreType.DMA,
            pltpu.SemaphoreType.DMA,
            pltpu.SemaphoreType.DMA,
        ],
        compiler_params=pltpu.CompilerParams(
            use_tc_tiling_on_sc=True, needs_layout_passes=False
        ),
    )
    def blocks(tab_hbm, tailb_hbm, blk_hbm, s0, s1, s2, s3,
               si0, si1, si2, si3, so0, so1, so2, so3):
        wid = lax.axis_index("s") * nc + lax.axis_index("c")
        stg = (s0, s1, s2, s3)
        isem = (si0, si1, si2, si3)
        osem = (so0, so1, so2, so3)

        def tile_of(j):
            return wid + j * nw

        def start_in(j, b):
            t = tile_of(j)
            v0 = pl.multiple_of(t * 128, 128)
            for p in range(4):
                pltpu.async_copy(
                    tab_hbm.at[pl.ds(p * 8, 8), pl.ds(v0, 128)],
                    stg[b].at[pl.ds(p * 8, 8)],
                    isem[b],
                )

        def wait_in(b):
            for p in range(4):
                pltpu.make_async_copy(
                    tab_hbm.at[pl.ds(0, 8), pl.ds(0, 128)],
                    stg[b].at[pl.ds(p * 8, 8)],
                    isem[b],
                ).wait()

        def start_out(j, b):
            t = tile_of(j)
            pltpu.async_copy(
                stg[b], blk_hbm.at[pl.ds(t * 32, 32)], osem[b]
            )

        def wait_out(b):
            pltpu.make_async_copy(
                stg[b], blk_hbm.at[pl.ds(0, 32)], osem[b]
            ).wait()

        for b in range(4):
            start_in(b, b)

        @pl.loop(0, nuni4, step=4)
        def _(j0):
            for b in range(4):
                j = j0 + b
                wait_in(b)
                start_out(j, b)
                wait_out(b)

                @pl.when(j + 4 < nuni4)
                def _():
                    start_in(j + 4, b)

        @pl.loop(nuni4, nuni)
        def _(j):
            start_in(j, 0)
            wait_in(0)
            pltpu.sync_copy(
                stg[0], blk_hbm.at[pl.ds(tile_of(j) * 32, 32)]
            )

        @pl.when(wid < nrem)
        def _():
            t = nuni * nw + wid
            v0 = pl.multiple_of(t * 128, 128)
            for p in range(4):
                pltpu.async_copy(
                    tab_hbm.at[pl.ds(p * 8, 8), pl.ds(v0, 128)],
                    stg[0].at[pl.ds(p * 8, 8)],
                    si0,
                )
            wait_in(0)
            pltpu.sync_copy(stg[0], blk_hbm.at[pl.ds(t * 32, 32)])

        @pl.when(wid == nrem)
        def _():
            pltpu.sync_copy(tailb_hbm, stg[0])
            pltpu.sync_copy(stg[0], blk_hbm.at[pl.ds(NTILE * 32, 32)])

    return blocks


@functools.lru_cache(maxsize=None)
def _build_transpose():
    nc, ns = _winfo()
    nw = nc * ns
    nuni = (NBLK // (2 * nw)) * 2
    nrem = NBLK - nuni * nw
    mesh = plsc.VectorSubcoreMesh(core_axis_name="c", subcore_axis_name="s")

    @functools.partial(
        pl.kernel,
        out_type=jax.ShapeDtypeStruct((VPAD * EMB,), jnp.float32),
        mesh=mesh,
        scratch_types=[
            pltpu.VMEM((4096,), jnp.float32),
            pltpu.VMEM((4096,), jnp.float32),
            pltpu.VMEM((128, 33), jnp.float32),
            pltpu.VMEM((4096,), jnp.float32),
            pltpu.VMEM((4096,), jnp.float32),
            pltpu.SemaphoreType.DMA,
            pltpu.SemaphoreType.DMA,
            pltpu.SemaphoreType.DMA,
            pltpu.SemaphoreType.DMA,
        ],
        compiler_params=pltpu.CompilerParams(
            use_tc_tiling_on_sc=False, needs_layout_passes=False
        ),
    )
    def transp(blk_hbm, rows_hbm, s0, s1, mid, c0, c1, si0, si1, so0, so1):
        wid = lax.axis_index("s") * nc + lax.axis_index("c")
        stg = (s0, s1)
        cmp_ = (c0, c1)
        isem = (si0, si1)
        osem = (so0, so1)
        iota = _iota16()

        def tile_of(j):
            return wid + j * nw

        def start_in(j, b):
            t = tile_of(j)
            pltpu.async_copy(
                blk_hbm.at[pl.ds(t * 4096, 4096)], stg[b], isem[b]
            )

        def wait_in(b):
            pltpu.make_async_copy(
                blk_hbm.at[pl.ds(0, 4096)], stg[b], isem[b]
            ).wait()

        def transpose(b):
            @pl.loop(0, 128, step=16)
            def _(v0):
                vrow = iota + v0
                for e in range(EMB):
                    val = stg[b][pl.ds(e * 128 + v0, 16)]
                    col = jnp.zeros((16,), jnp.int32) + e
                    plsc.store_scatter(mid, [vrow, col], val)

            @pl.loop(0, 128, step=8)
            def _(v0):
                for i in range(8):
                    v = v0 + i
                    cmp_[b][pl.ds(v * EMB, 16)] = mid[v, pl.ds(0, 16)]
                    cmp_[b][pl.ds(v * EMB + 16, 16)] = mid[v, pl.ds(16, 16)]

        def start_out(j, b):
            t = tile_of(j)
            pltpu.async_copy(
                cmp_[b],
                rows_hbm.at[pl.ds(t * 4096, 4096)],
                osem[b],
            )

        def wait_out(b):
            pltpu.make_async_copy(
                cmp_[b],
                rows_hbm.at[pl.ds(0, 4096)],
                osem[b],
            ).wait()

        start_in(0, 0)
        start_in(1, 1)

        @pl.loop(0, nuni, step=2)
        def _(j0):
            for b in range(2):
                j = j0 + b
                wait_in(b)

                @pl.when(j >= 2)
                def _():
                    wait_out(b)

                transpose(b)

                @pl.when(j + 2 < nuni)
                def _():
                    start_in(j + 2, b)

                start_out(j, b)

        wait_out(0)
        wait_out(1)

        @pl.when(wid < nrem)
        def _():
            t = nuni * nw + wid
            pltpu.async_copy(
                blk_hbm.at[pl.ds(t * 4096, 4096)], stg[0], si0
            )
            wait_in(0)
            transpose(0)
            pltpu.sync_copy(cmp_[0], rows_hbm.at[pl.ds(t * 4096, 4096)])

    return transp


@functools.lru_cache(maxsize=None)
def _build_gather(bsz: int, hist: int):
    n_rows = bsz * hist
    nc, ns = _winfo()
    nw = nc * ns
    rpw = n_rows // nw
    nbt = bsz // (128 * nw)
    nch = hist * nbt
    assert rpw * nw == n_rows and nbt * 128 * nw == bsz and nch % 2 == 0
    mesh = plsc.VectorSubcoreMesh(core_axis_name="c", subcore_axis_name="s")

    @functools.partial(
        pl.kernel,
        out_type=jax.ShapeDtypeStruct((hist * 4 * (bsz // 128), 8, 128),
                                      jnp.float32),
        mesh=mesh,
        scratch_types=[
            pltpu.VMEM((rpw,), jnp.int32),
            pltpu.VMEM((2, 128), jnp.int32),
            pltpu.VMEM((2, 128, EMB), jnp.float32),
            pltpu.VMEM((32, 129), jnp.float32),
            pltpu.VMEM((32, 129), jnp.float32),
            pltpu.SemaphoreType.DMA,
            pltpu.SemaphoreType.DMA,
            pltpu.SemaphoreType.DMA,
            pltpu.SemaphoreType.DMA,
        ],
        compiler_params=pltpu.CompilerParams(
            use_tc_tiling_on_sc=False, needs_layout_passes=False
        ),
    )
    def gather(idx_hbm, tab_hbm, out_hbm, idx_v, cidx_v, gbuf_v, ob0, ob1,
               sg0, sg1, so0, so1):
        obuf = (ob0, ob1)
        wid = lax.axis_index("s") * nc + lax.axis_index("c")
        gsem = (sg0, sg1)
        osem = (so0, so1)
        iota = _iota16()
        ivh = iota * hist
        erow0 = iota
        erow1 = iota + 16
        t0 = wid * nbt

        pltpu.sync_copy(idx_hbm.at[pl.ds(wid * rpw, rpw)], idx_v)

        def compact_idx(j, b):
            h = lax.shift_right_logical(j, 2)
            bt = lax.bitwise_and(j, 3)
            base = bt * (128 * hist) + h
            for bl0 in range(0, 128, 16):
                vec = ivh + (base + bl0 * hist)
                val = plsc.load_gather(idx_v, [vec])
                cidx_v[b, pl.ds(bl0, 16)] = val

        def start_gather(b):
            return pltpu.async_copy(
                tab_hbm.at[cidx_v.at[b]], gbuf_v.at[b], gsem[b]
            )

        def wait_gather(b):
            pltpu.make_async_copy(
                tab_hbm.at[cidx_v.at[b]], gbuf_v.at[b], gsem[b]
            ).wait()

        def transpose(b):
            @pl.loop(0, 128, step=4)
            def _(bl0):
                for i in range(4):
                    bl = bl0 + i
                    col = jnp.zeros((16,), jnp.int32) + bl
                    v0 = gbuf_v[b, bl, pl.ds(0, 16)]
                    v1 = gbuf_v[b, bl, pl.ds(16, 16)]
                    plsc.store_scatter(obuf[b], [erow0, col], v0)
                    plsc.store_scatter(obuf[b], [erow1, col], v1)

        def start_out(j, b):
            h = lax.shift_right_logical(j, 2)
            bt = lax.bitwise_and(j, 3)
            for e8 in range(4):
                blk = (h * 4 + e8) * (bsz // 128) + t0 + bt
                pltpu.async_copy(
                    obuf[b].at[pl.ds(e8 * 8, 8), pl.ds(0, 128)],
                    out_hbm.at[blk],
                    osem[b],
                )

        def wait_out(b):
            for e8 in range(4):
                pltpu.make_async_copy(
                    obuf[b].at[pl.ds(e8 * 8, 8), pl.ds(0, 128)],
                    out_hbm.at[0],
                    osem[b],
                ).wait()

        compact_idx(0, 0)
        start_gather(0)
        compact_idx(1, 1)
        start_gather(1)

        @pl.loop(0, nch, step=2)
        def _(j0):
            for b in range(2):
                j = j0 + b
                wait_gather(b)

                @pl.when(j >= 2)
                def _():
                    wait_out(b)

                transpose(b)
                start_out(j, b)

                @pl.when(j + 2 < nch)
                def _():
                    compact_idx(j + 2, b)
                    start_gather(b)

        wait_out(0)
        wait_out(1)

    return gather


def kernel(x, init_emb):
    bsz, hist = x.shape
    idx = x.reshape(bsz * hist).astype(jnp.int32)
    emb_t = init_emb.T
    tailb = jnp.pad(init_emb[VFULL:, :].T, ((0, 0), (0, 64)))

    blk = _build_blocks()(emb_t, tailb)
    rows = _build_transpose()(blk.reshape(NBLK * 32 * 128))
    out3 = _build_gather(bsz, hist)(idx, rows.reshape(VPAD, EMB))
    out5 = out3.reshape(hist, 4, bsz // 128, 8, 128)
    return out5.transpose(2, 4, 0, 1, 3).reshape(bsz, hist, EMB)

# --- scband reference (transcript-rebuilt; emitter-appended) ---
"""Pipeline reference for scband-word-embedder-61864708931584 (READ-ONLY COPY).

The authoritative reference and input builder live on the scoring server;
editing this copy changes nothing except your own understanding.
"""

import jax, jax.numpy as jnp
import numpy as np

VOCAB = 1000000
EMB_DIM = 32
BATCH = 16384
HIST = 50

def setup_inputs(seed: int = 0) -> dict:
    key = jax.random.key(seed)
    k_emb, k_idx = jax.random.split(key)
    init_emb = jax.random.normal(k_emb, (VOCAB, EMB_DIM), dtype=jnp.float32)
    x = jax.random.randint(k_idx, (BATCH, HIST), 0, VOCAB, dtype=jnp.int64)
    return {"x": x, "init_emb": init_emb}

def reference(x, init_emb):
    # nn.Embedding forward: gather rows of the embedding table
    return jnp.take(init_emb, x, axis=0)

if __name__ == "__main__":
    import jax
    _d = setup_inputs()
    print(jax.jit(kernel)(*tuple(_d.values())))

</pallas_src>

<mosaic_0001>
#map = affine_map<(d0, d1) -> (0, 0)>
module attributes {stable_mosaic.version = 14 : i64} {
  func.func @blocks(%arg0: i32, %arg1: i32, %arg2: memref<32x1000000xf32, #tpu.memory_space<hbm>>, %arg3: memref<32x128xf32, #tpu.memory_space<hbm>>, %arg4: memref<250016x128xf32, #tpu.memory_space<hbm>>, %arg5: memref<32x128xf32, #tpu.memory_space<vmem>>, %arg6: memref<32x128xf32, #tpu.memory_space<vmem>>, %arg7: memref<32x128xf32, #tpu.memory_space<vmem>>, %arg8: memref<32x128xf32, #tpu.memory_space<vmem>>, %arg9: memref<!tpu.dma_semaphore, #tpu.memory_space<semaphore_mem>>, %arg10: memref<!tpu.dma_semaphore, #tpu.memory_space<semaphore_mem>>, %arg11: memref<!tpu.dma_semaphore, #tpu.memory_space<semaphore_mem>>, %arg12: memref<!tpu.dma_semaphore, #tpu.memory_space<semaphore_mem>>, %arg13: memref<!tpu.dma_semaphore, #tpu.memory_space<semaphore_mem>>, %arg14: memref<!tpu.dma_semaphore, #tpu.memory_space<semaphore_mem>>, %arg15: memref<!tpu.dma_semaphore, #tpu.memory_space<semaphore_mem>>, %arg16: memref<!tpu.dma_semaphore, #tpu.memory_space<semaphore_mem>>) attributes {dimension_semantics = [#tpu.dimension_semantics<core_parallel>, #tpu.dimension_semantics<subcore_parallel>], iteration_bounds = array<i64: 2, 16>, scalar_prefetch = 0 : i64, scratch_operands = 12 : i64, tpu.core_type = #tpu.core_type<sc_vector_subcore>, window_params = [{transform_indices = #map}, {transform_indices = #map}, {transform_indices = #map}]} {
    %mul3A = arith.constant 2 : i32
    %mul3A_0 = arith.muli %arg1, %mul3A : i32
    %add3A = arith.addi %mul3A_0, %arg0 : i32
    %add3A_1 = arith.constant 0 : i32
    %add3A_2 = arith.addi %add3A, %add3A_1 : i32
    %mul3A_3 = arith.constant 128 : i32
    %mul3A_4 = arith.muli %add3A_2, %mul3A_3 : i32
    %multiple_of3A = tpu.assume_multiple %mul3A_4, 128 : i32
    %dma_start3A = arith.constant 0 : i32
    %dma_start3A_5 = arith.constant 0 : i32
    %dma_start3A_6 = tpu.memref_slice %arg5[%dma_start3A, %dma_start3A_5] : memref<32x128xf32, #tpu.memory_space<vmem>> -> memref<8x128xf32, #tpu.memory_space<vmem>>
    %dma_start3A_7 = arith.constant 0 : i32
    %dma_start3A_8 = tpu.memref_slice %arg2[%dma_start3A_7, %multiple_of3A] : memref<32x1000000xf32, #tpu.memory_space<hbm>> -> memref<8x128xf32, #tpu.memory_space<hbm>>
    %dma_start3A_9 = arith.constant 0 : i32
    %dma_start3A_10 = arith.constant 0 : i32
    %dma_start3A_11 = tpu.memref_slice %arg5[%dma_start3A_9, %dma_start3A_10] : memref<32x128xf32, #tpu.memory_space<vmem>> -> memref<8x128xf32, #tpu.memory_space<vmem>>
    %dma_start3A_12 = arith.constant 0 : i32
    %dma_start3A_13 = tpu.memref_slice %arg2[%dma_start3A_12, %multiple_of3A] : memref<32x1000000xf32, #tpu.memory_space<hbm>> -> memref<8x128xf32, #tpu.memory_space<hbm>>
    tpu.enqueue_dma source(%dma_start3A_13 : memref<8x128xf32, #tpu.memory_space<hbm>>) target(%dma_start3A_11 : memref<8x128xf32, #tpu.memory_space<vmem>>) target_semaphore(%arg9 : memref<!tpu.dma_semaphore, #tpu.memory_space<semaphore_mem>>)
    %dma_start3A_14 = arith.constant 8 : i32
    %dma_start3A_15 = arith.constant 0 : i32
    %dma_start3A_16 = tpu.memref_slice %arg5[%dma_start3A_14, %dma_start3A_15] : memref<32x128xf32, #tpu.memory_space<vmem>> -> memref<8x128xf32, #tpu.memory_space<vmem>>
    %dma_start3A_17 = arith.constant 8 : i32
    %dma_start3A_18 = tpu.memref_slice %arg2[%dma_start3A_17, %multiple_of3A] : memref<32x1000000xf32, #tpu.memory_space<hbm>> -> memref<8x128xf32, #tpu.memory_space<hbm>>
    %dma_start3A_19 = arith.constant 8 : i32
    %dma_start3A_20 = arith.constant 0 : i32
    %dma_start3A_21 = tpu.memref_slice %arg5[%dma_start3A_19, %dma_start3A_20] : memref<32x128xf32, #tpu.memory_space<vmem>> -> memref<8x128xf32, #tpu.memory_space<vmem>>
    %dma_start3A_22 = arith.constant 8 : i32
    %dma_start3A_23 = tpu.memref_slice %arg2[%dma_start3A_22, %multiple_of3A] : memref<32x1000000xf32, #tpu.memory_space<hbm>> -> memref<8x128xf32, #tpu.memory_space<hbm>>
    tpu.enqueue_dma source(%dma_start3A_23 : memref<8x128xf32, #tpu.memory_space<hbm>>) target(%dma_start3A_21 : memref<8x128xf32, #tpu.memory_space<vmem>>) target_semaphore(%arg9 : memref<!tpu.dma_semaphore, #tpu.memory_space<semaphore_mem>>)
    %dma_start3A_24 = arith.constant 16 : i32
    %dma_start3A_25 = arith.constant 0 : i32
    %dma_start3A_26 = tpu.memref_slice %arg5[%dma_start3A_24, %dma_start3A_25] : memref<32x128xf32, #tpu.memory_space<vmem>> -> memref<8x128xf32, #tpu.memory_space<vmem>>
    %dma_start3A_27 = arith.constant 16 : i32
    %dma_start3A_28 = tpu.memref_slice %arg2[%dma_start3A_27, %multiple_of3A] : memref<32x1000000xf32, #tpu.memory_space<hbm>> -> memref<8x128xf32, #tpu.memory_space<hbm>>
    %dma_start3A_29 = arith.constant 16 : i32
    %dma_start3A_30 = arith.constant 0 : i32
    %dma_start3A_31 = tpu.memref_slice %arg5[%dma_start3A_29, %dma_start3A_30] : memref<32x128xf32, #tpu.memory_space<vmem>> -> memref<8x128xf32, #tpu.memory_space<vmem>>
    %dma_start3A_32 = arith.constant 16 : i32
    %dma_start3A_33 = tpu.memref_slice %arg2[%dma_start3A_32, %multiple_of3A] : memref<32x1000000xf32, #tpu.memory_space<hbm>> -> memref<8x128xf32, #tpu.memory_space<hbm>>
    tpu.enqueue_dma source(%dma_start3A_33 : memref<8x128xf32, #tpu.memory_space<hbm>>) target(%dma_start3A_31 : memref<8x128xf32, #tpu.memory_space<vmem>>) target_semaphore(%arg9 : memref<!tpu.dma_semaphore, #tpu.memory_space<semaphore_mem>>)
    %dma_start3A_34 = arith.constant 24 : i32
    %dma_start3A_35 = arith.constant 0 : i32
    %dma_start3A_36 = tpu.memref_slice %arg5[%dma_start3A_34, %dma_start3A_35] : memref<32x128xf32, #tpu.memory_space<vmem>> -> memref<8x128xf32, #tpu.memory_space<vmem>>
    %dma_start3A_37 = arith.constant 24 : i32
    %dma_start3A_38 = tpu.memref_slice %arg2[%dma_start3A_37, %multiple_of3A] : memref<32x1000000xf32, #tpu.memory_space<hbm>> -> memref<8x128xf32, #tpu.memory_space<hbm>>
    %dma_start3A_39 = arith.constant 24 : i32
    %dma_start3A_40 = arith.constant 0 : i32
    %dma_start3A_41 = tpu.memref_slice %arg5[%dma_start3A_39, %dma_start3A_40] : memref<32x128xf32, #tpu.memory_space<vmem>> -> memref<8x128xf32, #tpu.memory_space<vmem>>
    %dma_start3A_42 = arith.constant 24 : i32
    %dma_start3A_43 = tpu.memref_slice %arg2[%dma_start3A_42, %multiple_of3A] : memref<32x1000000xf32, #tpu.memory_space<hbm>> -> memref<8x128xf32, #tpu.memory_space<hbm>>
    tpu.enqueue_dma source(%dma_start3A_43 : memref<8x128xf32, #tpu.memory_space<hbm>>) target(%dma_start3A_41 : memref<8x128xf32, #tpu.memory_space<vmem>>) target_semaphore(%arg9 : memref<!tpu.dma_semaphore, #tpu.memory_space<semaphore_mem>>)
    %add3A_44 = arith.constant 32 : i32
    %add3A_45 = arith.addi %add3A, %add3A_44 : i32
    %mul3A_46 = arith.constant 128 : i32
    %mul3A_47 = arith.muli %add3A_45, %mul3A_46 : i32
    %multiple_of3A_48 = tpu.assume_multiple %mul3A_47, 128 : i32
    %dma_start3A_49 = arith.constant 0 : i32
    %dma_start3A_50 = arith.constant 0 : i32
    %dma_start3A_51 = tpu.memref_slice %arg6[%dma_start3A_49, %dma_start3A_50] : memref<32x128xf32, #tpu.memory_space<vmem>> -> memref<8x128xf32, #tpu.memory_space<vmem>>
    %dma_start3A_52 = arith.constant 0 : i32
    %dma_start3A_53 = tpu.memref_slice %arg2[%dma_start3A_52, %multiple_of3A_48] : memref<32x1000000xf32, #tpu.memory_space<hbm>> -> memref<8x128xf32, #tpu.memory_space<hbm>>
    %dma_start3A_54 = arith.constant 0 : i32
    %dma_start3A_55 = arith.constant 0 : i32
    %dma_start3A_56 = tpu.memref_slice %arg6[%dma_start3A_54, %dma_start3A_55] : memref<32x128xf32, #tpu.memory_space<vmem>> -> memref<8x128xf32, #tpu.memory_space<vmem>>
    %dma_start3A_57 = arith.constant 0 : i32
    %dma_start3A_58 = tpu.memref_slice %arg2[%dma_start3A_57, %multiple_of3A_48] : memref<32x1000000xf32, #tpu.memory_space<hbm>> -> memref<8x128xf32, #tpu.memory_space<hbm>>
    tpu.enqueue_dma source(%dma_start3A_58 : memref<8x128xf32, #tpu.memory_space<hbm>>) target(%dma_start3A_56 : memref<8x128xf32, #tpu.memory_space<vmem>>) target_semaphore(%arg10 : memref<!tpu.dma_semaphore, #tpu.memory_space<semaphore_mem>>)
    %dma_start3A_59 = arith.constant 8 : i32
    %dma_start3A_60 = arith.constant 0 : i32
    %dma_start3A_61 = tpu.memref_slice %arg6[%dma_start3A_59, %dma_start3A_60] : memref<32x128xf32, #tpu.memory_space<vmem>> -> memref<8x128xf32, #tpu.memory_space<vmem>>
    %dma_start3A_62 = arith.constant 8 : i32
    %dma_start3A_63 = tpu.memref_slice %arg2[%dma_start3A_62, %multiple_of3A_48] : memref<32x1000000xf32, #tpu.memory_space<hbm>> -> memref<8x128xf32, #tpu.memory_space<hbm>>
    %dma_start3A_64 = arith.constant 8 : i32
    %dma_start3A_65 = arith.constant 0 : i32
    %dma_start3A_66 = tpu.memref_slice %arg6[%dma_start3A_64, %dma_start3A_65] : memref<32x128xf32, #tpu.memory_space<vmem>> -> memref<8x128xf32, #tpu.memory_space<vmem>>
    %dma_start3A_67 = arith.constant 8 : i32
    %dma_start3A_68 = tpu.memref_slice %arg2[%dma_start3A_67, %multiple_of3A_48] : memref<32x1000000xf32, #tpu.memory_space<hbm>> -> memref<8x128xf32, #tpu.memory_space<hbm>>
    tpu.enqueue_dma source(%dma_start3A_68 : memref<8x128xf32, #tpu.memory_space<hbm>>) target(%dma_start3A_66 : memref<8x128xf32, #tpu.memory_space<vmem>>) target_semaphore(%arg10 : memref<!tpu.dma_semaphore, #tpu.memory_space<semaphore_mem>>)
    %dma_start3A_69 = arith.constant 16 : i32
    %dma_start3A_70 = arith.constant 0 : i32
    %dma_start3A_71 = tpu.memref_slice %arg6[%dma_start3A_69, %dma_start3A_70] : memref<32x128xf32, #tpu.memory_space<vmem>> -> memref<8x128xf32, #tpu.memory_space<vmem>>
    %dma_start3A_72 = arith.constant 16 : i32
    %dma_start3A_73 = tpu.memref_slice %arg2[%dma_start3A_72, %multiple_of3A_48] : memref<32x1000000xf32, #tpu.memory_space<hbm>> -> memref<8x128xf32, #tpu.memory_space<hbm>>
    %dma_start3A_74 = arith.constant 16 : i32
    %dma_start3A_75 = arith.constant 0 : i32
    %dma_start3A_76 = tpu.memref_slice %arg6[%dma_start3A_74, %dma_start3A_75] : memref<32x128xf32, #tpu.memory_space<vmem>> -> memref<8x128xf32, #tpu.memory_space<vmem>>
    %dma_start3A_77 = arith.constant 16 : i32
    %dma_start3A_78 = tpu.memref_slice %arg2[%dma_start3A_77, %multiple_of3A_48] : memref<32x1000000xf32, #tpu.memory_space<hbm>> -> memref<8x128xf32, #tpu.memory_space<hbm>>
    tpu.enqueue_dma source(%dma_start3A_78 : memref<8x128xf32, #tpu.memory_space<hbm>>) target(%dma_start3A_76 : memref<8x128xf32, #tpu.memory_space<vmem>>) target_semaphore(%arg10 : memref<!tpu.dma_semaphore, #tpu.memory_space<semaphore_mem>>)
    %dma_start3A_79 = arith.constant 24 : i32
    %dma_start3A_80 = arith.constant 0 : i32
    %dma_start3A_81 = tpu.memref_slice %arg6[%dma_start3A_79, %dma_start3A_80] : memref<32x128xf32, #tpu.memory_space<vmem>> -> memref<8x128xf32, #tpu.memory_space<vmem>>
    %dma_start3A_82 = arith.constant 24 : i32
    %dma_start3A_83 = tpu.memref_slice %arg2[%dma_start3A_82, %multiple_of3A_48] : memref<32x1000000xf32, #tpu.memory_space<hbm>> -> memref<8x128xf32, #tpu.memory_space<hbm>>
    %dma_start3A_84 = arith.constant 24 : i32
    %dma_start3A_85 = arith.constant 0 : i32
    %dma_start3A_86 = tpu.memref_slice %arg6[%dma_start3A_84, %dma_start3A_85] : memref<32x128xf32, #tpu.memory_space<vmem>> -> memref<8x128xf32, #tpu.memory_space<vmem>>
    %dma_start3A_87 = arith.constant 24 : i32
    %dma_start3A_88 = tpu.memref_slice %arg2[%dma_start3A_87, %multiple_of3A_48] : memref<32x1000000xf32, #tpu.memory_space<hbm>> -> memref<8x128xf32, #tpu.memory_space<hbm>>
    tpu.enqueue_dma source(%dma_start3A_88 : memref<8x128xf32, #tpu.memory_space<hbm>>) target(%dma_start3A_86 : memref<8x128xf32, #tpu.memory_space<vmem>>) target_semaphore(%arg10 : memref<!tpu.dma_semaphore, #tpu.memory_space<semaphore_mem>>)
    %add3A_89 = arith.constant 64 : i32
    %add3A_90 = arith.addi %add3A, %add3A_89 : i32
    %mul3A_91 = arith.constant 128 : i32
    %mul3A_92 = arith.muli %add3A_90, %mul3A_91 : i32
    %multiple_of3A_93 = tpu.assume_multiple %mul3A_92, 128 : i32
    %dma_start3A_94 = arith.constant 0 : i32
    %dma_start3A_95 = arith.constant 0 : i32
    %dma_start3A_96 = tpu.memref_slice %arg7[%dma_start3A_94, %dma_start3A_95] : memref<32x128xf32, #tpu.memory_space<vmem>> -> memref<8x128xf32, #tpu.memory_space<vmem>>
    %dma_start3A_97 = arith.constant 0 : i32
    %dma_start3A_98 = tpu.memref_slice %arg2[%dma_start3A_97, %multiple_of3A_93] : memref<32x1000000xf32, #tpu.memory_space<hbm>> -> memref<8x128xf32, #tpu.memory_space<hbm>>
    %dma_start3A_99 = arith.constant 0 : i32
    %dma_start3A_100 = arith.constant 0 : i32
    %dma_start3A_101 = tpu.memref_slice %arg7[%dma_start3A_99, %dma_start3A_100] : memref<32x128xf32, #tpu.memory_space<vmem>> -> memref<8x128xf32, #tpu.memory_space<vmem>>
    %dma_start3A_102 = arith.constant 0 : i32
    %dma_start3A_103 = tpu.memref_slice %arg2[%dma_start3A_102, %multiple_of3A_93] : memref<32x1000000xf32, #tpu.memory_space<hbm>> -> memref<8x128xf32, #tpu.memory_space<hbm>>
    tpu.enqueue_dma source(%dma_start3A_103 : memref<8x128xf32, #tpu.memory_space<hbm>>) target(%dma_start3A_101 : memref<8x128xf32, #tpu.memory_space<vmem>>) target_semaphore(%arg11 : memref<!tpu.dma_semaphore, #tpu.memory_space<semaphore_mem>>)
    %dma_start3A_104 = arith.constant 8 : i32
    %dma_start3A_105 = arith.constant 0 : i32
    %dma_start3A_106 = tpu.memref_slice %arg7[%dma_start3A_104, %dma_start3A_105] : memref<32x128xf32, #tpu.memory_space<vmem>> -> memref<8x128xf32, #tpu.memory_space<vmem>>
    %dma_start3A_107 = arith.constant 8 : i32
    %dma_start3A_108 = tpu.memref_slice %arg2[%dma_start3A_107, %multiple_of3A_93] : memref<32x1000000xf32, #tpu.memory_space<hbm>> -> memref<8x128xf32, #tpu.memory_space<hbm>>
    %dma_start3A_109 = arith.constant 8 : i32
    %dma_start3A_110 = arith.constant 0 : i32
    %dma_start3A_111 = tpu.memref_slice %arg7[%dma_start3A_109, %dma_start3A_110] : memref<32x128xf32, #tpu.memory_space<vmem>> -> memref<8x128xf32, #tpu.memory_space<vmem>>
    %dma_start3A_112 = arith.constant 8 : i32
    %dma_start3A_113 = tpu.memref_slice %arg2[%dma_start3A_112, %multiple_of3A_93] : memref<32x1000000xf32, #tpu.memory_space<hbm>> -> memref<8x128xf32, #tpu.memory_space<hbm>>
    tpu.enqueue_dma source(%dma_start3A_113 : memref<8x128xf32, #tpu.memory_space<hbm>>) target(%dma_start3A_111 : memref<8x128xf32, #tpu.memory_space<vmem>>) target_semaphore(%arg11 : memref<!tpu.dma_semaphore, #tpu.memory_space<semaphore_mem>>)
    %dma_start3A_114 = arith.constant 16 : i32
    %dma_start3A_115 = arith.constant 0 : i32
    %dma_start3A_116 = tpu.memref_slice %arg7[%dma_start3A_114, %dma_start3A_115] : memref<32x128xf32, #tpu.memory_space<vmem>> -> memref<8x128xf32, #tpu.memory_space<vmem>>
    %dma_start3A_117 = arith.constant 16 : i32
    %dma_start3A_118 = tpu.memref_slice %arg2[%dma_start3A_117, %multiple_of3A_93] : memref<32x1000000xf32, #tpu.memory_space<hbm>> -> memref<8x128xf32, #tpu.memory_space<hbm>>
    %dma_start3A_119 = arith.constant 16 : i32
    %dma_start3A_120 = arith.constant 0 : i32
    %dma_start3A_121 = tpu.memref_slice %arg7[%dma_start3A_119, %dma_start3A_120] : memref<32x128xf32, #tpu.memory_space<vmem>> -> memref<8x128xf32, #tpu.memory_space<vmem>>
    %dma_start3A_122 = arith.constant 16 : i32
    %dma_start3A_123 = tpu.memref_slice %arg2[%dma_start3A_122, %multiple_of3A_93] : memref<32x1000000xf32, #tpu.memory_space<hbm>> -> memref<8x128xf32, #tpu.memory_space<hbm>>
    tpu.enqueue_dma source(%dma_start3A_123 : memref<8x128xf32, #tpu.memory_space<hbm>>) target(%dma_start3A_121 : memref<8x128xf32, #tpu.memory_space<vmem>>) target_semaphore(%arg11 : memref<!tpu.dma_semaphore, #tpu.memory_space<semaphore_mem>>)
    %dma_start3A_124 = arith.constant 24 : i32
    %dma_start3A_125 = arith.constant 0 : i32
    %dma_start3A_126 = tpu.memref_slice %arg7[%dma_start3A_124, %dma_start3A_125] : memref<32x128xf32, #tpu.memory_space<vmem>> -> memref<8x128xf32, #tpu.memory_space<vmem>>
    %dma_start3A_127 = arith.constant 24 : i32
    %dma_start3A_128 = tpu.memref_slice %arg2[%dma_start3A_127, %multiple_of3A_93] : memref<32x1000000xf32, #tpu.memory_space<hbm>> -> memref<8x128xf32, #tpu.memory_space<hbm>>
    %dma_start3A_129 = arith.constant 24 : i32
    %dma_start3A_130 = arith.constant 0 : i32
    %dma_start3A_131 = tpu.memref_slice %arg7[%dma_start3A_129, %dma_start3A_130] : memref<32x128xf32, #tpu.memory_space<vmem>> -> memref<8x128xf32, #tpu.memory_space<vmem>>
    %dma_start3A_132 = arith.constant 24 : i32
    %dma_start3A_133 = tpu.memref_slice %arg2[%dma_start3A_132, %multiple_of3A_93] : memref<32x1000000xf32, #tpu.memory_space<hbm>> -> memref<8x128xf32, #tpu.memory_space<hbm>>
    tpu.enqueue_dma source(%dma_start3A_133 : memref<8x128xf32, #tpu.memory_space<hbm>>) target(%dma_start3A_131 : memref<8x128xf32, #tpu.memory_space<vmem>>) target_semaphore(%arg11 : memref<!tpu.dma_semaphore, #tpu.memory_space<semaphore_mem>>)
    %add3A_134 = arith.constant 96 : i32
    %add3A_135 = arith.addi %add3A, %add3A_134 : i32
    %mul3A_136 = arith.constant 128 : i32
    %mul3A_137 = arith.muli %add3A_135, %mul3A_136 : i32
    %multiple_of3A_138 = tpu.assume_multiple %mul3A_137, 128 : i32
    %dma_start3A_139 = arith.constant 0 : i32
    %dma_start3A_140 = arith.constant 0 : i32
    %dma_start3A_141 = tpu.memref_slice %arg8[%dma_start3A_139, %dma_start3A_140] : memref<32x128xf32, #tpu.memory_space<vmem>> -> memref<8x128xf32, #tpu.memory_space<vmem>>
    %dma_start3A_142 = arith.constant 0 : i32
    %dma_start3A_143 = tpu.memref_slice %arg2[%dma_start3A_142, %multiple_of3A_138] : memref<32x1000000xf32, #tpu.memory_space<hbm>> -> memref<8x128xf32, #tpu.memory_space<hbm>>
    %dma_start3A_144 = arith.constant 0 : i32
    %dma_start3A_145 = arith.constant 0 : i32
    %dma_start3A_146 = tpu.memref_slice %arg8[%dma_start3A_144, %dma_start3A_145] : memref<32x128xf32, #tpu.memory_space<vmem>> -> memref<8x128xf32, #tpu.memory_space<vmem>>
    %dma_start3A_147 = arith.constant 0 : i32
    %dma_start3A_148 = tpu.memref_slice %arg2[%dma_start3A_147, %multiple_of3A_138] : memref<32x1000000xf32, #tpu.memory_space<hbm>> -> memref<8x128xf32, #tpu.memory_space<hbm>>
    tpu.enqueue_dma source(%dma_start3A_148 : memref<8x128xf32, #tpu.memory_space<hbm>>) target(%dma_start3A_146 : memref<8x128xf32, #tpu.memory_space<vmem>>) target_semaphore(%arg12 : memref<!tpu.dma_semaphore, #tpu.memory_space<semaphore_mem>>)
    %dma_start3A_149 = arith.constant 8 : i32
    %dma_start3A_150 = arith.constant 0 : i32
    %dma_start3A_151 = tpu.memref_slice %arg8[%dma_start3A_149, %dma_start3A_150] : memref<32x128xf32, #tpu.memory_space<vmem>> -> memref<8x128xf32, #tpu.memory_space<vmem>>
    %dma_start3A_152 = arith.constant 8 : i32
    %dma_start3A_153 = tpu.memref_slice %arg2[%dma_start3A_152, %multiple_of3A_138] : memref<32x1000000xf32, #tpu.memory_space<hbm>> -> memref<8x128xf32, #tpu.memory_space<hbm>>
    %dma_start3A_154 = arith.constant 8 : i32
    %dma_start3A_155 = arith.constant 0 : i32
    %dma_start3A_156 = tpu.memref_slice %arg8[%dma_start3A_154, %dma_start3A_155] : memref<32x128xf32, #tpu.memory_space<vmem>> -> memref<8x128xf32, #tpu.memory_space<vmem>>
    %dma_start3A_157 = arith.constant 8 : i32
    %dma_start3A_158 = tpu.memref_slice %arg2[%dma_start3A_157, %multiple_of3A_138] : memref<32x1000000xf32, #tpu.memory_space<hbm>> -> memref<8x128xf32, #tpu.memory_space<hbm>>
    tpu.enqueue_dma source(%dma_start3A_158 : memref<8x128xf32, #tpu.memory_space<hbm>>) target(%dma_start3A_156 : memref<8x128xf32, #tpu.memory_space<vmem>>) target_semaphore(%arg12 : memref<!tpu.dma_semaphore, #tpu.memory_space<semaphore_mem>>)
    %dma_start3A_159 = arith.constant 16 : i32
    %dma_start3A_160 = arith.constant 0 : i32
    %dma_start3A_161 = tpu.memref_slice %arg8[%dma_start3A_159, %dma_start3A_160] : memref<32x128xf32, #tpu.memory_space<vmem>> -> memref<8x128xf32, #tpu.memory_space<vmem>>
    %dma_start3A_162 = arith.constant 16 : i32
    %dma_start3A_163 = tpu.memref_slice %arg2[%dma_start3A_162, %multiple_of3A_138] : memref<32x1000000xf32, #tpu.memory_space<hbm>> -> memref<8x128xf32, #tpu.memory_space<hbm>>
    %dma_start3A_164 = arith.constant 16 : i32
    %dma_start3A_165 = arith.constant 0 : i32
    %dma_start3A_166 = tpu.memref_slice %arg8[%dma_start3A_164, %dma_start3A_165] : memref<32x128xf32, #tpu.memory_space<vmem>> -> memref<8x128xf32, #tpu.memory_space<vmem>>
    %dma_start3A_167 = arith.constant 16 : i32
    %dma_start3A_168 = tpu.memref_slice %arg2[%dma_start3A_167, %multiple_of3A_138] : memref<32x1000000xf32, #tpu.memory_space<hbm>> -> memref<8x128xf32, #tpu.memory_space<hbm>>
    tpu.enqueue_dma source(%dma_start3A_168 : memref<8x128xf32, #tpu.memory_space<hbm>>) target(%dma_start3A_166 : memref<8x128xf32, #tpu.memory_space<vmem>>) target_semaphore(%arg12 : memref<!tpu.dma_semaphore, #tpu.memory_space<semaphore_mem>>)
    %dma_start3A_169 = arith.constant 24 : i32
    %dma_start3A_170 = arith.constant 0 : i32
    %dma_start3A_171 = tpu.memref_slice %arg8[%dma_start3A_169, %dma_start3A_170] : memref<32x128xf32, #tpu.memory_space<vmem>> -> memref<8x128xf32, #tpu.memory_space<vmem>>
    %dma_start3A_172 = arith.constant 24 : i32
    %dma_start3A_173 = tpu.memref_slice %arg2[%dma_start3A_172, %multiple_of3A_138] : memref<32x1000000xf32, #tpu.memory_space<hbm>> -> memref<8x128xf32, #tpu.memory_space<hbm>>
    %dma_start3A_174 = arith.constant 24 : i32
    %dma_start3A_175 = arith.constant 0 : i32
    %dma_start3A_176 = tpu.memref_slice %arg8[%dma_start3A_174, %dma_start3A_175] : memref<32x128xf32, #tpu.memory_space<vmem>> -> memref<8x128xf32, #tpu.memory_space<vmem>>
    %dma_start3A_177 = arith.constant 24 : i32
    %dma_start3A_178 = tpu.memref_slice %arg2[%dma_start3A_177, %multiple_of3A_138] : memref<32x1000000xf32, #tpu.memory_space<hbm>> -> memref<8x128xf32, #tpu.memory_space<hbm>>
    tpu.enqueue_dma source(%dma_start3A_178 : memref<8x128xf32, #tpu.memory_space<hbm>>) target(%dma_start3A_176 : memref<8x128xf32, #tpu.memory_space<vmem>>) target_semaphore(%arg12 : memref<!tpu.dma_semaphore, #tpu.memory_space<semaphore_mem>>)
    %scan3A = arith.constant 0 : i32
    %scan3A_179 = arith.constant 61 : i32
    %scan3A_180 = arith.addi %scan3A, %scan3A_179 : i32
    %scan3A_181 = arith.constant 1 : i32
    scf.for %scan3A_193 = %scan3A to %scan3A_180 step %scan3A_181  : i32 {
      %mul3A_194 = arith.constant 4 : i32
      %mul3A_195 = arith.muli %scan3A_193, %mul3A_194 : i32
      %add3A_196 = arith.constant 0 : i32
      %add3A_197 = arith.addi %add3A_196, %mul3A_195 : i32
      %add3A_198 = arith.constant 0 : i32
      %add3A_199 = arith.addi %add3A_197, %add3A_198 : i32
      %dma_wait3A = arith.constant 0 : i32
      %dma_wait3A_200 = arith.constant 0 : i32
      %dma_wait3A_201 = tpu.memref_slice %arg5[%dma_wait3A, %dma_wait3A_200] : memref<32x128xf32, #tpu.memory_space<vmem>> -> memref<8x128xf32, #tpu.memory_space<vmem>>
      %dma_wait3A_202 = arith.constant 0 : i32
      %dma_wait3A_203 = arith.constant 0 : i32
      %dma_wait3A_204 = tpu.memref_slice %arg2[%dma_wait3A_202, %dma_wait3A_203] : memref<32x1000000xf32, #tpu.memory_space<hbm>> -> memref<8x128xf32, #tpu.memory_space<hbm>>
      %dma_wait3A_205 = arith.constant 0 : i32
      %dma_wait3A_206 = arith.constant 0 : i32
      %dma_wait3A_207 = tpu.memref_slice %arg5[%dma_wait3A_205, %dma_wait3A_206] : memref<32x128xf32, #tpu.memory_space<vmem>> -> memref<8x128xf32, #tpu.memory_space<vmem>>
      %dma_wait3A_208 = arith.constant 0 : i32
      %dma_wait3A_209 = arith.constant 0 : i32
      %dma_wait3A_210 = tpu.memref_slice %arg2[%dma_wait3A_208, %dma_wait3A_209] : memref<32x1000000xf32, #tpu.memory_space<hbm>> -> memref<8x128xf32, #tpu.memory_space<hbm>>
      tpu.wait_dma2 semaphore(%arg9 : memref<!tpu.dma_semaphore, #tpu.memory_space<semaphore_mem>>) src(%dma_wait3A_210 : memref<8x128xf32, #tpu.memory_space<hbm>>) dst(%dma_wait3A_207 : memref<8x128xf32, #tpu.memory_space<vmem>>)
      %dma_wait3A_211 = arith.constant 8 : i32
      %dma_wait3A_212 = arith.constant 0 : i32
      %dma_wait3A_213 = tpu.memref_slice %arg5[%dma_wait3A_211, %dma_wait3A_212] : memref<32x128xf32, #tpu.memory_space<vmem>> -> memref<8x128xf32, #tpu.memory_space<vmem>>
      %dma_wait3A_214 = arith.constant 0 : i32
      %dma_wait3A_215 = arith.constant 0 : i32
      %dma_wait3A_216 = tpu.memref_slice %arg2[%dma_wait3A_214, %dma_wait3A_215] : memref<32x1000000xf32, #tpu.memory_space<hbm>> -> memref<8x128xf32, #tpu.memory_space<hbm>>
      %dma_wait3A_217 = arith.constant 8 : i32
      %dma_wait3A_218 = arith.constant 0 : i32
      %dma_wait3A_219 = tpu.memref_slice %arg5[%dma_wait3A_217, %dma_wait3A_218] : memref<32x128xf32, #tpu.memory_space<vmem>> -> memref<8x128xf32, #tpu.memory_space<vmem>>
      %dma_wait3A_220 = arith.constant 0 : i32
      %dma_wait3A_221 = arith.constant 0 : i32
      %dma_wait3A_222 = tpu.memref_slice %arg2[%dma_wait3A_220, %dma_wait3A_221] : memref<32x1000000xf32, #tpu.memory_space<hbm>> -> memref<8x128xf32, #tpu.memory_space<hbm>>
      tpu.wait_dma2 semaphore(%arg9 : memref<!tpu.dma_semaphore, #tpu.memory_space<semaphore_mem>>) src(%dma_wait3A_222 : memref<8x128xf32, #tpu.memory_space<hbm>>) dst(%dma_wait3A_219 : memref<8x128xf32, #tpu.memory_space<vmem>>)
      %dma_wait3A_223 = arith.constant 16 : i32
      %dma_wait3A_224 = arith.constant 0 : i32
      %dma_wait3A_225 = tpu.memref_slice %arg5[%dma_wait3A_223, %dma_wait3A_224] : memref<32x128xf32, #tpu.memory_space<vmem>> -> memref<8x128xf32, #tpu.memory_space<vmem>>
      %dma_wait3A_226 = arith.constant 0 : i32
      %dma_wait3A_227 = arith.constant 0 : i32
      %dma_wait3A_228 = tpu.memref_slice %arg2[%dma_wait3A_226, %dma_wait3A_227] : memref<32x1000000xf32, #tpu.memory_space<hbm>> -> memref<8x128xf32, #tpu.memory_space<hbm>>
      %dma_wait3A_229 = arith.constant 16 : i32
      %dma_wait3A_230 = arith.constant 0 : i32
      %dma_wait3A_231 = tpu.memref_slice %arg5[%dma_wait3A_229, %dma_wait3A_230] : memref<32x128xf32, #tpu.memory_space<vmem>> -> memref<8x128xf32, #tpu.memory_space<vmem>>
      %dma_wait3A_232 = arith.constant 0 : i32
      %dma_wait3A_233 = arith.constant 0 : i32
      %dma_wait3A_234 = tpu.memref_slice %arg2[%dma_wait3A_232, %dma_wait3A_233] : memref<32x1000000xf32, #tpu.memory_space<hbm>> -> memref<8x128xf32, #tpu.memory_space<hbm>>
      tpu.wait_dma2 semaphore(%arg9 : memref<!tpu.dma_semaphore, #tpu.memory_space<semaphore_mem>>) src(%dma_wait3A_234 : memref<8x128xf32, #tpu.memory_space<hbm>>) dst(%dma_wait3A_231 : memref<8x128xf32, #tpu.memory_space<vmem>>)
      %dma_wait3A_235 = arith.constant 24 : i32
      %dma_wait3A_236 = arith.constant 0 : i32
      %dma_wait3A_237 = tpu.memref_slice %arg5[%dma_wait3A_235, %dma_wait3A_236] : memref<32x128xf32, #tpu.memory_space<vmem>> -> memref<8x128xf32, #tpu.memory_space<vmem>>
      %dma_wait3A_238 = arith.constant 0 : i32
      %dma_wait3A_239 = arith.constant 0 : i32
      %dma_wait3A_240 = tpu.memref_slice %arg2[%dma_wait3A_238, %dma_wait3A_239] : memref<32x1000000xf32, #tpu.memory_space<hbm>> -> memref<8x128xf32, #tpu.memory_space<hbm>>
      %dma_wait3A_241 = arith.constant 24 : i32
      %dma_wait3A_242 = arith.constant 0 : i32
      %dma_wait3A_243 = tpu.memref_slice %arg5[%dma_wait3A_241, %dma_wait3A_242] : memref<32x128xf32, #tpu.memory_space<vmem>> -> memref<8x128xf32, #tpu.memory_space<vmem>>
      %dma_wait3A_244 = arith.constant 0 : i32
      %dma_wait3A_245 = arith.constant 0 : i32
      %dma_wait3A_246 = tpu.memref_slice %arg2[%dma_wait3A_244, %dma_wait3A_245] : memref<32x1000000xf32, #tpu.memory_space<hbm>> -> memref<8x128xf32, #tpu.memory_space<hbm>>
      tpu.wait_dma2 semaphore(%arg9 : memref<!tpu.dma_semaphore, #tpu.memory_space<semaphore_mem>>) src(%dma_wait3A_246 : memref<8x128xf32, #tpu.memory_space<hbm>>) dst(%dma_wait3A_243 : memref<8x128xf32, #tpu.memory_space<vmem>>)
      %mul3A_247 = arith.constant 32 : i32
      %mul3A_248 = arith.muli %add3A_199, %mul3A_247 : i32
      %add3A_249 = arith.addi %add3A, %mul3A_248 : i32
      %mul3A_250 = arith.constant 32 : i32
      %mul3A_251 = arith.muli %add3A_249, %mul3A_250 : i32
      %dma_start3A_252 = arith.constant 0 : i32
      %dma_start3A_253 = tpu.memref_slice %arg4[%mul3A_251, %dma_start3A_252] : memref<250016x128xf32, #tpu.memory_space<hbm>> -> memref<32x128xf32, #tpu.memory_space<hbm>>
      %dma_start3A_254 = arith.constant 0 : i32
      %dma_start3A_255 = tpu.memref_slice %arg4[%mul3A_251, %dma_start3A_254] : memref<250016x128xf32, #tpu.memory_space<hbm>> -> memref<32x128xf32, #tpu.memory_space<hbm>>
      tpu.enqueue_dma source(%arg5 : memref<32x128xf32, #tpu.memory_space<vmem>>) target(%dma_start3A_255 : memref<32x128xf32, #tpu.memory_space<hbm>>) target_semaphore(%arg13 : memref<!tpu.dma_semaphore, #tpu.memory_space<semaphore_mem>>)
      %dma_wait3A_256 = arith.constant 0 : i32
      %dma_wait3A_257 = arith.constant 0 : i32
      %dma_wait3A_258 = tpu.memref_slice %arg4[%dma_wait3A_256, %dma_wait3A_257] : memref<250016x128xf32, #tpu.memory_space<hbm>> -> memref<32x128xf32, #tpu.memory_space<hbm>>
      %dma_wait3A_259 = arith.constant 0 : i32
      %dma_wait3A_260 = arith.constant 0 : i32
      %dma_wait3A_261 = tpu.memref_slice %arg4[%dma_wait3A_259, %dma_wait3A_260] : memref<250016x128xf32, #tpu.memory_space<hbm>> -> memref<32x128xf32, #tpu.memory_space<hbm>>
      tpu.wait_dma2 semaphore(%arg13 : memref<!tpu.dma_semaphore, #tpu.memory_space<semaphore_mem>>) src(%arg5 : memref<32x128xf32, #tpu.memory_space<vmem>>) dst(%dma_wait3A_261 : memref<32x128xf32, #tpu.memory_space<hbm>>)
      %add3A_262 = arith.constant 4 : i32
      %add3A_263 = arith.addi %add3A_199, %add3A_262 : i32
      %lt3A_264 = arith.constant 244 : i32
      %lt3A_265 = arith.cmpi slt, %add3A_263, %lt3A_264 : i32
      %convert_element_type3A_266 = arith.extui %lt3A_265 : i1 to i32
      %cond3A_267 = arith.constant 0 : i32
      %cond3A_268 = arith.cmpi ne, %convert_element_type3A_266, %cond3A_267 : i32
      scf.if %cond3A_268 {
        %add3A_485 = arith.constant 4 : i32
        %add3A_486 = arith.addi %add3A_199, %add3A_485 : i32
        %mul3A_487 = arith.constant 32 : i32
        %mul3A_488 = arith.muli %add3A_486, %mul3A_487 : i32
        %add3A_489 = arith.addi %add3A, %mul3A_488 : i32
        %mul3A_490 = arith.constant 128 : i32
        %mul3A_491 = arith.muli %add3A_489, %mul3A_490 : i32
        %multiple_of3A_492 = tpu.assume_multiple %mul3A_491, 128 : i32
        %dma_start3A_493 = arith.constant 0 : i32
        %dma_start3A_494 = arith.constant 0 : i32
        %dma_start3A_495 = tpu.memref_slice %arg5[%dma_start3A_493, %dma_start3A_494] : memref<32x128xf32, #tpu.memory_space<vmem>> -> memref<8x128xf32, #tpu.memory_space<vmem>>
        %dma_start3A_496 = arith.constant 0 : i32
        %dma_start3A_497 = tpu.memref_slice %arg2[%dma_start3A_496, %multiple_of3A_492] : memref<32x1000000xf32, #tpu.memory_space<hbm>> -> memref<8x128xf32, #tpu.memory_space<hbm>>
        %dma_start3A_498 = arith.constant 0 : i32
        %dma_start3A_499 = arith.constant 0 : i32
        %dma_start3A_500 = tpu.memref_slice %arg5[%dma_start3A_498, %dma_start3A_499] : memref<32x128xf32, #tpu.memory_space<vmem>> -> memref<8x128xf32, #tpu.memory_space<vmem>>
        %dma_start3A_501 = arith.constant 0 : i32
        %dma_start3A_502 = tpu.memref_slice %arg2[%dma_start3A_501, %multiple_of3A_492] : memref<32x1000000xf32, #tpu.memory_space<hbm>> -> memref<8x128xf32, #tpu.memory_space<hbm>>
        tpu.enqueue_dma source(%dma_start3A_502 : memref<8x128xf32, #tpu.memory_space<hbm>>) target(%dma_start3A_500 : memref<8x128xf32, #tpu.memory_space<vmem>>) target_semaphore(%arg9 : memref<!tpu.dma_semaphore, #tpu.memory_space<semaphore_mem>>)
        %dma_start3A_503 = arith.constant 8 : i32
        %dma_start3A_504 = arith.constant 0 : i32
        %dma_start3A_505 = tpu.memref_slice %arg5[%dma_start3A_503, %dma_start3A_504] : memref<32x128xf32, #tpu.memory_space<vmem>> -> memref<8x128xf32, #tpu.memory_space<vmem>>
        %dma_start3A_506 = arith.constant 8 : i32
        %dma_start3A_507 = tpu.memref_slice %arg2[%dma_start3A_506, %multiple_of3A_492] : memref<32x1000000xf32, #tpu.memory_space<hbm>> -> memref<8x128xf32, #tpu.memory_space<hbm>>
        %dma_start3A_508 = arith.constant 8 : i32
        %dma_start3A_509 = arith.constant 0 : i32
        %dma_start3A_510 = tpu.memref_slice %arg5[%dma_start3A_508, %dma_start3A_509] : memref<32x128xf32, #tpu.memory_space<vmem>> -> memref<8x128xf32, #tpu.memory_space<vmem>>
        %dma_start3A_511 = arith.constant 8 : i32
        %dma_start3A_512 = tpu.memref_slice %arg2[%dma_start3A_511, %multiple_of3A_492] : memref<32x1000000xf32, #tpu.memory_space<hbm>> -> memref<8x128xf32, #tpu.memory_space<hbm>>
        tpu.enqueue_dma source(%dma_start3A_512 : memref<8x128xf32, #tpu.memory_space<hbm>>) target(%dma_start3A_510 : memref<8x128xf32, #tpu.memory_space<vmem>>) target_semaphore(%arg9 : memref<!tpu.dma_semaphore, #tpu.memory_space<semaphore_mem>>)
        %dma_start3A_513 = arith.constant 16 : i32
        %dma_start3A_514 = arith.constant 0 : i32
        %dma_start3A_515 = tpu.memref_slice %arg5[%dma_start3A_513, %dma_start3A_514] : memref<32x128xf32, #tpu.memory_space<vmem>> -> memref<8x128xf32, #tpu.memory_space<vmem>>
        %dma_start3A_516 = arith.constant 16 : i32
        %dma_start3A_517 = tpu.memref_slice %arg2[%dma_start3A_516, %multiple_of3A_492] : memref<32x1000000xf32, #tpu.memory_space<hbm>> -> memref<8x128xf32, #tpu.memory_space<hbm>>
        %dma_start3A_518 = arith.constant 16 : i32
        %dma_start3A_519 = arith.constant 0 : i32
        %dma_start3A_520 = tpu.memref_slice %arg5[%dma_start3A_518, %dma_start3A_519] : memref<32x128xf32, #tpu.memory_space<vmem>> -> memref<8x128xf32, #tpu.memory_space<vmem>>
        %dma_start3A_521 = arith.constant 16 : i32
        %dma_start3A_522 = tpu.memref_slice %arg2[%dma_start3A_521, %multiple_of3A_492] : memref<32x1000000xf32, #tpu.memory_space<hbm>> -> memref<8x128xf32, #tpu.memory_space<hbm>>
        tpu.enqueue_dma source(%dma_start3A_522 : memref<8x128xf32, #tpu.memory_space<hbm>>) target(%dma_start3A_520 : memref<8x128xf32, #tpu.memory_space<vmem>>) target_semaphore(%arg9 : memref<!tpu.dma_semaphore, #tpu.memory_space<semaphore_mem>>)
        %dma_start3A_523 = arith.constant 24 : i32
        %dma_start3A_524 = arith.constant 0 : i32
        %dma_start3A_525 = tpu.memref_slice %arg5[%dma_start3A_523, %dma_start3A_524] : memref<32x128xf32, #tpu.memory_space<vmem>> -> memref<8x128xf32, #tpu.memory_space<vmem>>
        %dma_start3A_526 = arith.constant 24 : i32
        %dma_start3A_527 = tpu.memref_slice %arg2[%dma_start3A_526, %multiple_of3A_492] : memref<32x1000000xf32, #tpu.memory_space<hbm>> -> memref<8x128xf32, #tpu.memory_space<hbm>>
        %dma_start3A_528 = arith.constant 24 : i32
        %dma_start3A_529 = arith.constant 0 : i32
        %dma_start3A_530 = tpu.memref_slice %arg5[%dma_start3A_528, %dma_start3A_529] : memref<32x128xf32, #tpu.memory_space<vmem>> -> memref<8x128xf32, #tpu.memory_space<vmem>>
        %dma_start3A_531 = arith.constant 24 : i32
        %dma_start3A_532 = tpu.memref_slice %arg2[%dma_start3A_531, %multiple_of3A_492] : memref<32x1000000xf32, #tpu.memory_space<hbm>> -> memref<8x128xf32, #tpu.memory_space<hbm>>
        tpu.enqueue_dma source(%dma_start3A_532 : memref<8x128xf32, #tpu.memory_space<hbm>>) target(%dma_start3A_530 : memref<8x128xf32, #tpu.memory_space<vmem>>) target_semaphore(%arg9 : memref<!tpu.dma_semaphore, #tpu.memory_space<semaphore_mem>>)
      } else {
      }
      %add3A_269 = arith.constant 1 : i32
      %add3A_270 = arith.addi %add3A_197, %add3A_269 : i32
      %dma_wait3A_271 = arith.constant 0 : i32
      %dma_wait3A_272 = arith.constant 0 : i32
      %dma_wait3A_273 = tpu.memref_slice %arg6[%dma_wait3A_271, %dma_wait3A_272] : memref<32x128xf32, #tpu.memory_space<vmem>> -> memref<8x128xf32, #tpu.memory_space<vmem>>
      %dma_wait3A_274 = arith.constant 0 : i32
      %dma_wait3A_275 = arith.constant 0 : i32
      %dma_wait3A_276 = tpu.memref_slice %arg2[%dma_wait3A_274, %dma_wait3A_275] : memref<32x1000000xf32, #tpu.memory_space<hbm>> -> memref<8x128xf32, #tpu.memory_space<hbm>>
      %dma_wait3A_277 = arith.constant 0 : i32
      %dma_wait3A_278 = arith.constant 0 : i32
      %dma_wait3A_279 = tpu.memref_slice %arg6[%dma_wait3A_277, %dma_wait3A_278] : memref<32x128xf32, #tpu.memory_space<vmem>> -> memref<8x128xf32, #tpu.memory_space<vmem>>
      %dma_wait3A_280 = arith.constant 0 : i32
      %dma_wait3A_281 = arith.constant 0 : i32
      %dma_wait3A_282 = tpu.memref_slice %arg2[%dma_wait3A_280, %dma_wait3A_281] : memref<32x1000000xf32, #tpu.memory_space<hbm>> -> memref<8x128xf32, #tpu.memory_space<hbm>>
      tpu.wait_dma2 semaphore(%arg10 : memref<!tpu.dma_semaphore, #tpu.memory_space<semaphore_mem>>) src(%dma_wait3A_282 : memref<8x128xf32, #tpu.memory_space<hbm>>) dst(%dma_wait3A_279 : memref<8x128xf32, #tpu.memory_space<vmem>>)
      %dma_wait3A_283 = arith.constant 8 : i32
      %dma_wait3A_284 = arith.constant 0 : i32
      %dma_wait3A_285 = tpu.memref_slice %arg6[%dma_wait3A_283, %dma_wait3A_284] : memref<32x128xf32, #tpu.memory_space<vmem>> -> memref<8x128xf32, #tpu.memory_space<vmem>>
      %dma_wait3A_286 = arith.constant 0 : i32
      %dma_wait3A_287 = arith.constant 0 : i32
      %dma_wait3A_288 = tpu.memref_slice %arg2[%dma_wait3A_286, %dma_wait3A_287] : memref<32x1000000xf32, #tpu.memory_space<hbm>> -> memref<8x128xf32, #tpu.memory_space<hbm>>
      %dma_wait3A_289 = arith.constant 8 : i32
      %dma_wait3A_290 = arith.constant 0 : i32
      %dma_wait3A_291 = tpu.memref_slice %arg6[%dma_wait3A_289, %dma_wait3A_290] : memref<32x128xf32, #tpu.memory_space<vmem>> -> memref<8x128xf32, #tpu.memory_space<vmem>>
      %dma_wait3A_292 = arith.constant 0 : i32
      %dma_wait3A_293 = arith.constant 0 : i32
      %dma_wait3A_294 = tpu.memref_slice %arg2[%dma_wait3A_292, %dma_wait3A_293] : memref<32x1000000xf32, #tpu.memory_space<hbm>> -> memref<8x128xf32, #tpu.memory_space<hbm>>
      tpu.wait_dma2 semaphore(%arg10 : memref<!tpu.dma_semaphore, #tpu.memory_space<semaphore_mem>>) src(%dma_wait3A_294 : memref<8x128xf32, #tpu.memory_space<hbm>>) dst(%dma_wait3A_291 : memref<8x128xf32, #tpu.memory_space<vmem>>)
      %dma_wait3A_295 = arith.constant 16 : i32
      %dma_wait3A_296 = arith.constant 0 : i32
      %dma_wait3A_297 = tpu.memref_slice %arg6[%dma_wait3A_295, %dma_wait3A_296] : memref<32x128xf32, #tpu.memory_space<vmem>> -> memref<8x128xf32, #tpu.memory_space<vmem>>
      %dma_wait3A_298 = arith.constant 0 : i32
      %dma_wait3A_299 = arith.constant 0 : i32
      %dma_wait3A_300 = tpu.memref_slice %arg2[%dma_wait3A_298, %dma_wait3A_299] : memref<32x1000000xf32, #tpu.memory_space<hbm>> -> memref<8x128xf32, #tpu.memory_space<hbm>>
      %dma_wait3A_301 = arith.constant 16 : i32
      %dma_wait3A_302 = arith.constant 0 : i32
      %dma_wait3A_303 = tpu.memref_slice %arg6[%dma_wait3A_301, %dma_wait3A_302] : memref<32x128xf32, #tpu.memory_space<vmem>> -> memref<8x128xf32, #tpu.memory_space<vmem>>
      %dma_wait3A_304 = arith.constant 0 : i32
      %dma_wait3A_305 = arith.constant 0 : i32
      %dma_wait3A_306 = tpu.memref_slice %arg2[%dma_wait3A_304, %dma_wait3A_305] : memref<32x1000000xf32, #tpu.memory_space<hbm>> -> memref<8x128xf32, #tpu.memory_space<hbm>>
      tpu.wait_dma2 semaphore(%arg10 : memref<!tpu.dma_semaphore, #tpu.memory_space<semaphore_mem>>) src(%dma_wait3A_306 : memref<8x128xf32, #tpu.memory_space<hbm>>) dst(%dma_wait3A_303 : memref<8x128xf32, #tpu.memory_space<vmem>>)
      %dma_wait3A_307 = arith.constant 24 : i32
      %dma_wait3A_308 = arith.constant 0 : i32
      %dma_wait3A_309 = tpu.memref_slice %arg6[%dma_wait3A_307, %dma_wait3A_308] : memref<32x128xf32, #tpu.memory_space<vmem>> -> memref<8x128xf32, #tpu.memory_space<vmem>>
      %dma_wait3A_310 = arith.constant 0 : i32
      %dma_wait3A_311 = arith.constant 0 : i32
      %dma_wait3A_312 = tpu.memref_slice %arg2[%dma_wait3A_310, %dma_wait3A_311] : memref<32x1000000xf32, #tpu.memory_space<hbm>> -> memref<8x128xf32, #tpu.memory_space<hbm>>
      %dma_wait3A_313 = arith.constant 24 : i32
      %dma_wait3A_314 = arith.constant 0 : i32
      %dma_wait3A_315 = tpu.memref_slice %arg6[%dma_wait3A_313, %dma_wait3A_314] : memref<32x128xf32, #tpu.memory_space<vmem>> -> memref<8x128xf32, #tpu.memory_space<vmem>>
      %dma_wait3A_316 = arith.constant 0 : i32
      %dma_wait3A_317 = arith.constant 0 : i32
      %dma_wait3A_318 = tpu.memref_slice %arg2[%dma_wait3A_316, %dma_wait3A_317] : memref<32x1000000xf32, #tpu.memory_space<hbm>> -> memref<8x128xf32, #tpu.memory_space<hbm>>
      tpu.wait_dma2 semaphore(%arg10 : memref<!tpu.dma_semaphore, #tpu.memory_space<semaphore_mem>>) src(%dma_wait3A_318 : memref<8x128xf32, #tpu.memory_space<hbm>>) dst(%dma_wait3A_315 : memref<8x128xf32, #tpu.memory_space<vmem>>)
      %mul3A_319 = arith.constant 32 : i32
      %mul3A_320 = arith.muli %add3A_270, %mul3A_319 : i32
      %add3A_321 = arith.addi %add3A, %mul3A_320 : i32
      %mul3A_322 = arith.constant 32 : i32
      %mul3A_323 = arith.muli %add3A_321, %mul3A_322 : i32
      %dma_start3A_324 = arith.constant 0 : i32
      %dma_start3A_325 = tpu.memref_slice %arg4[%mul3A_323, %dma_start3A_324] : memref<250016x128xf32, #tpu.memory_space<hbm>> -> memref<32x128xf32, #tpu.memory_space<hbm>>
      %dma_start3A_326 = arith.constant 0 : i32
      %dma_start3A_327 = tpu.memref_slice %arg4[%mul3A_323, %dma_start3A_326] : memref<250016x128xf32, #tpu.memory_space<hbm>> -> memref<32x128xf32, #tpu.memory_space<hbm>>
      tpu.enqueue_dma source(%arg6 : memref<32x128xf32, #tpu.memory_space<vmem>>) target(%dma_start3A_327 : memref<32x128xf32, #tpu.memory_space<hbm>>) target_semaphore(%arg14 : memref<!tpu.dma_semaphore, #tpu.memory_space<semaphore_mem>>)
      %dma_wait3A_328 = arith.constant 0 : i32
      %dma_wait3A_329 = arith.constant 0 : i32
      %dma_wait3A_330 = tpu.memref_slice %arg4[%dma_wait3A_328, %dma_wait3A_329] : memref<250016x128xf32, #tpu.memory_space<hbm>> -> memref<32x128xf32, #tpu.memory_space<hbm>>
      %dma_wait3A_331 = arith.constant 0 : i32
      %dma_wait3A_332 = arith.constant 0 : i32
      %dma_wait3A_333 = tpu.memref_slice %arg4[%dma_wait3A_331, %dma_wait3A_332] : memref<250016x128xf32, #tpu.memory_space<hbm>> -> memref<32x128xf32, #tpu.memory_space<hbm>>
      tpu.wait_dma2 semaphore(%arg14 : memref<!tpu.dma_semaphore, #tpu.memory_space<semaphore_mem>>) src(%arg6 : memref<32x128xf32, #tpu.memory_space<vmem>>) dst(%dma_wait3A_333 : memref<32x128xf32, #tpu.memory_space<hbm>>)
      %add3A_334 = arith.constant 4 : i32
      %add3A_335 = arith.addi %add3A_270, %add3A_334 : i32
      %lt3A_336 = arith.constant 244 : i32
      %lt3A_337 = arith.cmpi slt, %add3A_335, %lt3A_336 : i32
      %convert_element_type3A_338 = arith.extui %lt3A_337 : i1 to i32
      %cond3A_339 = arith.constant 0 : i32
      %cond3A_340 = arith.cmpi ne, %convert_element_type3A_338, %cond3A_339 : i32
      scf.if %cond3A_340 {
        %add3A_485 = arith.constant 4 : i32
        %add3A_486 = arith.addi %add3A_270, %add3A_485 : i32
        %mul3A_487 = arith.constant 32 : i32
        %mul3A_488 = arith.muli %add3A_486, %mul3A_487 : i32
        %add3A_489 = arith.addi %add3A, %mul3A_488 : i32
        %mul3A_490 = arith.constant 128 : i32
        %mul3A_491 = arith.muli %add3A_489, %mul3A_490 : i32
        %multiple_of3A_492 = tpu.assume_multiple %mul3A_491, 128 : i32
        %dma_start3A_493 = arith.constant 0 : i32
        %dma_start3A_494 = arith.constant 0 : i32
        %dma_start3A_495 = tpu.memref_slice %arg6[%dma_start3A_493, %dma_start3A_494] : memref<32x128xf32, #tpu.memory_space<vmem>> -> memref<8x128xf32, #tpu.memory_space<vmem>>
        %dma_start3A_496 = arith.constant 0 : i32
        %dma_start3A_497 = tpu.memref_slice %arg2[%dma_start3A_496, %multiple_of3A_492] : memref<32x1000000xf32, #tpu.memory_space<hbm>> -> memref<8x128xf32, #tpu.memory_space<hbm>>
        %dma_start3A_498 = arith.constant 0 : i32
        %dma_start3A_499 = arith.constant 0 : i32
        %dma_start3A_500 = tpu.memref_slice %arg6[%dma_start3A_498, %dma_start3A_499] : memref<32x128xf32, #tpu.memory_space<vmem>> -> memref<8x128xf32, #tpu.memory_space<vmem>>
        %dma_start3A_501 = arith.constant 0 : i32
        %dma_start3A_502 = tpu.memref_slice %arg2[%dma_start3A_501, %multiple_of3A_492] : memref<32x1000000xf32, #tpu.memory_space<hbm>> -> memref<8x128xf32, #tpu.memory_space<hbm>>
        tpu.enqueue_dma source(%dma_start3A_502 : memref<8x128xf32, #tpu.memory_space<hbm>>) target(%dma_start3A_500 : memref<8x128xf32, #tpu.memory_space<vmem>>) target_semaphore(%arg10 : memref<!tpu.dma_semaphore, #tpu.memory_space<semaphore_mem>>)
        %dma_start3A_503 = arith.constant 8 : i32
        %dma_start3A_504 = arith.constant 0 : i32
        %dma_start3A_505 = tpu.memref_slice %arg6[%dma_start3A_503, %dma_start3A_504] : memref<32x128xf32, #tpu.memory_space<vmem>> -> memref<8x128xf32, #tpu.memory_space<vmem>>
        %dma_start3A_506 = arith.constant 8 : i32
        %dma_start3A_507 = tpu.memref_slice %arg2[%dma_start3A_506, %multiple_of3A_492] : memref<32x1000000xf32, #tpu.memory_space<hbm>> -> memref<8x128xf32, #tpu.memory_space<hbm>>
        %dma_start3A_508 = arith.constant 8 : i32
        %dma_start3A_509 = arith.constant 0 : i32
        %dma_start3A_510 = tpu.memref_slice %arg6[%dma_start3A_508, %dma_start3A_509] : memref<32x128xf32, #tpu.memory_space<vmem>> -> memref<8x128xf32, #tpu.memory_space<vmem>>
        %dma_start3A_511 = arith.constant 8 : i32
        %dma_start3A_512 = tpu.memref_slice %arg2[%dma_start3A_511, %multiple_of3A_492] : memref<32x1000000xf32, #tpu.memory_space<hbm>> -> memref<8x128xf32, #tpu.memory_space<hbm>>
        tpu.enqueue_dma source(%dma_start3A_512 : memref<8x128xf32, #tpu.memory_space<hbm>>) target(%dma_start3A_510 : memref<8x128xf32, #tpu.memory_space<vmem>>) target_semaphore(%arg10 : memref<!tpu.dma_semaphore, #tpu.memory_space<semaphore_mem>>)
        %dma_start3A_513 = arith.constant 16 : i32
        %dma_start3A_514 = arith.constant 0 : i32
        %dma_start3A_515 = tpu.memref_slice %arg6[%dma_start3A_513, %dma_start3A_514] : memref<32x128xf32, #tpu.memory_space<vmem>> -> memref<8x128xf32, #tpu.memory_space<vmem>>
        %dma_start3A_516 = arith.constant 16 : i32
        %dma_start3A_517 = tpu.memref_slice %arg2[%dma_start3A_516, %multiple_of3A_492] : memref<32x1000000xf32, #tpu.memory_space<hbm>> -> memref<8x128xf32, #tpu.memory_space<hbm>>
        %dma_start3A_518 = arith.constant 16 : i32
        %dma_start3A_519 = arith.constant 0 : i32
        %dma_start3A_520 = tpu.memref_slice %arg6[%dma_start3A_518, %dma_start3A_519] : memref<32x128xf32, #tpu.memory_space<vmem>> -> memref<8x128xf32, #tpu.memory_space<vmem>>
        %dma_start3A_521 = arith.constant 16 : i32
        %dma_start3A_522 = tpu.memref_slice %arg2[%dma_start3A_521, %multiple_of3A_492] : memref<32x1000000xf32, #tpu.memory_space<hbm>> -> memref<8x128xf32, #tpu.memory_space<hbm>>
        tpu.enqueue_dma source(%dma_start3A_522 : memref<8x128xf32, #tpu.memory_space<hbm>>) target(%dma_start3A_520 : memref<8x128xf32, #tpu.memory_space<vmem>>) target_semaphore(%arg10 : memref<!tpu.dma_semaphore, #tpu.memory_space<semaphore_mem>>)
        %dma_start3A_523 = arith.constant 24 : i32
        %dma_start3A_524 = arith.constant 0 : i32
        %dma_start3A_525 = tpu.memref_slice %arg6[%dma_start3A_523, %dma_start3A_524] : memref<32x128xf32, #tpu.memory_space<vmem>> -> memref<8x128xf32, #tpu.memory_space<vmem>>
        %dma_start3A_526 = arith.constant 24 : i32
        %dma_start3A_527 = tpu.memref_slice %arg2[%dma_start3A_526, %multiple_of3A_492] : memref<32x1000000xf32, #tpu.memory_space<hbm>> -> memref<8x128xf32, #tpu.memory_space<hbm>>
        %dma_start3A_528 = arith.constant 24 : i32
        %dma_start3A_529 = arith.constant 0 : i32
        %dma_start3A_530 = tpu.memref_slice %arg6[%dma_start3A_528, %dma_start3A_529] : memref<32x128xf32, #tpu.memory_space<vmem>> -> memref<8x128xf32, #tpu.memory_space<vmem>>
        %dma_start3A_531 = arith.constant 24 : i32
        %dma_start3A_532 = tpu.memref_slice %arg2[%dma_start3A_531, %multiple_of3A_492] : memref<32x1000000xf32, #tpu.memory_space<hbm>> -> memref<8x128xf32, #tpu.memory_space<hbm>>
        tpu.enqueue_dma source(%dma_start3A_532 : memref<8x128xf32, #tpu.memory_space<hbm>>) target(%dma_start3A_530 : memref<8x128xf32, #tpu.memory_space<vmem>>) target_semaphore(%arg10 : memref<!tpu.dma_semaphore, #tpu.memory_space<semaphore_mem>>)
      } else {
      }
      %add3A_341 = arith.constant 2 : i32
      %add3A_342 = arith.addi %add3A_197, %add3A_341 : i32
      %dma_wait3A_343 = arith.constant 0 : i32
      %dma_wait3A_344 = arith.constant 0 : i32
      %dma_wait3A_345 = tpu.memref_slice %arg7[%dma_wait3A_343, %dma_wait3A_344] : memref<32x128xf32, #tpu.memory_space<vmem>> -> memref<8x128xf32, #tpu.memory_space<vmem>>
      %dma_wait3A_346 = arith.constant 0 : i32
      %dma_wait3A_347 = arith.constant 0 : i32
      %dma_wait3A_348 = tpu.memref_slice %arg2[%dma_wait3A_346, %dma_wait3A_347] : memref<32x1000000xf32, #tpu.memory_space<hbm>> -> memref<8x128xf32, #tpu.memory_space<hbm>>
      %dma_wait3A_349 = arith.constant 0 : i32
      %dma_wait3A_350 = arith.constant 0 : i32
      %dma_wait3A_351 = tpu.memref_slice %arg7[%dma_wait3A_349, %dma_wait3A_350] : memref<32x128xf32, #tpu.memory_space<vmem>> -> memref<8x128xf32, #tpu.memory_space<vmem>>
      %dma_wait3A_352 = arith.constant 0 : i32
      %dma_wait3A_353 = arith.constant 0 : i32
      %dma_wait3A_354 = tpu.memref_slice %arg2[%dma_wait3A_352, %dma_wait3A_353] : memref<32x1000000xf32, #tpu.memory_space<hbm>> -> memref<8x128xf32, #tpu.memory_space<hbm>>
      tpu.wait_dma2 semaphore(%arg11 : memref<!tpu.dma_semaphore, #tpu.memory_space<semaphore_mem>>) src(%dma_wait3A_354 : memref<8x128xf32, #tpu.memory_space<hbm>>) dst(%dma_wait3A_351 : memref<8x128xf32, #tpu.memory_space<vmem>>)
      %dma_wait3A_355 = arith.constant 8 : i32
      %dma_wait3A_356 = arith.constant 0 : i32
      %dma_wait3A_357 = tpu.memref_slice %arg7[%dma_wait3A_355, %dma_wait3A_356] : memref<32x128xf32, #tpu.memory_space<vmem>> -> memref<8x128xf32, #tpu.memory_space<vmem>>
      %dma_wait3A_358 = arith.constant 0 : i32
      %dma_wait3A_359 = arith.constant 0 : i32
      %dma_wait3A_360 = tpu.memref_slice %arg2[%dma_wait3A_358, %dma_wait3A_359] : memref<32x1000000xf32, #tpu.memory_space<hbm>> -> memref<8x128xf32, #tpu.memory_space<hbm>>
      %dma_wait3A_361 = arith.constant 8 : i32
      %dma_wait3A_362 = arith.constant 0 : i32
      %dma_wait3A_363 = tpu.memref_slice %arg7[%dma_wait3A_361, %dma_wait3A_362] : memref<32x128xf32, #tpu.memory_space<vmem>> -> memref<8x128xf32, #tpu.memory_space<vmem>>
      %dma_wait3A_364 = arith.constant 0 : i32
      %dma_wait3A_365 = arith.constant 0 : i32
      %dma_wait3A_366 = tpu.memref_slice %arg2[%dma_wait3A_364, %dma_wait3A_365] : memref<32x1000000xf32, #tpu.memory_space<hbm>> -> memref<8x128xf32, #tpu.memory_space<hbm>>
      tpu.wait_dma2 semaphore(%arg11 : memref<!tpu.dma_semaphore, #tpu.memory_space<semaphore_mem>>) src(%dma_wait3A_366 : memref<8x128xf32, #tpu.memory_space<hbm>>) dst(%dma_wait3A_363 : memref<8x128xf32, #tpu.memory_space<vmem>>)
      %dma_wait3A_367 = arith.constant 16 : i32
      %dma_wait3A_368 = arith.constant 0 : i32
      %dma_wait3A_369 = tpu.memref_slice %arg7[%dma_wait3A_367, %dma_wait3A_368] : memref<32x128xf32, #tpu.memory_space<vmem>> -> memref<8x128xf32, #tpu.memory_space<vmem>>
      %dma_wait3A_370 = arith.constant 0 : i32
      %dma_wait3A_371 = arith.constant 0 : i32
      %dma_wait3A_372 = tpu.memref_slice %arg2[%dma_wait3A_370, %dma_wait3A_371] : memref<32x1000000xf32, #tpu.memory_space<hbm>> -> memref<8x128xf32, #tpu.memory_space<hbm>>
      %dma_wait3A_373 = arith.constant 16 : i32
      %dma_wait3A_374 = arith.constant 0 : i32
      %dma_wait3A_375 = tpu.memref_slice %arg7[%dma_wait3A_373, %dma_wait3A_374] : memref<32x128xf32, #tpu.memory_space<vmem>> -> memref<8x128xf32, #tpu.memory_space<vmem>>
      %dma_wait3A_376 = arith.constant 0 : i32
      %dma_wait3A_377 = arith.constant 0 : i32
      %dma_wait3A_378 = tpu.memref_slice %arg2[%dma_wait3A_376, %dma_wait3A_377] : memref<32x1000000xf32, #tpu.memory_space<hbm>> -> memref<8x128xf32, #tpu.memory_space<hbm>>
      tpu.wait_dma2 semaphore(%arg11 : memref<!tpu.dma_semaphore, #tpu.memory_space<semaphore_mem>>) src(%dma_wait3A_378 : memref<8x128xf32, #tpu.memory_space<hbm>>) dst(%dma_wait3A_375 : memref<8x128xf32, #tpu.memory_space<vmem>>)
      %dma_wait3A_379 = arith.constant 24 : i32
      %dma_wait3A_380 = arith.constant 0 : i32
      %dma_wait3A_381 = tpu.memref_slice %arg7[%dma_wait3A_379, %dma_wait3A_380] : memref<32x128xf32, #tpu.memory_space<vmem>> -> memref<8x128xf32, #tpu.memory_space<vmem>>
      %dma_wait3A_382 = arith.constant 0 : i32
      %dma_wait3A_383 = arith.constant 0 : i32
      %dma_wait3A_384 = tpu.memref_slice %arg2[%dma_wait3A_382, %dma_wait3A_383] : memref<32x1000000xf32, #tpu.memory_space<hbm>> -> memref<8x128xf32, #tpu.memory_space<hbm>>
      %dma_wait3A_385 = arith.constant 24 : i32
      %dma_wait3A_386 = arith.constant 0 : i32
      %dma_wait3A_387 = tpu.memref_slice %arg7[%dma_wait3A_385, %dma_wait3A_386] : memref<32x128xf32, #tpu.memory_space<vmem>> -> memref<8x128xf32, #tpu.memory_space<vmem>>
      %dma_wait3A_388 = arith.constant 0 : i32
      %dma_wait3A_389 = arith.constant 0 : i32
      %dma_wait3A_390 = tpu.memref_slice %arg2[%dma_wait3A_388, %dma_wait3A_389] : memref<32x1000000xf32, #tpu.memory_space<hbm>> -> memref<8x128xf32, #tpu.memory_space<hbm>>
      tpu.wait_dma2 semaphore(%arg11 : memref<!tpu.dma_semaphore, #tpu.memory_space<semaphore_mem>>) src(%dma_wait3A_390 : memref<8x128xf32, #tpu.memory_space<hbm>>) dst(%dma_wait3A_387 : memref<8x128xf32, #tpu.memory_space<vmem>>)
      %mul3A_391 = arith.constant 32 : i32
      %mul3A_392 = arith.muli %add3A_342, %mul3A_391 : i32
      %add3A_393 = arith.addi %add3A, %mul3A_392 : i32
      %mul3A_394 = arith.constant 32 : i32
      %mul3A_395 = arith.muli %add3A_393, %mul3A_394 : i32
      %dma_start3A_396 = arith.constant 0 : i32
      %dma_start3A_397 = tpu.memref_slice %arg4[%mul3A_395, %dma_start3A_396] : memref<250016x128xf32, #tpu.memory_space<hbm>> -> memref<32x128xf32, #tpu.memory_space<hbm>>
      %dma_start3A_398 = arith.constant 0 : i32
      %dma_start3A_399 = tpu.memref_slice %arg4[%mul3A_395, %dma_start3A_398] : memref<250016x128xf32, #tpu.memory_space<hbm>> -> memref<32x128xf32, #tpu.memory_space<hbm>>
      tpu.enqueue_dma source(%arg7 : memref<32x128xf32, #tpu.memory_space<vmem>>) target(%dma_start3A_399 : memref<32x128xf32, #tpu.memory_space<hbm>>) target_semaphore(%arg15 : memref<!tpu.dma_semaphore, #tpu.memory_space<semaphore_mem>>)
      %dma_wait3A_400 = arith.constant 0 : i32
      %dma_wait3A_401 = arith.constant 0 : i32
      %dma_wait3A_402 = tpu.memref_slice %arg4[%dma_wait3A_400, %dma_wait3A_401] : memref<250016x128xf32, #tpu.memory_space<hbm>> -> memref<32x128xf32, #tpu.memory_space<hbm>>
      %dma_wait3A_403 = arith.constant 0 : i32
      %dma_wait3A_404 = arith.constant 0 : i32
      %dma_wait3A_405 = tpu.memref_slice %arg4[%dma_wait3A_403, %dma_wait3A_404] : memref<250016x128xf32, #tpu.memory_space<hbm>> -> memref<32x128xf32, #tpu.memory_space<hbm>>
      tpu.wait_dma2 semaphore(%arg15 : memref<!tpu.dma_semaphore, #tpu.memory_space<semaphore_mem>>) src(%arg7 : memref<32x128xf32, #tpu.memory_space<vmem>>) dst(%dma_wait3A_405 : memref<32x128xf32, #tpu.memory_space<hbm>>)
      %add3A_406 = arith.constant 4 : i32
      %add3A_407 = arith.addi %add3A_342, %add3A_406 : i32
      %lt3A_408 = arith.constant 244 : i32
      %lt3A_409 = arith.cmpi slt, %add3A_407, %lt3A_408 : i32
      %convert_element_type3A_410 = arith.extui %lt3A_409 : i1 to i32
      %cond3A_411 = arith.constant 0 : i32
      %cond3A_412 = arith.cmpi ne, %convert_element_type3A_410, %cond3A_411 : i32
      scf.if %cond3A_412 {
        %add3A_485 = arith.constant 4 : i32
        %add3A_486 = arith.addi %add3A_342, %add3A_485 : i32
        %mul3A_487 = arith.constant 32 : i32
        %mul3A_488 = arith.muli %add3A_486, %mul3A_487 : i32
        %add3A_489 = arith.addi %add3A, %mul3A_488 : i32
        %mul3A_490 = arith.constant 128 : i32
        %mul3A_491 = arith.muli %add3A_489, %mul3A_490 : i32
        %multiple_of3A_492 = tpu.assume_multiple %mul3A_491, 128 : i32
        %dma_start3A_493 = arith.constant 0 : i32
        %dma_start3A_494 = arith.constant 0 : i32
        %dma_start3A_495 = tpu.memref_slice %arg7[%dma_start3A_493, %dma_start3A_494] : memref<32x128xf32, #tpu.memory_space<vmem>> -> memref<8x128xf32, #tpu.memory_space<vmem>>
        %dma_start3A_496 = arith.constant 0 : i32
        %dma_start3A_497 = tpu.memref_slice %arg2[%dma_start3A_496, %multiple_of3A_492] : memref<32x1000000xf32, #tpu.memory_space<hbm>> -> memref<8x128xf32, #tpu.memory_space<hbm>>
        %dma_start3A_498 = arith.constant 0 : i32
        %dma_start3A_499 = arith.constant 0 : i32
        %dma_start3A_500 = tpu.memref_slice %arg7[%dma_start3A_498, %dma_start3A_499] : memref<32x128xf32, #tpu.memory_space<vmem>> -> memref<8x128xf32, #tpu.memory_space<vmem>>
        %dma_start3A_501 = arith.constant 0 : i32
        %dma_start3A_502 = tpu.memref_slice %arg2[%dma_start3A_501, %multiple_of3A_492] : memref<32x1000000xf32, #tpu.memory_space<hbm>> -> memref<8x128xf32, #tpu.memory_space<hbm>>
        tpu.enqueue_dma source(%dma_start3A_502 : memref<8x128xf32, #tpu.memory_space<hbm>>) target(%dma_start3A_500 : memref<8x128xf32, #tpu.memory_space<vmem>>) target_semaphore(%arg11 : memref<!tpu.dma_semaphore, #tpu.memory_space<semaphore_mem>>)
        %dma_start3A_503 = arith.constant 8 : i32
        %dma_start3A_504 = arith.constant 0 : i32
        %dma_start3A_505 = tpu.memref_slice %arg7[%dma_start3A_503, %dma_start3A_504] : memref<32x128xf32, #tpu.memory_space<vmem>> -> memref<8x128xf32, #tpu.memory_space<vmem>>
        %dma_start3A_506 = arith.constant 8 : i32
        %dma_start3A_507 = tpu.memref_slice %arg2[%dma_start3A_506, %multiple_of3A_492] : memref<32x1000000xf32, #tpu.memory_space<hbm>> -> memref<8x128xf32, #tpu.memory_space<hbm>>
        %dma_start3A_508 = arith.constant 8 : i32
        %dma_start3A_509 = arith.constant 0 : i32
        %dma_start3A_510 = tpu.memref_slice %arg7[%dma_start3A_508, %dma_start3A_509] : memref<32x128xf32, #tpu.memory_space<vmem>> -> memref<8x128xf32, #tpu.memory_space<vmem>>
        %dma_start3A_511 = arith.constant 8 : i32
        %dma_start3A_512 = tpu.memref_slice %arg2[%dma_start3A_511, %multiple_of3A_492] : memref<32x1000000xf32, #tpu.memory_space<hbm>> -> memref<8x128xf32, #tpu.memory_space<hbm>>
        tpu.enqueue_dma source(%dma_start3A_512 : memref<8x128xf32, #tpu.memory_space<hbm>>) target(%dma_start3A_510 : memref<8x128xf32, #tpu.memory_space<vmem>>) target_semaphore(%arg11 : memref<!tpu.dma_semaphore, #tpu.memory_space<semaphore_mem>>)
        %dma_start3A_513 = arith.constant 16 : i32
        %dma_start3A_514 = arith.constant 0 : i32
        %dma_start3A_515 = tpu.memref_slice %arg7[%dma_start3A_513, %dma_start3A_514] : memref<32x128xf32, #tpu.memory_space<vmem>> -> memref<8x128xf32, #tpu.memory_space<vmem>>
        %dma_start3A_516 = arith.constant 16 : i32
        %dma_start3A_517 = tpu.memref_slice %arg2[%dma_start3A_516, %multiple_of3A_492] : memref<32x1000000xf32, #tpu.memory_space<hbm>> -> memref<8x128xf32, #tpu.memory_space<hbm>>
        %dma_start3A_518 = arith.constant 16 : i32
        %dma_start3A_519 = arith.constant 0 : i32
        %dma_start3A_520 = tpu.memref_slice %arg7[%dma_start3A_518, %dma_start3A_519] : memref<32x128xf32, #tpu.memory_space<vmem>> -> memref<8x128xf32, #tpu.memory_space<vmem>>
        %dma_start3A_521 = arith.constant 16 : i32
        %dma_start3A_522 = tpu.memref_slice %arg2[%dma_start3A_521, %multiple_of3A_492] : memref<32x1000000xf32, #tpu.memory_space<hbm>> -> memref<8x128xf32, #tpu.memory_space<hbm>>
        tpu.enqueue_dma source(%dma_start3A_522 : memref<8x128xf32, #tpu.memory_space<hbm>>) target(%dma_start3A_520 : memref<8x128xf32, #tpu.memory_space<vmem>>) target_semaphore(%arg11 : memref<!tpu.dma_semaphore, #tpu.memory_space<semaphore_mem>>)
        %dma_start3A_523 = arith.constant 24 : i32
        %dma_start3A_524 = arith.constant 0 : i32
        %dma_start3A_525 = tpu.memref_slice %arg7[%dma_start3A_523, %dma_start3A_524] : memref<32x128xf32, #tpu.memory_space<vmem>> -> memref<8x128xf32, #tpu.memory_space<vmem>>
        %dma_start3A_526 = arith.constant 24 : i32
        %dma_start3A_527 = tpu.memref_slice %arg2[%dma_start3A_526, %multiple_of3A_492] : memref<32x1000000xf32, #tpu.memory_space<hbm>> -> memref<8x128xf32, #tpu.memory_space<hbm>>
        %dma_start3A_528 = arith.constant 24 : i32
        %dma_start3A_529 = arith.constant 0 : i32
        %dma_start3A_530 = tpu.memref_slice %arg7[%dma_start3A_528, %dma_start3A_529] : memref<32x128xf32, #tpu.memory_space<vmem>> -> memref<8x128xf32, #tpu.memory_space<vmem>>
        %dma_start3A_531 = arith.constant 24 : i32
        %dma_start3A_532 = tpu.memref_slice %arg2[%dma_start3A_531, %multiple_of3A_492] : memref<32x1000000xf32, #tpu.memory_space<hbm>> -> memref<8x128xf32, #tpu.memory_space<hbm>>
        tpu.enqueue_dma source(%dma_start3A_532 : memref<8x128xf32, #tpu.memory_space<hbm>>) target(%dma_start3A_530 : memref<8x128xf32, #tpu.memory_space<vmem>>) target_semaphore(%arg11 : memref<!tpu.dma_semaphore, #tpu.memory_space<semaphore_mem>>)
      } else {
      }
      %add3A_413 = arith.constant 3 : i32
      %add3A_414 = arith.addi %add3A_197, %add3A_413 : i32
      %dma_wait3A_415 = arith.constant 0 : i32
      %dma_wait3A_416 = arith.constant 0 : i32
      %dma_wait3A_417 = tpu.memref_slice %arg8[%dma_wait3A_415, %dma_wait3A_416] : memref<32x128xf32, #tpu.memory_space<vmem>> -> memref<8x128xf32, #tpu.memory_space<vmem>>
      %dma_wait3A_418 = arith.constant 0 : i32
      %dma_wait3A_419 = arith.constant 0 : i32
      %dma_wait3A_420 = tpu.memref_slice %arg2[%dma_wait3A_418, %dma_wait3A_419] : memref<32x1000000xf32, #tpu.memory_space<hbm>> -> memref<8x128xf32, #tpu.memory_space<hbm>>
      %dma_wait3A_421 = arith.constant 0 : i32
      %dma_wait3A_422 = arith.constant 0 : i32
      %dma_wait3A_423 = tpu.memref_slice %arg8[%dma_wait3A_421, %dma_wait3A_422] : memref<32x128xf32, #tpu.memory_space<vmem>> -> memref<8x128xf32, #tpu.memory_space<vmem>>
      %dma_wait3A_424 = arith.constant 0 : i32
      %dma_wait3A_425 = arith.constant 0 : i32
      %dma_wait3A_426 = tpu.memref_slice %arg2[%dma_wait3A_424, %dma_wait3A_425] : memref<32x1000000xf32, #tpu.memory_space<hbm>> -> memref<8x128xf32, #tpu.memory_space<hbm>>
      tpu.wait_dma2 semaphore(%arg12 : memref<!tpu.dma_semaphore, #tpu.memory_space<semaphore_mem>>) src(%dma_wait3A_426 : memref<8x128xf32, #tpu.memory_space<hbm>>) dst(%dma_wait3A_423 : memref<8x128xf32, #tpu.memory_space<vmem>>)
      %dma_wait3A_427 = arith.constant 8 : i32
      %dma_wait3A_428 = arith.constant 0 : i32
      %dma_wait3A_429 = tpu.memref_slice %arg8[%dma_wait3A_427, %dma_wait3A_428] : memref<32x128xf32, #tpu.memory_space<vmem>> -> memref<8x128xf32, #tpu.memory_space<vmem>>
      %dma_wait3A_430 = arith.constant 0 : i32
      %dma_wait3A_431 = arith.constant 0 : i32
      %dma_wait3A_432 = tpu.memref_slice %arg2[%dma_wait3A_430, %dma_wait3A_431] : memref<32x1000000xf32, #tpu.memory_space<hbm>> -> memref<8x128xf32, #tpu.memory_space<hbm>>
      %dma_wait3A_433 = arith.constant 8 : i32
      %dma_wait3A_434 = arith.constant 0 : i32
      %dma_wait3A_435 = tpu.memref_slice %arg8[%dma_wait3A_433, %dma_wait3A_434] : memref<32x128xf32, #tpu.memory_space<vmem>> -> memref<8x128xf32, #tpu.memory_space<vmem>>
      %dma_wait3A_436 = arith.constant 0 : i32
      %dma_wait3A_437 = arith.constant 0 : i32
      %dma_wait3A_438 = tpu.memref_slice %arg2[%dma_wait3A_436, %dma_wait3A_437] : memref<32x1000000xf32, #tpu.memory_space<hbm>> -> memref<8x128xf32, #tpu.memory_space<hbm>>
      tpu.wait_dma2 semaphore(%arg12 : memref<!tpu.dma_semaphore, #tpu.memory_space<semaphore_mem>>) src(%dma_wait3A_438 : memref<8x128xf32, #tpu.memory_space<hbm>>) dst(%dma_wait3A_435 : memref<8x128xf32, #tpu.memory_space<vmem>>)
      %dma_wait3A_439 = arith.constant 16 : i32
      %dma_wait3A_440 = arith.constant 0 : i32
      %dma_wait3A_441 = tpu.memref_slice %arg8[%dma_wait3A_439, %dma_wait3A_440] : memref<32x128xf32, #tpu.memory_space<vmem>> -> memref<8x128xf32, #tpu.memory_space<vmem>>
      %dma_wait3A_442 = arith.constant 0 : i32
      %dma_wait3A_443 = arith.constant 0 : i32
      %dma_wait3A_444 = tpu.memref_slice %arg2[%dma_wait3A_442, %dma_wait3A_443] : memref<32x1000000xf32, #tpu.memory_space<hbm>> -> memref<8x128xf32, #tpu.memory_space<hbm>>
      %dma_wait3A_445 = arith.constant 16 : i32
      %dma_wait3A_446 = arith.constant 0 : i32
      %dma_wait3A_447 = tpu.memref_slice %arg8[%dma_wait3A_445, %dma_wait3A_446] : memref<32x128xf32, #tpu.memory_space<vmem>> -> memref<8x128xf32, #tpu.memory_space<vmem>>
      %dma_wait3A_448 = arith.constant 0 : i32
      %dma_wait3A_449 = arith.constant 0 : i32
      %dma_wait3A_450 = tpu.memref_slice %arg2[%dma_wait3A_448, %dma_wait3A_449] : memref<32x1000000xf32, #tpu.memory_space<hbm>> -> memref<8x128xf32, #tpu.memory_space<hbm>>
      tpu.wait_dma2 semaphore(%arg12 : memref<!tpu.dma_semaphore, #tpu.memory_space<semaphore_mem>>) src(%dma_wait3A_450 : memref<8x128xf32, #tpu.memory_space<hbm>>) dst(%dma_wait3A_447 : memref<8x128xf32, #tpu.memory_space<vmem>>)
      %dma_wait3A_451 = arith.constant 24 : i32
      %dma_wait3A_452 = arith.constant 0 : i32
      %dma_wait3A_453 = tpu.memref_slice %arg8[%dma_wait3A_451, %dma_wait3A_452] : memref<32x128xf32, #tpu.memory_space<vmem>> -> memref<8x128xf32, #tpu.memory_space<vmem>>
      %dma_wait3A_454 = arith.constant 0 : i32
      %dma_wait3A_455 = arith.constant 0 : i32
      %dma_wait3A_456 = tpu.memref_slice %arg2[%dma_wait3A_454, %dma_wait3A_455] : memref<32x1000000xf32, #tpu.memory_space<hbm>> -> memref<8x128xf32, #tpu.memory_space<hbm>>
      %dma_wait3A_457 = arith.constant 24 : i32
      %dma_wait3A_458 = arith.constant 0 : i32
      %dma_wait3A_459 = tpu.memref_slice %arg8[%dma_wait3A_457, %dma_wait3A_458] : memref<32x128xf32, #tpu.memory_space<vmem>> -> memref<8x128xf32, #tpu.memory_space<vmem>>
      %dma_wait3A_460 = arith.constant 0 : i32
      %dma_wait3A_461 = arith.constant 0 : i32
      %dma_wait3A_462 = tpu.memref_slice %arg2[%dma_wait3A_460, %dma_wait3A_461] : memref<32x1000000xf32, #tpu.memory_space<hbm>> -> memref<8x128xf32, #tpu.memory_space<hbm>>
      tpu.wait_dma2 semaphore(%arg12 : memref<!tpu.dma_semaphore, #tpu.memory_space<semaphore_mem>>) src(%dma_wait3A_462 : memref<8x128xf32, #tpu.memory_space<hbm>>) dst(%dma_wait3A_459 : memref<8x128xf32, #tpu.memory_space<vmem>>)
      %mul3A_463 = arith.constant 32 : i32
      %mul3A_464 = arith.muli %add3A_414, %mul3A_463 : i32
      %add3A_465 = arith.addi %add3A, %mul3A_464 : i32
      %mul3A_466 = arith.constant 32 : i32
      %mul3A_467 = arith.muli %add3A_465, %mul3A_466 : i32
      %dma_start3A_468 = arith.constant 0 : i32
      %dma_start3A_469 = tpu.memref_slice %arg4[%mul3A_467, %dma_start3A_468] : memref<250016x128xf32, #tpu.memory_space<hbm>> -> memref<32x128xf32, #tpu.memory_space<hbm>>
      %dma_start3A_470 = arith.constant 0 : i32
      %dma_start3A_471 = tpu.memref_slice %arg4[%mul3A_467, %dma_start3A_470] : memref<250016x128xf32, #tpu.memory_space<hbm>> -> memref<32x128xf32, #tpu.memory_space<hbm>>
      tpu.enqueue_dma source(%arg8 : memref<32x128xf32, #tpu.memory_space<vmem>>) target(%dma_start3A_471 : memref<32x128xf32, #tpu.memory_space<hbm>>) target_semaphore(%arg16 : memref<!tpu.dma_semaphore, #tpu.memory_space<semaphore_mem>>)
      %dma_wait3A_472 = arith.constant 0 : i32
      %dma_wait3A_473 = arith.constant 0 : i32
      %dma_wait3A_474 = tpu.memref_slice %arg4[%dma_wait3A_472, %dma_wait3A_473] : memref<250016x128xf32, #tpu.memory_space<hbm>> -> memref<32x128xf32, #tpu.memory_space<hbm>>
      %dma_wait3A_475 = arith.constant 0 : i32
      %dma_wait3A_476 = arith.constant 0 : i32
      %dma_wait3A_477 = tpu.memref_slice %arg4[%dma_wait3A_475, %dma_wait3A_476] : memref<250016x128xf32, #tpu.memory_space<hbm>> -> memref<32x128xf32, #tpu.memory_space<hbm>>
      tpu.wait_dma2 semaphore(%arg16 : memref<!tpu.dma_semaphore, #tpu.memory_space<semaphore_mem>>) src(%arg8 : memref<32x128xf32, #tpu.memory_space<vmem>>) dst(%dma_wait3A_477 : memref<32x128xf32, #tpu.memory_space<hbm>>)
      %add3A_478 = arith.constant 4 : i32
      %add3A_479 = arith.addi %add3A_414, %add3A_478 : i32
      %lt3A_480 = arith.constant 244 : i32
      %lt3A_481 = arith.cmpi slt, %add3A_479, %lt3A_480 : i32
      %convert_element_type3A_482 = arith.extui %lt3A_481 : i1 to i32
      %cond3A_483 = arith.constant 0 : i32
      %cond3A_484 = arith.cmpi ne, %convert_element_type3A_482, %cond3A_483 : i32
      scf.if %cond3A_484 {
        %add3A_485 = arith.constant 4 : i32
        %add3A_486 = arith.addi %add3A_414, %add3A_485 : i32
        %mul3A_487 = arith.constant 32 : i32
        %mul3A_488 = arith.muli %add3A_486, %mul3A_487 : i32
        %add3A_489 = arith.addi %add3A, %mul3A_488 : i32
        %mul3A_490 = arith.constant 128 : i32
        %mul3A_491 = arith.muli %add3A_489, %mul3A_490 : i32
        %multiple_of3A_492 = tpu.assume_multiple %mul3A_491, 128 : i32
        %dma_start3A_493 = arith.constant 0 : i32
        %dma_start3A_494 = arith.constant 0 : i32
        %dma_start3A_495 = tpu.memref_slice %arg8[%dma_start3A_493, %dma_start3A_494] : memref<32x128xf32, #tpu.memory_space<vmem>> -> memref<8x128xf32, #tpu.memory_space<vmem>>
        %dma_start3A_496 = arith.constant 0 : i32
        %dma_start3A_497 = tpu.memref_slice %arg2[%dma_start3A_496, %multiple_of3A_492] : memref<32x1000000xf32, #tpu.memory_space<hbm>> -> memref<8x128xf32, #tpu.memory_space<hbm>>
        %dma_start3A_498 = arith.constant 0 : i32
        %dma_start3A_499 = arith.constant 0 : i32
        %dma_start3A_500 = tpu.memref_slice %arg8[%dma_start3A_498, %dma_start3A_499] : memref<32x128xf32, #tpu.memory_space<vmem>> -> memref<8x128xf32, #tpu.memory_space<vmem>>
        %dma_start3A_501 = arith.constant 0 : i32
        %dma_start3A_502 = tpu.memref_slice %arg2[%dma_start3A_501, %multiple_of3A_492] : memref<32x1000000xf32, #tpu.memory_space<hbm>> -> memref<8x128xf32, #tpu.memory_space<hbm>>
        tpu.enqueue_dma source(%dma_start3A_502 : memref<8x128xf32, #tpu.memory_space<hbm>>) target(%dma_start3A_500 : memref<8x128xf32, #tpu.memory_space<vmem>>) target_semaphore(%arg12 : memref<!tpu.dma_semaphore, #tpu.memory_space<semaphore_mem>>)
        %dma_start3A_503 = arith.constant 8 : i32
        %dma_start3A_504 = arith.constant 0 : i32
        %dma_start3A_505 = tpu.memref_slice %arg8[%dma_start3A_503, %dma_start3A_504] : memref<32x128xf32, #tpu.memory_space<vmem>> -> memref<8x128xf32, #tpu.memory_space<vmem>>
        %dma_start3A_506 = arith.constant 8 : i32
        %dma_start3A_507 = tpu.memref_slice %arg2[%dma_start3A_506, %multiple_of3A_492] : memref<32x1000000xf32, #tpu.memory_space<hbm>> -> memref<8x128xf32, #tpu.memory_space<hbm>>
        %dma_start3A_508 = arith.constant 8 : i32
        %dma_start3A_509 = arith.constant 0 : i32
        %dma_start3A_510 = tpu.memref_slice %arg8[%dma_start3A_508, %dma_start3A_509] : memref<32x128xf32, #tpu.memory_space<vmem>> -> memref<8x128xf32, #tpu.memory_space<vmem>>
        %dma_start3A_511 = arith.constant 8 : i32
        %dma_start3A_512 = tpu.memref_slice %arg2[%dma_start3A_511, %multiple_of3A_492] : memref<32x1000000xf32, #tpu.memory_space<hbm>> -> memref<8x128xf32, #tpu.memory_space<hbm>>
        tpu.enqueue_dma source(%dma_start3A_512 : memref<8x128xf32, #tpu.memory_space<hbm>>) target(%dma_start3A_510 : memref<8x128xf32, #tpu.memory_space<vmem>>) target_semaphore(%arg12 : memref<!tpu.dma_semaphore, #tpu.memory_space<semaphore_mem>>)
        %dma_start3A_513 = arith.constant 16 : i32
        %dma_start3A_514 = arith.constant 0 : i32
        %dma_start3A_515 = tpu.memref_slice %arg8[%dma_start3A_513, %dma_start3A_514] : memref<32x128xf32, #tpu.memory_space<vmem>> -> memref<8x128xf32, #tpu.memory_space<vmem>>
        %dma_start3A_516 = arith.constant 16 : i32
        %dma_start3A_517 = tpu.memref_slice %arg2[%dma_start3A_516, %multiple_of3A_492] : memref<32x1000000xf32, #tpu.memory_space<hbm>> -> memref<8x128xf32, #tpu.memory_space<hbm>>
        %dma_start3A_518 = arith.constant 16 : i32
        %dma_start3A_519 = arith.constant 0 : i32
        %dma_start3A_520 = tpu.memref_slice %arg8[%dma_start3A_518, %dma_start3A_519] : memref<32x128xf32, #tpu.memory_space<vmem>> -> memref<8x128xf32, #tpu.memory_space<vmem>>
        %dma_start3A_521 = arith.constant 16 : i32
        %dma_start3A_522 = tpu.memref_slice %arg2[%dma_start3A_521, %multiple_of3A_492] : memref<32x1000000xf32, #tpu.memory_space<hbm>> -> memref<8x128xf32, #tpu.memory_space<hbm>>
        tpu.enqueue_dma source(%dma_start3A_522 : memref<8x128xf32, #tpu.memory_space<hbm>>) target(%dma_start3A_520 : memref<8x128xf32, #tpu.memory_space<vmem>>) target_semaphore(%arg12 : memref<!tpu.dma_semaphore, #tpu.memory_space<semaphore_mem>>)
        %dma_start3A_523 = arith.constant 24 : i32
        %dma_start3A_524 = arith.constant 0 : i32
        %dma_start3A_525 = tpu.memref_slice %arg8[%dma_start3A_523, %dma_start3A_524] : memref<32x128xf32, #tpu.memory_space<vmem>> -> memref<8x128xf32, #tpu.memory_space<vmem>>
        %dma_start3A_526 = arith.constant 24 : i32
        %dma_start3A_527 = tpu.memref_slice %arg2[%dma_start3A_526, %multiple_of3A_492] : memref<32x1000000xf32, #tpu.memory_space<hbm>> -> memref<8x128xf32, #tpu.memory_space<hbm>>
        %dma_start3A_528 = arith.constant 24 : i32
        %dma_start3A_529 = arith.constant 0 : i32
        %dma_start3A_530 = tpu.memref_slice %arg8[%dma_start3A_528, %dma_start3A_529] : memref<32x128xf32, #tpu.memory_space<vmem>> -> memref<8x128xf32, #tpu.memory_space<vmem>>
        %dma_start3A_531 = arith.constant 24 : i32
        %dma_start3A_532 = tpu.memref_slice %arg2[%dma_start3A_531, %multiple_of3A_492] : memref<32x1000000xf32, #tpu.memory_space<hbm>> -> memref<8x128xf32, #tpu.memory_space<hbm>>
        tpu.enqueue_dma source(%dma_start3A_532 : memref<8x128xf32, #tpu.memory_space<hbm>>) target(%dma_start3A_530 : memref<8x128xf32, #tpu.memory_space<vmem>>) target_semaphore(%arg12 : memref<!tpu.dma_semaphore, #tpu.memory_space<semaphore_mem>>)
      } else {
      }
    }
    %scan3A_182 = arith.constant 61 : i32
    %scan3A_183 = arith.constant 0 : i32
    %scan3A_184 = arith.constant 0 : i32
    %scan3A_185 = arith.addi %scan3A_183, %scan3A_184 : i32
    %scan3A_186 = arith.constant 0 : i32
    %lt3A = arith.constant 4 : i32
    %lt3A_187 = arith.cmpi slt, %add3A, %lt3A : i32
    %convert_element_type3A = arith.extui %lt3A_187 : i1 to i32
    %cond3A = arith.constant 0 : i32
    %cond3A_188 = arith.cmpi ne, %convert_element_type3A, %cond3A : i32
    scf.if %cond3A_188 {
      %add3A_193 = arith.constant 7808 : i32
      %add3A_194 = arith.addi %add3A_193, %add3A : i32
      %mul3A_195 = arith.constant 128 : i32
      %mul3A_196 = arith.muli %add3A_194, %mul3A_195 : i32
      %multiple_of3A_197 = tpu.assume_multiple %mul3A_196, 128 : i32
      %dma_start3A_198 = arith.constant 0 : i32
      %dma_start3A_199 = arith.constant 0 : i32
      %dma_start3A_200 = tpu.memref_slice %arg5[%dma_start3A_198, %dma_start3A_199] : memref<32x128xf32, #tpu.memory_space<vmem>> -> memref<8x128xf32, #tpu.memory_space<vmem>>
      %dma_start3A_201 = arith.constant 0 : i32
      %dma_start3A_202 = tpu.memref_slice %arg2[%dma_start3A_201, %multiple_of3A_197] : memref<32x1000000xf32, #tpu.memory_space<hbm>> -> memref<8x128xf32, #tpu.memory_space<hbm>>
      %dma_start3A_203 = arith.constant 0 : i32
      %dma_start3A_204 = arith.constant 0 : i32
      %dma_start3A_205 = tpu.memref_slice %arg5[%dma_start3A_203, %dma_start3A_204] : memref<32x128xf32, #tpu.memory_space<vmem>> -> memref<8x128xf32, #tpu.memory_space<vmem>>
      %dma_start3A_206 = arith.constant 0 : i32
      %dma_start3A_207 = tpu.memref_slice %arg2[%dma_start3A_206, %multiple_of3A_197] : memref<32x1000000xf32, #tpu.memory_space<hbm>> -> memref<8x128xf32, #tpu.memory_space<hbm>>
      tpu.enqueue_dma source(%dma_start3A_207 : memref<8x128xf32, #tpu.memory_space<hbm>>) target(%dma_start3A_205 : memref<8x128xf32, #tpu.memory_space<vmem>>) target_semaphore(%arg9 : memref<!tpu.dma_semaphore, #tpu.memory_space<semaphore_mem>>)
      %dma_start3A_208 = arith.constant 8 : i32
      %dma_start3A_209 = arith.constant 0 : i32
      %dma_start3A_210 = tpu.memref_slice %arg5[%dma_start3A_208, %dma_start3A_209] : memref<32x128xf32, #tpu.memory_space<vmem>> -> memref<8x128xf32, #tpu.memory_space<vmem>>
      %dma_start3A_211 = arith.constant 8 : i32
      %dma_start3A_212 = tpu.memref_slice %arg2[%dma_start3A_211, %multiple_of3A_197] : memref<32x1000000xf32, #tpu.memory_space<hbm>> -> memref<8x128xf32, #tpu.memory_space<hbm>>
      %dma_start3A_213 = arith.constant 8 : i32
      %dma_start3A_214 = arith.constant 0 : i32
      %dma_start3A_215 = tpu.memref_slice %arg5[%dma_start3A_213, %dma_start3A_214] : memref<32x128xf32, #tpu.memory_space<vmem>> -> memref<8x128xf32, #tpu.memory_space<vmem>>
      %dma_start3A_216 = arith.constant 8 : i32
      %dma_start3A_217 = tpu.memref_slice %arg2[%dma_start3A_216, %multiple_of3A_197] : memref<32x1000000xf32, #tpu.memory_space<hbm>> -> memref<8x128xf32, #tpu.memory_space<hbm>>
      tpu.enqueue_dma source(%dma_start3A_217 : memref<8x128xf32, #tpu.memory_space<hbm>>) target(%dma_start3A_215 : memref<8x128xf32, #tpu.memory_space<vmem>>) target_semaphore(%arg9 : memref<!tpu.dma_semaphore, #tpu.memory_space<semaphore_mem>>)
      %dma_start3A_218 = arith.constant 16 : i32
      %dma_start3A_219 = arith.constant 0 : i32
      %dma_start3A_220 = tpu.memref_slice %arg5[%dma_start3A_218, %dma_start3A_219] : memref<32x128xf32, #tpu.memory_space<vmem>> -> memref<8x128xf32, #tpu.memory_space<vmem>>
      %dma_start3A_221 = arith.constant 16 : i32
      %dma_start3A_222 = tpu.memref_slice %arg2[%dma_start3A_221, %multiple_of3A_197] : memref<32x1000000xf32, #tpu.memory_space<hbm>> -> memref<8x128xf32, #tpu.memory_space<hbm>>
      %dma_start3A_223 = arith.constant 16 : i32
      %dma_start3A_224 = arith.constant 0 : i32
      %dma_start3A_225 = tpu.memref_slice %arg5[%dma_start3A_223, %dma_start3A_224] : memref<32x128xf32, #tpu.memory_space<vmem>> -> memref<8x128xf32, #tpu.memory_space<vmem>>
      %dma_start3A_226 = arith.constant 16 : i32
      %dma_start3A_227 = tpu.memref_slice %arg2[%dma_start3A_226, %multiple_of3A_197] : memref<32x1000000xf32, #tpu.memory_space<hbm>> -> memref<8x128xf32, #tpu.memory_space<hbm>>
      tpu.enqueue_dma source(%dma_start3A_227 : memref<8x128xf32, #tpu.memory_space<hbm>>) target(%dma_start3A_225 : memref<8x128xf32, #tpu.memory_space<vmem>>) target_semaphore(%arg9 : memref<!tpu.dma_semaphore, #tpu.memory_space<semaphore_mem>>)
      %dma_start3A_228 = arith.constant 24 : i32
      %dma_start3A_229 = arith.constant 0 : i32
      %dma_start3A_230 = tpu.memref_slice %arg5[%dma_start3A_228, %dma_start3A_229] : memref<32x128xf32, #tpu.memory_space<vmem>> -> memref<8x128xf32, #tpu.memory_space<vmem>>
      %dma_start3A_231 = arith.constant 24 : i32
      %dma_start3A_232 = tpu.memref_slice %arg2[%dma_start3A_231, %multiple_of3A_197] : memref<32x1000000xf32, #tpu.memory_space<hbm>> -> memref<8x128xf32, #tpu.memory_space<hbm>>
      %dma_start3A_233 = arith.constant 24 : i32
      %dma_start3A_234 = arith.constant 0 : i32
      %dma_start3A_235 = tpu.memref_slice %arg5[%dma_start3A_233, %dma_start3A_234] : memref<32x128xf32, #tpu.memory_space<vmem>> -> memref<8x128xf32, #tpu.memory_space<vmem>>
      %dma_start3A_236 = arith.constant 24 : i32
      %dma_start3A_237 = tpu.memref_slice %arg2[%dma_start3A_236, %multiple_of3A_197] : memref<32x1000000xf32, #tpu.memory_space<hbm>> -> memref<8x128xf32, #tpu.memory_space<hbm>>
      tpu.enqueue_dma source(%dma_start3A_237 : memref<8x128xf32, #tpu.memory_space<hbm>>) target(%dma_start3A_235 : memref<8x128xf32, #tpu.memory_space<vmem>>) target_semaphore(%arg9 : memref<!tpu.dma_semaphore, #tpu.memory_space<semaphore_mem>>)
      %dma_wait3A = arith.constant 0 : i32
      %dma_wait3A_238 = arith.constant 0 : i32
      %dma_wait3A_239 = tpu.memref_slice %arg5[%dma_wait3A, %dma_wait3A_238] : memref<32x128xf32, #tpu.memory_space<vmem>> -> memref<8x128xf32, #tpu.memory_space<vmem>>
      %dma_wait3A_240 = arith.constant 0 : i32
      %dma_wait3A_241 = arith.constant 0 : i32
      %dma_wait3A_242 = tpu.memref_slice %arg2[%dma_wait3A_240, %dma_wait3A_241] : memref<32x1000000xf32, #tpu.memory_space<hbm>> -> memref<8x128xf32, #tpu.memory_space<hbm>>
      %dma_wait3A_243 = arith.constant 0 : i32
      %dma_wait3A_244 = arith.constant 0 : i32
      %dma_wait3A_245 = tpu.memref_slice %arg5[%dma_wait3A_243, %dma_wait3A_244] : memref<32x128xf32, #tpu.memory_space<vmem>> -> memref<8x128xf32, #tpu.memory_space<vmem>>
      %dma_wait3A_246 = arith.constant 0 : i32
      %dma_wait3A_247 = arith.constant 0 : i32
      %dma_wait3A_248 = tpu.memref_slice %arg2[%dma_wait3A_246, %dma_wait3A_247] : memref<32x1000000xf32, #tpu.memory_space<hbm>> -> memref<8x128xf32, #tpu.memory_space<hbm>>
      tpu.wait_dma2 semaphore(%arg9 : memref<!tpu.dma_semaphore, #tpu.memory_space<semaphore_mem>>) src(%dma_wait3A_248 : memref<8x128xf32, #tpu.memory_space<hbm>>) dst(%dma_wait3A_245 : memref<8x128xf32, #tpu.memory_space<vmem>>)
      %dma_wait3A_249 = arith.constant 8 : i32
      %dma_wait3A_250 = arith.constant 0 : i32
      %dma_wait3A_251 = tpu.memref_slice %arg5[%dma_wait3A_249, %dma_wait3A_250] : memref<32x128xf32, #tpu.memory_space<vmem>> -> memref<8x128xf32, #tpu.memory_space<vmem>>
      %dma_wait3A_252 = arith.constant 0 : i32
      %dma_wait3A_253 = arith.constant 0 : i32
      %dma_wait3A_254 = tpu.memref_slice %arg2[%dma_wait3A_252, %dma_wait3A_253] : memref<32x1000000xf32, #tpu.memory_space<hbm>> -> memref<8x128xf32, #tpu.memory_space<hbm>>
      %dma_wait3A_255 = arith.constant 8 : i32
      %dma_wait3A_256 = arith.constant 0 : i32
      %dma_wait3A_257 = tpu.memref_slice %arg5[%dma_wait3A_255, %dma_wait3A_256] : memref<32x128xf32, #tpu.memory_space<vmem>> -> memref<8x128xf32, #tpu.memory_space<vmem>>
      %dma_wait3A_258 = arith.constant 0 : i32
      %dma_wait3A_259 = arith.constant 0 : i32
      %dma_wait3A_260 = tpu.memref_slice %arg2[%dma_wait3A_258, %dma_wait3A_259] : memref<32x1000000xf32, #tpu.memory_space<hbm>> -> memref<8x128xf32, #tpu.memory_space<hbm>>
      tpu.wait_dma2 semaphore(%arg9 : memref<!tpu.dma_semaphore, #tpu.memory_space<semaphore_mem>>) src(%dma_wait3A_260 : memref<8x128xf32, #tpu.memory_space<hbm>>) dst(%dma_wait3A_257 : memref<8x128xf32, #tpu.memory_space<vmem>>)
      %dma_wait3A_261 = arith.constant 16 : i32
      %dma_wait3A_262 = arith.constant 0 : i32
      %dma_wait3A_263 = tpu.memref_slice %arg5[%dma_wait3A_261, %dma_wait3A_262] : memref<32x128xf32, #tpu.memory_space<vmem>> -> memref<8x128xf32, #tpu.memory_space<vmem>>
      %dma_wait3A_264 = arith.constant 0 : i32
      %dma_wait3A_265 = arith.constant 0 : i32
      %dma_wait3A_266 = tpu.memref_slice %arg2[%dma_wait3A_264, %dma_wait3A_265] : memref<32x1000000xf32, #tpu.memory_space<hbm>> -> memref<8x128xf32, #tpu.memory_space<hbm>>
      %dma_wait3A_267 = arith.constant 16 : i32
      %dma_wait3A_268 = arith.constant 0 : i32
      %dma_wait3A_269 = tpu.memref_slice %arg5[%dma_wait3A_267, %dma_wait3A_268] : memref<32x128xf32, #tpu.memory_space<vmem>> -> memref<8x128xf32, #tpu.memory_space<vmem>>
      %dma_wait3A_270 = arith.constant 0 : i32
      %dma_wait3A_271 = arith.constant 0 : i32
      %dma_wait3A_272 = tpu.memref_slice %arg2[%dma_wait3A_270, %dma_wait3A_271] : memref<32x1000000xf32, #tpu.memory_space<hbm>> -> memref<8x128xf32, #tpu.memory_space<hbm>>
      tpu.wait_dma2 semaphore(%arg9 : memref<!tpu.dma_semaphore, #tpu.memory_space<semaphore_mem>>) src(%dma_wait3A_272 : memref<8x128xf32, #tpu.memory_space<hbm>>) dst(%dma_wait3A_269 : memref<8x128xf32, #tpu.memory_space<vmem>>)
      %dma_wait3A_273 = arith.constant 24 : i32
      %dma_wait3A_274 = arith.constant 0 : i32
      %dma_wait3A_275 = tpu.memref_slice %arg5[%dma_wait3A_273, %dma_wait3A_274] : memref<32x128xf32, #tpu.memory_space<vmem>> -> memref<8x128xf32, #tpu.memory_space<vmem>>
      %dma_wait3A_276 = arith.constant 0 : i32
      %dma_wait3A_277 = arith.constant 0 : i32
      %dma_wait3A_278 = tpu.memref_slice %arg2[%dma_wait3A_276, %dma_wait3A_277] : memref<32x1000000xf32, #tpu.memory_space<hbm>> -> memref<8x128xf32, #tpu.memory_space<hbm>>
      %dma_wait3A_279 = arith.constant 24 : i32
      %dma_wait3A_280 = arith.constant 0 : i32
      %dma_wait3A_281 = tpu.memref_slice %arg5[%dma_wait3A_279, %dma_wait3A_280] : memref<32x128xf32, #tpu.memory_space<vmem>> -> memref<8x128xf32, #tpu.memory_space<vmem>>
      %dma_wait3A_282 = arith.constant 0 : i32
      %dma_wait3A_283 = arith.constant 0 : i32
      %dma_wait3A_284 = tpu.memref_slice %arg2[%dma_wait3A_282, %dma_wait3A_283] : memref<32x1000000xf32, #tpu.memory_space<hbm>> -> memref<8x128xf32, #tpu.memory_space<hbm>>
      tpu.wait_dma2 semaphore(%arg9 : memref<!tpu.dma_semaphore, #tpu.memory_space<semaphore_mem>>) src(%dma_wait3A_284 : memref<8x128xf32, #tpu.memory_space<hbm>>) dst(%dma_wait3A_281 : memref<8x128xf32, #tpu.memory_space<vmem>>)
      %mul3A_285 = arith.constant 32 : i32
      %mul3A_286 = arith.muli %add3A_194, %mul3A_285 : i32
      "tpu.region"() ({
        %run_scoped3A = tpu.sem_alloc : memref<!tpu.dma_semaphore, #tpu.memory_space<semaphore_mem>>
        %dma_start3A_287 = arith.constant 0 : i32
        %dma_start3A_288 = tpu.memref_slice %arg4[%mul3A_286, %dma_start3A_287] : memref<250016x128xf32, #tpu.memory_space<hbm>> -> memref<32x128xf32, #tpu.memory_space<hbm>>
        %dma_start3A_289 = arith.constant 0 : i32
        %dma_start3A_290 = tpu.memref_slice %arg4[%mul3A_286, %dma_start3A_289] : memref<250016x128xf32, #tpu.memory_space<hbm>> -> memref<32x128xf32, #tpu.memory_space<hbm>>
        tpu.enqueue_dma source(%arg5 : memref<32x128xf32, #tpu.memory_space<vmem>>) target(%dma_start3A_290 : memref<32x128xf32, #tpu.memory_space<hbm>>) target_semaphore(%run_scoped3A : memref<!tpu.dma_semaphore, #tpu.memory_space<semaphore_mem>>)
        %dma_wait3A_291 = arith.constant 0 : i32
        %dma_wait3A_292 = tpu.memref_slice %arg4[%mul3A_286, %dma_wait3A_291] : memref<250016x128xf32, #tpu.memory_space<hbm>> -> memref<32x128xf32, #tpu.memory_space<hbm>>
        %dma_wait3A_293 = arith.constant 0 : i32
        %dma_wait3A_294 = tpu.memref_slice %arg4[%mul3A_286, %dma_wait3A_293] : memref<250016x128xf32, #tpu.memory_space<hbm>> -> memref<32x128xf32, #tpu.memory_space<hbm>>
        tpu.wait_dma2 semaphore(%run_scoped3A : memref<!tpu.dma_semaphore, #tpu.memory_space<semaphore_mem>>) src(%arg5 : memref<32x128xf32, #tpu.memory_space<vmem>>) dst(%dma_wait3A_294 : memref<32x128xf32, #tpu.memory_space<hbm>>)
        tpu.yield
      }) : () -> ()
    } else {
    }
    %eq3A = arith.constant 4 : i32
    %eq3A_189 = arith.cmpi eq, %add3A, %eq3A : i32
    %convert_element_type3A_190 = arith.extui %eq3A_189 : i1 to i32
    %cond3A_191 = arith.constant 0 : i32
    %cond3A_192 = arith.cmpi ne, %convert_element_type3A_190, %cond3A_191 : i32
    scf.if %cond3A_192 {
      "tpu.region"() ({
        %run_scoped3A = tpu.sem_alloc : memref<!tpu.dma_semaphore, #tpu.memory_space<semaphore_mem>>
        tpu.enqueue_dma source(%arg3 : memref<32x128xf32, #tpu.memory_space<hbm>>) target(%arg5 : memref<32x128xf32, #tpu.memory_space<vmem>>) target_semaphore(%run_scoped3A : memref<!tpu.dma_semaphore, #tpu.memory_space<semaphore_mem>>)
        tpu.wait_dma2 semaphore(%run_scoped3A : memref<!tpu.dma_semaphore, #tpu.memory_space<semaphore_mem>>) src(%arg3 : memref<32x128xf32, #tpu.memory_space<hbm>>) dst(%arg5 : memref<32x128xf32, #tpu.memory_space<vmem>>)
        tpu.yield
      }) : () -> ()
      "tpu.region"() ({
        %run_scoped3A = tpu.sem_alloc : memref<!tpu.dma_semaphore, #tpu.memory_space<semaphore_mem>>
        %dma_start3A_193 = arith.constant 249984 : i32
        %dma_start3A_194 = arith.constant 0 : i32
        %dma_start3A_195 = tpu.memref_slice %arg4[%dma_start3A_193, %dma_start3A_194] : memref<250016x128xf32, #tpu.memory_space<hbm>> -> memref<32x128xf32, #tpu.memory_space<hbm>>
        %dma_start3A_196 = arith.constant 249984 : i32
        %dma_start3A_197 = arith.constant 0 : i32
        %dma_start3A_198 = tpu.memref_slice %arg4[%dma_start3A_196, %dma_start3A_197] : memref<250016x128xf32, #tpu.memory_space<hbm>> -> memref<32x128xf32, #tpu.memory_space<hbm>>
        tpu.enqueue_dma source(%arg5 : memref<32x128xf32, #tpu.memory_space<vmem>>) target(%dma_start3A_198 : memref<32x128xf32, #tpu.memory_space<hbm>>) target_semaphore(%run_scoped3A : memref<!tpu.dma_semaphore, #tpu.memory_space<semaphore_mem>>)
        %dma_wait3A = arith.constant 249984 : i32
        %dma_wait3A_199 = arith.constant 0 : i32
        %dma_wait3A_200 = tpu.memref_slice %arg4[%dma_wait3A, %dma_wait3A_199] : memref<250016x128xf32, #tpu.memory_space<hbm>> -> memref<32x128xf32, #tpu.memory_space<hbm>>
        %dma_wait3A_201 = arith.constant 249984 : i32
        %dma_wait3A_202 = arith.constant 0 : i32
        %dma_wait3A_203 = tpu.memref_slice %arg4[%dma_wait3A_201, %dma_wait3A_202] : memref<250016x128xf32, #tpu.memory_space<hbm>> -> memref<32x128xf32, #tpu.memory_space<hbm>>
        tpu.wait_dma2 semaphore(%run_scoped3A : memref<!tpu.dma_semaphore, #tpu.memory_space<semaphore_mem>>) src(%arg5 : memref<32x128xf32, #tpu.memory_space<vmem>>) dst(%dma_wait3A_203 : memref<32x128xf32, #tpu.memory_space<hbm>>)
        tpu.yield
      }) : () -> ()
    } else {
    }
    return
  }
}

#map = affine_map<(d0, d1) -> (0)>
module attributes {stable_mosaic.version = 14 : i64} {
  func.func @transp(%arg0: i32, %arg1: i32, %arg2: memref<32002048xf32, #tpu.memory_space<hbm>>, %arg3: memref<32002048xf32, #tpu.memory_space<hbm>>, %arg4: memref<4096xf32, #tpu.memory_space<vmem>>, %arg5: memref<4096xf32, #tpu.memory_space<vmem>>, %arg6: memref<128x33xf32, #tpu.memory_space<vmem>>, %arg7: memref<4096xf32, #tpu.memory_space<vmem>>, %arg8: memref<4096xf32, #tpu.memory_space<vmem>>, %arg9: memref<!tpu.dma_semaphore, #tpu.memory_space<semaphore_mem>>, %arg10: memref<!tpu.dma_semaphore, #tpu.memory_space<semaphore_mem>>, %arg11: memref<!tpu.dma_semaphore, #tpu.memory_space<semaphore_mem>>, %arg12: memref<!tpu.dma_semaphore, #tpu.memory_space<semaphore_mem>>) attributes {dimension_semantics = [#tpu.dimension_semantics<core_parallel>, #tpu.dimension_semantics<subcore_parallel>], iteration_bounds = array<i64: 2, 16>, scalar_prefetch = 0 : i64, scratch_operands = 9 : i64, tpu.core_type = #tpu.core_type<sc_vector_subcore>, window_params = [{transform_indices = #map}, {transform_indices = #map}]} {
    %mul3A = arith.constant 2 : i32
    %mul3A_0 = arith.muli %arg1, %mul3A : i32
    %add3A = arith.addi %mul3A_0, %arg0 : i32
    %iota3A = tpu.iota {dimensions = array<i32: 0>} : vector<16xi32>
    %add3A_1 = arith.constant 0 : i32
    %add3A_2 = arith.addi %add3A, %add3A_1 : i32
    %mul3A_3 = arith.constant 4096 : i32
    %mul3A_4 = arith.muli %add3A_2, %mul3A_3 : i32
    %dma_start3A = tpu.memref_slice %arg2[%mul3A_4] : memref<32002048xf32, #tpu.memory_space<hbm>> -> memref<4096xf32, #tpu.memory_space<hbm>>
    %dma_start3A_5 = tpu.memref_slice %arg2[%mul3A_4] : memref<32002048xf32, #tpu.memory_space<hbm>> -> memref<4096xf32, #tpu.memory_space<hbm>>
    tpu.enqueue_dma source(%dma_start3A_5 : memref<4096xf32, #tpu.memory_space<hbm>>) target(%arg4 : memref<4096xf32, #tpu.memory_space<vmem>>) target_semaphore(%arg9 : memref<!tpu.dma_semaphore, #tpu.memory_space<semaphore_mem>>)
    %add3A_6 = arith.constant 32 : i32
    %add3A_7 = arith.addi %add3A, %add3A_6 : i32
    %mul3A_8 = arith.constant 4096 : i32
    %mul3A_9 = arith.muli %add3A_7, %mul3A_8 : i32
    %dma_start3A_10 = tpu.memref_slice %arg2[%mul3A_9] : memref<32002048xf32, #tpu.memory_space<hbm>> -> memref<4096xf32, #tpu.memory_space<hbm>>
    %dma_start3A_11 = tpu.memref_slice %arg2[%mul3A_9] : memref<32002048xf32, #tpu.memory_space<hbm>> -> memref<4096xf32, #tpu.memory_space<hbm>>
    tpu.enqueue_dma source(%dma_start3A_11 : memref<4096xf32, #tpu.memory_space<hbm>>) target(%arg5 : memref<4096xf32, #tpu.memory_space<vmem>>) target_semaphore(%arg10 : memref<!tpu.dma_semaphore, #tpu.memory_space<semaphore_mem>>)
    %scan3A = arith.constant 0 : i32
    %scan3A_12 = arith.constant 122 : i32
    %scan3A_13 = arith.addi %scan3A, %scan3A_12 : i32
    %scan3A_14 = arith.constant 1 : i32
    scf.for %scan3A_25 = %scan3A to %scan3A_13 step %scan3A_14  : i32 {
      %mul3A_26 = arith.constant 2 : i32
      %mul3A_27 = arith.muli %scan3A_25, %mul3A_26 : i32
      %add3A_28 = arith.constant 0 : i32
      %add3A_29 = arith.addi %add3A_28, %mul3A_27 : i32
      %add3A_30 = arith.constant 0 : i32
      %add3A_31 = arith.addi %add3A_29, %add3A_30 : i32
      %dma_wait3A_32 = arith.constant 0 : i32
      %dma_wait3A_33 = tpu.memref_slice %arg2[%dma_wait3A_32] : memref<32002048xf32, #tpu.memory_space<hbm>> -> memref<4096xf32, #tpu.memory_space<hbm>>
      %dma_wait3A_34 = arith.constant 0 : i32
      %dma_wait3A_35 = tpu.memref_slice %arg2[%dma_wait3A_34] : memref<32002048xf32, #tpu.memory_space<hbm>> -> memref<4096xf32, #tpu.memory_space<hbm>>
      tpu.wait_dma2 semaphore(%arg9 : memref<!tpu.dma_semaphore, #tpu.memory_space<semaphore_mem>>) src(%dma_wait3A_35 : memref<4096xf32, #tpu.memory_space<hbm>>) dst(%arg4 : memref<4096xf32, #tpu.memory_space<vmem>>)
      %ge3A = arith.constant 2 : i32
      %ge3A_36 = arith.cmpi sge, %add3A_31, %ge3A : i32
      %convert_element_type3A_37 = arith.extui %ge3A_36 : i1 to i32
      %cond3A_38 = arith.constant 0 : i32
      %cond3A_39 = arith.cmpi ne, %convert_element_type3A_37, %cond3A_38 : i32
      scf.if %cond3A_39 {
        %dma_wait3A_99 = arith.constant 0 : i32
        %dma_wait3A_100 = tpu.memref_slice %arg3[%dma_wait3A_99] : memref<32002048xf32, #tpu.memory_space<hbm>> -> memref<4096xf32, #tpu.memory_space<hbm>>
        %dma_wait3A_101 = arith.constant 0 : i32
        %dma_wait3A_102 = tpu.memref_slice %arg3[%dma_wait3A_101] : memref<32002048xf32, #tpu.memory_space<hbm>> -> memref<4096xf32, #tpu.memory_space<hbm>>
        tpu.wait_dma2 semaphore(%arg11 : memref<!tpu.dma_semaphore, #tpu.memory_space<semaphore_mem>>) src(%arg7 : memref<4096xf32, #tpu.memory_space<vmem>>) dst(%dma_wait3A_102 : memref<4096xf32, #tpu.memory_space<hbm>>)
      } else {
      }
      %scan3A_40 = arith.constant 0 : i32
      %scan3A_41 = arith.constant 8 : i32
      %scan3A_42 = arith.addi %scan3A_40, %scan3A_41 : i32
      %scan3A_43 = arith.constant 1 : i32
      scf.for %scan3A_99 = %scan3A_40 to %scan3A_42 step %scan3A_43  : i32 {
        %mul3A_100 = arith.constant 16 : i32
        %mul3A_101 = arith.muli %scan3A_99, %mul3A_100 : i32
        %add3A_102 = arith.constant 0 : i32
        %add3A_103 = arith.addi %add3A_102, %mul3A_101 : i32
        %add3A_104 = vector.broadcast %add3A_103 : i32 to vector<16xi32>
        %add3A_105 = arith.addi %iota3A, %add3A_104 : vector<16xi32>
        %add3A_106 = arith.constant 0 : i32
        %add3A_107 = arith.addi %add3A_106, %add3A_103 : i32
        %get3A = arith.index_cast %add3A_107 : i32 to index
        %get3A_108 = tpu.vector_load %arg4[%get3A] {strides = array<i32>} : memref<4096xf32, #tpu.memory_space<vmem>>, vector<16xf32>,
        %broadcast_in_dim3A = arith.constant 0 : i32
        %broadcast_in_dim3A_109 = vector.broadcast %broadcast_in_dim3A : i32 to vector<16xi32>
        %add3A_110 = arith.constant 0 : i32
        %add3A_111 = vector.broadcast %add3A_110 : i32 to vector<16xi32>
        %add3A_112 = arith.addi %broadcast_in_dim3A_109, %add3A_111 : vector<16xi32>
        tpu.vector_store_idx %arg6[%add3A_105, %add3A_112], %get3A_108 : memref<128x33xf32, #tpu.memory_space<vmem>>[vector<16xi32>, vector<16xi32>], vector<16xf32>,
        %add3A_113 = arith.constant 128 : i32
        %add3A_114 = arith.addi %add3A_113, %add3A_103 : i32
        %get3A_115 = arith.index_cast %add3A_114 : i32 to index
        %get3A_116 = tpu.vector_load %arg4[%get3A_115] {strides = array<i32>} : memref<4096xf32, #tpu.memory_space<vmem>>, vector<16xf32>,
        %broadcast_in_dim3A_117 = arith.constant 0 : i32
        %broadcast_in_dim3A_118 = vector.broadcast %broadcast_in_dim3A_117 : i32 to vector<16xi32>
        %add3A_119 = arith.constant 1 : i32
        %add3A_120 = vector.broadcast %add3A_119 : i32 to vector<16xi32>
        %add3A_121 = arith.addi %broadcast_in_dim3A_118, %add3A_120 : vector<16xi32>
        tpu.vector_store_idx %arg6[%add3A_105, %add3A_121], %get3A_116 : memref<128x33xf32, #tpu.memory_space<vmem>>[vector<16xi32>, vector<16xi32>], vector<16xf32>,
        %add3A_122 = arith.constant 256 : i32
        %add3A_123 = arith.addi %add3A_122, %add3A_103 : i32
        %get3A_124 = arith.index_cast %add3A_123 : i32 to index
        %get3A_125 = tpu.vector_load %arg4[%get3A_124] {strides = array<i32>} : memref<4096xf32, #tpu.memory_space<vmem>>, vector<16xf32>,
        %broadcast_in_dim3A_126 = arith.constant 0 : i32
        %broadcast_in_dim3A_127 = vector.broadcast %broadcast_in_dim3A_126 : i32 to vector<16xi32>
        %add3A_128 = arith.constant 2 : i32
        %add3A_129 = vector.broadcast %add3A_128 : i32 to vector<16xi32>
        %add3A_130 = arith.addi %broadcast_in_dim3A_127, %add3A_129 : vector<16xi32>
        tpu.vector_store_idx %arg6[%add3A_105, %add3A_130], %get3A_125 : memref<128x33xf32, #tpu.memory_space<vmem>>[vector<16xi32>, vector<16xi32>], vector<16xf32>,
        %add3A_131 = arith.constant 384 : i32
        %add3A_132 = arith.addi %add3A_131, %add3A_103 : i32
        %get3A_133 = arith.index_cast %add3A_132 : i32 to index
        %get3A_134 = tpu.vector_load %arg4[%get3A_133] {strides = array<i32>} : memref<4096xf32, #tpu.memory_space<vmem>>, vector<16xf32>,
        %broadcast_in_dim3A_135 = arith.constant 0 : i32
        %broadcast_in_dim3A_136 = vector.broadcast %broadcast_in_dim3A_135 : i32 to vector<16xi32>
        %add3A_137 = arith.constant 3 : i32
        %add3A_138 = vector.broadcast %add3A_137 : i32 to vector<16xi32>
        %add3A_139 = arith.addi %broadcast_in_dim3A_136, %add3A_138 : vector<16xi32>
        tpu.vector_store_idx %arg6[%add3A_105, %add3A_139], %get3A_134 : memref<128x33xf32, #tpu.memory_space<vmem>>[vector<16xi32>, vector<16xi32>], vector<16xf32>,
        %add3A_140 = arith.constant 512 : i32
        %add3A_141 = arith.addi %add3A_140, %add3A_103 : i32
        %get3A_142 = arith.index_cast %add3A_141 : i32 to index
        %get3A_143 = tpu.vector_load %arg4[%get3A_142] {strides = array<i32>} : memref<4096xf32, #tpu.memory_space<vmem>>, vector<16xf32>,
        %broadcast_in_dim3A_144 = arith.constant 0 : i32
        %broadcast_in_dim3A_145 = vector.broadcast %broadcast_in_dim3A_144 : i32 to vector<16xi32>
        %add3A_146 = arith.constant 4 : i32
        %add3A_147 = vector.broadcast %add3A_146 : i32 to vector<16xi32>
        %add3A_148 = arith.addi %broadcast_in_dim3A_145, %add3A_147 : vector<16xi32>
        tpu.vector_store_idx %arg6[%add3A_105, %add3A_148], %get3A_143 : memref<128x33xf32, #tpu.memory_space<vmem>>[vector<16xi32>, vector<16xi32>], vector<16xf32>,
        %add3A_149 = arith.constant 640 : i32
        %add3A_150 = arith.addi %add3A_149, %add3A_103 : i32
        %get3A_151 = arith.index_cast %add3A_150 : i32 to index
        %get3A_152 = tpu.vector_load %arg4[%get3A_151] {strides = array<i32>} : memref<4096xf32, #tpu.memory_space<vmem>>, vector<16xf32>,
        %broadcast_in_dim3A_153 = arith.constant 0 : i32
        %broadcast_in_dim3A_154 = vector.broadcast %broadcast_in_dim3A_153 : i32 to vector<16xi32>
        %add3A_155 = arith.constant 5 : i32
        %add3A_156 = vector.broadcast %add3A_155 : i32 to vector<16xi32>
        %add3A_157 = arith.addi %broadcast_in_dim3A_154, %add3A_156 : vector<16xi32>
        tpu.vector_store_idx %arg6[%add3A_105, %add3A_157], %get3A_152 : memref<128x33xf32, #tpu.memory_space<vmem>>[vector<16xi32>, vector<16xi32>], vector<16xf32>,
        %add3A_158 = arith.constant 768 : i32
        %add3A_159 = arith.addi %add3A_158, %add3A_103 : i32
        %get3A_160 = arith.index_cast %add3A_159 : i32 to index
        %get3A_161 = tpu.vector_load %arg4[%get3A_160] {strides = array<i32>} : memref<4096xf32, #tpu.memory_space<vmem>>, vector<16xf32>,
        %broadcast_in_dim3A_162 = arith.constant 0 : i32
        %broadcast_in_dim3A_163 = vector.broadcast %broadcast_in_dim3A_162 : i32 to vector<16xi32>
        %add3A_164 = arith.constant 6 : i32
        %add3A_165 = vector.broadcast %add3A_164 : i32 to vector<16xi32>
        %add3A_166 = arith.addi %broadcast_in_dim3A_163, %add3A_165 : vector<16xi32>
        tpu.vector_store_idx %arg6[%add3A_105, %add3A_166], %get3A_161 : memref<128x33xf32, #tpu.memory_space<vmem>>[vector<16xi32>, vector<16xi32>], vector<16xf32>,
        %add3A_167 = arith.constant 896 : i32
        %add3A_168 = arith.addi %add3A_167, %add3A_103 : i32
        %get3A_169 = arith.index_cast %add3A_168 : i32 to index
        %get3A_170 = tpu.vector_load %arg4[%get3A_169] {strides = array<i32>} : memref<4096xf32, #tpu.memory_space<vmem>>, vector<16xf32>,
        %broadcast_in_dim3A_171 = arith.constant 0 : i32
        %broadcast_in_dim3A_172 = vector.broadcast %broadcast_in_dim3A_171 : i32 to vector<16xi32>
        %add3A_173 = arith.constant 7 : i32
        %add3A_174 = vector.broadcast %add3A_173 : i32 to vector<16xi32>
        %add3A_175 = arith.addi %broadcast_in_dim3A_172, %add3A_174 : vector<16xi32>
        tpu.vector_store_idx %arg6[%add3A_105, %add3A_175], %get3A_170 : memref<128x33xf32, #tpu.memory_space<vmem>>[vector<16xi32>, vector<16xi32>], vector<16xf32>,
        %add3A_176 = arith.constant 1024 : i32
        %add3A_177 = arith.addi %add3A_176, %add3A_103 : i32
        %get3A_178 = arith.index_cast %add3A_177 : i32 to index
        %get3A_179 = tpu.vector_load %arg4[%get3A_178] {strides = array<i32>} : memref<4096xf32, #tpu.memory_space<vmem>>, vector<16xf32>,
        %broadcast_in_dim3A_180 = arith.constant 0 : i32
        %broadcast_in_dim3A_181 = vector.broadcast %broadcast_in_dim3A_180 : i32 to vector<16xi32>
        %add3A_182 = arith.constant 8 : i32
        %add3A_183 = vector.broadcast %add3A_182 : i32 to vector<16xi32>
        %add3A_184 = arith.addi %broadcast_in_dim3A_181, %add3A_183 : vector<16xi32>
        tpu.vector_store_idx %arg6[%add3A_105, %add3A_184], %get3A_179 : memref<128x33xf32, #tpu.memory_space<vmem>>[vector<16xi32>, vector<16xi32>], vector<16xf32>,
        %add3A_185 = arith.constant 1152 : i32
        %add3A_186 = arith.addi %add3A_185, %add3A_103 : i32
        %get3A_187 = arith.index_cast %add3A_186 : i32 to index
        %get3A_188 = tpu.vector_load %arg4[%get3A_187] {strides = array<i32>} : memref<4096xf32, #tpu.memory_space<vmem>>, vector<16xf32>,
        %broadcast_in_dim3A_189 = arith.constant 0 : i32
        %broadcast_in_dim3A_190 = vector.broadcast %broadcast_in_dim3A_189 : i32 to vector<16xi32>
        %add3A_191 = arith.constant 9 : i32
        %add3A_192 = vector.broadcast %add3A_191 : i32 to vector<16xi32>
        %add3A_193 = arith.addi %broadcast_in_dim3A_190, %add3A_192 : vector<16xi32>
        tpu.vector_store_idx %arg6[%add3A_105, %add3A_193], %get3A_188 : memref<128x33xf32, #tpu.memory_space<vmem>>[vector<16xi32>, vector<16xi32>], vector<16xf32>,
        %add3A_194 = arith.constant 1280 : i32
        %add3A_195 = arith.addi %add3A_194, %add3A_103 : i32
        %get3A_196 = arith.index_cast %add3A_195 : i32 to index
        %get3A_197 = tpu.vector_load %arg4[%get3A_196] {strides = array<i32>} : memref<4096xf32, #tpu.memory_space<vmem>>, vector<16xf32>,
        %broadcast_in_dim3A_198 = arith.constant 0 : i32
        %broadcast_in_dim3A_199 = vector.broadcast %broadcast_in_dim3A_198 : i32 to vector<16xi32>
        %add3A_200 = arith.constant 10 : i32
        %add3A_201 = vector.broadcast %add3A_200 : i32 to vector<16xi32>
        %add3A_202 = arith.addi %broadcast_in_dim3A_199, %add3A_201 : vector<16xi32>
        tpu.vector_store_idx %arg6[%add3A_105, %add3A_202], %get3A_197 : memref<128x33xf32, #tpu.memory_space<vmem>>[vector<16xi32>, vector<16xi32>], vector<16xf32>,
        %add3A_203 = arith.constant 1408 : i32
        %add3A_204 = arith.addi %add3A_203, %add3A_103 : i32
        %get3A_205 = arith.index_cast %add3A_204 : i32 to index
        %get3A_206 = tpu.vector_load %arg4[%get3A_205] {strides = array<i32>} : memref<4096xf32, #tpu.memory_space<vmem>>, vector<16xf32>,
        %broadcast_in_dim3A_207 = arith.constant 0 : i32
        %broadcast_in_dim3A_208 = vector.broadcast %broadcast_in_dim3A_207 : i32 to vector<16xi32>
        %add3A_209 = arith.constant 11 : i32
        %add3A_210 = vector.broadcast %add3A_209 : i32 to vector<16xi32>
        %add3A_211 = arith.addi %broadcast_in_dim3A_208, %add3A_210 : vector<16xi32>
        tpu.vector_store_idx %arg6[%add3A_105, %add3A_211], %get3A_206 : memref<128x33xf32, #tpu.memory_space<vmem>>[vector<16xi32>, vector<16xi32>], vector<16xf32>,
        %add3A_212 = arith.constant 1536 : i32
        %add3A_213 = arith.addi %add3A_212, %add3A_103 : i32
        %get3A_214 = arith.index_cast %add3A_213 : i32 to index
        %get3A_215 = tpu.vector_load %arg4[%get3A_214] {strides = array<i32>} : memref<4096xf32, #tpu.memory_space<vmem>>, vector<16xf32>,
        %broadcast_in_dim3A_216 = arith.constant 0 : i32
        %broadcast_in_dim3A_217 = vector.broadcast %broadcast_in_dim3A_216 : i32 to vector<16xi32>
        %add3A_218 = arith.constant 12 : i32
        %add3A_219 = vector.broadcast %add3A_218 : i32 to vector<16xi32>
        %add3A_220 = arith.addi %broadcast_in_dim3A_217, %add3A_219 : vector<16xi32>
        tpu.vector_store_idx %arg6[%add3A_105, %add3A_220], %get3A_215 : memref<128x33xf32, #tpu.memory_space<vmem>>[vector<16xi32>, vector<16xi32>], vector<16xf32>,
        %add3A_221 = arith.constant 1664 : i32
        %add3A_222 = arith.addi %add3A_221, %add3A_103 : i32
        %get3A_223 = arith.index_cast %add3A_222 : i32 to index
        %get3A_224 = tpu.vector_load %arg4[%get3A_223] {strides = array<i32>} : memref<4096xf32, #tpu.memory_space<vmem>>, vector<16xf32>,
        %broadcast_in_dim3A_225 = arith.constant 0 : i32
        %broadcast_in_dim3A_226 = vector.broadcast %broadcast_in_dim3A_225 : i32 to vector<16xi32>
        %add3A_227 = arith.constant 13 : i32
        %add3A_228 = vector.broadcast %add3A_227 : i32 to vector<16xi32>
        %add3A_229 = arith.addi %broadcast_in_dim3A_226, %add3A_228 : vector<16xi32>
        tpu.vector_store_idx %arg6[%add3A_105, %add3A_229], %get3A_224 : memref<128x33xf32, #tpu.memory_space<vmem>>[vector<16xi32>, vector<16xi32>], vector<16xf32>,
        %add3A_230 = arith.constant 1792 : i32
        %add3A_231 = arith.addi %add3A_230, %add3A_103 : i32
        %get3A_232 = arith.index_cast %add3A_231 : i32 to index
        %get3A_233 = tpu.vector_load %arg4[%get3A_232] {strides = array<i32>} : memref<4096xf32, #tpu.memory_space<vmem>>, vector<16xf32>,
        %broadcast_in_dim3A_234 = arith.constant 0 : i32
        %broadcast_in_dim3A_235 = vector.broadcast %broadcast_in_dim3A_234 : i32 to vector<16xi32>
        %add3A_236 = arith.constant 14 : i32
        %add3A_237 = vector.broadcast %add3A_236 : i32 to vector<16xi32>
        %add3A_238 = arith.addi %broadcast_in_dim3A_235, %add3A_237 : vector<16xi32>
        tpu.vector_store_idx %arg6[%add3A_105, %add3A_238], %get3A_233 : memref<128x33xf32, #tpu.memory_space<vmem>>[vector<16xi32>, vector<16xi32>], vector<16xf32>,
        %add3A_239 = arith.constant 1920 : i32
        %add3A_240 = arith.addi %add3A_239, %add3A_103 : i32
        %get3A_241 = arith.index_cast %add3A_240 : i32 to index
        %get3A_242 = tpu.vector_load %arg4[%get3A_241] {strides = array<i32>} : memref<4096xf32, #tpu.memory_space<vmem>>, vector<16xf32>,
        %broadcast_in_dim3A_243 = arith.constant 0 : i32
        %broadcast_in_dim3A_244 = vector.broadcast %broadcast_in_dim3A_243 : i32 to vector<16xi32>
        %add3A_245 = arith.constant 15 : i32
        %add3A_246 = vector.broadcast %add3A_245 : i32 to vector<16xi32>
        %add3A_247 = arith.addi %broadcast_in_dim3A_244, %add3A_246 : vector<16xi32>
        tpu.vector_store_idx %arg6[%add3A_105, %add3A_247], %get3A_242 : memref<128x33xf32, #tpu.memory_space<vmem>>[vector<16xi32>, vector<16xi32>], vector<16xf32>,
        %add3A_248 = arith.constant 2048 : i32
        %add3A_249 = arith.addi %add3A_248, %add3A_103 : i32
        %get3A_250 = arith.index_cast %add3A_249 : i32 to index
        %get3A_251 = tpu.vector_load %arg4[%get3A_250] {strides = array<i32>} : memref<4096xf32, #tpu.memory_space<vmem>>, vector<16xf32>,
        %broadcast_in_dim3A_252 = arith.constant 0 : i32
        %broadcast_in_dim3A_253 = vector.broadcast %broadcast_in_dim3A_252 : i32 to vector<16xi32>
        %add3A_254 = arith.constant 16 : i32
        %add3A_255 = vector.broadcast %add3A_254 : i32 to vector<16xi32>
        %add3A_256 = arith.addi %broadcast_in_dim3A_253, %add3A_255 : vector<16xi32>
        tpu.vector_store_idx %arg6[%add3A_105, %add3A_256], %get3A_251 : memref<128x33xf32, #tpu.memory_space<vmem>>[vector<16xi32>, vector<16xi32>], vector<16xf32>,
        %add3A_257 = arith.constant 2176 : i32
        %add3A_258 = arith.addi %add3A_257, %add3A_103 : i32
        %get3A_259 = arith.index_cast %add3A_258 : i32 to index
        %get3A_260 = tpu.vector_load %arg4[%get3A_259] {strides = array<i32>} : memref<4096xf32, #tpu.memory_space<vmem>>, vector<16xf32>,
        %broadcast_in_dim3A_261 = arith.constant 0 : i32
        %broadcast_in_dim3A_262 = vector.broadcast %broadcast_in_dim3A_261 : i32 to vector<16xi32>
        %add3A_263 = arith.constant 17 : i32
        %add3A_264 = vector.broadcast %add3A_263 : i32 to vector<16xi32>
        %add3A_265 = arith.addi %broadcast_in_dim3A_262, %add3A_264 : vector<16xi32>
        tpu.vector_store_idx %arg6[%add3A_105, %add3A_265], %get3A_260 : memref<128x33xf32, #tpu.memory_space<vmem>>[vector<16xi32>, vector<16xi32>], vector<16xf32>,
        %add3A_266 = arith.constant 2304 : i32
        %add3A_267 = arith.addi %add3A_266, %add3A_103 : i32
        %get3A_268 = arith.index_cast %add3A_267 : i32 to index
        %get3A_269 = tpu.vector_load %arg4[%get3A_268] {strides = array<i32>} : memref<4096xf32, #tpu.memory_space<vmem>>, vector<16xf32>,
        %broadcast_in_dim3A_270 = arith.constant 0 : i32
        %broadcast_in_dim3A_271 = vector.broadcast %broadcast_in_dim3A_270 : i32 to vector<16xi32>
        %add3A_272 = arith.constant 18 : i32
        %add3A_273 = vector.broadcast %add3A_272 : i32 to vector<16xi32>
        %add3A_274 = arith.addi %broadcast_in_dim3A_271, %add3A_273 : vector<16xi32>
        tpu.vector_store_idx %arg6[%add3A_105, %add3A_274], %get3A_269 : memref<128x33xf32, #tpu.memory_space<vmem>>[vector<16xi32>, vector<16xi32>], vector<16xf32>,
        %add3A_275 = arith.constant 2432 : i32
        %add3A_276 = arith.addi %add3A_275, %add3A_103 : i32
        %get3A_277 = arith.index_cast %add3A_276 : i32 to index
        %get3A_278 = tpu.vector_load %arg4[%get3A_277] {strides = array<i32>} : memref<4096xf32, #tpu.memory_space<vmem>>, vector<16xf32>,
        %broadcast_in_dim3A_279 = arith.constant 0 : i32
        %broadcast_in_dim3A_280 = vector.broadcast %broadcast_in_dim3A_279 : i32 to vector<16xi32>
        %add3A_281 = arith.constant 19 : i32
        %add3A_282 = vector.broadcast %add3A_281 : i32 to vector<16xi32>
        %add3A_283 = arith.addi %broadcast_in_dim3A_280, %add3A_282 : vector<16xi32>
        tpu.vector_store_idx %arg6[%add3A_105, %add3A_283], %get3A_278 : memref<128x33xf32, #tpu.memory_space<vmem>>[vector<16xi32>, vector<16xi32>], vector<16xf32>,
        %add3A_284 = arith.constant 2560 : i32
        %add3A_285 = arith.addi %add3A_284, %add3A_103 : i32
        %get3A_286 = arith.index_cast %add3A_285 : i32 to index
        %get3A_287 = tpu.vector_load %arg4[%get3A_286] {strides = array<i32>} : memref<4096xf32, #tpu.memory_space<vmem>>, vector<16xf32>,
        %broadcast_in_dim3A_288 = arith.constant 0 : i32
        %broadcast_in_dim3A_289 = vector.broadcast %broadcast_in_dim3A_288 : i32 to vector<16xi32>
        %add3A_290 = arith.constant 20 : i32
        %add3A_291 = vector.broadcast %add3A_290 : i32 to vector<16xi32>
        %add3A_292 = arith.addi %broadcast_in_dim3A_289, %add3A_291 : vector<16xi32>
        tpu.vector_store_idx %arg6[%add3A_105, %add3A_292], %get3A_287 : memref<128x33xf32, #tpu.memory_space<vmem>>[vector<16xi32>, vector<16xi32>], vector<16xf32>,
        %add3A_293 = arith.constant 2688 : i32
        %add3A_294 = arith.addi %add3A_293, %add3A_103 : i32
        %get3A_295 = arith.index_cast %add3A_294 : i32 to index
        %get3A_296 = tpu.vector_load %arg4[%get3A_295] {strides = array<i32>} : memref<4096xf32, #tpu.memory_space<vmem>>, vector<16xf32>,
        %broadcast_in_dim3A_297 = arith.constant 0 : i32
        %broadcast_in_dim3A_298 = vector.broadcast %broadcast_in_dim3A_297 : i32 to vector<16xi32>
        %add3A_299 = arith.constant 21 : i32
        %add3A_300 = vector.broadcast %add3A_299 : i32 to vector<16xi32>
        %add3A_301 = arith.addi %broadcast_in_dim3A_298, %add3A_300 : vector<16xi32>
        tpu.vector_store_idx %arg6[%add3A_105, %add3A_301], %get3A_296 : memref<128x33xf32, #tpu.memory_space<vmem>>[vector<16xi32>, vector<16xi32>], vector<16xf32>,
        %add3A_302 = arith.constant 2816 : i32
        %add3A_303 = arith.addi %add3A_302, %add3A_103 : i32
        %get3A_304 = arith.index_cast %add3A_303 : i32 to index
        %get3A_305 = tpu.vector_load %arg4[%get3A_304] {strides = array<i32>} : memref<4096xf32, #tpu.memory_space<vmem>>, vector<16xf32>,
        %broadcast_in_dim3A_306 = arith.constant 0 : i32
        %broadcast_in_dim3A_307 = vector.broadcast %broadcast_in_dim3A_306 : i32 to vector<16xi32>
        %add3A_308 = arith.constant 22 : i32
        %add3A_309 = vector.broadcast %add3A_308 : i32 to vector<16xi32>
        %add3A_310 = arith.addi %broadcast_in_dim3A_307, %add3A_309 : vector<16xi32>
        tpu.vector_store_idx %arg6[%add3A_105, %add3A_310], %get3A_305 : memref<128x33xf32, #tpu.memory_space<vmem>>[vector<16xi32>, vector<16xi32>], vector<16xf32>,
        %add3A_311 = arith.constant 2944 : i32
        %add3A_312 = arith.addi %add3A_311, %add3A_103 : i32
        %get3A_313 = arith.index_cast %add3A_312 : i32 to index
        %get3A_314 = tpu.vector_load %arg4[%get3A_313] {strides = array<i32>} : memref<4096xf32, #tpu.memory_space<vmem>>, vector<16xf32>,
        %broadcast_in_dim3A_315 = arith.constant 0 : i32
        %broadcast_in_dim3A_316 = vector.broadcast %broadcast_in_dim3A_315 : i32 to vector<16xi32>
        %add3A_317 = arith.constant 23 : i32
        %add3A_318 = vector.broadcast %add3A_317 : i32 to vector<16xi32>
        %add3A_319 = arith.addi %broadcast_in_dim3A_316, %add3A_318 : vector<16xi32>
        tpu.vector_store_idx %arg6[%add3A_105, %add3A_319], %get3A_314 : memref<128x33xf32, #tpu.memory_space<vmem>>[vector<16xi32>, vector<16xi32>], vector<16xf32>,
        %add3A_320 = arith.constant 3072 : i32
        %add3A_321 = arith.addi %add3A_320, %add3A_103 : i32
        %get3A_322 = arith.index_cast %add3A_321 : i32 to index
        %get3A_323 = tpu.vector_load %arg4[%get3A_322] {strides = array<i32>} : memref<4096xf32, #tpu.memory_space<vmem>>, vector<16xf32>,
        %broadcast_in_dim3A_324 = arith.constant 0 : i32
        %broadcast_in_dim3A_325 = vector.broadcast %broadcast_in_dim3A_324 : i32 to vector<16xi32>
        %add3A_326 = arith.constant 24 : i32
        %add3A_327 = vector.broadcast %add3A_326 : i32 to vector<16xi32>
        %add3A_328 = arith.addi %broadcast_in_dim3A_325, %add3A_327 : vector<16xi32>
        tpu.vector_store_idx %arg6[%add3A_105, %add3A_328], %get3A_323 : memref<128x33xf32, #tpu.memory_space<vmem>>[vector<16xi32>, vector<16xi32>], vector<16xf32>,
        %add3A_329 = arith.constant 3200 : i32
        %add3A_330 = arith.addi %add3A_329, %add3A_103 : i32
        %get3A_331 = arith.index_cast %add3A_330 : i32 to index
        %get3A_332 = tpu.vector_load %arg4[%get3A_331] {strides = array<i32>} : memref<4096xf32, #tpu.memory_space<vmem>>, vector<16xf32>,
        %broadcast_in_dim3A_333 = arith.constant 0 : i32
        %broadcast_in_dim3A_334 = vector.broadcast %broadcast_in_dim3A_333 : i32 to vector<16xi32>
        %add3A_335 = arith.constant 25 : i32
        %add3A_336 = vector.broadcast %add3A_335 : i32 to vector<16xi32>
        %add3A_337 = arith.addi %broadcast_in_dim3A_334, %add3A_336 : vector<16xi32>
        tpu.vector_store_idx %arg6[%add3A_105, %add3A_337], %get3A_332 : memref<128x33xf32, #tpu.memory_space<vmem>>[vector<16xi32>, vector<16xi32>], vector<16xf32>,
        %add3A_338 = arith.constant 3328 : i32
        %add3A_339 = arith.addi %add3A_338, %add3A_103 : i32
        %get3A_340 = arith.index_cast %add3A_339 : i32 to index
        %get3A_341 = tpu.vector_load %arg4[%get3A_340] {strides = array<i32>} : memref<4096xf32, #tpu.memory_space<vmem>>, vector<16xf32>,
        %broadcast_in_dim3A_342 = arith.constant 0 : i32
        %broadcast_in_dim3A_343 = vector.broadcast %broadcast_in_dim3A_342 : i32 to vector<16xi32>
        %add3A_344 = arith.constant 26 : i32
        %add3A_345 = vector.broadcast %add3A_344 : i32 to vector<16xi32>
        %add3A_346 = arith.addi %broadcast_in_dim3A_343, %add3A_345 : vector<16xi32>
        tpu.vector_store_idx %arg6[%add3A_105, %add3A_346], %get3A_341 : memref<128x33xf32, #tpu.memory_space<vmem>>[vector<16xi32>, vector<16xi32>], vector<16xf32>,
        %add3A_347 = arith.constant 3456 : i32
        %add3A_348 = arith.addi %add3A_347, %add3A_103 : i32
        %get3A_349 = arith.index_cast %add3A_348 : i32 to index
        %get3A_350 = tpu.vector_load %arg4[%get3A_349] {strides = array<i32>} : memref<4096xf32, #tpu.memory_space<vmem>>, vector<16xf32>,
        %broadcast_in_dim3A_351 = arith.constant 0 : i32
        %broadcast_in_dim3A_352 = vector.broadcast %broadcast_in_dim3A_351 : i32 to vector<16xi32>
        %add3A_353 = arith.constant 27 : i32
        %add3A_354 = vector.broadcast %add3A_353 : i32 to vector<16xi32>
        %add3A_355 = arith.addi %broadcast_in_dim3A_352, %add3A_354 : vector<16xi32>
        tpu.vector_store_idx %arg6[%add3A_105, %add3A_355], %get3A_350 : memref<128x33xf32, #tpu.memory_space<vmem>>[vector<16xi32>, vector<16xi32>], vector<16xf32>,
        %add3A_356 = arith.constant 3584 : i32
        %add3A_357 = arith.addi %add3A_356, %add3A_103 : i32
        %get3A_358 = arith.index_cast %add3A_357 : i32 to index
        %get3A_359 = tpu.vector_load %arg4[%get3A_358] {strides = array<i32>} : memref<4096xf32, #tpu.memory_space<vmem>>, vector<16xf32>,
        %broadcast_in_dim3A_360 = arith.constant 0 : i32
        %broadcast_in_dim3A_361 = vector.broadcast %broadcast_in_dim3A_360 : i32 to vector<16xi32>
        %add3A_362 = arith.constant 28 : i32
        %add3A_363 = vector.broadcast %add3A_362 : i32 to vector<16xi32>
        %add3A_364 = arith.addi %broadcast_in_dim3A_361, %add3A_363 : vector<16xi32>
        tpu.vector_store_idx %arg6[%add3A_105, %add3A_364], %get3A_359 : memref<128x33xf32, #tpu.memory_space<vmem>>[vector<16xi32>, vector<16xi32>], vector<16xf32>,
        %add3A_365 = arith.constant 3712 : i32
        %add3A_366 = arith.addi %add3A_365, %add3A_103 : i32
        %get3A_367 = arith.index_cast %add3A_366 : i32 to index
        %get3A_368 = tpu.vector_load %arg4[%get3A_367] {strides = array<i32>} : memref<4096xf32, #tpu.memory_space<vmem>>, vector<16xf32>,
        %broadcast_in_dim3A_369 = arith.constant 0 : i32
        %broadcast_in_dim3A_370 = vector.broadcast %broadcast_in_dim3A_369 : i32 to vector<16xi32>
        %add3A_371 = arith.constant 29 : i32
        %add3A_372 = vector.broadcast %add3A_371 : i32 to vector<16xi32>
        %add3A_373 = arith.addi %broadcast_in_dim3A_370, %add3A_372 : vector<16xi32>
        tpu.vector_store_idx %arg6[%add3A_105, %add3A_373], %get3A_368 : memref<128x33xf32, #tpu.memory_space<vmem>>[vector<16xi32>, vector<16xi32>], vector<16xf32>,
        %add3A_374 = arith.constant 3840 : i32
        %add3A_375 = arith.addi %add3A_374, %add3A_103 : i32
        %get3A_376 = arith.index_cast %add3A_375 : i32 to index
        %get3A_377 = tpu.vector_load %arg4[%get3A_376] {strides = array<i32>} : memref<4096xf32, #tpu.memory_space<vmem>>, vector<16xf32>,
        %broadcast_in_dim3A_378 = arith.constant 0 : i32
        %broadcast_in_dim3A_379 = vector.broadcast %broadcast_in_dim3A_378 : i32 to vector<16xi32>
        %add3A_380 = arith.constant 30 : i32
        %add3A_381 = vector.broadcast %add3A_380 : i32 to vector<16xi32>
        %add3A_382 = arith.addi %broadcast_in_dim3A_379, %add3A_381 : vector<16xi32>
        tpu.vector_store_idx %arg6[%add3A_105, %add3A_382], %get3A_377 : memref<128x33xf32, #tpu.memory_space<vmem>>[vector<16xi32>, vector<16xi32>], vector<16xf32>,
        %add3A_383 = arith.constant 3968 : i32
        %add3A_384 = arith.addi %add3A_383, %add3A_103 : i32
        %get3A_385 = arith.index_cast %add3A_384 : i32 to index
        %get3A_386 = tpu.vector_load %arg4[%get3A_385] {strides = array<i32>} : memref<4096xf32, #tpu.memory_space<vmem>>, vector<16xf32>,
        %broadcast_in_dim3A_387 = arith.constant 0 : i32
        %broadcast_in_dim3A_388 = vector.broadcast %broadcast_in_dim3A_387 : i32 to vector<16xi32>
        %add3A_389 = arith.constant 31 : i32
        %add3A_390 = vector.broadcast %add3A_389 : i32 to vector<16xi32>
        %add3A_391 = arith.addi %broadcast_in_dim3A_388, %add3A_390 : vector<16xi32>
        tpu.vector_store_idx %arg6[%add3A_105, %add3A_391], %get3A_386 : memref<128x33xf32, #tpu.memory_space<vmem>>[vector<16xi32>, vector<16xi32>], vector<16xf32>,
      }
      %scan3A_44 = arith.constant 8 : i32
      %scan3A_45 = arith.constant 0 : i32
      %scan3A_46 = arith.constant 16 : i32
      %scan3A_47 = arith.addi %scan3A_45, %scan3A_46 : i32
      %scan3A_48 = arith.constant 1 : i32
      scf.for %scan3A_99 = %scan3A_45 to %scan3A_47 step %scan3A_48  : i32 {
        %mul3A_100 = arith.constant 8 : i32
        %mul3A_101 = arith.muli %scan3A_99, %mul3A_100 : i32
        %add3A_102 = arith.constant 0 : i32
        %add3A_103 = arith.addi %add3A_102, %mul3A_101 : i32
        %add3A_104 = arith.constant 0 : i32
        %add3A_105 = arith.addi %add3A_103, %add3A_104 : i32
        %get3A = arith.index_cast %add3A_105 : i32 to index
        %get3A_106 = arith.constant 0 : index
        %get3A_107 = tpu.vector_load %arg6[%get3A, %get3A_106] {strides = array<i32>} : memref<128x33xf32, #tpu.memory_space<vmem>>, vector<16xf32>,
        %mul3A_108 = arith.constant 32 : i32
        %mul3A_109 = arith.muli %add3A_105, %mul3A_108 : i32
        %swap3A = arith.index_cast %mul3A_109 : i32 to index
        %swap3A_110 = tpu.vector_load %arg7[%swap3A] {strides = array<i32>} : memref<4096xf32, #tpu.memory_space<vmem>>, vector<16xf32>,
        tpu.vector_store %arg7[%swap3A], %get3A_107 {strides = array<i32>} : memref<4096xf32, #tpu.memory_space<vmem>>, vector<16xf32>,
        %get3A_111 = arith.index_cast %add3A_105 : i32 to index
        %get3A_112 = arith.constant 16 : index
        %get3A_113 = tpu.vector_load %arg6[%get3A_111, %get3A_112] {strides = array<i32>} : memref<128x33xf32, #tpu.memory_space<vmem>>, vector<16xf32>,
        %mul3A_114 = arith.constant 32 : i32
        %mul3A_115 = arith.muli %add3A_105, %mul3A_114 : i32
        %add3A_116 = arith.constant 16 : i32
        %add3A_117 = arith.addi %mul3A_115, %add3A_116 : i32
        %swap3A_118 = arith.index_cast %add3A_117 : i32 to index
        %swap3A_119 = tpu.vector_load %arg7[%swap3A_118] {strides = array<i32>} : memref<4096xf32, #tpu.memory_space<vmem>>, vector<16xf32>,
        tpu.vector_store %arg7[%swap3A_118], %get3A_113 {strides = array<i32>} : memref<4096xf32, #tpu.memory_space<vmem>>, vector<16xf32>,
        %add3A_120 = arith.constant 1 : i32
        %add3A_121 = arith.addi %add3A_103, %add3A_120 : i32
        %get3A_122 = arith.index_cast %add3A_121 : i32 to index
        %get3A_123 = arith.constant 0 : index
        %get3A_124 = tpu.vector_load %arg6[%get3A_122, %get3A_123] {strides = array<i32>} : memref<128x33xf32, #tpu.memory_space<vmem>>, vector<16xf32>,
        %mul3A_125 = arith.constant 32 : i32
        %mul3A_126 = arith.muli %add3A_121, %mul3A_125 : i32
        %swap3A_127 = arith.index_cast %mul3A_126 : i32 to index
        %swap3A_128 = tpu.vector_load %arg7[%swap3A_127] {strides = array<i32>} : memref<4096xf32, #tpu.memory_space<vmem>>, vector<16xf32>,
        tpu.vector_store %arg7[%swap3A_127], %get3A_124 {strides = array<i32>} : memref<4096xf32, #tpu.memory_space<vmem>>, vector<16xf32>,
        %get3A_129 = arith.index_cast %add3A_121 : i32 to index
        %get3A_130 = arith.constant 16 : index
        %get3A_131 = tpu.vector_load %arg6[%get3A_129, %get3A_130] {strides = array<i32>} : memref<128x33xf32, #tpu.memory_space<vmem>>, vector<16xf32>,
        %mul3A_132 = arith.constant 32 : i32
        %mul3A_133 = arith.muli %add3A_121, %mul3A_132 : i32
        %add3A_134 = arith.constant 16 : i32
        %add3A_135 = arith.addi %mul3A_133, %add3A_134 : i32
        %swap3A_136 = arith.index_cast %add3A_135 : i32 to index
        %swap3A_137 = tpu.vector_load %arg7[%swap3A_136] {strides = array<i32>} : memref<4096xf32, #tpu.memory_space<vmem>>, vector<16xf32>,
        tpu.vector_store %arg7[%swap3A_136], %get3A_131 {strides = array<i32>} : memref<4096xf32, #tpu.memory_space<vmem>>, vector<16xf32>,
        %add3A_138 = arith.constant 2 : i32
        %add3A_139 = arith.addi %add3A_103, %add3A_138 : i32
        %get3A_140 = arith.index_cast %add3A_139 : i32 to index
        %get3A_141 = arith.constant 0 : index
        %get3A_142 = tpu.vector_load %arg6[%get3A_140, %get3A_141] {strides = array<i32>} : memref<128x33xf32, #tpu.memory_space<vmem>>, vector<16xf32>,
        %mul3A_143 = arith.constant 32 : i32
        %mul3A_144 = arith.muli %add3A_139, %mul3A_143 : i32
        %swap3A_145 = arith.index_cast %mul3A_144 : i32 to index
        %swap3A_146 = tpu.vector_load %arg7[%swap3A_145] {strides = array<i32>} : memref<4096xf32, #tpu.memory_space<vmem>>, vector<16xf32>,
        tpu.vector_store %arg7[%swap3A_145], %get3A_142 {strides = array<i32>} : memref<4096xf32, #tpu.memory_space<vmem>>, vector<16xf32>,
        %get3A_147 = arith.index_cast %add3A_139 : i32 to index
        %get3A_148 = arith.constant 16 : index
        %get3A_149 = tpu.vector_load %arg6[%get3A_147, %get3A_148] {strides = array<i32>} : memref<128x33xf32, #tpu.memory_space<vmem>>, vector<16xf32>,
        %mul3A_150 = arith.constant 32 : i32
        %mul3A_151 = arith.muli %add3A_139, %mul3A_150 : i32
        %add3A_152 = arith.constant 16 : i32
        %add3A_153 = arith.addi %mul3A_151, %add3A_152 : i32
        %swap3A_154 = arith.index_cast %add3A_153 : i32 to index
        %swap3A_155 = tpu.vector_load %arg7[%swap3A_154] {strides = array<i32>} : memref<4096xf32, #tpu.memory_space<vmem>>, vector<16xf32>,
        tpu.vector_store %arg7[%swap3A_154], %get3A_149 {strides = array<i32>} : memref<4096xf32, #tpu.memory_space<vmem>>, vector<16xf32>,
        %add3A_156 = arith.constant 3 : i32
        %add3A_157 = arith.addi %add3A_103, %add3A_156 : i32
        %get3A_158 = arith.index_cast %add3A_157 : i32 to index
        %get3A_159 = arith.constant 0 : index
        %get3A_160 = tpu.vector_load %arg6[%get3A_158, %get3A_159] {strides = array<i32>} : memref<128x33xf32, #tpu.memory_space<vmem>>, vector<16xf32>,
        %mul3A_161 = arith.constant 32 : i32
        %mul3A_162 = arith.muli %add3A_157, %mul3A_161 : i32
        %swap3A_163 = arith.index_cast %mul3A_162 : i32 to index
        %swap3A_164 = tpu.vector_load %arg7[%swap3A_163] {strides = array<i32>} : memref<4096xf32, #tpu.memory_space<vmem>>, vector<16xf32>,
        tpu.vector_store %arg7[%swap3A_163], %get3A_160 {strides = array<i32>} : memref<4096xf32, #tpu.memory_space<vmem>>, vector<16xf32>,
        %get3A_165 = arith.index_cast %add3A_157 : i32 to index
        %get3A_166 = arith.constant 16 : index
        %get3A_167 = tpu.vector_load %arg6[%get3A_165, %get3A_166] {strides = array<i32>} : memref<128x33xf32, #tpu.memory_space<vmem>>, vector<16xf32>,
        %mul3A_168 = arith.constant 32 : i32
        %mul3A_169 = arith.muli %add3A_157, %mul3A_168 : i32
        %add3A_170 = arith.constant 16 : i32
        %add3A_171 = arith.addi %mul3A_169, %add3A_170 : i32
        %swap3A_172 = arith.index_cast %add3A_171 : i32 to index
        %swap3A_173 = tpu.vector_load %arg7[%swap3A_172] {strides = array<i32>} : memref<4096xf32, #tpu.memory_space<vmem>>, vector<16xf32>,
        tpu.vector_store %arg7[%swap3A_172], %get3A_167 {strides = array<i32>} : memref<4096xf32, #tpu.memory_space<vmem>>, vector<16xf32>,
        %add3A_174 = arith.constant 4 : i32
        %add3A_175 = arith.addi %add3A_103, %add3A_174 : i32
        %get3A_176 = arith.index_cast %add3A_175 : i32 to index
        %get3A_177 = arith.constant 0 : index
        %get3A_178 = tpu.vector_load %arg6[%get3A_176, %get3A_177] {strides = array<i32>} : memref<128x33xf32, #tpu.memory_space<vmem>>, vector<16xf32>,
        %mul3A_179 = arith.constant 32 : i32
        %mul3A_180 = arith.muli %add3A_175, %mul3A_179 : i32
        %swap3A_181 = arith.index_cast %mul3A_180 : i32 to index
        %swap3A_182 = tpu.vector_load %arg7[%swap3A_181] {strides = array<i32>} : memref<4096xf32, #tpu.memory_space<vmem>>, vector<16xf32>,
        tpu.vector_store %arg7[%swap3A_181], %get3A_178 {strides = array<i32>} : memref<4096xf32, #tpu.memory_space<vmem>>, vector<16xf32>,
        %get3A_183 = arith.index_cast %add3A_175 : i32 to index
        %get3A_184 = arith.constant 16 : index
        %get3A_185 = tpu.vector_load %arg6[%get3A_183, %get3A_184] {strides = array<i32>} : memref<128x33xf32, #tpu.memory_space<vmem>>, vector<16xf32>,
        %mul3A_186 = arith.constant 32 : i32
        %mul3A_187 = arith.muli %add3A_175, %mul3A_186 : i32
        %add3A_188 = arith.constant 16 : i32
        %add3A_189 = arith.addi %mul3A_187, %add3A_188 : i32
        %swap3A_190 = arith.index_cast %add3A_189 : i32 to index
        %swap3A_191 = tpu.vector_load %arg7[%swap3A_190] {strides = array<i32>} : memref<4096xf32, #tpu.memory_space<vmem>>, vector<16xf32>,
        tpu.vector_store %arg7[%swap3A_190], %get3A_185 {strides = array<i32>} : memref<4096xf32, #tpu.memory_space<vmem>>, vector<16xf32>,
        %add3A_192 = arith.constant 5 : i32
        %add3A_193 = arith.addi %add3A_103, %add3A_192 : i32
        %get3A_194 = arith.index_cast %add3A_193 : i32 to index
        %get3A_195 = arith.constant 0 : index
        %get3A_196 = tpu.vector_load %arg6[%get3A_194, %get3A_195] {strides = array<i32>} : memref<128x33xf32, #tpu.memory_space<vmem>>, vector<16xf32>,
        %mul3A_197 = arith.constant 32 : i32
        %mul3A_198 = arith.muli %add3A_193, %mul3A_197 : i32
        %swap3A_199 = arith.index_cast %mul3A_198 : i32 to index
        %swap3A_200 = tpu.vector_load %arg7[%swap3A_199] {strides = array<i32>} : memref<4096xf32, #tpu.memory_space<vmem>>, vector<16xf32>,
        tpu.vector_store %arg7[%swap3A_199], %get3A_196 {strides = array<i32>} : memref<4096xf32, #tpu.memory_space<vmem>>, vector<16xf32>,
        %get3A_201 = arith.index_cast %add3A_193 : i32 to index
        %get3A_202 = arith.constant 16 : index
        %get3A_203 = tpu.vector_load %arg6[%get3A_201, %get3A_202] {strides = array<i32>} : memref<128x33xf32, #tpu.memory_space<vmem>>, vector<16xf32>,
        %mul3A_204 = arith.constant 32 : i32
        %mul3A_205 = arith.muli %add3A_193, %mul3A_204 : i32
        %add3A_206 = arith.constant 16 : i32
        %add3A_207 = arith.addi %mul3A_205, %add3A_206 : i32
        %swap3A_208 = arith.index_cast %add3A_207 : i32 to index
        %swap3A_209 = tpu.vector_load %arg7[%swap3A_208] {strides = array<i32>} : memref<4096xf32, #tpu.memory_space<vmem>>, vector<16xf32>,
        tpu.vector_store %arg7[%swap3A_208], %get3A_203 {strides = array<i32>} : memref<4096xf32, #tpu.memory_space<vmem>>, vector<16xf32>,
        %add3A_210 = arith.constant 6 : i32
        %add3A_211 = arith.addi %add3A_103, %add3A_210 : i32
        %get3A_212 = arith.index_cast %add3A_211 : i32 to index
        %get3A_213 = arith.constant 0 : index
        %get3A_214 = tpu.vector_load %arg6[%get3A_212, %get3A_213] {strides = array<i32>} : memref<128x33xf32, #tpu.memory_space<vmem>>, vector<16xf32>,
        %mul3A_215 = arith.constant 32 : i32
        %mul3A_216 = arith.muli %add3A_211, %mul3A_215 : i32
        %swap3A_217 = arith.index_cast %mul3A_216 : i32 to index
        %swap3A_218 = tpu.vector_load %arg7[%swap3A_217] {strides = array<i32>} : memref<4096xf32, #tpu.memory_space<vmem>>, vector<16xf32>,
        tpu.vector_store %arg7[%swap3A_217], %get3A_214 {strides = array<i32>} : memref<4096xf32, #tpu.memory_space<vmem>>, vector<16xf32>,
        %get3A_219 = arith.index_cast %add3A_211 : i32 to index
        %get3A_220 = arith.constant 16 : index
        %get3A_221 = tpu.vector_load %arg6[%get3A_219, %get3A_220] {strides = array<i32>} : memref<128x33xf32, #tpu.memory_space<vmem>>, vector<16xf32>,
        %mul3A_222 = arith.constant 32 : i32
        %mul3A_223 = arith.muli %add3A_211, %mul3A_222 : i32
        %add3A_224 = arith.constant 16 : i32
        %add3A_225 = arith.addi %mul3A_223, %add3A_224 : i32
        %swap3A_226 = arith.index_cast %add3A_225 : i32 to index
        %swap3A_227 = tpu.vector_load %arg7[%swap3A_226] {strides = array<i32>} : memref<4096xf32, #tpu.memory_space<vmem>>, vector<16xf32>,
        tpu.vector_store %arg7[%swap3A_226], %get3A_221 {strides = array<i32>} : memref<4096xf32, #tpu.memory_space<vmem>>, vector<16xf32>,
        %add3A_228 = arith.constant 7 : i32
        %add3A_229 = arith.addi %add3A_103, %add3A_228 : i32
        %get3A_230 = arith.index_cast %add3A_229 : i32 to index
        %get3A_231 = arith.constant 0 : index
        %get3A_232 = tpu.vector_load %arg6[%get3A_230, %get3A_231] {strides = array<i32>} : memref<128x33xf32, #tpu.memory_space<vmem>>, vector<16xf32>,
        %mul3A_233 = arith.constant 32 : i32
        %mul3A_234 = arith.muli %add3A_229, %mul3A_233 : i32
        %swap3A_235 = arith.index_cast %mul3A_234 : i32 to index
        %swap3A_236 = tpu.vector_load %arg7[%swap3A_235] {strides = array<i32>} : memref<4096xf32, #tpu.memory_space<vmem>>, vector<16xf32>,
        tpu.vector_store %arg7[%swap3A_235], %get3A_232 {strides = array<i32>} : memref<4096xf32, #tpu.memory_space<vmem>>, vector<16xf32>,
        %get3A_237 = arith.index_cast %add3A_229 : i32 to index
        %get3A_238 = arith.constant 16 : index
        %get3A_239 = tpu.vector_load %arg6[%get3A_237, %get3A_238] {strides = array<i32>} : memref<128x33xf32, #tpu.memory_space<vmem>>, vector<16xf32>,
        %mul3A_240 = arith.constant 32 : i32
        %mul3A_241 = arith.muli %add3A_229, %mul3A_240 : i32
        %add3A_242 = arith.constant 16 : i32
        %add3A_243 = arith.addi %mul3A_241, %add3A_242 : i32
        %swap3A_244 = arith.index_cast %add3A_243 : i32 to index
        %swap3A_245 = tpu.vector_load %arg7[%swap3A_244] {strides = array<i32>} : memref<4096xf32, #tpu.memory_space<vmem>>, vector<16xf32>,
        tpu.vector_store %arg7[%swap3A_244], %get3A_239 {strides = array<i32>} : memref<4096xf32, #tpu.memory_space<vmem>>, vector<16xf32>,
      }
      %scan3A_49 = arith.constant 16 : i32
      %add3A_50 = arith.constant 2 : i32
      %add3A_51 = arith.addi %add3A_31, %add3A_50 : i32
      %lt3A_52 = arith.constant 244 : i32
      %lt3A_53 = arith.cmpi slt, %add3A_51, %lt3A_52 : i32
      %convert_element_type3A_54 = arith.extui %lt3A_53 : i1 to i32
      %cond3A_55 = arith.constant 0 : i32
      %cond3A_56 = arith.cmpi ne, %convert_element_type3A_54, %cond3A_55 : i32
      scf.if %cond3A_56 {
        %add3A_99 = arith.constant 2 : i32
        %add3A_100 = arith.addi %add3A_31, %add3A_99 : i32
        %mul3A_101 = arith.constant 32 : i32
        %mul3A_102 = arith.muli %add3A_100, %mul3A_101 : i32
        %add3A_103 = arith.addi %add3A, %mul3A_102 : i32
        %mul3A_104 = arith.constant 4096 : i32
        %mul3A_105 = arith.muli %add3A_103, %mul3A_104 : i32
        %dma_start3A_106 = tpu.memref_slice %arg2[%mul3A_105] : memref<32002048xf32, #tpu.memory_space<hbm>> -> memref<4096xf32, #tpu.memory_space<hbm>>
        %dma_start3A_107 = tpu.memref_slice %arg2[%mul3A_105] : memref<32002048xf32, #tpu.memory_space<hbm>> -> memref<4096xf32, #tpu.memory_space<hbm>>
        tpu.enqueue_dma source(%dma_start3A_107 : memref<4096xf32, #tpu.memory_space<hbm>>) target(%arg4 : memref<4096xf32, #tpu.memory_space<vmem>>) target_semaphore(%arg9 : memref<!tpu.dma_semaphore, #tpu.memory_space<semaphore_mem>>)
      } else {
      }
      %mul3A_57 = arith.constant 32 : i32
      %mul3A_58 = arith.muli %add3A_31, %mul3A_57 : i32
      %add3A_59 = arith.addi %add3A, %mul3A_58 : i32
      %mul3A_60 = arith.constant 4096 : i32
      %mul3A_61 = arith.muli %add3A_59, %mul3A_60 : i32
      %dma_start3A_62 = tpu.memref_slice %arg3[%mul3A_61] : memref<32002048xf32, #tpu.memory_space<hbm>> -> memref<4096xf32, #tpu.memory_space<hbm>>
      %dma_start3A_63 = tpu.memref_slice %arg3[%mul3A_61] : memref<32002048xf32, #tpu.memory_space<hbm>> -> memref<4096xf32, #tpu.memory_space<hbm>>
      tpu.enqueue_dma source(%arg7 : memref<4096xf32, #tpu.memory_space<vmem>>) target(%dma_start3A_63 : memref<4096xf32, #tpu.memory_space<hbm>>) target_semaphore(%arg11 : memref<!tpu.dma_semaphore, #tpu.memory_space<semaphore_mem>>)
      %add3A_64 = arith.constant 1 : i32
      %add3A_65 = arith.addi %add3A_29, %add3A_64 : i32
      %dma_wait3A_66 = arith.constant 0 : i32
      %dma_wait3A_67 = tpu.memref_slice %arg2[%dma_wait3A_66] : memref<32002048xf32, #tpu.memory_space<hbm>> -> memref<4096xf32, #tpu.memory_space<hbm>>
      %dma_wait3A_68 = arith.constant 0 : i32
      %dma_wait3A_69 = tpu.memref_slice %arg2[%dma_wait3A_68] : memref<32002048xf32, #tpu.memory_space<hbm>> -> memref<4096xf32, #tpu.memory_space<hbm>>
      tpu.wait_dma2 semaphore(%arg10 : memref<!tpu.dma_semaphore, #tpu.memory_space<semaphore_mem>>) src(%dma_wait3A_69 : memref<4096xf32, #tpu.memory_space<hbm>>) dst(%arg5 : memref<4096xf32, #tpu.memory_space<vmem>>)
      %ge3A_70 = arith.constant 2 : i32
      %ge3A_71 = arith.cmpi sge, %add3A_65, %ge3A_70 : i32
      %convert_element_type3A_72 = arith.extui %ge3A_71 : i1 to i32
      %cond3A_73 = arith.constant 0 : i32
      %cond3A_74 = arith.cmpi ne, %convert_element_type3A_72, %cond3A_73 : i32
      scf.if %cond3A_74 {
        %dma_wait3A_99 = arith.constant 0 : i32
        %dma_wait3A_100 = tpu.memref_slice %arg3[%dma_wait3A_99] : memref<32002048xf32, #tpu.memory_space<hbm>> -> memref<4096xf32, #tpu.memory_space<hbm>>
        %dma_wait3A_101 = arith.constant 0 : i32
        %dma_wait3A_102 = tpu.memref_slice %arg3[%dma_wait3A_101] : memref<32002048xf32, #tpu.memory_space<hbm>> -> memref<4096xf32, #tpu.memory_space<hbm>>
        tpu.wait_dma2 semaphore(%arg12 : memref<!tpu.dma_semaphore, #tpu.memory_space<semaphore_mem>>) src(%arg8 : memref<4096xf32, #tpu.memory_space<vmem>>) dst(%dma_wait3A_102 : memref<4096xf32, #tpu.memory_space<hbm>>)
      } else {
      }
      %scan3A_75 = arith.constant 0 : i32
      %scan3A_76 = arith.constant 8 : i32
      %scan3A_77 = arith.addi %scan3A_75, %scan3A_76 : i32
      %scan3A_78 = arith.constant 1 : i32
      scf.for %scan3A_99 = %scan3A_75 to %scan3A_77 step %scan3A_78  : i32 {
        %mul3A_100 = arith.constant 16 : i32
        %mul3A_101 = arith.muli %scan3A_99, %mul3A_100 : i32
        %add3A_102 = arith.constant 0 : i32
        %add3A_103 = arith.addi %add3A_102, %mul3A_101 : i32
        %add3A_104 = vector.broadcast %add3A_103 : i32 to vector<16xi32>
        %add3A_105 = arith.addi %iota3A, %add3A_104 : vector<16xi32>
        %add3A_106 = arith.constant 0 : i32
        %add3A_107 = arith.addi %add3A_106, %add3A_103 : i32
        %get3A = arith.index_cast %add3A_107 : i32 to index
        %get3A_108 = tpu.vector_load %arg5[%get3A] {strides = array<i32>} : memref<4096xf32, #tpu.memory_space<vmem>>, vector<16xf32>,
        %broadcast_in_dim3A = arith.constant 0 : i32
        %broadcast_in_dim3A_109 = vector.broadcast %broadcast_in_dim3A : i32 to vector<16xi32>
        %add3A_110 = arith.constant 0 : i32
        %add3A_111 = vector.broadcast %add3A_110 : i32 to vector<16xi32>
        %add3A_112 = arith.addi %broadcast_in_dim3A_109, %add3A_111 : vector<16xi32>
        tpu.vector_store_idx %arg6[%add3A_105, %add3A_112], %get3A_108 : memref<128x33xf32, #tpu.memory_space<vmem>>[vector<16xi32>, vector<16xi32>], vector<16xf32>,
        %add3A_113 = arith.constant 128 : i32
        %add3A_114 = arith.addi %add3A_113, %add3A_103 : i32
        %get3A_115 = arith.index_cast %add3A_114 : i32 to index
        %get3A_116 = tpu.vector_load %arg5[%get3A_115] {strides = array<i32>} : memref<4096xf32, #tpu.memory_space<vmem>>, vector<16xf32>,
        %broadcast_in_dim3A_117 = arith.constant 0 : i32
        %broadcast_in_dim3A_118 = vector.broadcast %broadcast_in_dim3A_117 : i32 to vector<16xi32>
        %add3A_119 = arith.constant 1 : i32
        %add3A_120 = vector.broadcast %add3A_119 : i32 to vector<16xi32>
        %add3A_121 = arith.addi %broadcast_in_dim3A_118, %add3A_120 : vector<16xi32>
        tpu.vector_store_idx %arg6[%add3A_105, %add3A_121], %get3A_116 : memref<128x33xf32, #tpu.memory_space<vmem>>[vector<16xi32>, vector<16xi32>], vector<16xf32>,
        %add3A_122 = arith.constant 256 : i32
        %add3A_123 = arith.addi %add3A_122, %add3A_103 : i32
        %get3A_124 = arith.index_cast %add3A_123 : i32 to index
        %get3A_125 = tpu.vector_load %arg5[%get3A_124] {strides = array<i32>} : memref<4096xf32, #tpu.memory_space<vmem>>, vector<16xf32>,
        %broadcast_in_dim3A_126 = arith.constant 0 : i32
        %broadcast_in_dim3A_127 = vector.broadcast %broadcast_in_dim3A_126 : i32 to vector<16xi32>
        %add3A_128 = arith.constant 2 : i32
        %add3A_129 = vector.broadcast %add3A_128 : i32 to vector<16xi32>
        %add3A_130 = arith.addi %broadcast_in_dim3A_127, %add3A_129 : vector<16xi32>
        tpu.vector_store_idx %arg6[%add3A_105, %add3A_130], %get3A_125 : memref<128x33xf32, #tpu.memory_space<vmem>>[vector<16xi32>, vector<16xi32>], vector<16xf32>,
        %add3A_131 = arith.constant 384 : i32
        %add3A_132 = arith.addi %add3A_131, %add3A_103 : i32
        %get3A_133 = arith.index_cast %add3A_132 : i32 to index
        %get3A_134 = tpu.vector_load %arg5[%get3A_133] {strides = array<i32>} : memref<4096xf32, #tpu.memory_space<vmem>>, vector<16xf32>,
        %broadcast_in_dim3A_135 = arith.constant 0 : i32
        %broadcast_in_dim3A_136 = vector.broadcast %broadcast_in_dim3A_135 : i32 to vector<16xi32>
        %add3A_137 = arith.constant 3 : i32
        %add3A_138 = vector.broadcast %add3A_137 : i32 to vector<16xi32>
        %add3A_139 = arith.addi %broadcast_in_dim3A_136, %add3A_138 : vector<16xi32>
        tpu.vector_store_idx %arg6[%add3A_105, %add3A_139], %get3A_134 : memref<128x33xf32, #tpu.memory_space<vmem>>[vector<16xi32>, vector<16xi32>], vector<16xf32>,
        %add3A_140 = arith.constant 512 : i32
        %add3A_141 = arith.addi %add3A_140, %add3A_103 : i32
        %get3A_142 = arith.index_cast %add3A_141 : i32 to index
        %get3A_143 = tpu.vector_load %arg5[%get3A_142] {strides = array<i32>} : memref<4096xf32, #tpu.memory_space<vmem>>, vector<16xf32>,
        %broadcast_in_dim3A_144 = arith.constant 0 : i32
        %broadcast_in_dim3A_145 = vector.broadcast %broadcast_in_dim3A_144 : i32 to vector<16xi32>
        %add3A_146 = arith.constant 4 : i32
        %add3A_147 = vector.broadcast %add3A_146 : i32 to vector<16xi32>
        %add3A_148 = arith.addi %broadcast_in_dim3A_145, %add3A_147 : vector<16xi32>
        tpu.vector_store_idx %arg6[%add3A_105, %add3A_148], %get3A_143 : memref<128x33xf32, #tpu.memory_space<vmem>>[vector<16xi32>, vector<16xi32>], vector<16xf32>,
        %add3A_149 = arith.constant 640 : i32
        %add3A_150 = arith.addi %add3A_149, %add3A_103 : i32
        %get3A_151 = arith.index_cast %add3A_150 : i32 to index
        %get3A_152 = tpu.vector_load %arg5[%get3A_151] {strides = array<i32>} : memref<4096xf32, #tpu.memory_space<vmem>>, vector<16xf32>,
        %broadcast_in_dim3A_153 = arith.constant 0 : i32
        %broadcast_in_dim3A_154 = vector.broadcast %broadcast_in_dim3A_153 : i32 to vector<16xi32>
        %add3A_155 = arith.constant 5 : i32
        %add3A_156 = vector.broadcast %add3A_155 : i32 to vector<16xi32>
        %add3A_157 = arith.addi %broadcast_in_dim3A_154, %add3A_156 : vector<16xi32>
        tpu.vector_store_idx %arg6[%add3A_105, %add3A_157], %get3A_152 : memref<128x33xf32, #tpu.memory_space<vmem>>[vector<16xi32>, vector<16xi32>], vector<16xf32>,
        %add3A_158 = arith.constant 768 : i32
        %add3A_159 = arith.addi %add3A_158, %add3A_103 : i32
        %get3A_160 = arith.index_cast %add3A_159 : i32 to index
        %get3A_161 = tpu.vector_load %arg5[%get3A_160] {strides = array<i32>} : memref<4096xf32, #tpu.memory_space<vmem>>, vector<16xf32>,
        %broadcast_in_dim3A_162 = arith.constant 0 : i32
        %broadcast_in_dim3A_163 = vector.broadcast %broadcast_in_dim3A_162 : i32 to vector<16xi32>
        %add3A_164 = arith.constant 6 : i32
        %add3A_165 = vector.broadcast %add3A_164 : i32 to vector<16xi32>
        %add3A_166 = arith.addi %broadcast_in_dim3A_163, %add3A_165 : vector<16xi32>
        tpu.vector_store_idx %arg6[%add3A_105, %add3A_166], %get3A_161 : memref<128x33xf32, #tpu.memory_space<vmem>>[vector<16xi32>, vector<16xi32>], vector<16xf32>,
        %add3A_167 = arith.constant 896 : i32
        %add3A_168 = arith.addi %add3A_167, %add3A_103 : i32
        %get3A_169 = arith.index_cast %add3A_168 : i32 to index
        %get3A_170 = tpu.vector_load %arg5[%get3A_169] {strides = array<i32>} : memref<4096xf32, #tpu.memory_space<vmem>>, vector<16xf32>,
        %broadcast_in_dim3A_171 = arith.constant 0 : i32
        %broadcast_in_dim3A_172 = vector.broadcast %broadcast_in_dim3A_171 : i32 to vector<16xi32>
        %add3A_173 = arith.constant 7 : i32
        %add3A_174 = vector.broadcast %add3A_173 : i32 to vector<16xi32>
        %add3A_175 = arith.addi %broadcast_in_dim3A_172, %add3A_174 : vector<16xi32>
        tpu.vector_store_idx %arg6[%add3A_105, %add3A_175], %get3A_170 : memref<128x33xf32, #tpu.memory_space<vmem>>[vector<16xi32>, vector<16xi32>], vector<16xf32>,
        %add3A_176 = arith.constant 1024 : i32
        %add3A_177 = arith.addi %add3A_176, %add3A_103 : i32
        %get3A_178 = arith.index_cast %add3A_177 : i32 to index
        %get3A_179 = tpu.vector_load %arg5[%get3A_178] {strides = array<i32>} : memref<4096xf32, #tpu.memory_space<vmem>>, vector<16xf32>,
        %broadcast_in_dim3A_180 = arith.constant 0 : i32
        %broadcast_in_dim3A_181 = vector.broadcast %broadcast_in_dim3A_180 : i32 to vector<16xi32>
        %add3A_182 = arith.constant 8 : i32
        %add3A_183 = vector.broadcast %add3A_182 : i32 to vector<16xi32>
        %add3A_184 = arith.addi %broadcast_in_dim3A_181, %add3A_183 : vector<16xi32>
        tpu.vector_store_idx %arg6[%add3A_105, %add3A_184], %get3A_179 : memref<128x33xf32, #tpu.memory_space<vmem>>[vector<16xi32>, vector<16xi32>], vector<16xf32>,
        %add3A_185 = arith.constant 1152 : i32
        %add3A_186 = arith.addi %add3A_185, %add3A_103 : i32
        %get3A_187 = arith.index_cast %add3A_186 : i32 to index
        %get3A_188 = tpu.vector_load %arg5[%get3A_187] {strides = array<i32>} : memref<4096xf32, #tpu.memory_space<vmem>>, vector<16xf32>,
        %broadcast_in_dim3A_189 = arith.constant 0 : i32
        %broadcast_in_dim3A_190 = vector.broadcast %broadcast_in_dim3A_189 : i32 to vector<16xi32>
        %add3A_191 = arith.constant 9 : i32
        %add3A_192 = vector.broadcast %add3A_191 : i32 to vector<16xi32>
        %add3A_193 = arith.addi %broadcast_in_dim3A_190, %add3A_192 : vector<16xi32>
        tpu.vector_store_idx %arg6[%add3A_105, %add3A_193], %get3A_188 : memref<128x33xf32, #tpu.memory_space<vmem>>[vector<16xi32>, vector<16xi32>], vector<16xf32>,
        %add3A_194 = arith.constant 1280 : i32
        %add3A_195 = arith.addi %add3A_194, %add3A_103 : i32
        %get3A_196 = arith.index_cast %add3A_195 : i32 to index
        %get3A_197 = tpu.vector_load %arg5[%get3A_196] {strides = array<i32>} : memref<4096xf32, #tpu.memory_space<vmem>>, vector<16xf32>,
        %broadcast_in_dim3A_198 = arith.constant 0 : i32
        %broadcast_in_dim3A_199 = vector.broadcast %broadcast_in_dim3A_198 : i32 to vector<16xi32>
        %add3A_200 = arith.constant 10 : i32
        %add3A_201 = vector.broadcast %add3A_200 : i32 to vector<16xi32>
        %add3A_202 = arith.addi %broadcast_in_dim3A_199, %add3A_201 : vector<16xi32>
        tpu.vector_store_idx %arg6[%add3A_105, %add3A_202], %get3A_197 : memref<128x33xf32, #tpu.memory_space<vmem>>[vector<16xi32>, vector<16xi32>], vector<16xf32>,
        %add3A_203 = arith.constant 1408 : i32
        %add3A_204 = arith.addi %add3A_203, %add3A_103 : i32
        %get3A_205 = arith.index_cast %add3A_204 : i32 to index
        %get3A_206 = tpu.vector_load %arg5[%get3A_205] {strides = array<i32>} : memref<4096xf32, #tpu.memory_space<vmem>>, vector<16xf32>,
        %broadcast_in_dim3A_207 = arith.constant 0 : i32
        %broadcast_in_dim3A_208 = vector.broadcast %broadcast_in_dim3A_207 : i32 to vector<16xi32>
        %add3A_209 = arith.constant 11 : i32
        %add3A_210 = vector.broadcast %add3A_209 : i32 to vector<16xi32>
        %add3A_211 = arith.addi %broadcast_in_dim3A_208, %add3A_210 : vector<16xi32>
        tpu.vector_store_idx %arg6[%add3A_105, %add3A_211], %get3A_206 : memref<128x33xf32, #tpu.memory_space<vmem>>[vector<16xi32>, vector<16xi32>], vector<16xf32>,
        %add3A_212 = arith.constant 1536 : i32
        %add3A_213 = arith.addi %add3A_212, %add3A_103 : i32
        %get3A_214 = arith.index_cast %add3A_213 : i32 to index
        %get3A_215 = tpu.vector_load %arg5[%get3A_214] {strides = array<i32>} : memref<4096xf32, #tpu.memory_space<vmem>>, vector<16xf32>,
        %broadcast_in_dim3A_216 = arith.constant 0 : i32
        %broadcast_in_dim3A_217 = vector.broadcast %broadcast_in_dim3A_216 : i32 to vector<16xi32>
        %add3A_218 = arith.constant 12 : i32
        %add3A_219 = vector.broadcast %add3A_218 : i32 to vector<16xi32>
        %add3A_220 = arith.addi %broadcast_in_dim3A_217, %add3A_219 : vector<16xi32>
        tpu.vector_store_idx %arg6[%add3A_105, %add3A_220], %get3A_215 : memref<128x33xf32, #tpu.memory_space<vmem>>[vector<16xi32>, vector<16xi32>], vector<16xf32>,
        %add3A_221 = arith.constant 1664 : i32
        %add3A_222 = arith.addi %add3A_221, %add3A_103 : i32
        %get3A_223 = arith.index_cast %add3A_222 : i32 to index
        %get3A_224 = tpu.vector_load %arg5[%get3A_223] {strides = array<i32>} : memref<4096xf32, #tpu.memory_space<vmem>>, vector<16xf32>,
        %broadcast_in_dim3A_225 = arith.constant 0 : i32
        %broadcast_in_dim3A_226 = vector.broadcast %broadcast_in_dim3A_225 : i32 to vector<16xi32>
        %add3A_227 = arith.constant 13 : i32
        %add3A_228 = vector.broadcast %add3A_227 : i32 to vector<16xi32>
        %add3A_229 = arith.addi %broadcast_in_dim3A_226, %add3A_228 : vector<16xi32>
        tpu.vector_store_idx %arg6[%add3A_105, %add3A_229], %get3A_224 : memref<128x33xf32, #tpu.memory_space<vmem>>[vector<16xi32>, vector<16xi32>], vector<16xf32>,
        %add3A_230 = arith.constant 1792 : i32
        %add3A_231 = arith.addi %add3A_230, %add3A_103 : i32
        %get3A_232 = arith.index_cast %add3A_231 : i32 to index
        %get3A_233 = tpu.vector_load %arg5[%get3A_232] {strides = array<i32>} : memref<4096xf32, #tpu.memory_space<vmem>>, vector<16xf32>,
        %broadcast_in_dim3A_234 = arith.constant 0 : i32
        %broadcast_in_dim3A_235 = vector.broadcast %broadcast_in_dim3A_234 : i32 to vector<16xi32>
        %add3A_236 = arith.constant 14 : i32
        %add3A_237 = vector.broadcast %add3A_236 : i32 to vector<16xi32>
        %add3A_238 = arith.addi %broadcast_in_dim3A_235, %add3A_237 : vector<16xi32>
        tpu.vector_store_idx %arg6[%add3A_105, %add3A_238], %get3A_233 : memref<128x33xf32, #tpu.memory_space<vmem>>[vector<16xi32>, vector<16xi32>], vector<16xf32>,
        %add3A_239 = arith.constant 1920 : i32
        %add3A_240 = arith.addi %add3A_239, %add3A_103 : i32
        %get3A_241 = arith.index_cast %add3A_240 : i32 to index
        %get3A_242 = tpu.vector_load %arg5[%get3A_241] {strides = array<i32>} : memref<4096xf32, #tpu.memory_space<vmem>>, vector<16xf32>,
        %broadcast_in_dim3A_243 = arith.constant 0 : i32
        %broadcast_in_dim3A_244 = vector.broadcast %broadcast_in_dim3A_243 : i32 to vector<16xi32>
        %add3A_245 = arith.constant 15 : i32
        %add3A_246 = vector.broadcast %add3A_245 : i32 to vector<16xi32>
        %add3A_247 = arith.addi %broadcast_in_dim3A_244, %add3A_246 : vector<16xi32>
        tpu.vector_store_idx %arg6[%add3A_105, %add3A_247], %get3A_242 : memref<128x33xf32, #tpu.memory_space<vmem>>[vector<16xi32>, vector<16xi32>], vector<16xf32>,
        %add3A_248 = arith.constant 2048 : i32
        %add3A_249 = arith.addi %add3A_248, %add3A_103 : i32
        %get3A_250 = arith.index_cast %add3A_249 : i32 to index
        %get3A_251 = tpu.vector_load %arg5[%get3A_250] {strides = array<i32>} : memref<4096xf32, #tpu.memory_space<vmem>>, vector<16xf32>,
        %broadcast_in_dim3A_252 = arith.constant 0 : i32
        %broadcast_in_dim3A_253 = vector.broadcast %broadcast_in_dim3A_252 : i32 to vector<16xi32>
        %add3A_254 = arith.constant 16 : i32
        %add3A_255 = vector.broadcast %add3A_254 : i32 to vector<16xi32>
        %add3A_256 = arith.addi %broadcast_in_dim3A_253, %add3A_255 : vector<16xi32>
        tpu.vector_store_idx %arg6[%add3A_105, %add3A_256], %get3A_251 : memref<128x33xf32, #tpu.memory_space<vmem>>[vector<16xi32>, vector<16xi32>], vector<16xf32>,
        %add3A_257 = arith.constant 2176 : i32
        %add3A_258 = arith.addi %add3A_257, %add3A_103 : i32
        %get3A_259 = arith.index_cast %add3A_258 : i32 to index
        %get3A_260 = tpu.vector_load %arg5[%get3A_259] {strides = array<i32>} : memref<4096xf32, #tpu.memory_space<vmem>>, vector<16xf32>,
        %broadcast_in_dim3A_261 = arith.constant 0 : i32
        %broadcast_in_dim3A_262 = vector.broadcast %broadcast_in_dim3A_261 : i32 to vector<16xi32>
        %add3A_263 = arith.constant 17 : i32
        %add3A_264 = vector.broadcast %add3A_263 : i32 to vector<16xi32>
        %add3A_265 = arith.addi %broadcast_in_dim3A_262, %add3A_264 : vector<16xi32>
        tpu.vector_store_idx %arg6[%add3A_105, %add3A_265], %get3A_260 : memref<128x33xf32, #tpu.memory_space<vmem>>[vector<16xi32>, vector<16xi32>], vector<16xf32>,
        %add3A_266 = arith.constant 2304 : i32
        %add3A_267 = arith.addi %add3A_266, %add3A_103 : i32
        %get3A_268 = arith.index_cast %add3A_267 : i32 to index
        %get3A_269 = tpu.vector_load %arg5[%get3A_268] {strides = array<i32>} : memref<4096xf32, #tpu.memory_space<vmem>>, vector<16xf32>,
        %broadcast_in_dim3A_270 = arith.constant 0 : i32
        %broadcast_in_dim3A_271 = vector.broadcast %broadcast_in_dim3A_270 : i32 to vector<16xi32>
        %add3A_272 = arith.constant 18 : i32
        %add3A_273 = vector.broadcast %add3A_272 : i32 to vector<16xi32>
        %add3A_274 = arith.addi %broadcast_in_dim3A_271, %add3A_273 : vector<16xi32>
        tpu.vector_store_idx %arg6[%add3A_105, %add3A_274], %get3A_269 : memref<128x33xf32, #tpu.memory_space<vmem>>[vector<16xi32>, vector<16xi32>], vector<16xf32>,
        %add3A_275 = arith.constant 2432 : i32
        %add3A_276 = arith.addi %add3A_275, %add3A_103 : i32
        %get3A_277 = arith.index_cast %add3A_276 : i32 to index
        %get3A_278 = tpu.vector_load %arg5[%get3A_277] {strides = array<i32>} : memref<4096xf32, #tpu.memory_space<vmem>>, vector<16xf32>,
        %broadcast_in_dim3A_279 = arith.constant 0 : i32
        %broadcast_in_dim3A_280 = vector.broadcast %broadcast_in_dim3A_279 : i32 to vector<16xi32>
        %add3A_281 = arith.constant 19 : i32
        %add3A_282 = vector.broadcast %add3A_281 : i32 to vector<16xi32>
        %add3A_283 = arith.addi %broadcast_in_dim3A_280, %add3A_282 : vector<16xi32>
        tpu.vector_store_idx %arg6[%add3A_105, %add3A_283], %get3A_278 : memref<128x33xf32, #tpu.memory_space<vmem>>[vector<16xi32>, vector<16xi32>], vector<16xf32>,
        %add3A_284 = arith.constant 2560 : i32
        %add3A_285 = arith.addi %add3A_284, %add3A_103 : i32
        %get3A_286 = arith.index_cast %add3A_285 : i32 to index
        %get3A_287 = tpu.vector_load %arg5[%get3A_286] {strides = array<i32>} : memref<4096xf32, #tpu.memory_space<vmem>>, vector<16xf32>,
        %broadcast_in_dim3A_288 = arith.constant 0 : i32
        %broadcast_in_dim3A_289 = vector.broadcast %broadcast_in_dim3A_288 : i32 to vector<16xi32>
        %add3A_290 = arith.constant 20 : i32
        %add3A_291 = vector.broadcast %add3A_290 : i32 to vector<16xi32>
        %add3A_292 = arith.addi %broadcast_in_dim3A_289, %add3A_291 : vector<16xi32>
        tpu.vector_store_idx %arg6[%add3A_105, %add3A_292], %get3A_287 : memref<128x33xf32, #tpu.memory_space<vmem>>[vector<16xi32>, vector<16xi32>], vector<16xf32>,
        %add3A_293 = arith.constant 2688 : i32
        %add3A_294 = arith.addi %add3A_293, %add3A_103 : i32
        %get3A_295 = arith.index_cast %add3A_294 : i32 to index
        %get3A_296 = tpu.vector_load %arg5[%get3A_295] {strides = array<i32>} : memref<4096xf32, #tpu.memory_space<vmem>>, vector<16xf32>,
        %broadcast_in_dim3A_297 = arith.constant 0 : i32
        %broadcast_in_dim3A_298 = vector.broadcast %broadcast_in_dim3A_297 : i32 to vector<16xi32>
        %add3A_299 = arith.constant 21 : i32
        %add3A_300 = vector.broadcast %add3A_299 : i32 to vector<16xi32>
        %add3A_301 = arith.addi %broadcast_in_dim3A_298, %add3A_300 : vector<16xi32>
        tpu.vector_store_idx %arg6[%add3A_105, %add3A_301], %get3A_296 : memref<128x33xf32, #tpu.memory_space<vmem>>[vector<16xi32>, vector<16xi32>], vector<16xf32>,
        %add3A_302 = arith.constant 2816 : i32
        %add3A_303 = arith.addi %add3A_302, %add3A_103 : i32
        %get3A_304 = arith.index_cast %add3A_303 : i32 to index
        %get3A_305 = tpu.vector_load %arg5[%get3A_304] {strides = array<i32>} : memref<4096xf32, #tpu.memory_space<vmem>>, vector<16xf32>,
        %broadcast_in_dim3A_306 = arith.constant 0 : i32
        %broadcast_in_dim3A_307 = vector.broadcast %broadcast_in_dim3A_306 : i32 to vector<16xi32>
        %add3A_308 = arith.constant 22 : i32
        %add3A_309 = vector.broadcast %add3A_308 : i32 to vector<16xi32>
        %add3A_310 = arith.addi %broadcast_in_dim3A_307, %add3A_309 : vector<16xi32>
        tpu.vector_store_idx %arg6[%add3A_105, %add3A_310], %get3A_305 : memref<128x33xf32, #tpu.memory_space<vmem>>[vector<16xi32>, vector<16xi32>], vector<16xf32>,
        %add3A_311 = arith.constant 2944 : i32
        %add3A_312 = arith.addi %add3A_311, %add3A_103 : i32
        %get3A_313 = arith.index_cast %add3A_312 : i32 to index
        %get3A_314 = tpu.vector_load %arg5[%get3A_313] {strides = array<i32>} : memref<4096xf32, #tpu.memory_space<vmem>>, vector<16xf32>,
        %broadcast_in_dim3A_315 = arith.constant 0 : i32
        %broadcast_in_dim3A_316 = vector.broadcast %broadcast_in_dim3A_315 : i32 to vector<16xi32>
        %add3A_317 = arith.constant 23 : i32
        %add3A_318 = vector.broadcast %add3A_317 : i32 to vector<16xi32>
        %add3A_319 = arith.addi %broadcast_in_dim3A_316, %add3A_318 : vector<16xi32>
        tpu.vector_store_idx %arg6[%add3A_105, %add3A_319], %get3A_314 : memref<128x33xf32, #tpu.memory_space<vmem>>[vector<16xi32>, vector<16xi32>], vector<16xf32>,
        %add3A_320 = arith.constant 3072 : i32
        %add3A_321 = arith.addi %add3A_320, %add3A_103 : i32
        %get3A_322 = arith.index_cast %add3A_321 : i32 to index
        %get3A_323 = tpu.vector_load %arg5[%get3A_322] {strides = array<i32>} : memref<4096xf32, #tpu.memory_space<vmem>>, vector<16xf32>,
        %broadcast_in_dim3A_324 = arith.constant 0 : i32
        %broadcast_in_dim3A_325 = vector.broadcast %broadcast_in_dim3A_324 : i32 to vector<16xi32>
        %add3A_326 = arith.constant 24 : i32
        %add3A_327 = vector.broadcast %add3A_326 : i32 to vector<16xi32>
        %add3A_328 = arith.addi %broadcast_in_dim3A_325, %add3A_327 : vector<16xi32>
        tpu.vector_store_idx %arg6[%add3A_105, %add3A_328], %get3A_323 : memref<128x33xf32, #tpu.memory_space<vmem>>[vector<16xi32>, vector<16xi32>], vector<16xf32>,
        %add3A_329 = arith.constant 3200 : i32
        %add3A_330 = arith.addi %add3A_329, %add3A_103 : i32
        %get3A_331 = arith.index_cast %add3A_330 : i32 to index
        %get3A_332 = tpu.vector_load %arg5[%get3A_331] {strides = array<i32>} : memref<4096xf32, #tpu.memory_space<vmem>>, vector<16xf32>,
        %broadcast_in_dim3A_333 = arith.constant 0 : i32
        %broadcast_in_dim3A_334 = vector.broadcast %broadcast_in_dim3A_333 : i32 to vector<16xi32>
        %add3A_335 = arith.constant 25 : i32
        %add3A_336 = vector.broadcast %add3A_335 : i32 to vector<16xi32>
        %add3A_337 = arith.addi %broadcast_in_dim3A_334, %add3A_336 : vector<16xi32>
        tpu.vector_store_idx %arg6[%add3A_105, %add3A_337], %get3A_332 : memref<128x33xf32, #tpu.memory_space<vmem>>[vector<16xi32>, vector<16xi32>], vector<16xf32>,
        %add3A_338 = arith.constant 3328 : i32
        %add3A_339 = arith.addi %add3A_338, %add3A_103 : i32
        %get3A_340 = arith.index_cast %add3A_339 : i32 to index
        %get3A_341 = tpu.vector_load %arg5[%get3A_340] {strides = array<i32>} : memref<4096xf32, #tpu.memory_space<vmem>>, vector<16xf32>,
        %broadcast_in_dim3A_342 = arith.constant 0 : i32
        %broadcast_in_dim3A_343 = vector.broadcast %broadcast_in_dim3A_342 : i32 to vector<16xi32>
        %add3A_344 = arith.constant 26 : i32
        %add3A_345 = vector.broadcast %add3A_344 : i32 to vector<16xi32>
        %add3A_346 = arith.addi %broadcast_in_dim3A_343, %add3A_345 : vector<16xi32>
        tpu.vector_store_idx %arg6[%add3A_105, %add3A_346], %get3A_341 : memref<128x33xf32, #tpu.memory_space<vmem>>[vector<16xi32>, vector<16xi32>], vector<16xf32>,
        %add3A_347 = arith.constant 3456 : i32
        %add3A_348 = arith.addi %add3A_347, %add3A_103 : i32
        %get3A_349 = arith.index_cast %add3A_348 : i32 to index
        %get3A_350 = tpu.vector_load %arg5[%get3A_349] {strides = array<i32>} : memref<4096xf32, #tpu.memory_space<vmem>>, vector<16xf32>,
        %broadcast_in_dim3A_351 = arith.constant 0 : i32
        %broadcast_in_dim3A_352 = vector.broadcast %broadcast_in_dim3A_351 : i32 to vector<16xi32>
        %add3A_353 = arith.constant 27 : i32
        %add3A_354 = vector.broadcast %add3A_353 : i32 to vector<16xi32>
        %add3A_355 = arith.addi %broadcast_in_dim3A_352, %add3A_354 : vector<16xi32>
        tpu.vector_store_idx %arg6[%add3A_105, %add3A_355], %get3A_350 : memref<128x33xf32, #tpu.memory_space<vmem>>[vector<16xi32>, vector<16xi32>], vector<16xf32>,
        %add3A_356 = arith.constant 3584 : i32
        %add3A_357 = arith.addi %add3A_356, %add3A_103 : i32
        %get3A_358 = arith.index_cast %add3A_357 : i32 to index
        %get3A_359 = tpu.vector_load %arg5[%get3A_358] {strides = array<i32>} : memref<4096xf32, #tpu.memory_space<vmem>>, vector<16xf32>,
        %broadcast_in_dim3A_360 = arith.constant 0 : i32
        %broadcast_in_dim3A_361 = vector.broadcast %broadcast_in_dim3A_360 : i32 to vector<16xi32>
        %add3A_362 = arith.constant 28 : i32
        %add3A_363 = vector.broadcast %add3A_362 : i32 to vector<16xi32>
        %add3A_364 = arith.addi %broadcast_in_dim3A_361, %add3A_363 : vector<16xi32>
        tpu.vector_store_idx %arg6[%add3A_105, %add3A_364], %get3A_359 : memref<128x33xf32, #tpu.memory_space<vmem>>[vector<16xi32>, vector<16xi32>], vector<16xf32>,
        %add3A_365 = arith.constant 3712 : i32
        %add3A_366 = arith.addi %add3A_365, %add3A_103 : i32
        %get3A_367 = arith.index_cast %add3A_366 : i32 to index
        %get3A_368 = tpu.vector_load %arg5[%get3A_367] {strides = array<i32>} : memref<4096xf32, #tpu.memory_space<vmem>>, vector<16xf32>,
        %broadcast_in_dim3A_369 = arith.constant 0 : i32
        %broadcast_in_dim3A_370 = vector.broadcast %broadcast_in_dim3A_369 : i32 to vector<16xi32>
        %add3A_371 = arith.constant 29 : i32
        %add3A_372 = vector.broadcast %add3A_371 : i32 to vector<16xi32>
        %add3A_373 = arith.addi %broadcast_in_dim3A_370, %add3A_372 : vector<16xi32>
        tpu.vector_store_idx %arg6[%add3A_105, %add3A_373], %get3A_368 : memref<128x33xf32, #tpu.memory_space<vmem>>[vector<16xi32>, vector<16xi32>], vector<16xf32>,
        %add3A_374 = arith.constant 3840 : i32
        %add3A_375 = arith.addi %add3A_374, %add3A_103 : i32
        %get3A_376 = arith.index_cast %add3A_375 : i32 to index
        %get3A_377 = tpu.vector_load %arg5[%get3A_376] {strides = array<i32>} : memref<4096xf32, #tpu.memory_space<vmem>>, vector<16xf32>,
        %broadcast_in_dim3A_378 = arith.constant 0 : i32
        %broadcast_in_dim3A_379 = vector.broadcast %broadcast_in_dim3A_378 : i32 to vector<16xi32>
        %add3A_380 = arith.constant 30 : i32
        %add3A_381 = vector.broadcast %add3A_380 : i32 to vector<16xi32>
        %add3A_382 = arith.addi %broadcast_in_dim3A_379, %add3A_381 : vector<16xi32>
        tpu.vector_store_idx %arg6[%add3A_105, %add3A_382], %get3A_377 : memref<128x33xf32, #tpu.memory_space<vmem>>[vector<16xi32>, vector<16xi32>], vector<16xf32>,
        %add3A_383 = arith.constant 3968 : i32
        %add3A_384 = arith.addi %add3A_383, %add3A_103 : i32
        %get3A_385 = arith.index_cast %add3A_384 : i32 to index
        %get3A_386 = tpu.vector_load %arg5[%get3A_385] {strides = array<i32>} : memref<4096xf32, #tpu.memory_space<vmem>>, vector<16xf32>,
        %broadcast_in_dim3A_387 = arith.constant 0 : i32
        %broadcast_in_dim3A_388 = vector.broadcast %broadcast_in_dim3A_387 : i32 to vector<16xi32>
        %add3A_389 = arith.constant 31 : i32
        %add3A_390 = vector.broadcast %add3A_389 : i32 to vector<16xi32>
        %add3A_391 = arith.addi %broadcast_in_dim3A_388, %add3A_390 : vector<16xi32>
        tpu.vector_store_idx %arg6[%add3A_105, %add3A_391], %get3A_386 : memref<128x33xf32, #tpu.memory_space<vmem>>[vector<16xi32>, vector<16xi32>], vector<16xf32>,
      }
      %scan3A_79 = arith.constant 8 : i32
      %scan3A_80 = arith.constant 0 : i32
      %scan3A_81 = arith.constant 16 : i32
      %scan3A_82 = arith.addi %scan3A_80, %scan3A_81 : i32
      %scan3A_83 = arith.constant 1 : i32
      scf.for %scan3A_99 = %scan3A_80 to %scan3A_82 step %scan3A_83  : i32 {
        %mul3A_100 = arith.constant 8 : i32
        %mul3A_101 = arith.muli %scan3A_99, %mul3A_100 : i32
        %add3A_102 = arith.constant 0 : i32
        %add3A_103 = arith.addi %add3A_102, %mul3A_101 : i32
        %add3A_104 = arith.constant 0 : i32
        %add3A_105 = arith.addi %add3A_103, %add3A_104 : i32
        %get3A = arith.index_cast %add3A_105 : i32 to index
        %get3A_106 = arith.constant 0 : index
        %get3A_107 = tpu.vector_load %arg6[%get3A, %get3A_106] {strides = array<i32>} : memref<128x33xf32, #tpu.memory_space<vmem>>, vector<16xf32>,
        %mul3A_108 = arith.constant 32 : i32
        %mul3A_109 = arith.muli %add3A_105, %mul3A_108 : i32
        %swap3A = arith.index_cast %mul3A_109 : i32 to index
        %swap3A_110 = tpu.vector_load %arg8[%swap3A] {strides = array<i32>} : memref<4096xf32, #tpu.memory_space<vmem>>, vector<16xf32>,
        tpu.vector_store %arg8[%swap3A], %get3A_107 {strides = array<i32>} : memref<4096xf32, #tpu.memory_space<vmem>>, vector<16xf32>,
        %get3A_111 = arith.index_cast %add3A_105 : i32 to index
        %get3A_112 = arith.constant 16 : index
        %get3A_113 = tpu.vector_load %arg6[%get3A_111, %get3A_112] {strides = array<i32>} : memref<128x33xf32, #tpu.memory_space<vmem>>, vector<16xf32>,
        %mul3A_114 = arith.constant 32 : i32
        %mul3A_115 = arith.muli %add3A_105, %mul3A_114 : i32
        %add3A_116 = arith.constant 16 : i32
        %add3A_117 = arith.addi %mul3A_115, %add3A_116 : i32
        %swap3A_118 = arith.index_cast %add3A_117 : i32 to index
        %swap3A_119 = tpu.vector_load %arg8[%swap3A_118] {strides = array<i32>} : memref<4096xf32, #tpu.memory_space<vmem>>, vector<16xf32>,
        tpu.vector_store %arg8[%swap3A_118], %get3A_113 {strides = array<i32>} : memref<4096xf32, #tpu.memory_space<vmem>>, vector<16xf32>,
        %add3A_120 = arith.constant 1 : i32
        %add3A_121 = arith.addi %add3A_103, %add3A_120 : i32
        %get3A_122 = arith.index_cast %add3A_121 : i32 to index
        %get3A_123 = arith.constant 0 : index
        %get3A_124 = tpu.vector_load %arg6[%get3A_122, %get3A_123] {strides = array<i32>} : memref<128x33xf32, #tpu.memory_space<vmem>>, vector<16xf32>,
        %mul3A_125 = arith.constant 32 : i32
        %mul3A_126 = arith.muli %add3A_121, %mul3A_125 : i32
        %swap3A_127 = arith.index_cast %mul3A_126 : i32 to index
        %swap3A_128 = tpu.vector_load %arg8[%swap3A_127] {strides = array<i32>} : memref<4096xf32, #tpu.memory_space<vmem>>, vector<16xf32>,
        tpu.vector_store %arg8[%swap3A_127], %get3A_124 {strides = array<i32>} : memref<4096xf32, #tpu.memory_space<vmem>>, vector<16xf32>,
        %get3A_129 = arith.index_cast %add3A_121 : i32 to index
        %get3A_130 = arith.constant 16 : index
        %get3A_131 = tpu.vector_load %arg6[%get3A_129, %get3A_130] {strides = array<i32>} : memref<128x33xf32, #tpu.memory_space<vmem>>, vector<16xf32>,
        %mul3A_132 = arith.constant 32 : i32
        %mul3A_133 = arith.muli %add3A_121, %mul3A_132 : i32
        %add3A_134 = arith.constant 16 : i32
        %add3A_135 = arith.addi %mul3A_133, %add3A_134 : i32
        %swap3A_136 = arith.index_cast %add3A_135 : i32 to index
        %swap3A_137 = tpu.vector_load %arg8[%swap3A_136] {strides = array<i32>} : memref<4096xf32, #tpu.memory_space<vmem>>, vector<16xf32>,
        tpu.vector_store %arg8[%swap3A_136], %get3A_131 {strides = array<i32>} : memref<4096xf32, #tpu.memory_space<vmem>>, vector<16xf32>,
        %add3A_138 = arith.constant 2 : i32
        %add3A_139 = arith.addi %add3A_103, %add3A_138 : i32
        %get3A_140 = arith.index_cast %add3A_139 : i32 to index
        %get3A_141 = arith.constant 0 : index
        %get3A_142 = tpu.vector_load %arg6[%get3A_140, %get3A_141] {strides = array<i32>} : memref<128x33xf32, #tpu.memory_space<vmem>>, vector<16xf32>,
        %mul3A_143 = arith.constant 32 : i32
        %mul3A_144 = arith.muli %add3A_139, %mul3A_143 : i32
        %swap3A_145 = arith.index_cast %mul3A_144 : i32 to index
        %swap3A_146 = tpu.vector_load %arg8[%swap3A_145] {strides = array<i32>} : memref<4096xf32, #tpu.memory_space<vmem>>, vector<16xf32>,
        tpu.vector_store %arg8[%swap3A_145], %get3A_142 {strides = array<i32>} : memref<4096xf32, #tpu.memory_space<vmem>>, vector<16xf32>,
        %get3A_147 = arith.index_cast %add3A_139 : i32 to index
        %get3A_148 = arith.constant 16 : index
        %get3A_149 = tpu.vector_load %arg6[%get3A_147, %get3A_148] {strides = array<i32>} : memref<128x33xf32, #tpu.memory_space<vmem>>, vector<16xf32>,
        %mul3A_150 = arith.constant 32 : i32
        %mul3A_151 = arith.muli %add3A_139, %mul3A_150 : i32
        %add3A_152 = arith.constant 16 : i32
        %add3A_153 = arith.addi %mul3A_151, %add3A_152 : i32
        %swap3A_154 = arith.index_cast %add3A_153 : i32 to index
        %swap3A_155 = tpu.vector_load %arg8[%swap3A_154] {strides = array<i32>} : memref<4096xf32, #tpu.memory_space<vmem>>, vector<16xf32>,
        tpu.vector_store %arg8[%swap3A_154], %get3A_149 {strides = array<i32>} : memref<4096xf32, #tpu.memory_space<vmem>>, vector<16xf32>,
        %add3A_156 = arith.constant 3 : i32
        %add3A_157 = arith.addi %add3A_103, %add3A_156 : i32
        %get3A_158 = arith.index_cast %add3A_157 : i32 to index
        %get3A_159 = arith.constant 0 : index
        %get3A_160 = tpu.vector_load %arg6[%get3A_158, %get3A_159] {strides = array<i32>} : memref<128x33xf32, #tpu.memory_space<vmem>>, vector<16xf32>,
        %mul3A_161 = arith.constant 32 : i32
        %mul3A_162 = arith.muli %add3A_157, %mul3A_161 : i32
        %swap3A_163 = arith.index_cast %mul3A_162 : i32 to index
        %swap3A_164 = tpu.vector_load %arg8[%swap3A_163] {strides = array<i32>} : memref<4096xf32, #tpu.memory_space<vmem>>, vector<16xf32>,
        tpu.vector_store %arg8[%swap3A_163], %get3A_160 {strides = array<i32>} : memref<4096xf32, #tpu.memory_space<vmem>>, vector<16xf32>,
        %get3A_165 = arith.index_cast %add3A_157 : i32 to index
        %get3A_166 = arith.constant 16 : index
        %get3A_167 = tpu.vector_load %arg6[%get3A_165, %get3A_166] {strides = array<i32>} : memref<128x33xf32, #tpu.memory_space<vmem>>, vector<16xf32>,
        %mul3A_168 = arith.constant 32 : i32
        %mul3A_169 = arith.muli %add3A_157, %mul3A_168 : i32
        %add3A_170 = arith.constant 16 : i32
        %add3A_171 = arith.addi %mul3A_169, %add3A_170 : i32
        %swap3A_172 = arith.index_cast %add3A_171 : i32 to index
        %swap3A_173 = tpu.vector_load %arg8[%swap3A_172] {strides = array<i32>} : memref<4096xf32, #tpu.memory_space<vmem>>, vector<16xf32>,
        tpu.vector_store %arg8[%swap3A_172], %get3A_167 {strides = array<i32>} : memref<4096xf32, #tpu.memory_space<vmem>>, vector<16xf32>,
        %add3A_174 = arith.constant 4 : i32
        %add3A_175 = arith.addi %add3A_103, %add3A_174 : i32
        %get3A_176 = arith.index_cast %add3A_175 : i32 to index
        %get3A_177 = arith.constant 0 : index
        %get3A_178 = tpu.vector_load %arg6[%get3A_176, %get3A_177] {strides = array<i32>} : memref<128x33xf32, #tpu.memory_space<vmem>>, vector<16xf32>,
        %mul3A_179 = arith.constant 32 : i32
        %mul3A_180 = arith.muli %add3A_175, %mul3A_179 : i32
        %swap3A_181 = arith.index_cast %mul3A_180 : i32 to index
        %swap3A_182 = tpu.vector_load %arg8[%swap3A_181] {strides = array<i32>} : memref<4096xf32, #tpu.memory_space<vmem>>, vector<16xf32>,
        tpu.vector_store %arg8[%swap3A_181], %get3A_178 {strides = array<i32>} : memref<4096xf32, #tpu.memory_space<vmem>>, vector<16xf32>,
        %get3A_183 = arith.index_cast %add3A_175 : i32 to index
        %get3A_184 = arith.constant 16 : index
        %get3A_185 = tpu.vector_load %arg6[%get3A_183, %get3A_184] {strides = array<i32>} : memref<128x33xf32, #tpu.memory_space<vmem>>, vector<16xf32>,
        %mul3A_186 = arith.constant 32 : i32
        %mul3A_187 = arith.muli %add3A_175, %mul3A_186 : i32
        %add3A_188 = arith.constant 16 : i32
        %add3A_189 = arith.addi %mul3A_187, %add3A_188 : i32
        %swap3A_190 = arith.index_cast %add3A_189 : i32 to index
        %swap3A_191 = tpu.vector_load %arg8[%swap3A_190] {strides = array<i32>} : memref<4096xf32, #tpu.memory_space<vmem>>, vector<16xf32>,
        tpu.vector_store %arg8[%swap3A_190], %get3A_185 {strides = array<i32>} : memref<4096xf32, #tpu.memory_space<vmem>>, vector<16xf32>,
        %add3A_192 = arith.constant 5 : i32
        %add3A_193 = arith.addi %add3A_103, %add3A_192 : i32
        %get3A_194 = arith.index_cast %add3A_193 : i32 to index
        %get3A_195 = arith.constant 0 : index
        %get3A_196 = tpu.vector_load %arg6[%get3A_194, %get3A_195] {strides = array<i32>} : memref<128x33xf32, #tpu.memory_space<vmem>>, vector<16xf32>,
        %mul3A_197 = arith.constant 32 : i32
        %mul3A_198 = arith.muli %add3A_193, %mul3A_197 : i32
        %swap3A_199 = arith.index_cast %mul3A_198 : i32 to index
        %swap3A_200 = tpu.vector_load %arg8[%swap3A_199] {strides = array<i32>} : memref<4096xf32, #tpu.memory_space<vmem>>, vector<16xf32>,
        tpu.vector_store %arg8[%swap3A_199], %get3A_196 {strides = array<i32>} : memref<4096xf32, #tpu.memory_space<vmem>>, vector<16xf32>,
        %get3A_201 = arith.index_cast %add3A_193 : i32 to index
        %get3A_202 = arith.constant 16 : index
        %get3A_203 = tpu.vector_load %arg6[%get3A_201, %get3A_202] {strides = array<i32>} : memref<128x33xf32, #tpu.memory_space<vmem>>, vector<16xf32>,
        %mul3A_204 = arith.constant 32 : i32
        %mul3A_205 = arith.muli %add3A_193, %mul3A_204 : i32
        %add3A_206 = arith.constant 16 : i32
        %add3A_207 = arith.addi %mul3A_205, %add3A_206 : i32
        %swap3A_208 = arith.index_cast %add3A_207 : i32 to index
        %swap3A_209 = tpu.vector_load %arg8[%swap3A_208] {strides = array<i32>} : memref<4096xf32, #tpu.memory_space<vmem>>, vector<16xf32>,
        tpu.vector_store %arg8[%swap3A_208], %get3A_203 {strides = array<i32>} : memref<4096xf32, #tpu.memory_space<vmem>>, vector<16xf32>,
        %add3A_210 = arith.constant 6 : i32
        %add3A_211 = arith.addi %add3A_103, %add3A_210 : i32
        %get3A_212 = arith.index_cast %add3A_211 : i32 to index
        %get3A_213 = arith.constant 0 : index
        %get3A_214 = tpu.vector_load %arg6[%get3A_212, %get3A_213] {strides = array<i32>} : memref<128x33xf32, #tpu.memory_space<vmem>>, vector<16xf32>,
        %mul3A_215 = arith.constant 32 : i32
        %mul3A_216 = arith.muli %add3A_211, %mul3A_215 : i32
        %swap3A_217 = arith.index_cast %mul3A_216 : i32 to index
        %swap3A_218 = tpu.vector_load %arg8[%swap3A_217] {strides = array<i32>} : memref<4096xf32, #tpu.memory_space<vmem>>, vector<16xf32>,
        tpu.vector_store %arg8[%swap3A_217], %get3A_214 {strides = array<i32>} : memref<4096xf32, #tpu.memory_space<vmem>>, vector<16xf32>,
        %get3A_219 = arith.index_cast %add3A_211 : i32 to index
        %get3A_220 = arith.constant 16 : index
        %get3A_221 = tpu.vector_load %arg6[%get3A_219, %get3A_220] {strides = array<i32>} : memref<128x33xf32, #tpu.memory_space<vmem>>, vector<16xf32>,
        %mul3A_222 = arith.constant 32 : i32
        %mul3A_223 = arith.muli %add3A_211, %mul3A_222 : i32
        %add3A_224 = arith.constant 16 : i32
        %add3A_225 = arith.addi %mul3A_223, %add3A_224 : i32
        %swap3A_226 = arith.index_cast %add3A_225 : i32 to index
        %swap3A_227 = tpu.vector_load %arg8[%swap3A_226] {strides = array<i32>} : memref<4096xf32, #tpu.memory_space<vmem>>, vector<16xf32>,
        tpu.vector_store %arg8[%swap3A_226], %get3A_221 {strides = array<i32>} : memref<4096xf32, #tpu.memory_space<vmem>>, vector<16xf32>,
        %add3A_228 = arith.constant 7 : i32
        %add3A_229 = arith.addi %add3A_103, %add3A_228 : i32
        %get3A_230 = arith.index_cast %add3A_229 : i32 to index
        %get3A_231 = arith.constant 0 : index
        %get3A_232 = tpu.vector_load %arg6[%get3A_230, %get3A_231] {strides = array<i32>} : memref<128x33xf32, #tpu.memory_space<vmem>>, vector<16xf32>,
        %mul3A_233 = arith.constant 32 : i32
        %mul3A_234 = arith.muli %add3A_229, %mul3A_233 : i32
        %swap3A_235 = arith.index_cast %mul3A_234 : i32 to index
        %swap3A_236 = tpu.vector_load %arg8[%swap3A_235] {strides = array<i32>} : memref<4096xf32, #tpu.memory_space<vmem>>, vector<16xf32>,
        tpu.vector_store %arg8[%swap3A_235], %get3A_232 {strides = array<i32>} : memref<4096xf32, #tpu.memory_space<vmem>>, vector<16xf32>,
        %get3A_237 = arith.index_cast %add3A_229 : i32 to index
        %get3A_238 = arith.constant 16 : index
        %get3A_239 = tpu.vector_load %arg6[%get3A_237, %get3A_238] {strides = array<i32>} : memref<128x33xf32, #tpu.memory_space<vmem>>, vector<16xf32>,
        %mul3A_240 = arith.constant 32 : i32
        %mul3A_241 = arith.muli %add3A_229, %mul3A_240 : i32
        %add3A_242 = arith.constant 16 : i32
        %add3A_243 = arith.addi %mul3A_241, %add3A_242 : i32
        %swap3A_244 = arith.index_cast %add3A_243 : i32 to index
        %swap3A_245 = tpu.vector_load %arg8[%swap3A_244] {strides = array<i32>} : memref<4096xf32, #tpu.memory_space<vmem>>, vector<16xf32>,
        tpu.vector_store %arg8[%swap3A_244], %get3A_239 {strides = array<i32>} : memref<4096xf32, #tpu.memory_space<vmem>>, vector<16xf32>,
      }
      %scan3A_84 = arith.constant 16 : i32
      %add3A_85 = arith.constant 2 : i32
      %add3A_86 = arith.addi %add3A_65, %add3A_85 : i32
      %lt3A_87 = arith.constant 244 : i32
      %lt3A_88 = arith.cmpi slt, %add3A_86, %lt3A_87 : i32
      %convert_element_type3A_89 = arith.extui %lt3A_88 : i1 to i32
      %cond3A_90 = arith.constant 0 : i32
      %cond3A_91 = arith.cmpi ne, %convert_element_type3A_89, %cond3A_90 : i32
      scf.if %cond3A_91 {
        %add3A_99 = arith.constant 2 : i32
        %add3A_100 = arith.addi %add3A_65, %add3A_99 : i32
        %mul3A_101 = arith.constant 32 : i32
        %mul3A_102 = arith.muli %add3A_100, %mul3A_101 : i32
        %add3A_103 = arith.addi %add3A, %mul3A_102 : i32
        %mul3A_104 = arith.constant 4096 : i32
        %mul3A_105 = arith.muli %add3A_103, %mul3A_104 : i32
        %dma_start3A_106 = tpu.memref_slice %arg2[%mul3A_105] : memref<32002048xf32, #tpu.memory_space<hbm>> -> memref<4096xf32, #tpu.memory_space<hbm>>
        %dma_start3A_107 = tpu.memref_slice %arg2[%mul3A_105] : memref<32002048xf32, #tpu.memory_space<hbm>> -> memref<4096xf32, #tpu.memory_space<hbm>>
        tpu.enqueue_dma source(%dma_start3A_107 : memref<4096xf32, #tpu.memory_space<hbm>>) target(%arg5 : memref<4096xf32, #tpu.memory_space<vmem>>) target_semaphore(%arg10 : memref<!tpu.dma_semaphore, #tpu.memory_space<semaphore_mem>>)
      } else {
      }
      %mul3A_92 = arith.constant 32 : i32
      %mul3A_93 = arith.muli %add3A_65, %mul3A_92 : i32
      %add3A_94 = arith.addi %add3A, %mul3A_93 : i32
      %mul3A_95 = arith.constant 4096 : i32
      %mul3A_96 = arith.muli %add3A_94, %mul3A_95 : i32
      %dma_start3A_97 = tpu.memref_slice %arg3[%mul3A_96] : memref<32002048xf32, #tpu.memory_space<hbm>> -> memref<4096xf32, #tpu.memory_space<hbm>>
      %dma_start3A_98 = tpu.memref_slice %arg3[%mul3A_96] : memref<32002048xf32, #tpu.memory_space<hbm>> -> memref<4096xf32, #tpu.memory_space<hbm>>
      tpu.enqueue_dma source(%arg8 : memref<4096xf32, #tpu.memory_space<vmem>>) target(%dma_start3A_98 : memref<4096xf32, #tpu.memory_space<hbm>>) target_semaphore(%arg12 : memref<!tpu.dma_semaphore, #tpu.memory_space<semaphore_mem>>)
    }
    %scan3A_15 = arith.constant 122 : i32
    %dma_wait3A = arith.constant 0 : i32
    %dma_wait3A_16 = tpu.memref_slice %arg3[%dma_wait3A] : memref<32002048xf32, #tpu.memory_space<hbm>> -> memref<4096xf32, #tpu.memory_space<hbm>>
    %dma_wait3A_17 = arith.constant 0 : i32
    %dma_wait3A_18 = tpu.memref_slice %arg3[%dma_wait3A_17] : memref<32002048xf32, #tpu.memory_space<hbm>> -> memref<4096xf32, #tpu.memory_space<hbm>>
    tpu.wait_dma2 semaphore(%arg11 : memref<!tpu.dma_semaphore, #tpu.memory_space<semaphore_mem>>) src(%arg7 : memref<4096xf32, #tpu.memory_space<vmem>>) dst(%dma_wait3A_18 : memref<4096xf32, #tpu.memory_space<hbm>>)
    %dma_wait3A_19 = arith.constant 0 : i32
    %dma_wait3A_20 = tpu.memref_slice %arg3[%dma_wait3A_19] : memref<32002048xf32, #tpu.memory_space<hbm>> -> memref<4096xf32, #tpu.memory_space<hbm>>
    %dma_wait3A_21 = arith.constant 0 : i32
    %dma_wait3A_22 = tpu.memref_slice %arg3[%dma_wait3A_21] : memref<32002048xf32, #tpu.memory_space<hbm>> -> memref<4096xf32, #tpu.memory_space<hbm>>
    tpu.wait_dma2 semaphore(%arg12 : memref<!tpu.dma_semaphore, #tpu.memory_space<semaphore_mem>>) src(%arg8 : memref<4096xf32, #tpu.memory_space<vmem>>) dst(%dma_wait3A_22 : memref<4096xf32, #tpu.memory_space<hbm>>)
    %lt3A = arith.constant 5 : i32
    %lt3A_23 = arith.cmpi slt, %add3A, %lt3A : i32
    %convert_element_type3A = arith.extui %lt3A_23 : i1 to i32
    %cond3A = arith.constant 0 : i32
    %cond3A_24 = arith.cmpi ne, %convert_element_type3A, %cond3A : i32
    scf.if %cond3A_24 {
      %add3A_25 = arith.constant 7808 : i32
      %add3A_26 = arith.addi %add3A_25, %add3A : i32
      %mul3A_27 = arith.constant 4096 : i32
      %mul3A_28 = arith.muli %add3A_26, %mul3A_27 : i32
      %dma_start3A_29 = tpu.memref_slice %arg2[%mul3A_28] : memref<32002048xf32, #tpu.memory_space<hbm>> -> memref<4096xf32, #tpu.memory_space<hbm>>
      %dma_start3A_30 = tpu.memref_slice %arg2[%mul3A_28] : memref<32002048xf32, #tpu.memory_space<hbm>> -> memref<4096xf32, #tpu.memory_space<hbm>>
      tpu.enqueue_dma source(%dma_start3A_30 : memref<4096xf32, #tpu.memory_space<hbm>>) target(%arg4 : memref<4096xf32, #tpu.memory_space<vmem>>) target_semaphore(%arg9 : memref<!tpu.dma_semaphore, #tpu.memory_space<semaphore_mem>>)
      %dma_wait3A_31 = arith.constant 0 : i32
      %dma_wait3A_32 = tpu.memref_slice %arg2[%dma_wait3A_31] : memref<32002048xf32, #tpu.memory_space<hbm>> -> memref<4096xf32, #tpu.memory_space<hbm>>
      %dma_wait3A_33 = arith.constant 0 : i32
      %dma_wait3A_34 = tpu.memref_slice %arg2[%dma_wait3A_33] : memref<32002048xf32, #tpu.memory_space<hbm>> -> memref<4096xf32, #tpu.memory_space<hbm>>
      tpu.wait_dma2 semaphore(%arg9 : memref<!tpu.dma_semaphore, #tpu.memory_space<semaphore_mem>>) src(%dma_wait3A_34 : memref<4096xf32, #tpu.memory_space<hbm>>) dst(%arg4 : memref<4096xf32, #tpu.memory_space<vmem>>)
      %scan3A_35 = arith.constant 0 : i32
      %scan3A_36 = arith.constant 8 : i32
      %scan3A_37 = arith.addi %scan3A_35, %scan3A_36 : i32
      %scan3A_38 = arith.constant 1 : i32
      scf.for %scan3A_47 = %scan3A_35 to %scan3A_37 step %scan3A_38  : i32 {
        %mul3A_48 = arith.constant 16 : i32
        %mul3A_49 = arith.muli %scan3A_47, %mul3A_48 : i32
        %add3A_50 = arith.constant 0 : i32
        %add3A_51 = arith.addi %add3A_50, %mul3A_49 : i32
        %add3A_52 = vector.broadcast %add3A_51 : i32 to vector<16xi32>
        %add3A_53 = arith.addi %iota3A, %add3A_52 : vector<16xi32>
        %add3A_54 = arith.constant 0 : i32
        %add3A_55 = arith.addi %add3A_54, %add3A_51 : i32
        %get3A = arith.index_cast %add3A_55 : i32 to index
        %get3A_56 = tpu.vector_load %arg4[%get3A] {strides = array<i32>} : memref<4096xf32, #tpu.memory_space<vmem>>, vector<16xf32>,
        %broadcast_in_dim3A = arith.constant 0 : i32
        %broadcast_in_dim3A_57 = vector.broadcast %broadcast_in_dim3A : i32 to vector<16xi32>
        %add3A_58 = arith.constant 0 : i32
        %add3A_59 = vector.broadcast %add3A_58 : i32 to vector<16xi32>
        %add3A_60 = arith.addi %broadcast_in_dim3A_57, %add3A_59 : vector<16xi32>
        tpu.vector_store_idx %arg6[%add3A_53, %add3A_60], %get3A_56 : memref<128x33xf32, #tpu.memory_space<vmem>>[vector<16xi32>, vector<16xi32>], vector<16xf32>,
        %add3A_61 = arith.constant 128 : i32
        %add3A_62 = arith.addi %add3A_61, %add3A_51 : i32
        %get3A_63 = arith.index_cast %add3A_62 : i32 to index
        %get3A_64 = tpu.vector_load %arg4[%get3A_63] {strides = array<i32>} : memref<4096xf32, #tpu.memory_space<vmem>>, vector<16xf32>,
        %broadcast_in_dim3A_65 = arith.constant 0 : i32
        %broadcast_in_dim3A_66 = vector.broadcast %broadcast_in_dim3A_65 : i32 to vector<16xi32>
        %add3A_67 = arith.constant 1 : i32
        %add3A_68 = vector.broadcast %add3A_67 : i32 to vector<16xi32>
        %add3A_69 = arith.addi %broadcast_in_dim3A_66, %add3A_68 : vector<16xi32>
        tpu.vector_store_idx %arg6[%add3A_53, %add3A_69], %get3A_64 : memref<128x33xf32, #tpu.memory_space<vmem>>[vector<16xi32>, vector<16xi32>], vector<16xf32>,
        %add3A_70 = arith.constant 256 : i32
        %add3A_71 = arith.addi %add3A_70, %add3A_51 : i32
        %get3A_72 = arith.index_cast %add3A_71 : i32 to index
        %get3A_73 = tpu.vector_load %arg4[%get3A_72] {strides = array<i32>} : memref<4096xf32, #tpu.memory_space<vmem>>, vector<16xf32>,
        %broadcast_in_dim3A_74 = arith.constant 0 : i32
        %broadcast_in_dim3A_75 = vector.broadcast %broadcast_in_dim3A_74 : i32 to vector<16xi32>
        %add3A_76 = arith.constant 2 : i32
        %add3A_77 = vector.broadcast %add3A_76 : i32 to vector<16xi32>
        %add3A_78 = arith.addi %broadcast_in_dim3A_75, %add3A_77 : vector<16xi32>
        tpu.vector_store_idx %arg6[%add3A_53, %add3A_78], %get3A_73 : memref<128x33xf32, #tpu.memory_space<vmem>>[vector<16xi32>, vector<16xi32>], vector<16xf32>,
        %add3A_79 = arith.constant 384 : i32
        %add3A_80 = arith.addi %add3A_79, %add3A_51 : i32
        %get3A_81 = arith.index_cast %add3A_80 : i32 to index
        %get3A_82 = tpu.vector_load %arg4[%get3A_81] {strides = array<i32>} : memref<4096xf32, #tpu.memory_space<vmem>>, vector<16xf32>,
        %broadcast_in_dim3A_83 = arith.constant 0 : i32
        %broadcast_in_dim3A_84 = vector.broadcast %broadcast_in_dim3A_83 : i32 to vector<16xi32>
        %add3A_85 = arith.constant 3 : i32
        %add3A_86 = vector.broadcast %add3A_85 : i32 to vector<16xi32>
        %add3A_87 = arith.addi %broadcast_in_dim3A_84, %add3A_86 : vector<16xi32>
        tpu.vector_store_idx %arg6[%add3A_53, %add3A_87], %get3A_82 : memref<128x33xf32, #tpu.memory_space<vmem>>[vector<16xi32>, vector<16xi32>], vector<16xf32>,
        %add3A_88 = arith.constant 512 : i32
        %add3A_89 = arith.addi %add3A_88, %add3A_51 : i32
        %get3A_90 = arith.index_cast %add3A_89 : i32 to index
        %get3A_91 = tpu.vector_load %arg4[%get3A_90] {strides = array<i32>} : memref<4096xf32, #tpu.memory_space<vmem>>, vector<16xf32>,
        %broadcast_in_dim3A_92 = arith.constant 0 : i32
        %broadcast_in_dim3A_93 = vector.broadcast %broadcast_in_dim3A_92 : i32 to vector<16xi32>
        %add3A_94 = arith.constant 4 : i32
        %add3A_95 = vector.broadcast %add3A_94 : i32 to vector<16xi32>
        %add3A_96 = arith.addi %broadcast_in_dim3A_93, %add3A_95 : vector<16xi32>
        tpu.vector_store_idx %arg6[%add3A_53, %add3A_96], %get3A_91 : memref<128x33xf32, #tpu.memory_space<vmem>>[vector<16xi32>, vector<16xi32>], vector<16xf32>,
        %add3A_97 = arith.constant 640 : i32
        %add3A_98 = arith.addi %add3A_97, %add3A_51 : i32
        %get3A_99 = arith.index_cast %add3A_98 : i32 to index
        %get3A_100 = tpu.vector_load %arg4[%get3A_99] {strides = array<i32>} : memref<4096xf32, #tpu.memory_space<vmem>>, vector<16xf32>,
        %broadcast_in_dim3A_101 = arith.constant 0 : i32
        %broadcast_in_dim3A_102 = vector.broadcast %broadcast_in_dim3A_101 : i32 to vector<16xi32>
        %add3A_103 = arith.constant 5 : i32
        %add3A_104 = vector.broadcast %add3A_103 : i32 to vector<16xi32>
        %add3A_105 = arith.addi %broadcast_in_dim3A_102, %add3A_104 : vector<16xi32>
        tpu.vector_store_idx %arg6[%add3A_53, %add3A_105], %get3A_100 : memref<128x33xf32, #tpu.memory_space<vmem>>[vector<16xi32>, vector<16xi32>], vector<16xf32>,
        %add3A_106 = arith.constant 768 : i32
        %add3A_107 = arith.addi %add3A_106, %add3A_51 : i32
        %get3A_108 = arith.index_cast %add3A_107 : i32 to index
        %get3A_109 = tpu.vector_load %arg4[%get3A_108] {strides = array<i32>} : memref<4096xf32, #tpu.memory_space<vmem>>, vector<16xf32>,
        %broadcast_in_dim3A_110 = arith.constant 0 : i32
        %broadcast_in_dim3A_111 = vector.broadcast %broadcast_in_dim3A_110 : i32 to vector<16xi32>
        %add3A_112 = arith.constant 6 : i32
        %add3A_113 = vector.broadcast %add3A_112 : i32 to vector<16xi32>
        %add3A_114 = arith.addi %broadcast_in_dim3A_111, %add3A_113 : vector<16xi32>
        tpu.vector_store_idx %arg6[%add3A_53, %add3A_114], %get3A_109 : memref<128x33xf32, #tpu.memory_space<vmem>>[vector<16xi32>, vector<16xi32>], vector<16xf32>,
        %add3A_115 = arith.constant 896 : i32
        %add3A_116 = arith.addi %add3A_115, %add3A_51 : i32
        %get3A_117 = arith.index_cast %add3A_116 : i32 to index
        %get3A_118 = tpu.vector_load %arg4[%get3A_117] {strides = array<i32>} : memref<4096xf32, #tpu.memory_space<vmem>>, vector<16xf32>,
        %broadcast_in_dim3A_119 = arith.constant 0 : i32
        %broadcast_in_dim3A_120 = vector.broadcast %broadcast_in_dim3A_119 : i32 to vector<16xi32>
        %add3A_121 = arith.constant 7 : i32
        %add3A_122 = vector.broadcast %add3A_121 : i32 to vector<16xi32>
        %add3A_123 = arith.addi %broadcast_in_dim3A_120, %add3A_122 : vector<16xi32>
        tpu.vector_store_idx %arg6[%add3A_53, %add3A_123], %get3A_118 : memref<128x33xf32, #tpu.memory_space<vmem>>[vector<16xi32>, vector<16xi32>], vector<16xf32>,
        %add3A_124 = arith.constant 1024 : i32
        %add3A_125 = arith.addi %add3A_124, %add3A_51 : i32
        %get3A_126 = arith.index_cast %add3A_125 : i32 to index
        %get3A_127 = tpu.vector_load %arg4[%get3A_126] {strides = array<i32>} : memref<4096xf32, #tpu.memory_space<vmem>>, vector<16xf32>,
        %broadcast_in_dim3A_128 = arith.constant 0 : i32
        %broadcast_in_dim3A_129 = vector.broadcast %broadcast_in_dim3A_128 : i32 to vector<16xi32>
        %add3A_130 = arith.constant 8 : i32
        %add3A_131 = vector.broadcast %add3A_130 : i32 to vector<16xi32>
        %add3A_132 = arith.addi %broadcast_in_dim3A_129, %add3A_131 : vector<16xi32>
        tpu.vector_store_idx %arg6[%add3A_53, %add3A_132], %get3A_127 : memref<128x33xf32, #tpu.memory_space<vmem>>[vector<16xi32>, vector<16xi32>], vector<16xf32>,
        %add3A_133 = arith.constant 1152 : i32
        %add3A_134 = arith.addi %add3A_133, %add3A_51 : i32
        %get3A_135 = arith.index_cast %add3A_134 : i32 to index
        %get3A_136 = tpu.vector_load %arg4[%get3A_135] {strides = array<i32>} : memref<4096xf32, #tpu.memory_space<vmem>>, vector<16xf32>,
        %broadcast_in_dim3A_137 = arith.constant 0 : i32
        %broadcast_in_dim3A_138 = vector.broadcast %broadcast_in_dim3A_137 : i32 to vector<16xi32>
        %add3A_139 = arith.constant 9 : i32
        %add3A_140 = vector.broadcast %add3A_139 : i32 to vector<16xi32>
        %add3A_141 = arith.addi %broadcast_in_dim3A_138, %add3A_140 : vector<16xi32>
        tpu.vector_store_idx %arg6[%add3A_53, %add3A_141], %get3A_136 : memref<128x33xf32, #tpu.memory_space<vmem>>[vector<16xi32>, vector<16xi32>], vector<16xf32>,
        %add3A_142 = arith.constant 1280 : i32
        %add3A_143 = arith.addi %add3A_142, %add3A_51 : i32
        %get3A_144 = arith.index_cast %add3A_143 : i32 to index
        %get3A_145 = tpu.vector_load %arg4[%get3A_144] {strides = array<i32>} : memref<4096xf32, #tpu.memory_space<vmem>>, vector<16xf32>,
        %broadcast_in_dim3A_146 = arith.constant 0 : i32
        %broadcast_in_dim3A_147 = vector.broadcast %broadcast_in_dim3A_146 : i32 to vector<16xi32>
        %add3A_148 = arith.constant 10 : i32
        %add3A_149 = vector.broadcast %add3A_148 : i32 to vector<16xi32>
        %add3A_150 = arith.addi %broadcast_in_dim3A_147, %add3A_149 : vector<16xi32>
        tpu.vector_store_idx %arg6[%add3A_53, %add3A_150], %get3A_145 : memref<128x33xf32, #tpu.memory_space<vmem>>[vector<16xi32>, vector<16xi32>], vector<16xf32>,
        %add3A_151 = arith.constant 1408 : i32
        %add3A_152 = arith.addi %add3A_151, %add3A_51 : i32
        %get3A_153 = arith.index_cast %add3A_152 : i32 to index
        %get3A_154 = tpu.vector_load %arg4[%get3A_153] {strides = array<i32>} : memref<4096xf32, #tpu.memory_space<vmem>>, vector<16xf32>,
        %broadcast_in_dim3A_155 = arith.constant 0 : i32
        %broadcast_in_dim3A_156 = vector.broadcast %broadcast_in_dim3A_155 : i32 to vector<16xi32>
        %add3A_157 = arith.constant 11 : i32
        %add3A_158 = vector.broadcast %add3A_157 : i32 to vector<16xi32>
        %add3A_159 = arith.addi %broadcast_in_dim3A_156, %add3A_158 : vector<16xi32>
        tpu.vector_store_idx %arg6[%add3A_53, %add3A_159], %get3A_154 : memref<128x33xf32, #tpu.memory_space<vmem>>[vector<16xi32>, vector<16xi32>], vector<16xf32>,
        %add3A_160 = arith.constant 1536 : i32
        %add3A_161 = arith.addi %add3A_160, %add3A_51 : i32
        %get3A_162 = arith.index_cast %add3A_161 : i32 to index
        %get3A_163 = tpu.vector_load %arg4[%get3A_162] {strides = array<i32>} : memref<4096xf32, #tpu.memory_space<vmem>>, vector<16xf32>,
        %broadcast_in_dim3A_164 = arith.constant 0 : i32
        %broadcast_in_dim3A_165 = vector.broadcast %broadcast_in_dim3A_164 : i32 to vector<16xi32>
        %add3A_166 = arith.constant 12 : i32
        %add3A_167 = vector.broadcast %add3A_166 : i32 to vector<16xi32>
        %add3A_168 = arith.addi %broadcast_in_dim3A_165, %add3A_167 : vector<16xi32>
        tpu.vector_store_idx %arg6[%add3A_53, %add3A_168], %get3A_163 : memref<128x33xf32, #tpu.memory_space<vmem>>[vector<16xi32>, vector<16xi32>], vector<16xf32>,
        %add3A_169 = arith.constant 1664 : i32
        %add3A_170 = arith.addi %add3A_169, %add3A_51 : i32
        %get3A_171 = arith.index_cast %add3A_170 : i32 to index
        %get3A_172 = tpu.vector_load %arg4[%get3A_171] {strides = array<i32>} : memref<4096xf32, #tpu.memory_space<vmem>>, vector<16xf32>,
        %broadcast_in_dim3A_173 = arith.constant 0 : i32
        %broadcast_in_dim3A_174 = vector.broadcast %broadcast_in_dim3A_173 : i32 to vector<16xi32>
        %add3A_175 = arith.constant 13 : i32
        %add3A_176 = vector.broadcast %add3A_175 : i32 to vector<16xi32>
        %add3A_177 = arith.addi %broadcast_in_dim3A_174, %add3A_176 : vector<16xi32>
        tpu.vector_store_idx %arg6[%add3A_53, %add3A_177], %get3A_172 : memref<128x33xf32, #tpu.memory_space<vmem>>[vector<16xi32>, vector<16xi32>], vector<16xf32>,
        %add3A_178 = arith.constant 1792 : i32
        %add3A_179 = arith.addi %add3A_178, %add3A_51 : i32
        %get3A_180 = arith.index_cast %add3A_179 : i32 to index
        %get3A_181 = tpu.vector_load %arg4[%get3A_180] {strides = array<i32>} : memref<4096xf32, #tpu.memory_space<vmem>>, vector<16xf32>,
        %broadcast_in_dim3A_182 = arith.constant 0 : i32
        %broadcast_in_dim3A_183 = vector.broadcast %broadcast_in_dim3A_182 : i32 to vector<16xi32>
        %add3A_184 = arith.constant 14 : i32
        %add3A_185 = vector.broadcast %add3A_184 : i32 to vector<16xi32>
        %add3A_186 = arith.addi %broadcast_in_dim3A_183, %add3A_185 : vector<16xi32>
        tpu.vector_store_idx %arg6[%add3A_53, %add3A_186], %get3A_181 : memref<128x33xf32, #tpu.memory_space<vmem>>[vector<16xi32>, vector<16xi32>], vector<16xf32>,
        %add3A_187 = arith.constant 1920 : i32
        %add3A_188 = arith.addi %add3A_187, %add3A_51 : i32
        %get3A_189 = arith.index_cast %add3A_188 : i32 to index
        %get3A_190 = tpu.vector_load %arg4[%get3A_189] {strides = array<i32>} : memref<4096xf32, #tpu.memory_space<vmem>>, vector<16xf32>,
        %broadcast_in_dim3A_191 = arith.constant 0 : i32
        %broadcast_in_dim3A_192 = vector.broadcast %broadcast_in_dim3A_191 : i32 to vector<16xi32>
        %add3A_193 = arith.constant 15 : i32
        %add3A_194 = vector.broadcast %add3A_193 : i32 to vector<16xi32>
        %add3A_195 = arith.addi %broadcast_in_dim3A_192, %add3A_194 : vector<16xi32>
        tpu.vector_store_idx %arg6[%add3A_53, %add3A_195], %get3A_190 : memref<128x33xf32, #tpu.memory_space<vmem>>[vector<16xi32>, vector<16xi32>], vector<16xf32>,
        %add3A_196 = arith.constant 2048 : i32
        %add3A_197 = arith.addi %add3A_196, %add3A_51 : i32
        %get3A_198 = arith.index_cast %add3A_197 : i32 to index
        %get3A_199 = tpu.vector_load %arg4[%get3A_198] {strides = array<i32>} : memref<4096xf32, #tpu.memory_space<vmem>>, vector<16xf32>,
        %broadcast_in_dim3A_200 = arith.constant 0 : i32
        %broadcast_in_dim3A_201 = vector.broadcast %broadcast_in_dim3A_200 : i32 to vector<16xi32>
        %add3A_202 = arith.constant 16 : i32
        %add3A_203 = vector.broadcast %add3A_202 : i32 to vector<16xi32>
        %add3A_204 = arith.addi %broadcast_in_dim3A_201, %add3A_203 : vector<16xi32>
        tpu.vector_store_idx %arg6[%add3A_53, %add3A_204], %get3A_199 : memref<128x33xf32, #tpu.memory_space<vmem>>[vector<16xi32>, vector<16xi32>], vector<16xf32>,
        %add3A_205 = arith.constant 2176 : i32
        %add3A_206 = arith.addi %add3A_205, %add3A_51 : i32
        %get3A_207 = arith.index_cast %add3A_206 : i32 to index
        %get3A_208 = tpu.vector_load %arg4[%get3A_207] {strides = array<i32>} : memref<4096xf32, #tpu.memory_space<vmem>>, vector<16xf32>,
        %broadcast_in_dim3A_209 = arith.constant 0 : i32
        %broadcast_in_dim3A_210 = vector.broadcast %broadcast_in_dim3A_209 : i32 to vector<16xi32>
        %add3A_211 = arith.constant 17 : i32
        %add3A_212 = vector.broadcast %add3A_211 : i32 to vector<16xi32>
        %add3A_213 = arith.addi %broadcast_in_dim3A_210, %add3A_212 : vector<16xi32>
        tpu.vector_store_idx %arg6[%add3A_53, %add3A_213], %get3A_208 : memref<128x33xf32, #tpu.memory_space<vmem>>[vector<16xi32>, vector<16xi32>], vector<16xf32>,
        %add3A_214 = arith.constant 2304 : i32
        %add3A_215 = arith.addi %add3A_214, %add3A_51 : i32
        %get3A_216 = arith.index_cast %add3A_215 : i32 to index
        %get3A_217 = tpu.vector_load %arg4[%get3A_216] {strides = array<i32>} : memref<4096xf32, #tpu.memory_space<vmem>>, vector<16xf32>,
        %broadcast_in_dim3A_218 = arith.constant 0 : i32
        %broadcast_in_dim3A_219 = vector.broadcast %broadcast_in_dim3A_218 : i32 to vector<16xi32>
        %add3A_220 = arith.constant 18 : i32
        %add3A_221 = vector.broadcast %add3A_220 : i32 to vector<16xi32>
        %add3A_222 = arith.addi %broadcast_in_dim3A_219, %add3A_221 : vector<16xi32>
        tpu.vector_store_idx %arg6[%add3A_53, %add3A_222], %get3A_217 : memref<128x33xf32, #tpu.memory_space<vmem>>[vector<16xi32>, vector<16xi32>], vector<16xf32>,
        %add3A_223 = arith.constant 2432 : i32
        %add3A_224 = arith.addi %add3A_223, %add3A_51 : i32
        %get3A_225 = arith.index_cast %add3A_224 : i32 to index
        %get3A_226 = tpu.vector_load %arg4[%get3A_225] {strides = array<i32>} : memref<4096xf32, #tpu.memory_space<vmem>>, vector<16xf32>,
        %broadcast_in_dim3A_227 = arith.constant 0 : i32
        %broadcast_in_dim3A_228 = vector.broadcast %broadcast_in_dim3A_227 : i32 to vector<16xi32>
        %add3A_229 = arith.constant 19 : i32
        %add3A_230 = vector.broadcast %add3A_229 : i32 to vector<16xi32>
        %add3A_231 = arith.addi %broadcast_in_dim3A_228, %add3A_230 : vector<16xi32>
        tpu.vector_store_idx %arg6[%add3A_53, %add3A_231], %get3A_226 : memref<128x33xf32, #tpu.memory_space<vmem>>[vector<16xi32>, vector<16xi32>], vector<16xf32>,
        %add3A_232 = arith.constant 2560 : i32
        %add3A_233 = arith.addi %add3A_232, %add3A_51 : i32
        %get3A_234 = arith.index_cast %add3A_233 : i32 to index
        %get3A_235 = tpu.vector_load %arg4[%get3A_234] {strides = array<i32>} : memref<4096xf32, #tpu.memory_space<vmem>>, vector<16xf32>,
        %broadcast_in_dim3A_236 = arith.constant 0 : i32
        %broadcast_in_dim3A_237 = vector.broadcast %broadcast_in_dim3A_236 : i32 to vector<16xi32>
        %add3A_238 = arith.constant 20 : i32
        %add3A_239 = vector.broadcast %add3A_238 : i32 to vector<16xi32>
        %add3A_240 = arith.addi %broadcast_in_dim3A_237, %add3A_239 : vector<16xi32>
        tpu.vector_store_idx %arg6[%add3A_53, %add3A_240], %get3A_235 : memref<128x33xf32, #tpu.memory_space<vmem>>[vector<16xi32>, vector<16xi32>], vector<16xf32>,
        %add3A_241 = arith.constant 2688 : i32
        %add3A_242 = arith.addi %add3A_241, %add3A_51 : i32
        %get3A_243 = arith.index_cast %add3A_242 : i32 to index
        %get3A_244 = tpu.vector_load %arg4[%get3A_243] {strides = array<i32>} : memref<4096xf32, #tpu.memory_space<vmem>>, vector<16xf32>,
        %broadcast_in_dim3A_245 = arith.constant 0 : i32
        %broadcast_in_dim3A_246 = vector.broadcast %broadcast_in_dim3A_245 : i32 to vector<16xi32>
        %add3A_247 = arith.constant 21 : i32
        %add3A_248 = vector.broadcast %add3A_247 : i32 to vector<16xi32>
        %add3A_249 = arith.addi %broadcast_in_dim3A_246, %add3A_248 : vector<16xi32>
        tpu.vector_store_idx %arg6[%add3A_53, %add3A_249], %get3A_244 : memref<128x33xf32, #tpu.memory_space<vmem>>[vector<16xi32>, vector<16xi32>], vector<16xf32>,
        %add3A_250 = arith.constant 2816 : i32
        %add3A_251 = arith.addi %add3A_250, %add3A_51 : i32
        %get3A_252 = arith.index_cast %add3A_251 : i32 to index
        %get3A_253 = tpu.vector_load %arg4[%get3A_252] {strides = array<i32>} : memref<4096xf32, #tpu.memory_space<vmem>>, vector<16xf32>,
        %broadcast_in_dim3A_254 = arith.constant 0 : i32
        %broadcast_in_dim3A_255 = vector.broadcast %broadcast_in_dim3A_254 : i32 to vector<16xi32>
        %add3A_256 = arith.constant 22 : i32
        %add3A_257 = vector.broadcast %add3A_256 : i32 to vector<16xi32>
        %add3A_258 = arith.addi %broadcast_in_dim3A_255, %add3A_257 : vector<16xi32>
        tpu.vector_store_idx %arg6[%add3A_53, %add3A_258], %get3A_253 : memref<128x33xf32, #tpu.memory_space<vmem>>[vector<16xi32>, vector<16xi32>], vector<16xf32>,
        %add3A_259 = arith.constant 2944 : i32
        %add3A_260 = arith.addi %add3A_259, %add3A_51 : i32
        %get3A_261 = arith.index_cast %add3A_260 : i32 to index
        %get3A_262 = tpu.vector_load %arg4[%get3A_261] {strides = array<i32>} : memref<4096xf32, #tpu.memory_space<vmem>>, vector<16xf32>,
        %broadcast_in_dim3A_263 = arith.constant 0 : i32
        %broadcast_in_dim3A_264 = vector.broadcast %broadcast_in_dim3A_263 : i32 to vector<16xi32>
        %add3A_265 = arith.constant 23 : i32
        %add3A_266 = vector.broadcast %add3A_265 : i32 to vector<16xi32>
        %add3A_267 = arith.addi %broadcast_in_dim3A_264, %add3A_266 : vector<16xi32>
        tpu.vector_store_idx %arg6[%add3A_53, %add3A_267], %get3A_262 : memref<128x33xf32, #tpu.memory_space<vmem>>[vector<16xi32>, vector<16xi32>], vector<16xf32>,
        %add3A_268 = arith.constant 3072 : i32
        %add3A_269 = arith.addi %add3A_268, %add3A_51 : i32
        %get3A_270 = arith.index_cast %add3A_269 : i32 to index
        %get3A_271 = tpu.vector_load %arg4[%get3A_270] {strides = array<i32>} : memref<4096xf32, #tpu.memory_space<vmem>>, vector<16xf32>,
        %broadcast_in_dim3A_272 = arith.constant 0 : i32
        %broadcast_in_dim3A_273 = vector.broadcast %broadcast_in_dim3A_272 : i32 to vector<16xi32>
        %add3A_274 = arith.constant 24 : i32
        %add3A_275 = vector.broadcast %add3A_274 : i32 to vector<16xi32>
        %add3A_276 = arith.addi %broadcast_in_dim3A_273, %add3A_275 : vector<16xi32>
        tpu.vector_store_idx %arg6[%add3A_53, %add3A_276], %get3A_271 : memref<128x33xf32, #tpu.memory_space<vmem>>[vector<16xi32>, vector<16xi32>], vector<16xf32>,
        %add3A_277 = arith.constant 3200 : i32
        %add3A_278 = arith.addi %add3A_277, %add3A_51 : i32
        %get3A_279 = arith.index_cast %add3A_278 : i32 to index
        %get3A_280 = tpu.vector_load %arg4[%get3A_279] {strides = array<i32>} : memref<4096xf32, #tpu.memory_space<vmem>>, vector<16xf32>,
        %broadcast_in_dim3A_281 = arith.constant 0 : i32
        %broadcast_in_dim3A_282 = vector.broadcast %broadcast_in_dim3A_281 : i32 to vector<16xi32>
        %add3A_283 = arith.constant 25 : i32
        %add3A_284 = vector.broadcast %add3A_283 : i32 to vector<16xi32>
        %add3A_285 = arith.addi %broadcast_in_dim3A_282, %add3A_284 : vector<16xi32>
        tpu.vector_store_idx %arg6[%add3A_53, %add3A_285], %get3A_280 : memref<128x33xf32, #tpu.memory_space<vmem>>[vector<16xi32>, vector<16xi32>], vector<16xf32>,
        %add3A_286 = arith.constant 3328 : i32
        %add3A_287 = arith.addi %add3A_286, %add3A_51 : i32
        %get3A_288 = arith.index_cast %add3A_287 : i32 to index
        %get3A_289 = tpu.vector_load %arg4[%get3A_288] {strides = array<i32>} : memref<4096xf32, #tpu.memory_space<vmem>>, vector<16xf32>,
        %broadcast_in_dim3A_290 = arith.constant 0 : i32
        %broadcast_in_dim3A_291 = vector.broadcast %broadcast_in_dim3A_290 : i32 to vector<16xi32>
        %add3A_292 = arith.constant 26 : i32
        %add3A_293 = vector.broadcast %add3A_292 : i32 to vector<16xi32>
        %add3A_294 = arith.addi %broadcast_in_dim3A_291, %add3A_293 : vector<16xi32>
        tpu.vector_store_idx %arg6[%add3A_53, %add3A_294], %get3A_289 : memref<128x33xf32, #tpu.memory_space<vmem>>[vector<16xi32>, vector<16xi32>], vector<16xf32>,
        %add3A_295 = arith.constant 3456 : i32
        %add3A_296 = arith.addi %add3A_295, %add3A_51 : i32
        %get3A_297 = arith.index_cast %add3A_296 : i32 to index
        %get3A_298 = tpu.vector_load %arg4[%get3A_297] {strides = array<i32>} : memref<4096xf32, #tpu.memory_space<vmem>>, vector<16xf32>,
        %broadcast_in_dim3A_299 = arith.constant 0 : i32
        %broadcast_in_dim3A_300 = vector.broadcast %broadcast_in_dim3A_299 : i32 to vector<16xi32>
        %add3A_301 = arith.constant 27 : i32
        %add3A_302 = vector.broadcast %add3A_301 : i32 to vector<16xi32>
        %add3A_303 = arith.addi %broadcast_in_dim3A_300, %add3A_302 : vector<16xi32>
        tpu.vector_store_idx %arg6[%add3A_53, %add3A_303], %get3A_298 : memref<128x33xf32, #tpu.memory_space<vmem>>[vector<16xi32>, vector<16xi32>], vector<16xf32>,
        %add3A_304 = arith.constant 3584 : i32
        %add3A_305 = arith.addi %add3A_304, %add3A_51 : i32
        %get3A_306 = arith.index_cast %add3A_305 : i32 to index
        %get3A_307 = tpu.vector_load %arg4[%get3A_306] {strides = array<i32>} : memref<4096xf32, #tpu.memory_space<vmem>>, vector<16xf32>,
        %broadcast_in_dim3A_308 = arith.constant 0 : i32
        %broadcast_in_dim3A_309 = vector.broadcast %broadcast_in_dim3A_308 : i32 to vector<16xi32>
        %add3A_310 = arith.constant 28 : i32
        %add3A_311 = vector.broadcast %add3A_310 : i32 to vector<16xi32>
        %add3A_312 = arith.addi %broadcast_in_dim3A_309, %add3A_311 : vector<16xi32>
        tpu.vector_store_idx %arg6[%add3A_53, %add3A_312], %get3A_307 : memref<128x33xf32, #tpu.memory_space<vmem>>[vector<16xi32>, vector<16xi32>], vector<16xf32>,
        %add3A_313 = arith.constant 3712 : i32
        %add3A_314 = arith.addi %add3A_313, %add3A_51 : i32
        %get3A_315 = arith.index_cast %add3A_314 : i32 to index
        %get3A_316 = tpu.vector_load %arg4[%get3A_315] {strides = array<i32>} : memref<4096xf32, #tpu.memory_space<vmem>>, vector<16xf32>,
        %broadcast_in_dim3A_317 = arith.constant 0 : i32
        %broadcast_in_dim3A_318 = vector.broadcast %broadcast_in_dim3A_317 : i32 to vector<16xi32>
        %add3A_319 = arith.constant 29 : i32
        %add3A_320 = vector.broadcast %add3A_319 : i32 to vector<16xi32>
        %add3A_321 = arith.addi %broadcast_in_dim3A_318, %add3A_320 : vector<16xi32>
        tpu.vector_store_idx %arg6[%add3A_53, %add3A_321], %get3A_316 : memref<128x33xf32, #tpu.memory_space<vmem>>[vector<16xi32>, vector<16xi32>], vector<16xf32>,
        %add3A_322 = arith.constant 3840 : i32
        %add3A_323 = arith.addi %add3A_322, %add3A_51 : i32
        %get3A_324 = arith.index_cast %add3A_323 : i32 to index
        %get3A_325 = tpu.vector_load %arg4[%get3A_324] {strides = array<i32>} : memref<4096xf32, #tpu.memory_space<vmem>>, vector<16xf32>,
        %broadcast_in_dim3A_326 = arith.constant 0 : i32
        %broadcast_in_dim3A_327 = vector.broadcast %broadcast_in_dim3A_326 : i32 to vector<16xi32>
        %add3A_328 = arith.constant 30 : i32
        %add3A_329 = vector.broadcast %add3A_328 : i32 to vector<16xi32>
        %add3A_330 = arith.addi %broadcast_in_dim3A_327, %add3A_329 : vector<16xi32>
        tpu.vector_store_idx %arg6[%add3A_53, %add3A_330], %get3A_325 : memref<128x33xf32, #tpu.memory_space<vmem>>[vector<16xi32>, vector<16xi32>], vector<16xf32>,
        %add3A_331 = arith.constant 3968 : i32
        %add3A_332 = arith.addi %add3A_331, %add3A_51 : i32
        %get3A_333 = arith.index_cast %add3A_332 : i32 to index
        %get3A_334 = tpu.vector_load %arg4[%get3A_333] {strides = array<i32>} : memref<4096xf32, #tpu.memory_space<vmem>>, vector<16xf32>,
        %broadcast_in_dim3A_335 = arith.constant 0 : i32
        %broadcast_in_dim3A_336 = vector.broadcast %broadcast_in_dim3A_335 : i32 to vector<16xi32>
        %add3A_337 = arith.constant 31 : i32
        %add3A_338 = vector.broadcast %add3A_337 : i32 to vector<16xi32>
        %add3A_339 = arith.addi %broadcast_in_dim3A_336, %add3A_338 : vector<16xi32>
        tpu.vector_store_idx %arg6[%add3A_53, %add3A_339], %get3A_334 : memref<128x33xf32, #tpu.memory_space<vmem>>[vector<16xi32>, vector<16xi32>], vector<16xf32>,
      }
      %scan3A_39 = arith.constant 8 : i32
      %scan3A_40 = arith.constant 0 : i32
      %scan3A_41 = arith.constant 16 : i32
      %scan3A_42 = arith.addi %scan3A_40, %scan3A_41 : i32
      %scan3A_43 = arith.constant 1 : i32
      scf.for %scan3A_47 = %scan3A_40 to %scan3A_42 step %scan3A_43  : i32 {
        %mul3A_48 = arith.constant 8 : i32
        %mul3A_49 = arith.muli %scan3A_47, %mul3A_48 : i32
        %add3A_50 = arith.constant 0 : i32
        %add3A_51 = arith.addi %add3A_50, %mul3A_49 : i32
        %add3A_52 = arith.constant 0 : i32
        %add3A_53 = arith.addi %add3A_51, %add3A_52 : i32
        %get3A = arith.index_cast %add3A_53 : i32 to index
        %get3A_54 = arith.constant 0 : index
        %get3A_55 = tpu.vector_load %arg6[%get3A, %get3A_54] {strides = array<i32>} : memref<128x33xf32, #tpu.memory_space<vmem>>, vector<16xf32>,
        %mul3A_56 = arith.constant 32 : i32
        %mul3A_57 = arith.muli %add3A_53, %mul3A_56 : i32
        %swap3A = arith.index_cast %mul3A_57 : i32 to index
        %swap3A_58 = tpu.vector_load %arg7[%swap3A] {strides = array<i32>} : memref<4096xf32, #tpu.memory_space<vmem>>, vector<16xf32>,
        tpu.vector_store %arg7[%swap3A], %get3A_55 {strides = array<i32>} : memref<4096xf32, #tpu.memory_space<vmem>>, vector<16xf32>,
        %get3A_59 = arith.index_cast %add3A_53 : i32 to index
        %get3A_60 = arith.constant 16 : index
        %get3A_61 = tpu.vector_load %arg6[%get3A_59, %get3A_60] {strides = array<i32>} : memref<128x33xf32, #tpu.memory_space<vmem>>, vector<16xf32>,
        %mul3A_62 = arith.constant 32 : i32
        %mul3A_63 = arith.muli %add3A_53, %mul3A_62 : i32
        %add3A_64 = arith.constant 16 : i32
        %add3A_65 = arith.addi %mul3A_63, %add3A_64 : i32
        %swap3A_66 = arith.index_cast %add3A_65 : i32 to index
        %swap3A_67 = tpu.vector_load %arg7[%swap3A_66] {strides = array<i32>} : memref<4096xf32, #tpu.memory_space<vmem>>, vector<16xf32>,
        tpu.vector_store %arg7[%swap3A_66], %get3A_61 {strides = array<i32>} : memref<4096xf32, #tpu.memory_space<vmem>>, vector<16xf32>,
        %add3A_68 = arith.constant 1 : i32
        %add3A_69 = arith.addi %add3A_51, %add3A_68 : i32
        %get3A_70 = arith.index_cast %add3A_69 : i32 to index
        %get3A_71 = arith.constant 0 : index
        %get3A_72 = tpu.vector_load %arg6[%get3A_70, %get3A_71] {strides = array<i32>} : memref<128x33xf32, #tpu.memory_space<vmem>>, vector<16xf32>,
        %mul3A_73 = arith.constant 32 : i32
        %mul3A_74 = arith.muli %add3A_69, %mul3A_73 : i32
        %swap3A_75 = arith.index_cast %mul3A_74 : i32 to index
        %swap3A_76 = tpu.vector_load %arg7[%swap3A_75] {strides = array<i32>} : memref<4096xf32, #tpu.memory_space<vmem>>, vector<16xf32>,
        tpu.vector_store %arg7[%swap3A_75], %get3A_72 {strides = array<i32>} : memref<4096xf32, #tpu.memory_space<vmem>>, vector<16xf32>,
        %get3A_77 = arith.index_cast %add3A_69 : i32 to index
        %get3A_78 = arith.constant 16 : index
        %get3A_79 = tpu.vector_load %arg6[%get3A_77, %get3A_78] {strides = array<i32>} : memref<128x33xf32, #tpu.memory_space<vmem>>, vector<16xf32>,
        %mul3A_80 = arith.constant 32 : i32
        %mul3A_81 = arith.muli %add3A_69, %mul3A_80 : i32
        %add3A_82 = arith.constant 16 : i32
        %add3A_83 = arith.addi %mul3A_81, %add3A_82 : i32
        %swap3A_84 = arith.index_cast %add3A_83 : i32 to index
        %swap3A_85 = tpu.vector_load %arg7[%swap3A_84] {strides = array<i32>} : memref<4096xf32, #tpu.memory_space<vmem>>, vector<16xf32>,
        tpu.vector_store %arg7[%swap3A_84], %get3A_79 {strides = array<i32>} : memref<4096xf32, #tpu.memory_space<vmem>>, vector<16xf32>,
        %add3A_86 = arith.constant 2 : i32
        %add3A_87 = arith.addi %add3A_51, %add3A_86 : i32
        %get3A_88 = arith.index_cast %add3A_87 : i32 to index
        %get3A_89 = arith.constant 0 : index
        %get3A_90 = tpu.vector_load %arg6[%get3A_88, %get3A_89] {strides = array<i32>} : memref<128x33xf32, #tpu.memory_space<vmem>>, vector<16xf32>,
        %mul3A_91 = arith.constant 32 : i32
        %mul3A_92 = arith.muli %add3A_87, %mul3A_91 : i32
        %swap3A_93 = arith.index_cast %mul3A_92 : i32 to index
        %swap3A_94 = tpu.vector_load %arg7[%swap3A_93] {strides = array<i32>} : memref<4096xf32, #tpu.memory_space<vmem>>, vector<16xf32>,
        tpu.vector_store %arg7[%swap3A_93], %get3A_90 {strides = array<i32>} : memref<4096xf32, #tpu.memory_space<vmem>>, vector<16xf32>,
        %get3A_95 = arith.index_cast %add3A_87 : i32 to index
        %get3A_96 = arith.constant 16 : index
        %get3A_97 = tpu.vector_load %arg6[%get3A_95, %get3A_96] {strides = array<i32>} : memref<128x33xf32, #tpu.memory_space<vmem>>, vector<16xf32>,
        %mul3A_98 = arith.constant 32 : i32
        %mul3A_99 = arith.muli %add3A_87, %mul3A_98 : i32
        %add3A_100 = arith.constant 16 : i32
        %add3A_101 = arith.addi %mul3A_99, %add3A_100 : i32
        %swap3A_102 = arith.index_cast %add3A_101 : i32 to index
        %swap3A_103 = tpu.vector_load %arg7[%swap3A_102] {strides = array<i32>} : memref<4096xf32, #tpu.memory_space<vmem>>, vector<16xf32>,
        tpu.vector_store %arg7[%swap3A_102], %get3A_97 {strides = array<i32>} : memref<4096xf32, #tpu.memory_space<vmem>>, vector<16xf32>,
        %add3A_104 = arith.constant 3 : i32
        %add3A_105 = arith.addi %add3A_51, %add3A_104 : i32
        %get3A_106 = arith.index_cast %add3A_105 : i32 to index
        %get3A_107 = arith.constant 0 : index
        %get3A_108 = tpu.vector_load %arg6[%get3A_106, %get3A_107] {strides = array<i32>} : memref<128x33xf32, #tpu.memory_space<vmem>>, vector<16xf32>,
        %mul3A_109 = arith.constant 32 : i32
        %mul3A_110 = arith.muli %add3A_105, %mul3A_109 : i32
        %swap3A_111 = arith.index_cast %mul3A_110 : i32 to index
        %swap3A_112 = tpu.vector_load %arg7[%swap3A_111] {strides = array<i32>} : memref<4096xf32, #tpu.memory_space<vmem>>, vector<16xf32>,
        tpu.vector_store %arg7[%swap3A_111], %get3A_108 {strides = array<i32>} : memref<4096xf32, #tpu.memory_space<vmem>>, vector<16xf32>,
        %get3A_113 = arith.index_cast %add3A_105 : i32 to index
        %get3A_114 = arith.constant 16 : index
        %get3A_115 = tpu.vector_load %arg6[%get3A_113, %get3A_114] {strides = array<i32>} : memref<128x33xf32, #tpu.memory_space<vmem>>, vector<16xf32>,
        %mul3A_116 = arith.constant 32 : i32
        %mul3A_117 = arith.muli %add3A_105, %mul3A_116 : i32
        %add3A_118 = arith.constant 16 : i32
        %add3A_119 = arith.addi %mul3A_117, %add3A_118 : i32
        %swap3A_120 = arith.index_cast %add3A_119 : i32 to index
        %swap3A_121 = tpu.vector_load %arg7[%swap3A_120] {strides = array<i32>} : memref<4096xf32, #tpu.memory_space<vmem>>, vector<16xf32>,
        tpu.vector_store %arg7[%swap3A_120], %get3A_115 {strides = array<i32>} : memref<4096xf32, #tpu.memory_space<vmem>>, vector<16xf32>,
        %add3A_122 = arith.constant 4 : i32
        %add3A_123 = arith.addi %add3A_51, %add3A_122 : i32
        %get3A_124 = arith.index_cast %add3A_123 : i32 to index
        %get3A_125 = arith.constant 0 : index
        %get3A_126 = tpu.vector_load %arg6[%get3A_124, %get3A_125] {strides = array<i32>} : memref<128x33xf32, #tpu.memory_space<vmem>>, vector<16xf32>,
        %mul3A_127 = arith.constant 32 : i32
        %mul3A_128 = arith.muli %add3A_123, %mul3A_127 : i32
        %swap3A_129 = arith.index_cast %mul3A_128 : i32 to index
        %swap3A_130 = tpu.vector_load %arg7[%swap3A_129] {strides = array<i32>} : memref<4096xf32, #tpu.memory_space<vmem>>, vector<16xf32>,
        tpu.vector_store %arg7[%swap3A_129], %get3A_126 {strides = array<i32>} : memref<4096xf32, #tpu.memory_space<vmem>>, vector<16xf32>,
        %get3A_131 = arith.index_cast %add3A_123 : i32 to index
        %get3A_132 = arith.constant 16 : index
        %get3A_133 = tpu.vector_load %arg6[%get3A_131, %get3A_132] {strides = array<i32>} : memref<128x33xf32, #tpu.memory_space<vmem>>, vector<16xf32>,
        %mul3A_134 = arith.constant 32 : i32
        %mul3A_135 = arith.muli %add3A_123, %mul3A_134 : i32
        %add3A_136 = arith.constant 16 : i32
        %add3A_137 = arith.addi %mul3A_135, %add3A_136 : i32
        %swap3A_138 = arith.index_cast %add3A_137 : i32 to index
        %swap3A_139 = tpu.vector_load %arg7[%swap3A_138] {strides = array<i32>} : memref<4096xf32, #tpu.memory_space<vmem>>, vector<16xf32>,
        tpu.vector_store %arg7[%swap3A_138], %get3A_133 {strides = array<i32>} : memref<4096xf32, #tpu.memory_space<vmem>>, vector<16xf32>,
        %add3A_140 = arith.constant 5 : i32
        %add3A_141 = arith.addi %add3A_51, %add3A_140 : i32
        %get3A_142 = arith.index_cast %add3A_141 : i32 to index
        %get3A_143 = arith.constant 0 : index
        %get3A_144 = tpu.vector_load %arg6[%get3A_142, %get3A_143] {strides = array<i32>} : memref<128x33xf32, #tpu.memory_space<vmem>>, vector<16xf32>,
        %mul3A_145 = arith.constant 32 : i32
        %mul3A_146 = arith.muli %add3A_141, %mul3A_145 : i32
        %swap3A_147 = arith.index_cast %mul3A_146 : i32 to index
        %swap3A_148 = tpu.vector_load %arg7[%swap3A_147] {strides = array<i32>} : memref<4096xf32, #tpu.memory_space<vmem>>, vector<16xf32>,
        tpu.vector_store %arg7[%swap3A_147], %get3A_144 {strides = array<i32>} : memref<4096xf32, #tpu.memory_space<vmem>>, vector<16xf32>,
        %get3A_149 = arith.index_cast %add3A_141 : i32 to index
        %get3A_150 = arith.constant 16 : index
        %get3A_151 = tpu.vector_load %arg6[%get3A_149, %get3A_150] {strides = array<i32>} : memref<128x33xf32, #tpu.memory_space<vmem>>, vector<16xf32>,
        %mul3A_152 = arith.constant 32 : i32
        %mul3A_153 = arith.muli %add3A_141, %mul3A_152 : i32
        %add3A_154 = arith.constant 16 : i32
        %add3A_155 = arith.addi %mul3A_153, %add3A_154 : i32
        %swap3A_156 = arith.index_cast %add3A_155 : i32 to index
        %swap3A_157 = tpu.vector_load %arg7[%swap3A_156] {strides = array<i32>} : memref<4096xf32, #tpu.memory_space<vmem>>, vector<16xf32>,
        tpu.vector_store %arg7[%swap3A_156], %get3A_151 {strides = array<i32>} : memref<4096xf32, #tpu.memory_space<vmem>>, vector<16xf32>,
        %add3A_158 = arith.constant 6 : i32
        %add3A_159 = arith.addi %add3A_51, %add3A_158 : i32
        %get3A_160 = arith.index_cast %add3A_159 : i32 to index
        %get3A_161 = arith.constant 0 : index
        %get3A_162 = tpu.vector_load %arg6[%get3A_160, %get3A_161] {strides = array<i32>} : memref<128x33xf32, #tpu.memory_space<vmem>>, vector<16xf32>,
        %mul3A_163 = arith.constant 32 : i32
        %mul3A_164 = arith.muli %add3A_159, %mul3A_163 : i32
        %swap3A_165 = arith.index_cast %mul3A_164 : i32 to index
        %swap3A_166 = tpu.vector_load %arg7[%swap3A_165] {strides = array<i32>} : memref<4096xf32, #tpu.memory_space<vmem>>, vector<16xf32>,
        tpu.vector_store %arg7[%swap3A_165], %get3A_162 {strides = array<i32>} : memref<4096xf32, #tpu.memory_space<vmem>>, vector<16xf32>,
        %get3A_167 = arith.index_cast %add3A_159 : i32 to index
        %get3A_168 = arith.constant 16 : index
        %get3A_169 = tpu.vector_load %arg6[%get3A_167, %get3A_168] {strides = array<i32>} : memref<128x33xf32, #tpu.memory_space<vmem>>, vector<16xf32>,
        %mul3A_170 = arith.constant 32 : i32
        %mul3A_171 = arith.muli %add3A_159, %mul3A_170 : i32
        %add3A_172 = arith.constant 16 : i32
        %add3A_173 = arith.addi %mul3A_171, %add3A_172 : i32
        %swap3A_174 = arith.index_cast %add3A_173 : i32 to index
        %swap3A_175 = tpu.vector_load %arg7[%swap3A_174] {strides = array<i32>} : memref<4096xf32, #tpu.memory_space<vmem>>, vector<16xf32>,
        tpu.vector_store %arg7[%swap3A_174], %get3A_169 {strides = array<i32>} : memref<4096xf32, #tpu.memory_space<vmem>>, vector<16xf32>,
        %add3A_176 = arith.constant 7 : i32
        %add3A_177 = arith.addi %add3A_51, %add3A_176 : i32
        %get3A_178 = arith.index_cast %add3A_177 : i32 to index
        %get3A_179 = arith.constant 0 : index
        %get3A_180 = tpu.vector_load %arg6[%get3A_178, %get3A_179] {strides = array<i32>} : memref<128x33xf32, #tpu.memory_space<vmem>>, vector<16xf32>,
        %mul3A_181 = arith.constant 32 : i32
        %mul3A_182 = arith.muli %add3A_177, %mul3A_181 : i32
        %swap3A_183 = arith.index_cast %mul3A_182 : i32 to index
        %swap3A_184 = tpu.vector_load %arg7[%swap3A_183] {strides = array<i32>} : memref<4096xf32, #tpu.memory_space<vmem>>, vector<16xf32>,
        tpu.vector_store %arg7[%swap3A_183], %get3A_180 {strides = array<i32>} : memref<4096xf32, #tpu.memory_space<vmem>>, vector<16xf32>,
        %get3A_185 = arith.index_cast %add3A_177 : i32 to index
        %get3A_186 = arith.constant 16 : index
        %get3A_187 = tpu.vector_load %arg6[%get3A_185, %get3A_186] {strides = array<i32>} : memref<128x33xf32, #tpu.memory_space<vmem>>, vector<16xf32>,
        %mul3A_188 = arith.constant 32 : i32
        %mul3A_189 = arith.muli %add3A_177, %mul3A_188 : i32
        %add3A_190 = arith.constant 16 : i32
        %add3A_191 = arith.addi %mul3A_189, %add3A_190 : i32
        %swap3A_192 = arith.index_cast %add3A_191 : i32 to index
        %swap3A_193 = tpu.vector_load %arg7[%swap3A_192] {strides = array<i32>} : memref<4096xf32, #tpu.memory_space<vmem>>, vector<16xf32>,
        tpu.vector_store %arg7[%swap3A_192], %get3A_187 {strides = array<i32>} : memref<4096xf32, #tpu.memory_space<vmem>>, vector<16xf32>,
      }
      %scan3A_44 = arith.constant 16 : i32
      %mul3A_45 = arith.constant 4096 : i32
      %mul3A_46 = arith.muli %add3A_26, %mul3A_45 : i32
      "tpu.region"() ({
        %run_scoped3A = tpu.sem_alloc : memref<!tpu.dma_semaphore, #tpu.memory_space<semaphore_mem>>
        %dma_start3A_47 = tpu.memref_slice %arg3[%mul3A_46] : memref<32002048xf32, #tpu.memory_space<hbm>> -> memref<4096xf32, #tpu.memory_space<hbm>>
        %dma_start3A_48 = tpu.memref_slice %arg3[%mul3A_46] : memref<32002048xf32, #tpu.memory_space<hbm>> -> memref<4096xf32, #tpu.memory_space<hbm>>
        tpu.enqueue_dma source(%arg7 : memref<4096xf32, #tpu.memory_space<vmem>>) target(%dma_start3A_48 : memref<4096xf32, #tpu.memory_space<hbm>>) target_semaphore(%run_scoped3A : memref<!tpu.dma_semaphore, #tpu.memory_space<semaphore_mem>>)
        %dma_wait3A_49 = tpu.memref_slice %arg3[%mul3A_46] : memref<32002048xf32, #tpu.memory_space<hbm>> -> memref<4096xf32, #tpu.memory_space<hbm>>
        %dma_wait3A_50 = tpu.memref_slice %arg3[%mul3A_46] : memref<32002048xf32, #tpu.memory_space<hbm>> -> memref<4096xf32, #tpu.memory_space<hbm>>
        tpu.wait_dma2 semaphore(%run_scoped3A : memref<!tpu.dma_semaphore, #tpu.memory_space<semaphore_mem>>) src(%arg7 : memref<4096xf32, #tpu.memory_space<vmem>>) dst(%dma_wait3A_50 : memref<4096xf32, #tpu.memory_space<hbm>>)
        tpu.yield
      }) : () -> ()
    } else {
    }
    return
  }
}

#map = affine_map<(d0, d1) -> (0)>
#map1 = affine_map<(d0, d1) -> (0, 0)>
#map2 = affine_map<(d0, d1) -> (0, 0, 0)>
module attributes {stable_mosaic.version = 14 : i64} {
  func.func @gather(%arg0: i32, %arg1: i32, %arg2: memref<819200xi32, #tpu.memory_space<hbm>>, %arg3: memref<1000064x32xf32, #tpu.memory_space<hbm>>, %arg4: memref<25600x8x128xf32, #tpu.memory_space<hbm>>, %arg5: memref<25600xi32, #tpu.memory_space<vmem>>, %arg6: memref<2x128xi32, #tpu.memory_space<vmem>>, %arg7: memref<2x128x32xf32, #tpu.memory_space<vmem>>, %arg8: memref<32x129xf32, #tpu.memory_space<vmem>>, %arg9: memref<32x129xf32, #tpu.memory_space<vmem>>, %arg10: memref<!tpu.dma_semaphore, #tpu.memory_space<semaphore_mem>>, %arg11: memref<!tpu.dma_semaphore, #tpu.memory_space<semaphore_mem>>, %arg12: memref<!tpu.dma_semaphore, #tpu.memory_space<semaphore_mem>>, %arg13: memref<!tpu.dma_semaphore, #tpu.memory_space<semaphore_mem>>) attributes {dimension_semantics = [#tpu.dimension_semantics<core_parallel>, #tpu.dimension_semantics<subcore_parallel>], iteration_bounds = array<i64: 2, 16>, scalar_prefetch = 0 : i64, scratch_operands = 9 : i64, tpu.core_type = #tpu.core_type<sc_vector_subcore>, window_params = [{transform_indices = #map}, {transform_indices = #map1}, {transform_indices = #map2}]} {
    %mul3A = arith.constant 2 : i32
    %mul3A_0 = arith.muli %arg1, %mul3A : i32
    %add3A = arith.addi %mul3A_0, %arg0 : i32
    %iota3A = tpu.iota {dimensions = array<i32: 0>} : vector<16xi32>
    %mul3A_1 = arith.constant 50 : i32
    %mul3A_2 = vector.broadcast %mul3A_1 : i32 to vector<16xi32>
    %mul3A_3 = arith.muli %iota3A, %mul3A_2 : vector<16xi32>
    %add3A_4 = arith.constant 16 : i32
    %add3A_5 = vector.broadcast %add3A_4 : i32 to vector<16xi32>
    %add3A_6 = arith.addi %iota3A, %add3A_5 : vector<16xi32>
    %mul3A_7 = arith.constant 4 : i32
    %mul3A_8 = arith.muli %add3A, %mul3A_7 : i32
    %mul3A_9 = arith.constant 25600 : i32
    %mul3A_10 = arith.muli %add3A, %mul3A_9 : i32
    "tpu.region"() ({
      %run_scoped3A = tpu.sem_alloc : memref<!tpu.dma_semaphore, #tpu.memory_space<semaphore_mem>>
      %dma_start3A_315 = tpu.memref_slice %arg2[%mul3A_10] : memref<819200xi32, #tpu.memory_space<hbm>> -> memref<25600xi32, #tpu.memory_space<hbm>>
      %dma_start3A_316 = tpu.memref_slice %arg2[%mul3A_10] : memref<819200xi32, #tpu.memory_space<hbm>> -> memref<25600xi32, #tpu.memory_space<hbm>>
      tpu.enqueue_dma source(%dma_start3A_316 : memref<25600xi32, #tpu.memory_space<hbm>>) target(%arg5 : memref<25600xi32, #tpu.memory_space<vmem>>) target_semaphore(%run_scoped3A : memref<!tpu.dma_semaphore, #tpu.memory_space<semaphore_mem>>)
      %dma_wait3A_317 = tpu.memref_slice %arg2[%mul3A_10] : memref<819200xi32, #tpu.memory_space<hbm>> -> memref<25600xi32, #tpu.memory_space<hbm>>
      %dma_wait3A_318 = tpu.memref_slice %arg2[%mul3A_10] : memref<819200xi32, #tpu.memory_space<hbm>> -> memref<25600xi32, #tpu.memory_space<hbm>>
      tpu.wait_dma2 semaphore(%run_scoped3A : memref<!tpu.dma_semaphore, #tpu.memory_space<semaphore_mem>>) src(%dma_wait3A_318 : memref<25600xi32, #tpu.memory_space<hbm>>) dst(%arg5 : memref<25600xi32, #tpu.memory_space<vmem>>)
      tpu.yield
    }) : () -> ()
    %shift_right_logical3A = arith.constant 0 : i32
    %shift_right_logical3A_11 = arith.constant 2 : i32
    %shift_right_logical3A_12 = arith.shrui %shift_right_logical3A, %shift_right_logical3A_11 : i32
    %and3A = arith.constant 0 : i32
    %and3A_13 = arith.constant 3 : i32
    %and3A_14 = arith.andi %and3A, %and3A_13 : i32
    %mul3A_15 = arith.constant 6400 : i32
    %mul3A_16 = arith.muli %and3A_14, %mul3A_15 : i32
    %add3A_17 = arith.addi %mul3A_16, %shift_right_logical3A_12 : i32
    %add3A_18 = arith.constant 0 : i32
    %add3A_19 = arith.addi %add3A_17, %add3A_18 : i32
    %add3A_20 = vector.broadcast %add3A_19 : i32 to vector<16xi32>
    %add3A_21 = arith.addi %mul3A_3, %add3A_20 : vector<16xi32>
    %gather3A = tpu.vector_load_idx %arg5[%add3A_21] : memref<25600xi32, #tpu.memory_space<vmem>>[vector<16xi32>], vector<16xi32>,
    %swap3A = arith.constant 0 : i32
    %swap3A_22 = arith.index_cast %swap3A : i32 to index
    %swap3A_23 = arith.constant 0 : index
    %swap3A_24 = tpu.vector_load %arg6[%swap3A_22, %swap3A_23] {strides = array<i32>} : memref<2x128xi32, #tpu.memory_space<vmem>>, vector<16xi32>,
    tpu.vector_store %arg6[%swap3A_22, %swap3A_23], %gather3A {strides = array<i32>} : memref<2x128xi32, #tpu.memory_space<vmem>>, vector<16xi32>,
    %add3A_25 = arith.constant 800 : i32
    %add3A_26 = arith.addi %add3A_17, %add3A_25 : i32
    %add3A_27 = vector.broadcast %add3A_26 : i32 to vector<16xi32>
    %add3A_28 = arith.addi %mul3A_3, %add3A_27 : vector<16xi32>
    %gather3A_29 = tpu.vector_load_idx %arg5[%add3A_28] : memref<25600xi32, #tpu.memory_space<vmem>>[vector<16xi32>], vector<16xi32>,
    %swap3A_30 = arith.constant 0 : i32
    %swap3A_31 = arith.index_cast %swap3A_30 : i32 to index
    %swap3A_32 = arith.constant 16 : index
    %swap3A_33 = tpu.vector_load %arg6[%swap3A_31, %swap3A_32] {strides = array<i32>} : memref<2x128xi32, #tpu.memory_space<vmem>>, vector<16xi32>,
    tpu.vector_store %arg6[%swap3A_31, %swap3A_32], %gather3A_29 {strides = array<i32>} : memref<2x128xi32, #tpu.memory_space<vmem>>, vector<16xi32>,
    %add3A_34 = arith.constant 1600 : i32
    %add3A_35 = arith.addi %add3A_17, %add3A_34 : i32
    %add3A_36 = vector.broadcast %add3A_35 : i32 to vector<16xi32>
    %add3A_37 = arith.addi %mul3A_3, %add3A_36 : vector<16xi32>
    %gather3A_38 = tpu.vector_load_idx %arg5[%add3A_37] : memref<25600xi32, #tpu.memory_space<vmem>>[vector<16xi32>], vector<16xi32>,
    %swap3A_39 = arith.constant 0 : i32
    %swap3A_40 = arith.index_cast %swap3A_39 : i32 to index
    %swap3A_41 = arith.constant 32 : index
    %swap3A_42 = tpu.vector_load %arg6[%swap3A_40, %swap3A_41] {strides = array<i32>} : memref<2x128xi32, #tpu.memory_space<vmem>>, vector<16xi32>,
    tpu.vector_store %arg6[%swap3A_40, %swap3A_41], %gather3A_38 {strides = array<i32>} : memref<2x128xi32, #tpu.memory_space<vmem>>, vector<16xi32>,
    %add3A_43 = arith.constant 2400 : i32
    %add3A_44 = arith.addi %add3A_17, %add3A_43 : i32
    %add3A_45 = vector.broadcast %add3A_44 : i32 to vector<16xi32>
    %add3A_46 = arith.addi %mul3A_3, %add3A_45 : vector<16xi32>
    %gather3A_47 = tpu.vector_load_idx %arg5[%add3A_46] : memref<25600xi32, #tpu.memory_space<vmem>>[vector<16xi32>], vector<16xi32>,
    %swap3A_48 = arith.constant 0 : i32
    %swap3A_49 = arith.index_cast %swap3A_48 : i32 to index
    %swap3A_50 = arith.constant 48 : index
    %swap3A_51 = tpu.vector_load %arg6[%swap3A_49, %swap3A_50] {strides = array<i32>} : memref<2x128xi32, #tpu.memory_space<vmem>>, vector<16xi32>,
    tpu.vector_store %arg6[%swap3A_49, %swap3A_50], %gather3A_47 {strides = array<i32>} : memref<2x128xi32, #tpu.memory_space<vmem>>, vector<16xi32>,
    %add3A_52 = arith.constant 3200 : i32
    %add3A_53 = arith.addi %add3A_17, %add3A_52 : i32
    %add3A_54 = vector.broadcast %add3A_53 : i32 to vector<16xi32>
    %add3A_55 = arith.addi %mul3A_3, %add3A_54 : vector<16xi32>
    %gather3A_56 = tpu.vector_load_idx %arg5[%add3A_55] : memref<25600xi32, #tpu.memory_space<vmem>>[vector<16xi32>], vector<16xi32>,
    %swap3A_57 = arith.constant 0 : i32
    %swap3A_58 = arith.index_cast %swap3A_57 : i32 to index
    %swap3A_59 = arith.constant 64 : index
    %swap3A_60 = tpu.vector_load %arg6[%swap3A_58, %swap3A_59] {strides = array<i32>} : memref<2x128xi32, #tpu.memory_space<vmem>>, vector<16xi32>,
    tpu.vector_store %arg6[%swap3A_58, %swap3A_59], %gather3A_56 {strides = array<i32>} : memref<2x128xi32, #tpu.memory_space<vmem>>, vector<16xi32>,
    %add3A_61 = arith.constant 4000 : i32
    %add3A_62 = arith.addi %add3A_17, %add3A_61 : i32
    %add3A_63 = vector.broadcast %add3A_62 : i32 to vector<16xi32>
    %add3A_64 = arith.addi %mul3A_3, %add3A_63 : vector<16xi32>
    %gather3A_65 = tpu.vector_load_idx %arg5[%add3A_64] : memref<25600xi32, #tpu.memory_space<vmem>>[vector<16xi32>], vector<16xi32>,
    %swap3A_66 = arith.constant 0 : i32
    %swap3A_67 = arith.index_cast %swap3A_66 : i32 to index
    %swap3A_68 = arith.constant 80 : index
    %swap3A_69 = tpu.vector_load %arg6[%swap3A_67, %swap3A_68] {strides = array<i32>} : memref<2x128xi32, #tpu.memory_space<vmem>>, vector<16xi32>,
    tpu.vector_store %arg6[%swap3A_67, %swap3A_68], %gather3A_65 {strides = array<i32>} : memref<2x128xi32, #tpu.memory_space<vmem>>, vector<16xi32>,
    %add3A_70 = arith.constant 4800 : i32
    %add3A_71 = arith.addi %add3A_17, %add3A_70 : i32
    %add3A_72 = vector.broadcast %add3A_71 : i32 to vector<16xi32>
    %add3A_73 = arith.addi %mul3A_3, %add3A_72 : vector<16xi32>
    %gather3A_74 = tpu.vector_load_idx %arg5[%add3A_73] : memref<25600xi32, #tpu.memory_space<vmem>>[vector<16xi32>], vector<16xi32>,
    %swap3A_75 = arith.constant 0 : i32
    %swap3A_76 = arith.index_cast %swap3A_75 : i32 to index
    %swap3A_77 = arith.constant 96 : index
    %swap3A_78 = tpu.vector_load %arg6[%swap3A_76, %swap3A_77] {strides = array<i32>} : memref<2x128xi32, #tpu.memory_space<vmem>>, vector<16xi32>,
    tpu.vector_store %arg6[%swap3A_76, %swap3A_77], %gather3A_74 {strides = array<i32>} : memref<2x128xi32, #tpu.memory_space<vmem>>, vector<16xi32>,
    %add3A_79 = arith.constant 5600 : i32
    %add3A_80 = arith.addi %add3A_17, %add3A_79 : i32
    %add3A_81 = vector.broadcast %add3A_80 : i32 to vector<16xi32>
    %add3A_82 = arith.addi %mul3A_3, %add3A_81 : vector<16xi32>
    %gather3A_83 = tpu.vector_load_idx %arg5[%add3A_82] : memref<25600xi32, #tpu.memory_space<vmem>>[vector<16xi32>], vector<16xi32>,
    %swap3A_84 = arith.constant 0 : i32
    %swap3A_85 = arith.index_cast %swap3A_84 : i32 to index
    %swap3A_86 = arith.constant 112 : index
    %swap3A_87 = tpu.vector_load %arg6[%swap3A_85, %swap3A_86] {strides = array<i32>} : memref<2x128xi32, #tpu.memory_space<vmem>>, vector<16xi32>,
    tpu.vector_store %arg6[%swap3A_85, %swap3A_86], %gather3A_83 {strides = array<i32>} : memref<2x128xi32, #tpu.memory_space<vmem>>, vector<16xi32>,
    %dma_start3A = arith.constant 0 : i32
    %dma_start3A_88 = arith.constant 0 : i32
    %dma_start3A_89 = arith.constant 0 : i32
    %dma_start3A_90 = arith.constant 0 : i32
    %dma_start3A_91 = tpu.memref_slice %arg7[%dma_start3A_88, %dma_start3A_89, %dma_start3A_90] : memref<2x128x32xf32, #tpu.memory_space<vmem>> -> memref<1x128x32xf32, #tpu.memory_space<vmem>>
    %dma_start3A_92 = tpu.memref_squeeze %dma_start3A_91 : memref<1x128x32xf32, #tpu.memory_space<vmem>> -> memref<128x32xf32, #tpu.memory_space<vmem>>
    %dma_start3A_93 = arith.constant 0 : i32
    %dma_start3A_94 = tpu.memref_slice %arg6[%dma_start3A, %dma_start3A_93] : memref<2x128xi32, #tpu.memory_space<vmem>> -> memref<1x128xi32, #tpu.memory_space<vmem>>
    %dma_start3A_95 = tpu.memref_squeeze %dma_start3A_94 : memref<1x128xi32, #tpu.memory_space<vmem>> -> memref<128xi32, #tpu.memory_space<vmem>>
    %dma_start3A_96 = arith.constant 0 : i32
    %dma_start3A_97 = arith.constant 0 : i32
    %dma_start3A_98 = tpu.memref_slice %arg3[%dma_start3A_96, %dma_start3A_97] : memref<1000064x32xf32, #tpu.memory_space<hbm>> -> memref<1000064x32xf32, #tpu.memory_space<hbm>>
    tpu.enqueue_indirect_dma source(%dma_start3A_98 : memref<1000064x32xf32, #tpu.memory_space<hbm>>) target(%dma_start3A_92 : memref<128x32xf32, #tpu.memory_space<vmem>>) offsets(%dma_start3A_95 : memref<128xi32, #tpu.memory_space<vmem>>) semaphore(%arg10 : memref<!tpu.dma_semaphore, #tpu.memory_space<semaphore_mem>>)
    %shift_right_logical3A_99 = arith.constant 1 : i32
    %shift_right_logical3A_100 = arith.constant 2 : i32
    %shift_right_logical3A_101 = arith.shrui %shift_right_logical3A_99, %shift_right_logical3A_100 : i32
    %and3A_102 = arith.constant 1 : i32
    %and3A_103 = arith.constant 3 : i32
    %and3A_104 = arith.andi %and3A_102, %and3A_103 : i32
    %mul3A_105 = arith.constant 6400 : i32
    %mul3A_106 = arith.muli %and3A_104, %mul3A_105 : i32
    %add3A_107 = arith.addi %mul3A_106, %shift_right_logical3A_101 : i32
    %add3A_108 = arith.constant 0 : i32
    %add3A_109 = arith.addi %add3A_107, %add3A_108 : i32
    %add3A_110 = vector.broadcast %add3A_109 : i32 to vector<16xi32>
    %add3A_111 = arith.addi %mul3A_3, %add3A_110 : vector<16xi32>
    %gather3A_112 = tpu.vector_load_idx %arg5[%add3A_111] : memref<25600xi32, #tpu.memory_space<vmem>>[vector<16xi32>], vector<16xi32>,
    %swap3A_113 = arith.constant 1 : i32
    %swap3A_114 = arith.index_cast %swap3A_113 : i32 to index
    %swap3A_115 = arith.constant 0 : index
    %swap3A_116 = tpu.vector_load %arg6[%swap3A_114, %swap3A_115] {strides = array<i32>} : memref<2x128xi32, #tpu.memory_space<vmem>>, vector<16xi32>,
    tpu.vector_store %arg6[%swap3A_114, %swap3A_115], %gather3A_112 {strides = array<i32>} : memref<2x128xi32, #tpu.memory_space<vmem>>, vector<16xi32>,
    %add3A_117 = arith.constant 800 : i32
    %add3A_118 = arith.addi %add3A_107, %add3A_117 : i32
    %add3A_119 = vector.broadcast %add3A_118 : i32 to vector<16xi32>
    %add3A_120 = arith.addi %mul3A_3, %add3A_119 : vector<16xi32>
    %gather3A_121 = tpu.vector_load_idx %arg5[%add3A_120] : memref<25600xi32, #tpu.memory_space<vmem>>[vector<16xi32>], vector<16xi32>,
    %swap3A_122 = arith.constant 1 : i32
    %swap3A_123 = arith.index_cast %swap3A_122 : i32 to index
    %swap3A_124 = arith.constant 16 : index
    %swap3A_125 = tpu.vector_load %arg6[%swap3A_123, %swap3A_124] {strides = array<i32>} : memref<2x128xi32, #tpu.memory_space<vmem>>, vector<16xi32>,
    tpu.vector_store %arg6[%swap3A_123, %swap3A_124], %gather3A_121 {strides = array<i32>} : memref<2x128xi32, #tpu.memory_space<vmem>>, vector<16xi32>,
    %add3A_126 = arith.constant 1600 : i32
    %add3A_127 = arith.addi %add3A_107, %add3A_126 : i32
    %add3A_128 = vector.broadcast %add3A_127 : i32 to vector<16xi32>
    %add3A_129 = arith.addi %mul3A_3, %add3A_128 : vector<16xi32>
    %gather3A_130 = tpu.vector_load_idx %arg5[%add3A_129] : memref<25600xi32, #tpu.memory_space<vmem>>[vector<16xi32>], vector<16xi32>,
    %swap3A_131 = arith.constant 1 : i32
    %swap3A_132 = arith.index_cast %swap3A_131 : i32 to index
    %swap3A_133 = arith.constant 32 : index
    %swap3A_134 = tpu.vector_load %arg6[%swap3A_132, %swap3A_133] {strides = array<i32>} : memref<2x128xi32, #tpu.memory_space<vmem>>, vector<16xi32>,
    tpu.vector_store %arg6[%swap3A_132, %swap3A_133], %gather3A_130 {strides = array<i32>} : memref<2x128xi32, #tpu.memory_space<vmem>>, vector<16xi32>,
    %add3A_135 = arith.constant 2400 : i32
    %add3A_136 = arith.addi %add3A_107, %add3A_135 : i32
    %add3A_137 = vector.broadcast %add3A_136 : i32 to vector<16xi32>
    %add3A_138 = arith.addi %mul3A_3, %add3A_137 : vector<16xi32>
    %gather3A_139 = tpu.vector_load_idx %arg5[%add3A_138] : memref<25600xi32, #tpu.memory_space<vmem>>[vector<16xi32>], vector<16xi32>,
    %swap3A_140 = arith.constant 1 : i32
    %swap3A_141 = arith.index_cast %swap3A_140 : i32 to index
    %swap3A_142 = arith.constant 48 : index
    %swap3A_143 = tpu.vector_load %arg6[%swap3A_141, %swap3A_142] {strides = array<i32>} : memref<2x128xi32, #tpu.memory_space<vmem>>, vector<16xi32>,
    tpu.vector_store %arg6[%swap3A_141, %swap3A_142], %gather3A_139 {strides = array<i32>} : memref<2x128xi32, #tpu.memory_space<vmem>>, vector<16xi32>,
    %add3A_144 = arith.constant 3200 : i32
    %add3A_145 = arith.addi %add3A_107, %add3A_144 : i32
    %add3A_146 = vector.broadcast %add3A_145 : i32 to vector<16xi32>
    %add3A_147 = arith.addi %mul3A_3, %add3A_146 : vector<16xi32>
    %gather3A_148 = tpu.vector_load_idx %arg5[%add3A_147] : memref<25600xi32, #tpu.memory_space<vmem>>[vector<16xi32>], vector<16xi32>,
    %swap3A_149 = arith.constant 1 : i32
    %swap3A_150 = arith.index_cast %swap3A_149 : i32 to index
    %swap3A_151 = arith.constant 64 : index
    %swap3A_152 = tpu.vector_load %arg6[%swap3A_150, %swap3A_151] {strides = array<i32>} : memref<2x128xi32, #tpu.memory_space<vmem>>, vector<16xi32>,
    tpu.vector_store %arg6[%swap3A_150, %swap3A_151], %gather3A_148 {strides = array<i32>} : memref<2x128xi32, #tpu.memory_space<vmem>>, vector<16xi32>,
    %add3A_153 = arith.constant 4000 : i32
    %add3A_154 = arith.addi %add3A_107, %add3A_153 : i32
    %add3A_155 = vector.broadcast %add3A_154 : i32 to vector<16xi32>
    %add3A_156 = arith.addi %mul3A_3, %add3A_155 : vector<16xi32>
    %gather3A_157 = tpu.vector_load_idx %arg5[%add3A_156] : memref<25600xi32, #tpu.memory_space<vmem>>[vector<16xi32>], vector<16xi32>,
    %swap3A_158 = arith.constant 1 : i32
    %swap3A_159 = arith.index_cast %swap3A_158 : i32 to index
    %swap3A_160 = arith.constant 80 : index
    %swap3A_161 = tpu.vector_load %arg6[%swap3A_159, %swap3A_160] {strides = array<i32>} : memref<2x128xi32, #tpu.memory_space<vmem>>, vector<16xi32>,
    tpu.vector_store %arg6[%swap3A_159, %swap3A_160], %gather3A_157 {strides = array<i32>} : memref<2x128xi32, #tpu.memory_space<vmem>>, vector<16xi32>,
    %add3A_162 = arith.constant 4800 : i32
    %add3A_163 = arith.addi %add3A_107, %add3A_162 : i32
    %add3A_164 = vector.broadcast %add3A_163 : i32 to vector<16xi32>
    %add3A_165 = arith.addi %mul3A_3, %add3A_164 : vector<16xi32>
    %gather3A_166 = tpu.vector_load_idx %arg5[%add3A_165] : memref<25600xi32, #tpu.memory_space<vmem>>[vector<16xi32>], vector<16xi32>,
    %swap3A_167 = arith.constant 1 : i32
    %swap3A_168 = arith.index_cast %swap3A_167 : i32 to index
    %swap3A_169 = arith.constant 96 : index
    %swap3A_170 = tpu.vector_load %arg6[%swap3A_168, %swap3A_169] {strides = array<i32>} : memref<2x128xi32, #tpu.memory_space<vmem>>, vector<16xi32>,
    tpu.vector_store %arg6[%swap3A_168, %swap3A_169], %gather3A_166 {strides = array<i32>} : memref<2x128xi32, #tpu.memory_space<vmem>>, vector<16xi32>,
    %add3A_171 = arith.constant 5600 : i32
    %add3A_172 = arith.addi %add3A_107, %add3A_171 : i32
    %add3A_173 = vector.broadcast %add3A_172 : i32 to vector<16xi32>
    %add3A_174 = arith.addi %mul3A_3, %add3A_173 : vector<16xi32>
    %gather3A_175 = tpu.vector_load_idx %arg5[%add3A_174] : memref<25600xi32, #tpu.memory_space<vmem>>[vector<16xi32>], vector<16xi32>,
    %swap3A_176 = arith.constant 1 : i32
    %swap3A_177 = arith.index_cast %swap3A_176 : i32 to index
    %swap3A_178 = arith.constant 112 : index
    %swap3A_179 = tpu.vector_load %arg6[%swap3A_177, %swap3A_178] {strides = array<i32>} : memref<2x128xi32, #tpu.memory_space<vmem>>, vector<16xi32>,
    tpu.vector_store %arg6[%swap3A_177, %swap3A_178], %gather3A_175 {strides = array<i32>} : memref<2x128xi32, #tpu.memory_space<vmem>>, vector<16xi32>,
    %dma_start3A_180 = arith.constant 1 : i32
    %dma_start3A_181 = arith.constant 1 : i32
    %dma_start3A_182 = arith.constant 0 : i32
    %dma_start3A_183 = arith.constant 0 : i32
    %dma_start3A_184 = tpu.memref_slice %arg7[%dma_start3A_181, %dma_start3A_182, %dma_start3A_183] : memref<2x128x32xf32, #tpu.memory_space<vmem>> -> memref<1x128x32xf32, #tpu.memory_space<vmem>>
    %dma_start3A_185 = tpu.memref_squeeze %dma_start3A_184 : memref<1x128x32xf32, #tpu.memory_space<vmem>> -> memref<128x32xf32, #tpu.memory_space<vmem>>
    %dma_start3A_186 = arith.constant 0 : i32
    %dma_start3A_187 = tpu.memref_slice %arg6[%dma_start3A_180, %dma_start3A_186] : memref<2x128xi32, #tpu.memory_space<vmem>> -> memref<1x128xi32, #tpu.memory_space<vmem>>
    %dma_start3A_188 = tpu.memref_squeeze %dma_start3A_187 : memref<1x128xi32, #tpu.memory_space<vmem>> -> memref<128xi32, #tpu.memory_space<vmem>>
    %dma_start3A_189 = arith.constant 0 : i32
    %dma_start3A_190 = arith.constant 0 : i32
    %dma_start3A_191 = tpu.memref_slice %arg3[%dma_start3A_189, %dma_start3A_190] : memref<1000064x32xf32, #tpu.memory_space<hbm>> -> memref<1000064x32xf32, #tpu.memory_space<hbm>>
    tpu.enqueue_indirect_dma source(%dma_start3A_191 : memref<1000064x32xf32, #tpu.memory_space<hbm>>) target(%dma_start3A_185 : memref<128x32xf32, #tpu.memory_space<vmem>>) offsets(%dma_start3A_188 : memref<128xi32, #tpu.memory_space<vmem>>) semaphore(%arg11 : memref<!tpu.dma_semaphore, #tpu.memory_space<semaphore_mem>>)
    %scan3A = arith.constant 0 : i32
    %scan3A_192 = arith.constant 100 : i32
    %scan3A_193 = arith.addi %scan3A, %scan3A_192 : i32
    %scan3A_194 = arith.constant 1 : i32
    scf.for %scan3A_315 = %scan3A to %scan3A_193 step %scan3A_194  : i32 {
      %mul3A_316 = arith.constant 2 : i32
      %mul3A_317 = arith.muli %scan3A_315, %mul3A_316 : i32
      %add3A_318 = arith.constant 0 : i32
      %add3A_319 = arith.addi %add3A_318, %mul3A_317 : i32
      %add3A_320 = arith.constant 0 : i32
      %add3A_321 = arith.addi %add3A_319, %add3A_320 : i32
      %dma_wait3A_322 = arith.constant 0 : i32
      %dma_wait3A_323 = arith.constant 0 : i32
      %dma_wait3A_324 = arith.constant 0 : i32
      %dma_wait3A_325 = arith.constant 0 : i32
      %dma_wait3A_326 = tpu.memref_slice %arg7[%dma_wait3A_323, %dma_wait3A_324, %dma_wait3A_325] : memref<2x128x32xf32, #tpu.memory_space<vmem>> -> memref<1x128x32xf32, #tpu.memory_space<vmem>>
      %dma_wait3A_327 = tpu.memref_squeeze %dma_wait3A_326 : memref<1x128x32xf32, #tpu.memory_space<vmem>> -> memref<128x32xf32, #tpu.memory_space<vmem>>
      %dma_wait3A_328 = arith.constant 0 : i32
      %dma_wait3A_329 = tpu.memref_slice %arg6[%dma_wait3A_322, %dma_wait3A_328] : memref<2x128xi32, #tpu.memory_space<vmem>> -> memref<1x128xi32, #tpu.memory_space<vmem>>
      %dma_wait3A_330 = tpu.memref_squeeze %dma_wait3A_329 : memref<1x128xi32, #tpu.memory_space<vmem>> -> memref<128xi32, #tpu.memory_space<vmem>>
      %dma_wait3A_331 = arith.constant 0 : i32
      %dma_wait3A_332 = arith.constant 0 : i32
      %dma_wait3A_333 = tpu.memref_slice %arg3[%dma_wait3A_331, %dma_wait3A_332] : memref<1000064x32xf32, #tpu.memory_space<hbm>> -> memref<1000064x32xf32, #tpu.memory_space<hbm>>
      tpu.wait_indirect_dma semaphore(%arg10 : memref<!tpu.dma_semaphore, #tpu.memory_space<semaphore_mem>>) src(%dma_wait3A_333 : memref<1000064x32xf32, #tpu.memory_space<hbm>>) dst(%dma_wait3A_327 : memref<128x32xf32, #tpu.memory_space<vmem>>)
      %ge3A = arith.constant 2 : i32
      %ge3A_334 = arith.cmpi sge, %add3A_321, %ge3A : i32
      %convert_element_type3A = arith.extui %ge3A_334 : i1 to i32
      %cond3A = arith.constant 0 : i32
      %cond3A_335 = arith.cmpi ne, %convert_element_type3A, %cond3A : i32
      scf.if %cond3A_335 {
        %dma_wait3A_562 = arith.constant 0 : i32
        %dma_wait3A_563 = arith.constant 0 : i32
        %dma_wait3A_564 = arith.constant 0 : i32
        %dma_wait3A_565 = tpu.memref_slice %arg8[%dma_wait3A_563, %dma_wait3A_564] : memref<32x129xf32, #tpu.memory_space<vmem>> -> memref<8x128xf32, #tpu.memory_space<vmem>>
        %dma_wait3A_566 = arith.constant 0 : i32
        %dma_wait3A_567 = arith.constant 0 : i32
        %dma_wait3A_568 = tpu.memref_slice %arg4[%dma_wait3A_562, %dma_wait3A_566, %dma_wait3A_567] : memref<25600x8x128xf32, #tpu.memory_space<hbm>> -> memref<1x8x128xf32, #tpu.memory_space<hbm>>
        %dma_wait3A_569 = tpu.memref_squeeze %dma_wait3A_568 : memref<1x8x128xf32, #tpu.memory_space<hbm>> -> memref<8x128xf32, #tpu.memory_space<hbm>>
        %dma_wait3A_570 = arith.constant 0 : i32
        %dma_wait3A_571 = arith.constant 0 : i32
        %dma_wait3A_572 = tpu.memref_slice %arg4[%dma_wait3A_562, %dma_wait3A_570, %dma_wait3A_571] : memref<25600x8x128xf32, #tpu.memory_space<hbm>> -> memref<1x8x128xf32, #tpu.memory_space<hbm>>
        %dma_wait3A_573 = tpu.memref_squeeze %dma_wait3A_572 : memref<1x8x128xf32, #tpu.memory_space<hbm>> -> memref<8x128xf32, #tpu.memory_space<hbm>>
        %dma_wait3A_574 = arith.constant 0 : i32
        %dma_wait3A_575 = arith.constant 0 : i32
        %dma_wait3A_576 = tpu.memref_slice %arg8[%dma_wait3A_574, %dma_wait3A_575] : memref<32x129xf32, #tpu.memory_space<vmem>> -> memref<8x128xf32, #tpu.memory_space<vmem>>
        tpu.wait_dma2 semaphore(%arg12 : memref<!tpu.dma_semaphore, #tpu.memory_space<semaphore_mem>>) src(%dma_wait3A_576 : memref<8x128xf32, #tpu.memory_space<vmem>>) dst(%dma_wait3A_573 : memref<8x128xf32, #tpu.memory_space<hbm>>)
        %dma_wait3A_577 = arith.constant 0 : i32
        %dma_wait3A_578 = arith.constant 8 : i32
        %dma_wait3A_579 = arith.constant 0 : i32
        %dma_wait3A_580 = tpu.memref_slice %arg8[%dma_wait3A_578, %dma_wait3A_579] : memref<32x129xf32, #tpu.memory_space<vmem>> -> memref<8x128xf32, #tpu.memory_space<vmem>>
        %dma_wait3A_581 = arith.constant 0 : i32
        %dma_wait3A_582 = arith.constant 0 : i32
        %dma_wait3A_583 = tpu.memref_slice %arg4[%dma_wait3A_577, %dma_wait3A_581, %dma_wait3A_582] : memref<25600x8x128xf32, #tpu.memory_space<hbm>> -> memref<1x8x128xf32, #tpu.memory_space<hbm>>
        %dma_wait3A_584 = tpu.memref_squeeze %dma_wait3A_583 : memref<1x8x128xf32, #tpu.memory_space<hbm>> -> memref<8x128xf32, #tpu.memory_space<hbm>>
        %dma_wait3A_585 = arith.constant 0 : i32
        %dma_wait3A_586 = arith.constant 0 : i32
        %dma_wait3A_587 = tpu.memref_slice %arg4[%dma_wait3A_577, %dma_wait3A_585, %dma_wait3A_586] : memref<25600x8x128xf32, #tpu.memory_space<hbm>> -> memref<1x8x128xf32, #tpu.memory_space<hbm>>
        %dma_wait3A_588 = tpu.memref_squeeze %dma_wait3A_587 : memref<1x8x128xf32, #tpu.memory_space<hbm>> -> memref<8x128xf32, #tpu.memory_space<hbm>>
        %dma_wait3A_589 = arith.constant 8 : i32
        %dma_wait3A_590 = arith.constant 0 : i32
        %dma_wait3A_591 = tpu.memref_slice %arg8[%dma_wait3A_589, %dma_wait3A_590] : memref<32x129xf32, #tpu.memory_space<vmem>> -> memref<8x128xf32, #tpu.memory_space<vmem>>
        tpu.wait_dma2 semaphore(%arg12 : memref<!tpu.dma_semaphore, #tpu.memory_space<semaphore_mem>>) src(%dma_wait3A_591 : memref<8x128xf32, #tpu.memory_space<vmem>>) dst(%dma_wait3A_588 : memref<8x128xf32, #tpu.memory_space<hbm>>)
        %dma_wait3A_592 = arith.constant 0 : i32
        %dma_wait3A_593 = arith.constant 16 : i32
        %dma_wait3A_594 = arith.constant 0 : i32
        %dma_wait3A_595 = tpu.memref_slice %arg8[%dma_wait3A_593, %dma_wait3A_594] : memref<32x129xf32, #tpu.memory_space<vmem>> -> memref<8x128xf32, #tpu.memory_space<vmem>>
        %dma_wait3A_596 = arith.constant 0 : i32
        %dma_wait3A_597 = arith.constant 0 : i32
        %dma_wait3A_598 = tpu.memref_slice %arg4[%dma_wait3A_592, %dma_wait3A_596, %dma_wait3A_597] : memref<25600x8x128xf32, #tpu.memory_space<hbm>> -> memref<1x8x128xf32, #tpu.memory_space<hbm>>
        %dma_wait3A_599 = tpu.memref_squeeze %dma_wait3A_598 : memref<1x8x128xf32, #tpu.memory_space<hbm>> -> memref<8x128xf32, #tpu.memory_space<hbm>>
        %dma_wait3A_600 = arith.constant 0 : i32
        %dma_wait3A_601 = arith.constant 0 : i32
        %dma_wait3A_602 = tpu.memref_slice %arg4[%dma_wait3A_592, %dma_wait3A_600, %dma_wait3A_601] : memref<25600x8x128xf32, #tpu.memory_space<hbm>> -> memref<1x8x128xf32, #tpu.memory_space<hbm>>
        %dma_wait3A_603 = tpu.memref_squeeze %dma_wait3A_602 : memref<1x8x128xf32, #tpu.memory_space<hbm>> -> memref<8x128xf32, #tpu.memory_space<hbm>>
        %dma_wait3A_604 = arith.constant 16 : i32
        %dma_wait3A_605 = arith.constant 0 : i32
        %dma_wait3A_606 = tpu.memref_slice %arg8[%dma_wait3A_604, %dma_wait3A_605] : memref<32x129xf32, #tpu.memory_space<vmem>> -> memref<8x128xf32, #tpu.memory_space<vmem>>
        tpu.wait_dma2 semaphore(%arg12 : memref<!tpu.dma_semaphore, #tpu.memory_space<semaphore_mem>>) src(%dma_wait3A_606 : memref<8x128xf32, #tpu.memory_space<vmem>>) dst(%dma_wait3A_603 : memref<8x128xf32, #tpu.memory_space<hbm>>)
        %dma_wait3A_607 = arith.constant 0 : i32
        %dma_wait3A_608 = arith.constant 24 : i32
        %dma_wait3A_609 = arith.constant 0 : i32
        %dma_wait3A_610 = tpu.memref_slice %arg8[%dma_wait3A_608, %dma_wait3A_609] : memref<32x129xf32, #tpu.memory_space<vmem>> -> memref<8x128xf32, #tpu.memory_space<vmem>>
        %dma_wait3A_611 = arith.constant 0 : i32
        %dma_wait3A_612 = arith.constant 0 : i32
        %dma_wait3A_613 = tpu.memref_slice %arg4[%dma_wait3A_607, %dma_wait3A_611, %dma_wait3A_612] : memref<25600x8x128xf32, #tpu.memory_space<hbm>> -> memref<1x8x128xf32, #tpu.memory_space<hbm>>
        %dma_wait3A_614 = tpu.memref_squeeze %dma_wait3A_613 : memref<1x8x128xf32, #tpu.memory_space<hbm>> -> memref<8x128xf32, #tpu.memory_space<hbm>>
        %dma_wait3A_615 = arith.constant 0 : i32
        %dma_wait3A_616 = arith.constant 0 : i32
        %dma_wait3A_617 = tpu.memref_slice %arg4[%dma_wait3A_607, %dma_wait3A_615, %dma_wait3A_616] : memref<25600x8x128xf32, #tpu.memory_space<hbm>> -> memref<1x8x128xf32, #tpu.memory_space<hbm>>
        %dma_wait3A_618 = tpu.memref_squeeze %dma_wait3A_617 : memref<1x8x128xf32, #tpu.memory_space<hbm>> -> memref<8x128xf32, #tpu.memory_space<hbm>>
        %dma_wait3A_619 = arith.constant 24 : i32
        %dma_wait3A_620 = arith.constant 0 : i32
        %dma_wait3A_621 = tpu.memref_slice %arg8[%dma_wait3A_619, %dma_wait3A_620] : memref<32x129xf32, #tpu.memory_space<vmem>> -> memref<8x128xf32, #tpu.memory_space<vmem>>
        tpu.wait_dma2 semaphore(%arg12 : memref<!tpu.dma_semaphore, #tpu.memory_space<semaphore_mem>>) src(%dma_wait3A_621 : memref<8x128xf32, #tpu.memory_space<vmem>>) dst(%dma_wait3A_618 : memref<8x128xf32, #tpu.memory_space<hbm>>)
      } else {
      }
      %scan3A_336 = arith.constant 0 : i32
      %scan3A_337 = arith.constant 32 : i32
      %scan3A_338 = arith.addi %scan3A_336, %scan3A_337 : i32
      %scan3A_339 = arith.constant 1 : i32
      scf.for %scan3A_562 = %scan3A_336 to %scan3A_338 step %scan3A_339  : i32 {
        %mul3A_563 = arith.constant 4 : i32
        %mul3A_564 = arith.muli %scan3A_562, %mul3A_563 : i32
        %add3A_565 = arith.constant 0 : i32
        %add3A_566 = arith.addi %add3A_565, %mul3A_564 : i32
        %add3A_567 = arith.constant 0 : i32
        %add3A_568 = arith.addi %add3A_566, %add3A_567 : i32
        %broadcast_in_dim3A = arith.constant 0 : i32
        %broadcast_in_dim3A_569 = vector.broadcast %broadcast_in_dim3A : i32 to vector<16xi32>
        %add3A_570 = vector.broadcast %add3A_568 : i32 to vector<16xi32>
        %add3A_571 = arith.addi %broadcast_in_dim3A_569, %add3A_570 : vector<16xi32>
        %get3A = arith.constant 0 : i32
        %get3A_572 = arith.index_cast %get3A : i32 to index
        %get3A_573 = arith.index_cast %add3A_568 : i32 to index
        %get3A_574 = arith.constant 0 : index
        %get3A_575 = tpu.vector_load %arg7[%get3A_572, %get3A_573, %get3A_574] {strides = array<i32>} : memref<2x128x32xf32, #tpu.memory_space<vmem>>, vector<16xf32>,
        %get3A_576 = arith.constant 0 : i32
        %get3A_577 = arith.index_cast %get3A_576 : i32 to index
        %get3A_578 = arith.index_cast %add3A_568 : i32 to index
        %get3A_579 = arith.constant 16 : index
        %get3A_580 = tpu.vector_load %arg7[%get3A_577, %get3A_578, %get3A_579] {strides = array<i32>} : memref<2x128x32xf32, #tpu.memory_space<vmem>>, vector<16xf32>,
        tpu.vector_store_idx %arg8[%iota3A, %add3A_571], %get3A_575 : memref<32x129xf32, #tpu.memory_space<vmem>>[vector<16xi32>, vector<16xi32>], vector<16xf32>,
        tpu.vector_store_idx %arg8[%add3A_6, %add3A_571], %get3A_580 : memref<32x129xf32, #tpu.memory_space<vmem>>[vector<16xi32>, vector<16xi32>], vector<16xf32>,
        %add3A_581 = arith.constant 1 : i32
        %add3A_582 = arith.addi %add3A_566, %add3A_581 : i32
        %broadcast_in_dim3A_583 = arith.constant 0 : i32
        %broadcast_in_dim3A_584 = vector.broadcast %broadcast_in_dim3A_583 : i32 to vector<16xi32>
        %add3A_585 = vector.broadcast %add3A_582 : i32 to vector<16xi32>
        %add3A_586 = arith.addi %broadcast_in_dim3A_584, %add3A_585 : vector<16xi32>
        %get3A_587 = arith.constant 0 : i32
        %get3A_588 = arith.index_cast %get3A_587 : i32 to index
        %get3A_589 = arith.index_cast %add3A_582 : i32 to index
        %get3A_590 = arith.constant 0 : index
        %get3A_591 = tpu.vector_load %arg7[%get3A_588, %get3A_589, %get3A_590] {strides = array<i32>} : memref<2x128x32xf32, #tpu.memory_space<vmem>>, vector<16xf32>,
        %get3A_592 = arith.constant 0 : i32
        %get3A_593 = arith.index_cast %get3A_592 : i32 to index
        %get3A_594 = arith.index_cast %add3A_582 : i32 to index
        %get3A_595 = arith.constant 16 : index
        %get3A_596 = tpu.vector_load %arg7[%get3A_593, %get3A_594, %get3A_595] {strides = array<i32>} : memref<2x128x32xf32, #tpu.memory_space<vmem>>, vector<16xf32>,
        tpu.vector_store_idx %arg8[%iota3A, %add3A_586], %get3A_591 : memref<32x129xf32, #tpu.memory_space<vmem>>[vector<16xi32>, vector<16xi32>], vector<16xf32>,
        tpu.vector_store_idx %arg8[%add3A_6, %add3A_586], %get3A_596 : memref<32x129xf32, #tpu.memory_space<vmem>>[vector<16xi32>, vector<16xi32>], vector<16xf32>,
        %add3A_597 = arith.constant 2 : i32
        %add3A_598 = arith.addi %add3A_566, %add3A_597 : i32
        %broadcast_in_dim3A_599 = arith.constant 0 : i32
        %broadcast_in_dim3A_600 = vector.broadcast %broadcast_in_dim3A_599 : i32 to vector<16xi32>
        %add3A_601 = vector.broadcast %add3A_598 : i32 to vector<16xi32>
        %add3A_602 = arith.addi %broadcast_in_dim3A_600, %add3A_601 : vector<16xi32>
        %get3A_603 = arith.constant 0 : i32
        %get3A_604 = arith.index_cast %get3A_603 : i32 to index
        %get3A_605 = arith.index_cast %add3A_598 : i32 to index
        %get3A_606 = arith.constant 0 : index
        %get3A_607 = tpu.vector_load %arg7[%get3A_604, %get3A_605, %get3A_606] {strides = array<i32>} : memref<2x128x32xf32, #tpu.memory_space<vmem>>, vector<16xf32>,
        %get3A_608 = arith.constant 0 : i32
        %get3A_609 = arith.index_cast %get3A_608 : i32 to index
        %get3A_610 = arith.index_cast %add3A_598 : i32 to index
        %get3A_611 = arith.constant 16 : index
        %get3A_612 = tpu.vector_load %arg7[%get3A_609, %get3A_610, %get3A_611] {strides = array<i32>} : memref<2x128x32xf32, #tpu.memory_space<vmem>>, vector<16xf32>,
        tpu.vector_store_idx %arg8[%iota3A, %add3A_602], %get3A_607 : memref<32x129xf32, #tpu.memory_space<vmem>>[vector<16xi32>, vector<16xi32>], vector<16xf32>,
        tpu.vector_store_idx %arg8[%add3A_6, %add3A_602], %get3A_612 : memref<32x129xf32, #tpu.memory_space<vmem>>[vector<16xi32>, vector<16xi32>], vector<16xf32>,
        %add3A_613 = arith.constant 3 : i32
        %add3A_614 = arith.addi %add3A_566, %add3A_613 : i32
        %broadcast_in_dim3A_615 = arith.constant 0 : i32
        %broadcast_in_dim3A_616 = vector.broadcast %broadcast_in_dim3A_615 : i32 to vector<16xi32>
        %add3A_617 = vector.broadcast %add3A_614 : i32 to vector<16xi32>
        %add3A_618 = arith.addi %broadcast_in_dim3A_616, %add3A_617 : vector<16xi32>
        %get3A_619 = arith.constant 0 : i32
        %get3A_620 = arith.index_cast %get3A_619 : i32 to index
        %get3A_621 = arith.index_cast %add3A_614 : i32 to index
        %get3A_622 = arith.constant 0 : index
        %get3A_623 = tpu.vector_load %arg7[%get3A_620, %get3A_621, %get3A_622] {strides = array<i32>} : memref<2x128x32xf32, #tpu.memory_space<vmem>>, vector<16xf32>,
        %get3A_624 = arith.constant 0 : i32
        %get3A_625 = arith.index_cast %get3A_624 : i32 to index
        %get3A_626 = arith.index_cast %add3A_614 : i32 to index
        %get3A_627 = arith.constant 16 : index
        %get3A_628 = tpu.vector_load %arg7[%get3A_625, %get3A_626, %get3A_627] {strides = array<i32>} : memref<2x128x32xf32, #tpu.memory_space<vmem>>, vector<16xf32>,
        tpu.vector_store_idx %arg8[%iota3A, %add3A_618], %get3A_623 : memref<32x129xf32, #tpu.memory_space<vmem>>[vector<16xi32>, vector<16xi32>], vector<16xf32>,
        tpu.vector_store_idx %arg8[%add3A_6, %add3A_618], %get3A_628 : memref<32x129xf32, #tpu.memory_space<vmem>>[vector<16xi32>, vector<16xi32>], vector<16xf32>,
      }
      %scan3A_340 = arith.constant 32 : i32
      %shift_right_logical3A_341 = arith.constant 2 : i32
      %shift_right_logical3A_342 = arith.shrui %add3A_321, %shift_right_logical3A_341 : i32
      %and3A_343 = arith.constant 3 : i32
      %and3A_344 = arith.andi %add3A_321, %and3A_343 : i32
      %mul3A_345 = arith.constant 4 : i32
      %mul3A_346 = arith.muli %shift_right_logical3A_342, %mul3A_345 : i32
      %add3A_347 = arith.constant 0 : i32
      %add3A_348 = arith.addi %mul3A_346, %add3A_347 : i32
      %mul3A_349 = arith.constant 128 : i32
      %mul3A_350 = arith.muli %add3A_348, %mul3A_349 : i32
      %add3A_351 = arith.addi %mul3A_350, %mul3A_8 : i32
      %add3A_352 = arith.addi %add3A_351, %and3A_344 : i32
      %dma_start3A_353 = arith.constant 0 : i32
      %dma_start3A_354 = arith.constant 0 : i32
      %dma_start3A_355 = tpu.memref_slice %arg8[%dma_start3A_353, %dma_start3A_354] : memref<32x129xf32, #tpu.memory_space<vmem>> -> memref<8x128xf32, #tpu.memory_space<vmem>>
      %dma_start3A_356 = arith.constant 0 : i32
      %dma_start3A_357 = arith.constant 0 : i32
      %dma_start3A_358 = tpu.memref_slice %arg4[%add3A_352, %dma_start3A_356, %dma_start3A_357] : memref<25600x8x128xf32, #tpu.memory_space<hbm>> -> memref<1x8x128xf32, #tpu.memory_space<hbm>>
      %dma_start3A_359 = tpu.memref_squeeze %dma_start3A_358 : memref<1x8x128xf32, #tpu.memory_space<hbm>> -> memref<8x128xf32, #tpu.memory_space<hbm>>
      %dma_start3A_360 = arith.constant 0 : i32
      %dma_start3A_361 = arith.constant 0 : i32
      %dma_start3A_362 = tpu.memref_slice %arg4[%add3A_352, %dma_start3A_360, %dma_start3A_361] : memref<25600x8x128xf32, #tpu.memory_space<hbm>> -> memref<1x8x128xf32, #tpu.memory_space<hbm>>
      %dma_start3A_363 = tpu.memref_squeeze %dma_start3A_362 : memref<1x8x128xf32, #tpu.memory_space<hbm>> -> memref<8x128xf32, #tpu.memory_space<hbm>>
      %dma_start3A_364 = arith.constant 0 : i32
      %dma_start3A_365 = arith.constant 0 : i32
      %dma_start3A_366 = tpu.memref_slice %arg8[%dma_start3A_364, %dma_start3A_365] : memref<32x129xf32, #tpu.memory_space<vmem>> -> memref<8x128xf32, #tpu.memory_space<vmem>>
      tpu.enqueue_dma source(%dma_start3A_366 : memref<8x128xf32, #tpu.memory_space<vmem>>) target(%dma_start3A_363 : memref<8x128xf32, #tpu.memory_space<hbm>>) target_semaphore(%arg12 : memref<!tpu.dma_semaphore, #tpu.memory_space<semaphore_mem>>)
      %mul3A_367 = arith.constant 4 : i32
      %mul3A_368 = arith.muli %shift_right_logical3A_342, %mul3A_367 : i32
      %add3A_369 = arith.constant 1 : i32
      %add3A_370 = arith.addi %mul3A_368, %add3A_369 : i32
      %mul3A_371 = arith.constant 128 : i32
      %mul3A_372 = arith.muli %add3A_370, %mul3A_371 : i32
      %add3A_373 = arith.addi %mul3A_372, %mul3A_8 : i32
      %add3A_374 = arith.addi %add3A_373, %and3A_344 : i32
      %dma_start3A_375 = arith.constant 8 : i32
      %dma_start3A_376 = arith.constant 0 : i32
      %dma_start3A_377 = tpu.memref_slice %arg8[%dma_start3A_375, %dma_start3A_376] : memref<32x129xf32, #tpu.memory_space<vmem>> -> memref<8x128xf32, #tpu.memory_space<vmem>>
      %dma_start3A_378 = arith.constant 0 : i32
      %dma_start3A_379 = arith.constant 0 : i32
      %dma_start3A_380 = tpu.memref_slice %arg4[%add3A_374, %dma_start3A_378, %dma_start3A_379] : memref<25600x8x128xf32, #tpu.memory_space<hbm>> -> memref<1x8x128xf32, #tpu.memory_space<hbm>>
      %dma_start3A_381 = tpu.memref_squeeze %dma_start3A_380 : memref<1x8x128xf32, #tpu.memory_space<hbm>> -> memref<8x128xf32, #tpu.memory_space<hbm>>
      %dma_start3A_382 = arith.constant 0 : i32
      %dma_start3A_383 = arith.constant 0 : i32
      %dma_start3A_384 = tpu.memref_slice %arg4[%add3A_374, %dma_start3A_382, %dma_start3A_383] : memref<25600x8x128xf32, #tpu.memory_space<hbm>> -> memref<1x8x128xf32, #tpu.memory_space<hbm>>
      %dma_start3A_385 = tpu.memref_squeeze %dma_start3A_384 : memref<1x8x128xf32, #tpu.memory_space<hbm>> -> memref<8x128xf32, #tpu.memory_space<hbm>>
      %dma_start3A_386 = arith.constant 8 : i32
      %dma_start3A_387 = arith.constant 0 : i32
      %dma_start3A_388 = tpu.memref_slice %arg8[%dma_start3A_386, %dma_start3A_387] : memref<32x129xf32, #tpu.memory_space<vmem>> -> memref<8x128xf32, #tpu.memory_space<vmem>>
      tpu.enqueue_dma source(%dma_start3A_388 : memref<8x128xf32, #tpu.memory_space<vmem>>) target(%dma_start3A_385 : memref<8x128xf32, #tpu.memory_space<hbm>>) target_semaphore(%arg12 : memref<!tpu.dma_semaphore, #tpu.memory_space<semaphore_mem>>)
      %mul3A_389 = arith.constant 4 : i32
      %mul3A_390 = arith.muli %shift_right_logical3A_342, %mul3A_389 : i32
      %add3A_391 = arith.constant 2 : i32
      %add3A_392 = arith.addi %mul3A_390, %add3A_391 : i32
      %mul3A_393 = arith.constant 128 : i32
      %mul3A_394 = arith.muli %add3A_392, %mul3A_393 : i32
      %add3A_395 = arith.addi %mul3A_394, %mul3A_8 : i32
      %add3A_396 = arith.addi %add3A_395, %and3A_344 : i32
      %dma_start3A_397 = arith.constant 16 : i32
      %dma_start3A_398 = arith.constant 0 : i32
      %dma_start3A_399 = tpu.memref_slice %arg8[%dma_start3A_397, %dma_start3A_398] : memref<32x129xf32, #tpu.memory_space<vmem>> -> memref<8x128xf32, #tpu.memory_space<vmem>>
      %dma_start3A_400 = arith.constant 0 : i32
      %dma_start3A_401 = arith.constant 0 : i32
      %dma_start3A_402 = tpu.memref_slice %arg4[%add3A_396, %dma_start3A_400, %dma_start3A_401] : memref<25600x8x128xf32, #tpu.memory_space<hbm>> -> memref<1x8x128xf32, #tpu.memory_space<hbm>>
      %dma_start3A_403 = tpu.memref_squeeze %dma_start3A_402 : memref<1x8x128xf32, #tpu.memory_space<hbm>> -> memref<8x128xf32, #tpu.memory_space<hbm>>
      %dma_start3A_404 = arith.constant 0 : i32
      %dma_start3A_405 = arith.constant 0 : i32
      %dma_start3A_406 = tpu.memref_slice %arg4[%add3A_396, %dma_start3A_404, %dma_start3A_405] : memref<25600x8x128xf32, #tpu.memory_space<hbm>> -> memref<1x8x128xf32, #tpu.memory_space<hbm>>
      %dma_start3A_407 = tpu.memref_squeeze %dma_start3A_406 : memref<1x8x128xf32, #tpu.memory_space<hbm>> -> memref<8x128xf32, #tpu.memory_space<hbm>>
      %dma_start3A_408 = arith.constant 16 : i32
      %dma_start3A_409 = arith.constant 0 : i32
      %dma_start3A_410 = tpu.memref_slice %arg8[%dma_start3A_408, %dma_start3A_409] : memref<32x129xf32, #tpu.memory_space<vmem>> -> memref<8x128xf32, #tpu.memory_space<vmem>>
      tpu.enqueue_dma source(%dma_start3A_410 : memref<8x128xf32, #tpu.memory_space<vmem>>) target(%dma_start3A_407 : memref<8x128xf32, #tpu.memory_space<hbm>>) target_semaphore(%arg12 : memref<!tpu.dma_semaphore, #tpu.memory_space<semaphore_mem>>)
      %mul3A_411 = arith.constant 4 : i32
      %mul3A_412 = arith.muli %shift_right_logical3A_342, %mul3A_411 : i32
      %add3A_413 = arith.constant 3 : i32
      %add3A_414 = arith.addi %mul3A_412, %add3A_413 : i32
      %mul3A_415 = arith.constant 128 : i32
      %mul3A_416 = arith.muli %add3A_414, %mul3A_415 : i32
      %add3A_417 = arith.addi %mul3A_416, %mul3A_8 : i32
      %add3A_418 = arith.addi %add3A_417, %and3A_344 : i32
      %dma_start3A_419 = arith.constant 24 : i32
      %dma_start3A_420 = arith.constant 0 : i32
      %dma_start3A_421 = tpu.memref_slice %arg8[%dma_start3A_419, %dma_start3A_420] : memref<32x129xf32, #tpu.memory_space<vmem>> -> memref<8x128xf32, #tpu.memory_space<vmem>>
      %dma_start3A_422 = arith.constant 0 : i32
      %dma_start3A_423 = arith.constant 0 : i32
      %dma_start3A_424 = tpu.memref_slice %arg4[%add3A_418, %dma_start3A_422, %dma_start3A_423] : memref<25600x8x128xf32, #tpu.memory_space<hbm>> -> memref<1x8x128xf32, #tpu.memory_space<hbm>>
      %dma_start3A_425 = tpu.memref_squeeze %dma_start3A_424 : memref<1x8x128xf32, #tpu.memory_space<hbm>> -> memref<8x128xf32, #tpu.memory_space<hbm>>
      %dma_start3A_426 = arith.constant 0 : i32
      %dma_start3A_427 = arith.constant 0 : i32
      %dma_start3A_428 = tpu.memref_slice %arg4[%add3A_418, %dma_start3A_426, %dma_start3A_427] : memref<25600x8x128xf32, #tpu.memory_space<hbm>> -> memref<1x8x128xf32, #tpu.memory_space<hbm>>
      %dma_start3A_429 = tpu.memref_squeeze %dma_start3A_428 : memref<1x8x128xf32, #tpu.memory_space<hbm>> -> memref<8x128xf32, #tpu.memory_space<hbm>>
      %dma_start3A_430 = arith.constant 24 : i32
      %dma_start3A_431 = arith.constant 0 : i32
      %dma_start3A_432 = tpu.memref_slice %arg8[%dma_start3A_430, %dma_start3A_431] : memref<32x129xf32, #tpu.memory_space<vmem>> -> memref<8x128xf32, #tpu.memory_space<vmem>>
      tpu.enqueue_dma source(%dma_start3A_432 : memref<8x128xf32, #tpu.memory_space<vmem>>) target(%dma_start3A_429 : memref<8x128xf32, #tpu.memory_space<hbm>>) target_semaphore(%arg12 : memref<!tpu.dma_semaphore, #tpu.memory_space<semaphore_mem>>)
      %add3A_433 = arith.constant 2 : i32
      %add3A_434 = arith.addi %add3A_321, %add3A_433 : i32
      %lt3A = arith.constant 200 : i32
      %lt3A_435 = arith.cmpi slt, %add3A_434, %lt3A : i32
      %convert_element_type3A_436 = arith.extui %lt3A_435 : i1 to i32
      %cond3A_437 = arith.constant 0 : i32
      %cond3A_438 = arith.cmpi ne, %convert_element_type3A_436, %cond3A_437 : i32
      scf.if %cond3A_438 {
        %add3A_562 = arith.constant 2 : i32
        %add3A_563 = arith.addi %add3A_321, %add3A_562 : i32
        %shift_right_logical3A_564 = arith.constant 2 : i32
        %shift_right_logical3A_565 = arith.shrui %add3A_563, %shift_right_logical3A_564 : i32
        %and3A_566 = arith.constant 3 : i32
        %and3A_567 = arith.andi %add3A_563, %and3A_566 : i32
        %mul3A_568 = arith.constant 6400 : i32
        %mul3A_569 = arith.muli %and3A_567, %mul3A_568 : i32
        %add3A_570 = arith.addi %mul3A_569, %shift_right_logical3A_565 : i32
        %add3A_571 = arith.constant 0 : i32
        %add3A_572 = arith.addi %add3A_570, %add3A_571 : i32
        %add3A_573 = vector.broadcast %add3A_572 : i32 to vector<16xi32>
        %add3A_574 = arith.addi %mul3A_3, %add3A_573 : vector<16xi32>
        %gather3A_575 = tpu.vector_load_idx %arg5[%add3A_574] : memref<25600xi32, #tpu.memory_space<vmem>>[vector<16xi32>], vector<16xi32>,
        %swap3A_576 = arith.constant 0 : i32
        %swap3A_577 = arith.index_cast %swap3A_576 : i32 to index
        %swap3A_578 = arith.constant 0 : index
        %swap3A_579 = tpu.vector_load %arg6[%swap3A_577, %swap3A_578] {strides = array<i32>} : memref<2x128xi32, #tpu.memory_space<vmem>>, vector<16xi32>,
        tpu.vector_store %arg6[%swap3A_577, %swap3A_578], %gather3A_575 {strides = array<i32>} : memref<2x128xi32, #tpu.memory_space<vmem>>, vector<16xi32>,
        %add3A_580 = arith.constant 800 : i32
        %add3A_581 = arith.addi %add3A_570, %add3A_580 : i32
        %add3A_582 = vector.broadcast %add3A_581 : i32 to vector<16xi32>
        %add3A_583 = arith.addi %mul3A_3, %add3A_582 : vector<16xi32>
        %gather3A_584 = tpu.vector_load_idx %arg5[%add3A_583] : memref<25600xi32, #tpu.memory_space<vmem>>[vector<16xi32>], vector<16xi32>,
        %swap3A_585 = arith.constant 0 : i32
        %swap3A_586 = arith.index_cast %swap3A_585 : i32 to index
        %swap3A_587 = arith.constant 16 : index
        %swap3A_588 = tpu.vector_load %arg6[%swap3A_586, %swap3A_587] {strides = array<i32>} : memref<2x128xi32, #tpu.memory_space<vmem>>, vector<16xi32>,
        tpu.vector_store %arg6[%swap3A_586, %swap3A_587], %gather3A_584 {strides = array<i32>} : memref<2x128xi32, #tpu.memory_space<vmem>>, vector<16xi32>,
        %add3A_589 = arith.constant 1600 : i32
        %add3A_590 = arith.addi %add3A_570, %add3A_589 : i32
        %add3A_591 = vector.broadcast %add3A_590 : i32 to vector<16xi32>
        %add3A_592 = arith.addi %mul3A_3, %add3A_591 : vector<16xi32>
        %gather3A_593 = tpu.vector_load_idx %arg5[%add3A_592] : memref<25600xi32, #tpu.memory_space<vmem>>[vector<16xi32>], vector<16xi32>,
        %swap3A_594 = arith.constant 0 : i32
        %swap3A_595 = arith.index_cast %swap3A_594 : i32 to index
        %swap3A_596 = arith.constant 32 : index
        %swap3A_597 = tpu.vector_load %arg6[%swap3A_595, %swap3A_596] {strides = array<i32>} : memref<2x128xi32, #tpu.memory_space<vmem>>, vector<16xi32>,
        tpu.vector_store %arg6[%swap3A_595, %swap3A_596], %gather3A_593 {strides = array<i32>} : memref<2x128xi32, #tpu.memory_space<vmem>>, vector<16xi32>,
        %add3A_598 = arith.constant 2400 : i32
        %add3A_599 = arith.addi %add3A_570, %add3A_598 : i32
        %add3A_600 = vector.broadcast %add3A_599 : i32 to vector<16xi32>
        %add3A_601 = arith.addi %mul3A_3, %add3A_600 : vector<16xi32>
        %gather3A_602 = tpu.vector_load_idx %arg5[%add3A_601] : memref<25600xi32, #tpu.memory_space<vmem>>[vector<16xi32>], vector<16xi32>,
        %swap3A_603 = arith.constant 0 : i32
        %swap3A_604 = arith.index_cast %swap3A_603 : i32 to index
        %swap3A_605 = arith.constant 48 : index
        %swap3A_606 = tpu.vector_load %arg6[%swap3A_604, %swap3A_605] {strides = array<i32>} : memref<2x128xi32, #tpu.memory_space<vmem>>, vector<16xi32>,
        tpu.vector_store %arg6[%swap3A_604, %swap3A_605], %gather3A_602 {strides = array<i32>} : memref<2x128xi32, #tpu.memory_space<vmem>>, vector<16xi32>,
        %add3A_607 = arith.constant 3200 : i32
        %add3A_608 = arith.addi %add3A_570, %add3A_607 : i32
        %add3A_609 = vector.broadcast %add3A_608 : i32 to vector<16xi32>
        %add3A_610 = arith.addi %mul3A_3, %add3A_609 : vector<16xi32>
        %gather3A_611 = tpu.vector_load_idx %arg5[%add3A_610] : memref<25600xi32, #tpu.memory_space<vmem>>[vector<16xi32>], vector<16xi32>,
        %swap3A_612 = arith.constant 0 : i32
        %swap3A_613 = arith.index_cast %swap3A_612 : i32 to index
        %swap3A_614 = arith.constant 64 : index
        %swap3A_615 = tpu.vector_load %arg6[%swap3A_613, %swap3A_614] {strides = array<i32>} : memref<2x128xi32, #tpu.memory_space<vmem>>, vector<16xi32>,
        tpu.vector_store %arg6[%swap3A_613, %swap3A_614], %gather3A_611 {strides = array<i32>} : memref<2x128xi32, #tpu.memory_space<vmem>>, vector<16xi32>,
        %add3A_616 = arith.constant 4000 : i32
        %add3A_617 = arith.addi %add3A_570, %add3A_616 : i32
        %add3A_618 = vector.broadcast %add3A_617 : i32 to vector<16xi32>
        %add3A_619 = arith.addi %mul3A_3, %add3A_618 : vector<16xi32>
        %gather3A_620 = tpu.vector_load_idx %arg5[%add3A_619] : memref<25600xi32, #tpu.memory_space<vmem>>[vector<16xi32>], vector<16xi32>,
        %swap3A_621 = arith.constant 0 : i32
        %swap3A_622 = arith.index_cast %swap3A_621 : i32 to index
        %swap3A_623 = arith.constant 80 : index
        %swap3A_624 = tpu.vector_load %arg6[%swap3A_622, %swap3A_623] {strides = array<i32>} : memref<2x128xi32, #tpu.memory_space<vmem>>, vector<16xi32>,
        tpu.vector_store %arg6[%swap3A_622, %swap3A_623], %gather3A_620 {strides = array<i32>} : memref<2x128xi32, #tpu.memory_space<vmem>>, vector<16xi32>,
        %add3A_625 = arith.constant 4800 : i32
        %add3A_626 = arith.addi %add3A_570, %add3A_625 : i32
        %add3A_627 = vector.broadcast %add3A_626 : i32 to vector<16xi32>
        %add3A_628 = arith.addi %mul3A_3, %add3A_627 : vector<16xi32>
        %gather3A_629 = tpu.vector_load_idx %arg5[%add3A_628] : memref<25600xi32, #tpu.memory_space<vmem>>[vector<16xi32>], vector<16xi32>,
        %swap3A_630 = arith.constant 0 : i32
        %swap3A_631 = arith.index_cast %swap3A_630 : i32 to index
        %swap3A_632 = arith.constant 96 : index
        %swap3A_633 = tpu.vector_load %arg6[%swap3A_631, %swap3A_632] {strides = array<i32>} : memref<2x128xi32, #tpu.memory_space<vmem>>, vector<16xi32>,
        tpu.vector_store %arg6[%swap3A_631, %swap3A_632], %gather3A_629 {strides = array<i32>} : memref<2x128xi32, #tpu.memory_space<vmem>>, vector<16xi32>,
        %add3A_634 = arith.constant 5600 : i32
        %add3A_635 = arith.addi %add3A_570, %add3A_634 : i32
        %add3A_636 = vector.broadcast %add3A_635 : i32 to vector<16xi32>
        %add3A_637 = arith.addi %mul3A_3, %add3A_636 : vector<16xi32>
        %gather3A_638 = tpu.vector_load_idx %arg5[%add3A_637] : memref<25600xi32, #tpu.memory_space<vmem>>[vector<16xi32>], vector<16xi32>,
        %swap3A_639 = arith.constant 0 : i32
        %swap3A_640 = arith.index_cast %swap3A_639 : i32 to index
        %swap3A_641 = arith.constant 112 : index
        %swap3A_642 = tpu.vector_load %arg6[%swap3A_640, %swap3A_641] {strides = array<i32>} : memref<2x128xi32, #tpu.memory_space<vmem>>, vector<16xi32>,
        tpu.vector_store %arg6[%swap3A_640, %swap3A_641], %gather3A_638 {strides = array<i32>} : memref<2x128xi32, #tpu.memory_space<vmem>>, vector<16xi32>,
        %dma_start3A_643 = arith.constant 0 : i32
        %dma_start3A_644 = arith.constant 0 : i32
        %dma_start3A_645 = arith.constant 0 : i32
        %dma_start3A_646 = arith.constant 0 : i32
        %dma_start3A_647 = tpu.memref_slice %arg7[%dma_start3A_644, %dma_start3A_645, %dma_start3A_646] : memref<2x128x32xf32, #tpu.memory_space<vmem>> -> memref<1x128x32xf32, #tpu.memory_space<vmem>>
        %dma_start3A_648 = tpu.memref_squeeze %dma_start3A_647 : memref<1x128x32xf32, #tpu.memory_space<vmem>> -> memref<128x32xf32, #tpu.memory_space<vmem>>
        %dma_start3A_649 = arith.constant 0 : i32
        %dma_start3A_650 = tpu.memref_slice %arg6[%dma_start3A_643, %dma_start3A_649] : memref<2x128xi32, #tpu.memory_space<vmem>> -> memref<1x128xi32, #tpu.memory_space<vmem>>
        %dma_start3A_651 = tpu.memref_squeeze %dma_start3A_650 : memref<1x128xi32, #tpu.memory_space<vmem>> -> memref<128xi32, #tpu.memory_space<vmem>>
        %dma_start3A_652 = arith.constant 0 : i32
        %dma_start3A_653 = arith.constant 0 : i32
        %dma_start3A_654 = tpu.memref_slice %arg3[%dma_start3A_652, %dma_start3A_653] : memref<1000064x32xf32, #tpu.memory_space<hbm>> -> memref<1000064x32xf32, #tpu.memory_space<hbm>>
        tpu.enqueue_indirect_dma source(%dma_start3A_654 : memref<1000064x32xf32, #tpu.memory_space<hbm>>) target(%dma_start3A_648 : memref<128x32xf32, #tpu.memory_space<vmem>>) offsets(%dma_start3A_651 : memref<128xi32, #tpu.memory_space<vmem>>) semaphore(%arg10 : memref<!tpu.dma_semaphore, #tpu.memory_space<semaphore_mem>>)
      } else {
      }
      %add3A_439 = arith.constant 1 : i32
      %add3A_440 = arith.addi %add3A_319, %add3A_439 : i32
      %dma_wait3A_441 = arith.constant 1 : i32
      %dma_wait3A_442 = arith.constant 1 : i32
      %dma_wait3A_443 = arith.constant 0 : i32
      %dma_wait3A_444 = arith.constant 0 : i32
      %dma_wait3A_445 = tpu.memref_slice %arg7[%dma_wait3A_442, %dma_wait3A_443, %dma_wait3A_444] : memref<2x128x32xf32, #tpu.memory_space<vmem>> -> memref<1x128x32xf32, #tpu.memory_space<vmem>>
      %dma_wait3A_446 = tpu.memref_squeeze %dma_wait3A_445 : memref<1x128x32xf32, #tpu.memory_space<vmem>> -> memref<128x32xf32, #tpu.memory_space<vmem>>
      %dma_wait3A_447 = arith.constant 0 : i32
      %dma_wait3A_448 = tpu.memref_slice %arg6[%dma_wait3A_441, %dma_wait3A_447] : memref<2x128xi32, #tpu.memory_space<vmem>> -> memref<1x128xi32, #tpu.memory_space<vmem>>
      %dma_wait3A_449 = tpu.memref_squeeze %dma_wait3A_448 : memref<1x128xi32, #tpu.memory_space<vmem>> -> memref<128xi32, #tpu.memory_space<vmem>>
      %dma_wait3A_450 = arith.constant 0 : i32
      %dma_wait3A_451 = arith.constant 0 : i32
      %dma_wait3A_452 = tpu.memref_slice %arg3[%dma_wait3A_450, %dma_wait3A_451] : memref<1000064x32xf32, #tpu.memory_space<hbm>> -> memref<1000064x32xf32, #tpu.memory_space<hbm>>
      tpu.wait_indirect_dma semaphore(%arg11 : memref<!tpu.dma_semaphore, #tpu.memory_space<semaphore_mem>>) src(%dma_wait3A_452 : memref<1000064x32xf32, #tpu.memory_space<hbm>>) dst(%dma_wait3A_446 : memref<128x32xf32, #tpu.memory_space<vmem>>)
      %ge3A_453 = arith.constant 2 : i32
      %ge3A_454 = arith.cmpi sge, %add3A_440, %ge3A_453 : i32
      %convert_element_type3A_455 = arith.extui %ge3A_454 : i1 to i32
      %cond3A_456 = arith.constant 0 : i32
      %cond3A_457 = arith.cmpi ne, %convert_element_type3A_455, %cond3A_456 : i32
      scf.if %cond3A_457 {
        %dma_wait3A_562 = arith.constant 0 : i32
        %dma_wait3A_563 = arith.constant 0 : i32
        %dma_wait3A_564 = arith.constant 0 : i32
        %dma_wait3A_565 = tpu.memref_slice %arg9[%dma_wait3A_563, %dma_wait3A_564] : memref<32x129xf32, #tpu.memory_space<vmem>> -> memref<8x128xf32, #tpu.memory_space<vmem>>
        %dma_wait3A_566 = arith.constant 0 : i32
        %dma_wait3A_567 = arith.constant 0 : i32
        %dma_wait3A_568 = tpu.memref_slice %arg4[%dma_wait3A_562, %dma_wait3A_566, %dma_wait3A_567] : memref<25600x8x128xf32, #tpu.memory_space<hbm>> -> memref<1x8x128xf32, #tpu.memory_space<hbm>>
        %dma_wait3A_569 = tpu.memref_squeeze %dma_wait3A_568 : memref<1x8x128xf32, #tpu.memory_space<hbm>> -> memref<8x128xf32, #tpu.memory_space<hbm>>
        %dma_wait3A_570 = arith.constant 0 : i32
        %dma_wait3A_571 = arith.constant 0 : i32
        %dma_wait3A_572 = tpu.memref_slice %arg4[%dma_wait3A_562, %dma_wait3A_570, %dma_wait3A_571] : memref<25600x8x128xf32, #tpu.memory_space<hbm>> -> memref<1x8x128xf32, #tpu.memory_space<hbm>>
        %dma_wait3A_573 = tpu.memref_squeeze %dma_wait3A_572 : memref<1x8x128xf32, #tpu.memory_space<hbm>> -> memref<8x128xf32, #tpu.memory_space<hbm>>
        %dma_wait3A_574 = arith.constant 0 : i32
        %dma_wait3A_575 = arith.constant 0 : i32
        %dma_wait3A_576 = tpu.memref_slice %arg9[%dma_wait3A_574, %dma_wait3A_575] : memref<32x129xf32, #tpu.memory_space<vmem>> -> memref<8x128xf32, #tpu.memory_space<vmem>>
        tpu.wait_dma2 semaphore(%arg13 : memref<!tpu.dma_semaphore, #tpu.memory_space<semaphore_mem>>) src(%dma_wait3A_576 : memref<8x128xf32, #tpu.memory_space<vmem>>) dst(%dma_wait3A_573 : memref<8x128xf32, #tpu.memory_space<hbm>>)
        %dma_wait3A_577 = arith.constant 0 : i32
        %dma_wait3A_578 = arith.constant 8 : i32
        %dma_wait3A_579 = arith.constant 0 : i32
        %dma_wait3A_580 = tpu.memref_slice %arg9[%dma_wait3A_578, %dma_wait3A_579] : memref<32x129xf32, #tpu.memory_space<vmem>> -> memref<8x128xf32, #tpu.memory_space<vmem>>
        %dma_wait3A_581 = arith.constant 0 : i32
        %dma_wait3A_582 = arith.constant 0 : i32
        %dma_wait3A_583 = tpu.memref_slice %arg4[%dma_wait3A_577, %dma_wait3A_581, %dma_wait3A_582] : memref<25600x8x128xf32, #tpu.memory_space<hbm>> -> memref<1x8x128xf32, #tpu.memory_space<hbm>>
        %dma_wait3A_584 = tpu.memref_squeeze %dma_wait3A_583 : memref<1x8x128xf32, #tpu.memory_space<hbm>> -> memref<8x128xf32, #tpu.memory_space<hbm>>
        %dma_wait3A_585 = arith.constant 0 : i32
        %dma_wait3A_586 = arith.constant 0 : i32
        %dma_wait3A_587 = tpu.memref_slice %arg4[%dma_wait3A_577, %dma_wait3A_585, %dma_wait3A_586] : memref<25600x8x128xf32, #tpu.memory_space<hbm>> -> memref<1x8x128xf32, #tpu.memory_space<hbm>>
        %dma_wait3A_588 = tpu.memref_squeeze %dma_wait3A_587 : memref<1x8x128xf32, #tpu.memory_space<hbm>> -> memref<8x128xf32, #tpu.memory_space<hbm>>
        %dma_wait3A_589 = arith.constant 8 : i32
        %dma_wait3A_590 = arith.constant 0 : i32
        %dma_wait3A_591 = tpu.memref_slice %arg9[%dma_wait3A_589, %dma_wait3A_590] : memref<32x129xf32, #tpu.memory_space<vmem>> -> memref<8x128xf32, #tpu.memory_space<vmem>>
        tpu.wait_dma2 semaphore(%arg13 : memref<!tpu.dma_semaphore, #tpu.memory_space<semaphore_mem>>) src(%dma_wait3A_591 : memref<8x128xf32, #tpu.memory_space<vmem>>) dst(%dma_wait3A_588 : memref<8x128xf32, #tpu.memory_space<hbm>>)
        %dma_wait3A_592 = arith.constant 0 : i32
        %dma_wait3A_593 = arith.constant 16 : i32
        %dma_wait3A_594 = arith.constant 0 : i32
        %dma_wait3A_595 = tpu.memref_slice %arg9[%dma_wait3A_593, %dma_wait3A_594] : memref<32x129xf32, #tpu.memory_space<vmem>> -> memref<8x128xf32, #tpu.memory_space<vmem>>
        %dma_wait3A_596 = arith.constant 0 : i32
        %dma_wait3A_597 = arith.constant 0 : i32
        %dma_wait3A_598 = tpu.memref_slice %arg4[%dma_wait3A_592, %dma_wait3A_596, %dma_wait3A_597] : memref<25600x8x128xf32, #tpu.memory_space<hbm>> -> memref<1x8x128xf32, #tpu.memory_space<hbm>>
        %dma_wait3A_599 = tpu.memref_squeeze %dma_wait3A_598 : memref<1x8x128xf32, #tpu.memory_space<hbm>> -> memref<8x128xf32, #tpu.memory_space<hbm>>
        %dma_wait3A_600 = arith.constant 0 : i32
        %dma_wait3A_601 = arith.constant 0 : i32
        %dma_wait3A_602 = tpu.memref_slice %arg4[%dma_wait3A_592, %dma_wait3A_600, %dma_wait3A_601] : memref<25600x8x128xf32, #tpu.memory_space<hbm>> -> memref<1x8x128xf32, #tpu.memory_space<hbm>>
        %dma_wait3A_603 = tpu.memref_squeeze %dma_wait3A_602 : memref<1x8x128xf32, #tpu.memory_space<hbm>> -> memref<8x128xf32, #tpu.memory_space<hbm>>
        %dma_wait3A_604 = arith.constant 16 : i32
        %dma_wait3A_605 = arith.constant 0 : i32
        %dma_wait3A_606 = tpu.memref_slice %arg9[%dma_wait3A_604, %dma_wait3A_605] : memref<32x129xf32, #tpu.memory_space<vmem>> -> memref<8x128xf32, #tpu.memory_space<vmem>>
        tpu.wait_dma2 semaphore(%arg13 : memref<!tpu.dma_semaphore, #tpu.memory_space<semaphore_mem>>) src(%dma_wait3A_606 : memref<8x128xf32, #tpu.memory_space<vmem>>) dst(%dma_wait3A_603 : memref<8x128xf32, #tpu.memory_space<hbm>>)
        %dma_wait3A_607 = arith.constant 0 : i32
        %dma_wait3A_608 = arith.constant 24 : i32
        %dma_wait3A_609 = arith.constant 0 : i32
        %dma_wait3A_610 = tpu.memref_slice %arg9[%dma_wait3A_608, %dma_wait3A_609] : memref<32x129xf32, #tpu.memory_space<vmem>> -> memref<8x128xf32, #tpu.memory_space<vmem>>
        %dma_wait3A_611 = arith.constant 0 : i32
        %dma_wait3A_612 = arith.constant 0 : i32
        %dma_wait3A_613 = tpu.memref_slice %arg4[%dma_wait3A_607, %dma_wait3A_611, %dma_wait3A_612] : memref<25600x8x128xf32, #tpu.memory_space<hbm>> -> memref<1x8x128xf32, #tpu.memory_space<hbm>>
        %dma_wait3A_614 = tpu.memref_squeeze %dma_wait3A_613 : memref<1x8x128xf32, #tpu.memory_space<hbm>> -> memref<8x128xf32, #tpu.memory_space<hbm>>
        %dma_wait3A_615 = arith.constant 0 : i32
        %dma_wait3A_616 = arith.constant 0 : i32
        %dma_wait3A_617 = tpu.memref_slice %arg4[%dma_wait3A_607, %dma_wait3A_615, %dma_wait3A_616] : memref<25600x8x128xf32, #tpu.memory_space<hbm>> -> memref<1x8x128xf32, #tpu.memory_space<hbm>>
        %dma_wait3A_618 = tpu.memref_squeeze %dma_wait3A_617 : memref<1x8x128xf32, #tpu.memory_space<hbm>> -> memref<8x128xf32, #tpu.memory_space<hbm>>
        %dma_wait3A_619 = arith.constant 24 : i32
        %dma_wait3A_620 = arith.constant 0 : i32
        %dma_wait3A_621 = tpu.memref_slice %arg9[%dma_wait3A_619, %dma_wait3A_620] : memref<32x129xf32, #tpu.memory_space<vmem>> -> memref<8x128xf32, #tpu.memory_space<vmem>>
        tpu.wait_dma2 semaphore(%arg13 : memref<!tpu.dma_semaphore, #tpu.memory_space<semaphore_mem>>) src(%dma_wait3A_621 : memref<8x128xf32, #tpu.memory_space<vmem>>) dst(%dma_wait3A_618 : memref<8x128xf32, #tpu.memory_space<hbm>>)
      } else {
      }
      %scan3A_458 = arith.constant 0 : i32
      %scan3A_459 = arith.constant 32 : i32
      %scan3A_460 = arith.addi %scan3A_458, %scan3A_459 : i32
      %scan3A_461 = arith.constant 1 : i32
      scf.for %scan3A_562 = %scan3A_458 to %scan3A_460 step %scan3A_461  : i32 {
        %mul3A_563 = arith.constant 4 : i32
        %mul3A_564 = arith.muli %scan3A_562, %mul3A_563 : i32
        %add3A_565 = arith.constant 0 : i32
        %add3A_566 = arith.addi %add3A_565, %mul3A_564 : i32
        %add3A_567 = arith.constant 0 : i32
        %add3A_568 = arith.addi %add3A_566, %add3A_567 : i32
        %broadcast_in_dim3A = arith.constant 0 : i32
        %broadcast_in_dim3A_569 = vector.broadcast %broadcast_in_dim3A : i32 to vector<16xi32>
        %add3A_570 = vector.broadcast %add3A_568 : i32 to vector<16xi32>
        %add3A_571 = arith.addi %broadcast_in_dim3A_569, %add3A_570 : vector<16xi32>
        %get3A = arith.constant 1 : i32
        %get3A_572 = arith.index_cast %get3A : i32 to index
        %get3A_573 = arith.index_cast %add3A_568 : i32 to index
        %get3A_574 = arith.constant 0 : index
        %get3A_575 = tpu.vector_load %arg7[%get3A_572, %get3A_573, %get3A_574] {strides = array<i32>} : memref<2x128x32xf32, #tpu.memory_space<vmem>>, vector<16xf32>,
        %get3A_576 = arith.constant 1 : i32
        %get3A_577 = arith.index_cast %get3A_576 : i32 to index
        %get3A_578 = arith.index_cast %add3A_568 : i32 to index
        %get3A_579 = arith.constant 16 : index
        %get3A_580 = tpu.vector_load %arg7[%get3A_577, %get3A_578, %get3A_579] {strides = array<i32>} : memref<2x128x32xf32, #tpu.memory_space<vmem>>, vector<16xf32>,
        tpu.vector_store_idx %arg9[%iota3A, %add3A_571], %get3A_575 : memref<32x129xf32, #tpu.memory_space<vmem>>[vector<16xi32>, vector<16xi32>], vector<16xf32>,
        tpu.vector_store_idx %arg9[%add3A_6, %add3A_571], %get3A_580 : memref<32x129xf32, #tpu.memory_space<vmem>>[vector<16xi32>, vector<16xi32>], vector<16xf32>,
        %add3A_581 = arith.constant 1 : i32
        %add3A_582 = arith.addi %add3A_566, %add3A_581 : i32
        %broadcast_in_dim3A_583 = arith.constant 0 : i32
        %broadcast_in_dim3A_584 = vector.broadcast %broadcast_in_dim3A_583 : i32 to vector<16xi32>
        %add3A_585 = vector.broadcast %add3A_582 : i32 to vector<16xi32>
        %add3A_586 = arith.addi %broadcast_in_dim3A_584, %add3A_585 : vector<16xi32>
        %get3A_587 = arith.constant 1 : i32
        %get3A_588 = arith.index_cast %get3A_587 : i32 to index
        %get3A_589 = arith.index_cast %add3A_582 : i32 to index
        %get3A_590 = arith.constant 0 : index
        %get3A_591 = tpu.vector_load %arg7[%get3A_588, %get3A_589, %get3A_590] {strides = array<i32>} : memref<2x128x32xf32, #tpu.memory_space<vmem>>, vector<16xf32>,
        %get3A_592 = arith.constant 1 : i32
        %get3A_593 = arith.index_cast %get3A_592 : i32 to index
        %get3A_594 = arith.index_cast %add3A_582 : i32 to index
        %get3A_595 = arith.constant 16 : index
        %get3A_596 = tpu.vector_load %arg7[%get3A_593, %get3A_594, %get3A_595] {strides = array<i32>} : memref<2x128x32xf32, #tpu.memory_space<vmem>>, vector<16xf32>,
        tpu.vector_store_idx %arg9[%iota3A, %add3A_586], %get3A_591 : memref<32x129xf32, #tpu.memory_space<vmem>>[vector<16xi32>, vector<16xi32>], vector<16xf32>,
        tpu.vector_store_idx %arg9[%add3A_6, %add3A_586], %get3A_596 : memref<32x129xf32, #tpu.memory_space<vmem>>[vector<16xi32>, vector<16xi32>], vector<16xf32>,
        %add3A_597 = arith.constant 2 : i32
        %add3A_598 = arith.addi %add3A_566, %add3A_597 : i32
        %broadcast_in_dim3A_599 = arith.constant 0 : i32
        %broadcast_in_dim3A_600 = vector.broadcast %broadcast_in_dim3A_599 : i32 to vector<16xi32>
        %add3A_601 = vector.broadcast %add3A_598 : i32 to vector<16xi32>
        %add3A_602 = arith.addi %broadcast_in_dim3A_600, %add3A_601 : vector<16xi32>
        %get3A_603 = arith.constant 1 : i32
        %get3A_604 = arith.index_cast %get3A_603 : i32 to index
        %get3A_605 = arith.index_cast %add3A_598 : i32 to index
        %get3A_606 = arith.constant 0 : index
        %get3A_607 = tpu.vector_load %arg7[%get3A_604, %get3A_605, %get3A_606] {strides = array<i32>} : memref<2x128x32xf32, #tpu.memory_space<vmem>>, vector<16xf32>,
        %get3A_608 = arith.constant 1 : i32
        %get3A_609 = arith.index_cast %get3A_608 : i32 to index
        %get3A_610 = arith.index_cast %add3A_598 : i32 to index
        %get3A_611 = arith.constant 16 : index
        %get3A_612 = tpu.vector_load %arg7[%get3A_609, %get3A_610, %get3A_611] {strides = array<i32>} : memref<2x128x32xf32, #tpu.memory_space<vmem>>, vector<16xf32>,
        tpu.vector_store_idx %arg9[%iota3A, %add3A_602], %get3A_607 : memref<32x129xf32, #tpu.memory_space<vmem>>[vector<16xi32>, vector<16xi32>], vector<16xf32>,
        tpu.vector_store_idx %arg9[%add3A_6, %add3A_602], %get3A_612 : memref<32x129xf32, #tpu.memory_space<vmem>>[vector<16xi32>, vector<16xi32>], vector<16xf32>,
        %add3A_613 = arith.constant 3 : i32
        %add3A_614 = arith.addi %add3A_566, %add3A_613 : i32
        %broadcast_in_dim3A_615 = arith.constant 0 : i32
        %broadcast_in_dim3A_616 = vector.broadcast %broadcast_in_dim3A_615 : i32 to vector<16xi32>
        %add3A_617 = vector.broadcast %add3A_614 : i32 to vector<16xi32>
        %add3A_618 = arith.addi %broadcast_in_dim3A_616, %add3A_617 : vector<16xi32>
        %get3A_619 = arith.constant 1 : i32
        %get3A_620 = arith.index_cast %get3A_619 : i32 to index
        %get3A_621 = arith.index_cast %add3A_614 : i32 to index
        %get3A_622 = arith.constant 0 : index
        %get3A_623 = tpu.vector_load %arg7[%get3A_620, %get3A_621, %get3A_622] {strides = array<i32>} : memref<2x128x32xf32, #tpu.memory_space<vmem>>, vector<16xf32>,
        %get3A_624 = arith.constant 1 : i32
        %get3A_625 = arith.index_cast %get3A_624 : i32 to index
        %get3A_626 = arith.index_cast %add3A_614 : i32 to index
        %get3A_627 = arith.constant 16 : index
        %get3A_628 = tpu.vector_load %arg7[%get3A_625, %get3A_626, %get3A_627] {strides = array<i32>} : memref<2x128x32xf32, #tpu.memory_space<vmem>>, vector<16xf32>,
        tpu.vector_store_idx %arg9[%iota3A, %add3A_618], %get3A_623 : memref<32x129xf32, #tpu.memory_space<vmem>>[vector<16xi32>, vector<16xi32>], vector<16xf32>,
        tpu.vector_store_idx %arg9[%add3A_6, %add3A_618], %get3A_628 : memref<32x129xf32, #tpu.memory_space<vmem>>[vector<16xi32>, vector<16xi32>], vector<16xf32>,
      }
      %scan3A_462 = arith.constant 32 : i32
      %shift_right_logical3A_463 = arith.constant 2 : i32
      %shift_right_logical3A_464 = arith.shrui %add3A_440, %shift_right_logical3A_463 : i32
      %and3A_465 = arith.constant 3 : i32
      %and3A_466 = arith.andi %add3A_440, %and3A_465 : i32
      %mul3A_467 = arith.constant 4 : i32
      %mul3A_468 = arith.muli %shift_right_logical3A_464, %mul3A_467 : i32
      %add3A_469 = arith.constant 0 : i32
      %add3A_470 = arith.addi %mul3A_468, %add3A_469 : i32
      %mul3A_471 = arith.constant 128 : i32
      %mul3A_472 = arith.muli %add3A_470, %mul3A_471 : i32
      %add3A_473 = arith.addi %mul3A_472, %mul3A_8 : i32
      %add3A_474 = arith.addi %add3A_473, %and3A_466 : i32
      %dma_start3A_475 = arith.constant 0 : i32
      %dma_start3A_476 = arith.constant 0 : i32
      %dma_start3A_477 = tpu.memref_slice %arg9[%dma_start3A_475, %dma_start3A_476] : memref<32x129xf32, #tpu.memory_space<vmem>> -> memref<8x128xf32, #tpu.memory_space<vmem>>
      %dma_start3A_478 = arith.constant 0 : i32
      %dma_start3A_479 = arith.constant 0 : i32
      %dma_start3A_480 = tpu.memref_slice %arg4[%add3A_474, %dma_start3A_478, %dma_start3A_479] : memref<25600x8x128xf32, #tpu.memory_space<hbm>> -> memref<1x8x128xf32, #tpu.memory_space<hbm>>
      %dma_start3A_481 = tpu.memref_squeeze %dma_start3A_480 : memref<1x8x128xf32, #tpu.memory_space<hbm>> -> memref<8x128xf32, #tpu.memory_space<hbm>>
      %dma_start3A_482 = arith.constant 0 : i32
      %dma_start3A_483 = arith.constant 0 : i32
      %dma_start3A_484 = tpu.memref_slice %arg4[%add3A_474, %dma_start3A_482, %dma_start3A_483] : memref<25600x8x128xf32, #tpu.memory_space<hbm>> -> memref<1x8x128xf32, #tpu.memory_space<hbm>>
      %dma_start3A_485 = tpu.memref_squeeze %dma_start3A_484 : memref<1x8x128xf32, #tpu.memory_space<hbm>> -> memref<8x128xf32, #tpu.memory_space<hbm>>
      %dma_start3A_486 = arith.constant 0 : i32
      %dma_start3A_487 = arith.constant 0 : i32
      %dma_start3A_488 = tpu.memref_slice %arg9[%dma_start3A_486, %dma_start3A_487] : memref<32x129xf32, #tpu.memory_space<vmem>> -> memref<8x128xf32, #tpu.memory_space<vmem>>
      tpu.enqueue_dma source(%dma_start3A_488 : memref<8x128xf32, #tpu.memory_space<vmem>>) target(%dma_start3A_485 : memref<8x128xf32, #tpu.memory_space<hbm>>) target_semaphore(%arg13 : memref<!tpu.dma_semaphore, #tpu.memory_space<semaphore_mem>>)
      %mul3A_489 = arith.constant 4 : i32
      %mul3A_490 = arith.muli %shift_right_logical3A_464, %mul3A_489 : i32
      %add3A_491 = arith.constant 1 : i32
      %add3A_492 = arith.addi %mul3A_490, %add3A_491 : i32
      %mul3A_493 = arith.constant 128 : i32
      %mul3A_494 = arith.muli %add3A_492, %mul3A_493 : i32
      %add3A_495 = arith.addi %mul3A_494, %mul3A_8 : i32
      %add3A_496 = arith.addi %add3A_495, %and3A_466 : i32
      %dma_start3A_497 = arith.constant 8 : i32
      %dma_start3A_498 = arith.constant 0 : i32
      %dma_start3A_499 = tpu.memref_slice %arg9[%dma_start3A_497, %dma_start3A_498] : memref<32x129xf32, #tpu.memory_space<vmem>> -> memref<8x128xf32, #tpu.memory_space<vmem>>
      %dma_start3A_500 = arith.constant 0 : i32
      %dma_start3A_501 = arith.constant 0 : i32
      %dma_start3A_502 = tpu.memref_slice %arg4[%add3A_496, %dma_start3A_500, %dma_start3A_501] : memref<25600x8x128xf32, #tpu.memory_space<hbm>> -> memref<1x8x128xf32, #tpu.memory_space<hbm>>
      %dma_start3A_503 = tpu.memref_squeeze %dma_start3A_502 : memref<1x8x128xf32, #tpu.memory_space<hbm>> -> memref<8x128xf32, #tpu.memory_space<hbm>>
      %dma_start3A_504 = arith.constant 0 : i32
      %dma_start3A_505 = arith.constant 0 : i32
      %dma_start3A_506 = tpu.memref_slice %arg4[%add3A_496, %dma_start3A_504, %dma_start3A_505] : memref<25600x8x128xf32, #tpu.memory_space<hbm>> -> memref<1x8x128xf32, #tpu.memory_space<hbm>>
      %dma_start3A_507 = tpu.memref_squeeze %dma_start3A_506 : memref<1x8x128xf32, #tpu.memory_space<hbm>> -> memref<8x128xf32, #tpu.memory_space<hbm>>
      %dma_start3A_508 = arith.constant 8 : i32
      %dma_start3A_509 = arith.constant 0 : i32
      %dma_start3A_510 = tpu.memref_slice %arg9[%dma_start3A_508, %dma_start3A_509] : memref<32x129xf32, #tpu.memory_space<vmem>> -> memref<8x128xf32, #tpu.memory_space<vmem>>
      tpu.enqueue_dma source(%dma_start3A_510 : memref<8x128xf32, #tpu.memory_space<vmem>>) target(%dma_start3A_507 : memref<8x128xf32, #tpu.memory_space<hbm>>) target_semaphore(%arg13 : memref<!tpu.dma_semaphore, #tpu.memory_space<semaphore_mem>>)
      %mul3A_511 = arith.constant 4 : i32
      %mul3A_512 = arith.muli %shift_right_logical3A_464, %mul3A_511 : i32
      %add3A_513 = arith.constant 2 : i32
      %add3A_514 = arith.addi %mul3A_512, %add3A_513 : i32
      %mul3A_515 = arith.constant 128 : i32
      %mul3A_516 = arith.muli %add3A_514, %mul3A_515 : i32
      %add3A_517 = arith.addi %mul3A_516, %mul3A_8 : i32
      %add3A_518 = arith.addi %add3A_517, %and3A_466 : i32
      %dma_start3A_519 = arith.constant 16 : i32
      %dma_start3A_520 = arith.constant 0 : i32
      %dma_start3A_521 = tpu.memref_slice %arg9[%dma_start3A_519, %dma_start3A_520] : memref<32x129xf32, #tpu.memory_space<vmem>> -> memref<8x128xf32, #tpu.memory_space<vmem>>
      %dma_start3A_522 = arith.constant 0 : i32
      %dma_start3A_523 = arith.constant 0 : i32
      %dma_start3A_524 = tpu.memref_slice %arg4[%add3A_518, %dma_start3A_522, %dma_start3A_523] : memref<25600x8x128xf32, #tpu.memory_space<hbm>> -> memref<1x8x128xf32, #tpu.memory_space<hbm>>
      %dma_start3A_525 = tpu.memref_squeeze %dma_start3A_524 : memref<1x8x128xf32, #tpu.memory_space<hbm>> -> memref<8x128xf32, #tpu.memory_space<hbm>>
      %dma_start3A_526 = arith.constant 0 : i32
      %dma_start3A_527 = arith.constant 0 : i32
      %dma_start3A_528 = tpu.memref_slice %arg4[%add3A_518, %dma_start3A_526, %dma_start3A_527] : memref<25600x8x128xf32, #tpu.memory_space<hbm>> -> memref<1x8x128xf32, #tpu.memory_space<hbm>>
      %dma_start3A_529 = tpu.memref_squeeze %dma_start3A_528 : memref<1x8x128xf32, #tpu.memory_space<hbm>> -> memref<8x128xf32, #tpu.memory_space<hbm>>
      %dma_start3A_530 = arith.constant 16 : i32
      %dma_start3A_531 = arith.constant 0 : i32
      %dma_start3A_532 = tpu.memref_slice %arg9[%dma_start3A_530, %dma_start3A_531] : memref<32x129xf32, #tpu.memory_space<vmem>> -> memref<8x128xf32, #tpu.memory_space<vmem>>
      tpu.enqueue_dma source(%dma_start3A_532 : memref<8x128xf32, #tpu.memory_space<vmem>>) target(%dma_start3A_529 : memref<8x128xf32, #tpu.memory_space<hbm>>) target_semaphore(%arg13 : memref<!tpu.dma_semaphore, #tpu.memory_space<semaphore_mem>>)
      %mul3A_533 = arith.constant 4 : i32
      %mul3A_534 = arith.muli %shift_right_logical3A_464, %mul3A_533 : i32
      %add3A_535 = arith.constant 3 : i32
      %add3A_536 = arith.addi %mul3A_534, %add3A_535 : i32
      %mul3A_537 = arith.constant 128 : i32
      %mul3A_538 = arith.muli %add3A_536, %mul3A_537 : i32
      %add3A_539 = arith.addi %mul3A_538, %mul3A_8 : i32
      %add3A_540 = arith.addi %add3A_539, %and3A_466 : i32
      %dma_start3A_541 = arith.constant 24 : i32
      %dma_start3A_542 = arith.constant 0 : i32
      %dma_start3A_543 = tpu.memref_slice %arg9[%dma_start3A_541, %dma_start3A_542] : memref<32x129xf32, #tpu.memory_space<vmem>> -> memref<8x128xf32, #tpu.memory_space<vmem>>
      %dma_start3A_544 = arith.constant 0 : i32
      %dma_start3A_545 = arith.constant 0 : i32
      %dma_start3A_546 = tpu.memref_slice %arg4[%add3A_540, %dma_start3A_544, %dma_start3A_545] : memref<25600x8x128xf32, #tpu.memory_space<hbm>> -> memref<1x8x128xf32, #tpu.memory_space<hbm>>
      %dma_start3A_547 = tpu.memref_squeeze %dma_start3A_546 : memref<1x8x128xf32, #tpu.memory_space<hbm>> -> memref<8x128xf32, #tpu.memory_space<hbm>>
      %dma_start3A_548 = arith.constant 0 : i32
      %dma_start3A_549 = arith.constant 0 : i32
      %dma_start3A_550 = tpu.memref_slice %arg4[%add3A_540, %dma_start3A_548, %dma_start3A_549] : memref<25600x8x128xf32, #tpu.memory_space<hbm>> -> memref<1x8x128xf32, #tpu.memory_space<hbm>>
      %dma_start3A_551 = tpu.memref_squeeze %dma_start3A_550 : memref<1x8x128xf32, #tpu.memory_space<hbm>> -> memref<8x128xf32, #tpu.memory_space<hbm>>
      %dma_start3A_552 = arith.constant 24 : i32
      %dma_start3A_553 = arith.constant 0 : i32
      %dma_start3A_554 = tpu.memref_slice %arg9[%dma_start3A_552, %dma_start3A_553] : memref<32x129xf32, #tpu.memory_space<vmem>> -> memref<8x128xf32, #tpu.memory_space<vmem>>
      tpu.enqueue_dma source(%dma_start3A_554 : memref<8x128xf32, #tpu.memory_space<vmem>>) target(%dma_start3A_551 : memref<8x128xf32, #tpu.memory_space<hbm>>) target_semaphore(%arg13 : memref<!tpu.dma_semaphore, #tpu.memory_space<semaphore_mem>>)
      %add3A_555 = arith.constant 2 : i32
      %add3A_556 = arith.addi %add3A_440, %add3A_555 : i32
      %lt3A_557 = arith.constant 200 : i32
      %lt3A_558 = arith.cmpi slt, %add3A_556, %lt3A_557 : i32
      %convert_element_type3A_559 = arith.extui %lt3A_558 : i1 to i32
      %cond3A_560 = arith.constant 0 : i32
      %cond3A_561 = arith.cmpi ne, %convert_element_type3A_559, %cond3A_560 : i32
      scf.if %cond3A_561 {
        %add3A_562 = arith.constant 2 : i32
        %add3A_563 = arith.addi %add3A_440, %add3A_562 : i32
        %shift_right_logical3A_564 = arith.constant 2 : i32
        %shift_right_logical3A_565 = arith.shrui %add3A_563, %shift_right_logical3A_564 : i32
        %and3A_566 = arith.constant 3 : i32
        %and3A_567 = arith.andi %add3A_563, %and3A_566 : i32
        %mul3A_568 = arith.constant 6400 : i32
        %mul3A_569 = arith.muli %and3A_567, %mul3A_568 : i32
        %add3A_570 = arith.addi %mul3A_569, %shift_right_logical3A_565 : i32
        %add3A_571 = arith.constant 0 : i32
        %add3A_572 = arith.addi %add3A_570, %add3A_571 : i32
        %add3A_573 = vector.broadcast %add3A_572 : i32 to vector<16xi32>
        %add3A_574 = arith.addi %mul3A_3, %add3A_573 : vector<16xi32>
        %gather3A_575 = tpu.vector_load_idx %arg5[%add3A_574] : memref<25600xi32, #tpu.memory_space<vmem>>[vector<16xi32>], vector<16xi32>,
        %swap3A_576 = arith.constant 1 : i32
        %swap3A_577 = arith.index_cast %swap3A_576 : i32 to index
        %swap3A_578 = arith.constant 0 : index
        %swap3A_579 = tpu.vector_load %arg6[%swap3A_577, %swap3A_578] {strides = array<i32>} : memref<2x128xi32, #tpu.memory_space<vmem>>, vector<16xi32>,
        tpu.vector_store %arg6[%swap3A_577, %swap3A_578], %gather3A_575 {strides = array<i32>} : memref<2x128xi32, #tpu.memory_space<vmem>>, vector<16xi32>,
        %add3A_580 = arith.constant 800 : i32
        %add3A_581 = arith.addi %add3A_570, %add3A_580 : i32
        %add3A_582 = vector.broadcast %add3A_581 : i32 to vector<16xi32>
        %add3A_583 = arith.addi %mul3A_3, %add3A_582 : vector<16xi32>
        %gather3A_584 = tpu.vector_load_idx %arg5[%add3A_583] : memref<25600xi32, #tpu.memory_space<vmem>>[vector<16xi32>], vector<16xi32>,
        %swap3A_585 = arith.constant 1 : i32
        %swap3A_586 = arith.index_cast %swap3A_585 : i32 to index
        %swap3A_587 = arith.constant 16 : index
        %swap3A_588 = tpu.vector_load %arg6[%swap3A_586, %swap3A_587] {strides = array<i32>} : memref<2x128xi32, #tpu.memory_space<vmem>>, vector<16xi32>,
        tpu.vector_store %arg6[%swap3A_586, %swap3A_587], %gather3A_584 {strides = array<i32>} : memref<2x128xi32, #tpu.memory_space<vmem>>, vector<16xi32>,
        %add3A_589 = arith.constant 1600 : i32
        %add3A_590 = arith.addi %add3A_570, %add3A_589 : i32
        %add3A_591 = vector.broadcast %add3A_590 : i32 to vector<16xi32>
        %add3A_592 = arith.addi %mul3A_3, %add3A_591 : vector<16xi32>
        %gather3A_593 = tpu.vector_load_idx %arg5[%add3A_592] : memref<25600xi32, #tpu.memory_space<vmem>>[vector<16xi32>], vector<16xi32>,
        %swap3A_594 = arith.constant 1 : i32
        %swap3A_595 = arith.index_cast %swap3A_594 : i32 to index
        %swap3A_596 = arith.constant 32 : index
        %swap3A_597 = tpu.vector_load %arg6[%swap3A_595, %swap3A_596] {strides = array<i32>} : memref<2x128xi32, #tpu.memory_space<vmem>>, vector<16xi32>,
        tpu.vector_store %arg6[%swap3A_595, %swap3A_596], %gather3A_593 {strides = array<i32>} : memref<2x128xi32, #tpu.memory_space<vmem>>, vector<16xi32>,
        %add3A_598 = arith.constant 2400 : i32
        %add3A_599 = arith.addi %add3A_570, %add3A_598 : i32
        %add3A_600 = vector.broadcast %add3A_599 : i32 to vector<16xi32>
        %add3A_601 = arith.addi %mul3A_3, %add3A_600 : vector<16xi32>
        %gather3A_602 = tpu.vector_load_idx %arg5[%add3A_601] : memref<25600xi32, #tpu.memory_space<vmem>>[vector<16xi32>], vector<16xi32>,
        %swap3A_603 = arith.constant 1 : i32
        %swap3A_604 = arith.index_cast %swap3A_603 : i32 to index
        %swap3A_605 = arith.constant 48 : index
        %swap3A_606 = tpu.vector_load %arg6[%swap3A_604, %swap3A_605] {strides = array<i32>} : memref<2x128xi32, #tpu.memory_space<vmem>>, vector<16xi32>,
        tpu.vector_store %arg6[%swap3A_604, %swap3A_605], %gather3A_602 {strides = array<i32>} : memref<2x128xi32, #tpu.memory_space<vmem>>, vector<16xi32>,
        %add3A_607 = arith.constant 3200 : i32
        %add3A_608 = arith.addi %add3A_570, %add3A_607 : i32
        %add3A_609 = vector.broadcast %add3A_608 : i32 to vector<16xi32>
        %add3A_610 = arith.addi %mul3A_3, %add3A_609 : vector<16xi32>
        %gather3A_611 = tpu.vector_load_idx %arg5[%add3A_610] : memref<25600xi32, #tpu.memory_space<vmem>>[vector<16xi32>], vector<16xi32>,
        %swap3A_612 = arith.constant 1 : i32
        %swap3A_613 = arith.index_cast %swap3A_612 : i32 to index
        %swap3A_614 = arith.constant 64 : index
        %swap3A_615 = tpu.vector_load %arg6[%swap3A_613, %swap3A_614] {strides = array<i32>} : memref<2x128xi32, #tpu.memory_space<vmem>>, vector<16xi32>,
        tpu.vector_store %arg6[%swap3A_613, %swap3A_614], %gather3A_611 {strides = array<i32>} : memref<2x128xi32, #tpu.memory_space<vmem>>, vector<16xi32>,
        %add3A_616 = arith.constant 4000 : i32
        %add3A_617 = arith.addi %add3A_570, %add3A_616 : i32
        %add3A_618 = vector.broadcast %add3A_617 : i32 to vector<16xi32>
        %add3A_619 = arith.addi %mul3A_3, %add3A_618 : vector<16xi32>
        %gather3A_620 = tpu.vector_load_idx %arg5[%add3A_619] : memref<25600xi32, #tpu.memory_space<vmem>>[vector<16xi32>], vector<16xi32>,
        %swap3A_621 = arith.constant 1 : i32
        %swap3A_622 = arith.index_cast %swap3A_621 : i32 to index
        %swap3A_623 = arith.constant 80 : index
        %swap3A_624 = tpu.vector_load %arg6[%swap3A_622, %swap3A_623] {strides = array<i32>} : memref<2x128xi32, #tpu.memory_space<vmem>>, vector<16xi32>,
        tpu.vector_store %arg6[%swap3A_622, %swap3A_623], %gather3A_620 {strides = array<i32>} : memref<2x128xi32, #tpu.memory_space<vmem>>, vector<16xi32>,
        %add3A_625 = arith.constant 4800 : i32
        %add3A_626 = arith.addi %add3A_570, %add3A_625 : i32
        %add3A_627 = vector.broadcast %add3A_626 : i32 to vector<16xi32>
        %add3A_628 = arith.addi %mul3A_3, %add3A_627 : vector<16xi32>
        %gather3A_629 = tpu.vector_load_idx %arg5[%add3A_628] : memref<25600xi32, #tpu.memory_space<vmem>>[vector<16xi32>], vector<16xi32>,
        %swap3A_630 = arith.constant 1 : i32
        %swap3A_631 = arith.index_cast %swap3A_630 : i32 to index
        %swap3A_632 = arith.constant 96 : index
        %swap3A_633 = tpu.vector_load %arg6[%swap3A_631, %swap3A_632] {strides = array<i32>} : memref<2x128xi32, #tpu.memory_space<vmem>>, vector<16xi32>,
        tpu.vector_store %arg6[%swap3A_631, %swap3A_632], %gather3A_629 {strides = array<i32>} : memref<2x128xi32, #tpu.memory_space<vmem>>, vector<16xi32>,
        %add3A_634 = arith.constant 5600 : i32
        %add3A_635 = arith.addi %add3A_570, %add3A_634 : i32
        %add3A_636 = vector.broadcast %add3A_635 : i32 to vector<16xi32>
        %add3A_637 = arith.addi %mul3A_3, %add3A_636 : vector<16xi32>
        %gather3A_638 = tpu.vector_load_idx %arg5[%add3A_637] : memref<25600xi32, #tpu.memory_space<vmem>>[vector<16xi32>], vector<16xi32>,
        %swap3A_639 = arith.constant 1 : i32
        %swap3A_640 = arith.index_cast %swap3A_639 : i32 to index
        %swap3A_641 = arith.constant 112 : index
        %swap3A_642 = tpu.vector_load %arg6[%swap3A_640, %swap3A_641] {strides = array<i32>} : memref<2x128xi32, #tpu.memory_space<vmem>>, vector<16xi32>,
        tpu.vector_store %arg6[%swap3A_640, %swap3A_641], %gather3A_638 {strides = array<i32>} : memref<2x128xi32, #tpu.memory_space<vmem>>, vector<16xi32>,
        %dma_start3A_643 = arith.constant 1 : i32
        %dma_start3A_644 = arith.constant 1 : i32
        %dma_start3A_645 = arith.constant 0 : i32
        %dma_start3A_646 = arith.constant 0 : i32
        %dma_start3A_647 = tpu.memref_slice %arg7[%dma_start3A_644, %dma_start3A_645, %dma_start3A_646] : memref<2x128x32xf32, #tpu.memory_space<vmem>> -> memref<1x128x32xf32, #tpu.memory_space<vmem>>
        %dma_start3A_648 = tpu.memref_squeeze %dma_start3A_647 : memref<1x128x32xf32, #tpu.memory_space<vmem>> -> memref<128x32xf32, #tpu.memory_space<vmem>>
        %dma_start3A_649 = arith.constant 0 : i32
        %dma_start3A_650 = tpu.memref_slice %arg6[%dma_start3A_643, %dma_start3A_649] : memref<2x128xi32, #tpu.memory_space<vmem>> -> memref<1x128xi32, #tpu.memory_space<vmem>>
        %dma_start3A_651 = tpu.memref_squeeze %dma_start3A_650 : memref<1x128xi32, #tpu.memory_space<vmem>> -> memref<128xi32, #tpu.memory_space<vmem>>
        %dma_start3A_652 = arith.constant 0 : i32
        %dma_start3A_653 = arith.constant 0 : i32
        %dma_start3A_654 = tpu.memref_slice %arg3[%dma_start3A_652, %dma_start3A_653] : memref<1000064x32xf32, #tpu.memory_space<hbm>> -> memref<1000064x32xf32, #tpu.memory_space<hbm>>
        tpu.enqueue_indirect_dma source(%dma_start3A_654 : memref<1000064x32xf32, #tpu.memory_space<hbm>>) target(%dma_start3A_648 : memref<128x32xf32, #tpu.memory_space<vmem>>) offsets(%dma_start3A_651 : memref<128xi32, #tpu.memory_space<vmem>>) semaphore(%arg11 : memref<!tpu.dma_semaphore, #tpu.memory_space<semaphore_mem>>)
      } else {
      }
    }
    %scan3A_195 = arith.constant 100 : i32
    %dma_wait3A = arith.constant 0 : i32
    %dma_wait3A_196 = arith.constant 0 : i32
    %dma_wait3A_197 = arith.constant 0 : i32
    %dma_wait3A_198 = tpu.memref_slice %arg8[%dma_wait3A_196, %dma_wait3A_197] : memref<32x129xf32, #tpu.memory_space<vmem>> -> memref<8x128xf32, #tpu.memory_space<vmem>>
    %dma_wait3A_199 = arith.constant 0 : i32
    %dma_wait3A_200 = arith.constant 0 : i32
    %dma_wait3A_201 = tpu.memref_slice %arg4[%dma_wait3A, %dma_wait3A_199, %dma_wait3A_200] : memref<25600x8x128xf32, #tpu.memory_space<hbm>> -> memref<1x8x128xf32, #tpu.memory_space<hbm>>
    %dma_wait3A_202 = tpu.memref_squeeze %dma_wait3A_201 : memref<1x8x128xf32, #tpu.memory_space<hbm>> -> memref<8x128xf32, #tpu.memory_space<hbm>>
    %dma_wait3A_203 = arith.constant 0 : i32
    %dma_wait3A_204 = arith.constant 0 : i32
    %dma_wait3A_205 = tpu.memref_slice %arg4[%dma_wait3A, %dma_wait3A_203, %dma_wait3A_204] : memref<25600x8x128xf32, #tpu.memory_space<hbm>> -> memref<1x8x128xf32, #tpu.memory_space<hbm>>
    %dma_wait3A_206 = tpu.memref_squeeze %dma_wait3A_205 : memref<1x8x128xf32, #tpu.memory_space<hbm>> -> memref<8x128xf32, #tpu.memory_space<hbm>>
    %dma_wait3A_207 = arith.constant 0 : i32
    %dma_wait3A_208 = arith.constant 0 : i32
    %dma_wait3A_209 = tpu.memref_slice %arg8[%dma_wait3A_207, %dma_wait3A_208] : memref<32x129xf32, #tpu.memory_space<vmem>> -> memref<8x128xf32, #tpu.memory_space<vmem>>
    tpu.wait_dma2 semaphore(%arg12 : memref<!tpu.dma_semaphore, #tpu.memory_space<semaphore_mem>>) src(%dma_wait3A_209 : memref<8x128xf32, #tpu.memory_space<vmem>>) dst(%dma_wait3A_206 : memref<8x128xf32, #tpu.memory_space<hbm>>)
    %dma_wait3A_210 = arith.constant 0 : i32
    %dma_wait3A_211 = arith.constant 8 : i32
    %dma_wait3A_212 = arith.constant 0 : i32
    %dma_wait3A_213 = tpu.memref_slice %arg8[%dma_wait3A_211, %dma_wait3A_212] : memref<32x129xf32, #tpu.memory_space<vmem>> -> memref<8x128xf32, #tpu.memory_space<vmem>>
    %dma_wait3A_214 = arith.constant 0 : i32
    %dma_wait3A_215 = arith.constant 0 : i32
    %dma_wait3A_216 = tpu.memref_slice %arg4[%dma_wait3A_210, %dma_wait3A_214, %dma_wait3A_215] : memref<25600x8x128xf32, #tpu.memory_space<hbm>> -> memref<1x8x128xf32, #tpu.memory_space<hbm>>
    %dma_wait3A_217 = tpu.memref_squeeze %dma_wait3A_216 : memref<1x8x128xf32, #tpu.memory_space<hbm>> -> memref<8x128xf32, #tpu.memory_space<hbm>>
    %dma_wait3A_218 = arith.constant 0 : i32
    %dma_wait3A_219 = arith.constant 0 : i32
    %dma_wait3A_220 = tpu.memref_slice %arg4[%dma_wait3A_210, %dma_wait3A_218, %dma_wait3A_219] : memref<25600x8x128xf32, #tpu.memory_space<hbm>> -> memref<1x8x128xf32, #tpu.memory_space<hbm>>
    %dma_wait3A_221 = tpu.memref_squeeze %dma_wait3A_220 : memref<1x8x128xf32, #tpu.memory_space<hbm>> -> memref<8x128xf32, #tpu.memory_space<hbm>>
    %dma_wait3A_222 = arith.constant 8 : i32
    %dma_wait3A_223 = arith.constant 0 : i32
    %dma_wait3A_224 = tpu.memref_slice %arg8[%dma_wait3A_222, %dma_wait3A_223] : memref<32x129xf32, #tpu.memory_space<vmem>> -> memref<8x128xf32, #tpu.memory_space<vmem>>
    tpu.wait_dma2 semaphore(%arg12 : memref<!tpu.dma_semaphore, #tpu.memory_space<semaphore_mem>>) src(%dma_wait3A_224 : memref<8x128xf32, #tpu.memory_space<vmem>>) dst(%dma_wait3A_221 : memref<8x128xf32, #tpu.memory_space<hbm>>)
    %dma_wait3A_225 = arith.constant 0 : i32
    %dma_wait3A_226 = arith.constant 16 : i32
    %dma_wait3A_227 = arith.constant 0 : i32
    %dma_wait3A_228 = tpu.memref_slice %arg8[%dma_wait3A_226, %dma_wait3A_227] : memref<32x129xf32, #tpu.memory_space<vmem>> -> memref<8x128xf32, #tpu.memory_space<vmem>>
    %dma_wait3A_229 = arith.constant 0 : i32
    %dma_wait3A_230 = arith.constant 0 : i32
    %dma_wait3A_231 = tpu.memref_slice %arg4[%dma_wait3A_225, %dma_wait3A_229, %dma_wait3A_230] : memref<25600x8x128xf32, #tpu.memory_space<hbm>> -> memref<1x8x128xf32, #tpu.memory_space<hbm>>
    %dma_wait3A_232 = tpu.memref_squeeze %dma_wait3A_231 : memref<1x8x128xf32, #tpu.memory_space<hbm>> -> memref<8x128xf32, #tpu.memory_space<hbm>>
    %dma_wait3A_233 = arith.constant 0 : i32
    %dma_wait3A_234 = arith.constant 0 : i32
    %dma_wait3A_235 = tpu.memref_slice %arg4[%dma_wait3A_225, %dma_wait3A_233, %dma_wait3A_234] : memref<25600x8x128xf32, #tpu.memory_space<hbm>> -> memref<1x8x128xf32, #tpu.memory_space<hbm>>
    %dma_wait3A_236 = tpu.memref_squeeze %dma_wait3A_235 : memref<1x8x128xf32, #tpu.memory_space<hbm>> -> memref<8x128xf32, #tpu.memory_space<hbm>>
    %dma_wait3A_237 = arith.constant 16 : i32
    %dma_wait3A_238 = arith.constant 0 : i32
    %dma_wait3A_239 = tpu.memref_slice %arg8[%dma_wait3A_237, %dma_wait3A_238] : memref<32x129xf32, #tpu.memory_space<vmem>> -> memref<8x128xf32, #tpu.memory_space<vmem>>
    tpu.wait_dma2 semaphore(%arg12 : memref<!tpu.dma_semaphore, #tpu.memory_space<semaphore_mem>>) src(%dma_wait3A_239 : memref<8x128xf32, #tpu.memory_space<vmem>>) dst(%dma_wait3A_236 : memref<8x128xf32, #tpu.memory_space<hbm>>)
    %dma_wait3A_240 = arith.constant 0 : i32
    %dma_wait3A_241 = arith.constant 24 : i32
    %dma_wait3A_242 = arith.constant 0 : i32
    %dma_wait3A_243 = tpu.memref_slice %arg8[%dma_wait3A_241, %dma_wait3A_242] : memref<32x129xf32, #tpu.memory_space<vmem>> -> memref<8x128xf32, #tpu.memory_space<vmem>>
    %dma_wait3A_244 = arith.constant 0 : i32
    %dma_wait3A_245 = arith.constant 0 : i32
    %dma_wait3A_246 = tpu.memref_slice %arg4[%dma_wait3A_240, %dma_wait3A_244, %dma_wait3A_245] : memref<25600x8x128xf32, #tpu.memory_space<hbm>> -> memref<1x8x128xf32, #tpu.memory_space<hbm>>
    %dma_wait3A_247 = tpu.memref_squeeze %dma_wait3A_246 : memref<1x8x128xf32, #tpu.memory_space<hbm>> -> memref<8x128xf32, #tpu.memory_space<hbm>>
    %dma_wait3A_248 = arith.constant 0 : i32
    %dma_wait3A_249 = arith.constant 0 : i32
    %dma_wait3A_250 = tpu.memref_slice %arg4[%dma_wait3A_240, %dma_wait3A_248, %dma_wait3A_249] : memref<25600x8x128xf32, #tpu.memory_space<hbm>> -> memref<1x8x128xf32, #tpu.memory_space<hbm>>
    %dma_wait3A_251 = tpu.memref_squeeze %dma_wait3A_250 : memref<1x8x128xf32, #tpu.memory_space<hbm>> -> memref<8x128xf32, #tpu.memory_space<hbm>>
    %dma_wait3A_252 = arith.constant 24 : i32
    %dma_wait3A_253 = arith.constant 0 : i32
    %dma_wait3A_254 = tpu.memref_slice %arg8[%dma_wait3A_252, %dma_wait3A_253] : memref<32x129xf32, #tpu.memory_space<vmem>> -> memref<8x128xf32, #tpu.memory_space<vmem>>
    tpu.wait_dma2 semaphore(%arg12 : memref<!tpu.dma_semaphore, #tpu.memory_space<semaphore_mem>>) src(%dma_wait3A_254 : memref<8x128xf32, #tpu.memory_space<vmem>>) dst(%dma_wait3A_251 : memref<8x128xf32, #tpu.memory_space<hbm>>)
    %dma_wait3A_255 = arith.constant 0 : i32
    %dma_wait3A_256 = arith.constant 0 : i32
    %dma_wait3A_257 = arith.constant 0 : i32
    %dma_wait3A_258 = tpu.memref_slice %arg9[%dma_wait3A_256, %dma_wait3A_257] : memref<32x129xf32, #tpu.memory_space<vmem>> -> memref<8x128xf32, #tpu.memory_space<vmem>>
    %dma_wait3A_259 = arith.constant 0 : i32
    %dma_wait3A_260 = arith.constant 0 : i32
    %dma_wait3A_261 = tpu.memref_slice %arg4[%dma_wait3A_255, %dma_wait3A_259, %dma_wait3A_260] : memref<25600x8x128xf32, #tpu.memory_space<hbm>> -> memref<1x8x128xf32, #tpu.memory_space<hbm>>
    %dma_wait3A_262 = tpu.memref_squeeze %dma_wait3A_261 : memref<1x8x128xf32, #tpu.memory_space<hbm>> -> memref<8x128xf32, #tpu.memory_space<hbm>>
    %dma_wait3A_263 = arith.constant 0 : i32
    %dma_wait3A_264 = arith.constant 0 : i32
    %dma_wait3A_265 = tpu.memref_slice %arg4[%dma_wait3A_255, %dma_wait3A_263, %dma_wait3A_264] : memref<25600x8x128xf32, #tpu.memory_space<hbm>> -> memref<1x8x128xf32, #tpu.memory_space<hbm>>
    %dma_wait3A_266 = tpu.memref_squeeze %dma_wait3A_265 : memref<1x8x128xf32, #tpu.memory_space<hbm>> -> memref<8x128xf32, #tpu.memory_space<hbm>>
    %dma_wait3A_267 = arith.constant 0 : i32
    %dma_wait3A_268 = arith.constant 0 : i32
    %dma_wait3A_269 = tpu.memref_slice %arg9[%dma_wait3A_267, %dma_wait3A_268] : memref<32x129xf32, #tpu.memory_space<vmem>> -> memref<8x128xf32, #tpu.memory_space<vmem>>
    tpu.wait_dma2 semaphore(%arg13 : memref<!tpu.dma_semaphore, #tpu.memory_space<semaphore_mem>>) src(%dma_wait3A_269 : memref<8x128xf32, #tpu.memory_space<vmem>>) dst(%dma_wait3A_266 : memref<8x128xf32, #tpu.memory_space<hbm>>)
    %dma_wait3A_270 = arith.constant 0 : i32
    %dma_wait3A_271 = arith.constant 8 : i32
    %dma_wait3A_272 = arith.constant 0 : i32
    %dma_wait3A_273 = tpu.memref_slice %arg9[%dma_wait3A_271, %dma_wait3A_272] : memref<32x129xf32, #tpu.memory_space<vmem>> -> memref<8x128xf32, #tpu.memory_space<vmem>>
    %dma_wait3A_274 = arith.constant 0 : i32
    %dma_wait3A_275 = arith.constant 0 : i32
    %dma_wait3A_276 = tpu.memref_slice %arg4[%dma_wait3A_270, %dma_wait3A_274, %dma_wait3A_275] : memref<25600x8x128xf32, #tpu.memory_space<hbm>> -> memref<1x8x128xf32, #tpu.memory_space<hbm>>
    %dma_wait3A_277 = tpu.memref_squeeze %dma_wait3A_276 : memref<1x8x128xf32, #tpu.memory_space<hbm>> -> memref<8x128xf32, #tpu.memory_space<hbm>>
    %dma_wait3A_278 = arith.constant 0 : i32
    %dma_wait3A_279 = arith.constant 0 : i32
    %dma_wait3A_280 = tpu.memref_slice %arg4[%dma_wait3A_270, %dma_wait3A_278, %dma_wait3A_279] : memref<25600x8x128xf32, #tpu.memory_space<hbm>> -> memref<1x8x128xf32, #tpu.memory_space<hbm>>
    %dma_wait3A_281 = tpu.memref_squeeze %dma_wait3A_280 : memref<1x8x128xf32, #tpu.memory_space<hbm>> -> memref<8x128xf32, #tpu.memory_space<hbm>>
    %dma_wait3A_282 = arith.constant 8 : i32
    %dma_wait3A_283 = arith.constant 0 : i32
    %dma_wait3A_284 = tpu.memref_slice %arg9[%dma_wait3A_282, %dma_wait3A_283] : memref<32x129xf32, #tpu.memory_space<vmem>> -> memref<8x128xf32, #tpu.memory_space<vmem>>
    tpu.wait_dma2 semaphore(%arg13 : memref<!tpu.dma_semaphore, #tpu.memory_space<semaphore_mem>>) src(%dma_wait3A_284 : memref<8x128xf32, #tpu.memory_space<vmem>>) dst(%dma_wait3A_281 : memref<8x128xf32, #tpu.memory_space<hbm>>)
    %dma_wait3A_285 = arith.constant 0 : i32
    %dma_wait3A_286 = arith.constant 16 : i32
    %dma_wait3A_287 = arith.constant 0 : i32
    %dma_wait3A_288 = tpu.memref_slice %arg9[%dma_wait3A_286, %dma_wait3A_287] : memref<32x129xf32, #tpu.memory_space<vmem>> -> memref<8x128xf32, #tpu.memory_space<vmem>>
    %dma_wait3A_289 = arith.constant 0 : i32
    %dma_wait3A_290 = arith.constant 0 : i32
    %dma_wait3A_291 = tpu.memref_slice %arg4[%dma_wait3A_285, %dma_wait3A_289, %dma_wait3A_290] : memref<25600x8x128xf32, #tpu.memory_space<hbm>> -> memref<1x8x128xf32, #tpu.memory_space<hbm>>
    %dma_wait3A_292 = tpu.memref_squeeze %dma_wait3A_291 : memref<1x8x128xf32, #tpu.memory_space<hbm>> -> memref<8x128xf32, #tpu.memory_space<hbm>>
    %dma_wait3A_293 = arith.constant 0 : i32
    %dma_wait3A_294 = arith.constant 0 : i32
    %dma_wait3A_295 = tpu.memref_slice %arg4[%dma_wait3A_285, %dma_wait3A_293, %dma_wait3A_294] : memref<25600x8x128xf32, #tpu.memory_space<hbm>> -> memref<1x8x128xf32, #tpu.memory_space<hbm>>
    %dma_wait3A_296 = tpu.memref_squeeze %dma_wait3A_295 : memref<1x8x128xf32, #tpu.memory_space<hbm>> -> memref<8x128xf32, #tpu.memory_space<hbm>>
    %dma_wait3A_297 = arith.constant 16 : i32
    %dma_wait3A_298 = arith.constant 0 : i32
    %dma_wait3A_299 = tpu.memref_slice %arg9[%dma_wait3A_297, %dma_wait3A_298] : memref<32x129xf32, #tpu.memory_space<vmem>> -> memref<8x128xf32, #tpu.memory_space<vmem>>
    tpu.wait_dma2 semaphore(%arg13 : memref<!tpu.dma_semaphore, #tpu.memory_space<semaphore_mem>>) src(%dma_wait3A_299 : memref<8x128xf32, #tpu.memory_space<vmem>>) dst(%dma_wait3A_296 : memref<8x128xf32, #tpu.memory_space<hbm>>)
    %dma_wait3A_300 = arith.constant 0 : i32
    %dma_wait3A_301 = arith.constant 24 : i32
    %dma_wait3A_302 = arith.constant 0 : i32
    %dma_wait3A_303 = tpu.memref_slice %arg9[%dma_wait3A_301, %dma_wait3A_302] : memref<32x129xf32, #tpu.memory_space<vmem>> -> memref<8x128xf32, #tpu.memory_space<vmem>>
    %dma_wait3A_304 = arith.constant 0 : i32
    %dma_wait3A_305 = arith.constant 0 : i32
    %dma_wait3A_306 = tpu.memref_slice %arg4[%dma_wait3A_300, %dma_wait3A_304, %dma_wait3A_305] : memref<25600x8x128xf32, #tpu.memory_space<hbm>> -> memref<1x8x128xf32, #tpu.memory_space<hbm>>
    %dma_wait3A_307 = tpu.memref_squeeze %dma_wait3A_306 : memref<1x8x128xf32, #tpu.memory_space<hbm>> -> memref<8x128xf32, #tpu.memory_space<hbm>>
    %dma_wait3A_308 = arith.constant 0 : i32
    %dma_wait3A_309 = arith.constant 0 : i32
    %dma_wait3A_310 = tpu.memref_slice %arg4[%dma_wait3A_300, %dma_wait3A_308, %dma_wait3A_309] : memref<25600x8x128xf32, #tpu.memory_space<hbm>> -> memref<1x8x128xf32, #tpu.memory_space<hbm>>
    %dma_wait3A_311 = tpu.memref_squeeze %dma_wait3A_310 : memref<1x8x128xf32, #tpu.memory_space<hbm>> -> memref<8x128xf32, #tpu.memory_space<hbm>>
    %dma_wait3A_312 = arith.constant 24 : i32
    %dma_wait3A_313 = arith.constant 0 : i32
    %dma_wait3A_314 = tpu.memref_slice %arg9[%dma_wait3A_312, %dma_wait3A_313] : memref<32x129xf32, #tpu.memory_space<vmem>> -> memref<8x128xf32, #tpu.memory_space<vmem>>
    tpu.wait_dma2 semaphore(%arg13 : memref<!tpu.dma_semaphore, #tpu.memory_space<semaphore_mem>>) src(%dma_wait3A_314 : memref<8x128xf32, #tpu.memory_space<vmem>>) dst(%dma_wait3A_311 : memref<8x128xf32, #tpu.memory_space<hbm>>)
    return
  }
}

</mosaic_0001>

<sc_bundles>
// kernel: kernel.11.cloned.1.call-start
scs
__scs_entry_jumppad:
0x0: {  	(pc) =	sbr.rel $0x88, $3  }
0x1: {  	(tag) =	ssettag $0x0;
	lr =	simm.s32 $0x1  }
0x2: {  	[smem:$0x3F9F] =	sst lr;
	_ =	strace $0xD0000000  }
0x3: {  	_ = 	snop  }
0x4: {  	_ = 	snop  }
0x5: {  	_ = 	snop  }
0x6: {  	_ = 	snop  }
0x7: {  	_ = 	snop  }
__scs_overlays_trampoline_lowered:
0x8: {  	[smem:$0x3FAE] =	sst s0  }
0x9: {  	[smem:$0x3FAF] =	sst s1  }
0xa: {  	[smem:$0x3FB0] =	sst s2  }
0xb: {  	[smem:$0x3FB1] =	sst s3  }
0xc: {  	[smem:$0x3FB2] =	sst s4  }
0xd: {  	[smem:$0x3FB3] =	sst s5  }
0xe: {  	[smem:$0x3FB4] =	sst s6  }
0xf: {  	[smem:$0x3FB5] =	sst s7  }
0x10: {  	[smem:$0x3FB6] =	sst s8  }
0x11: {  	[smem:$0x3FB7] =	sst s9;
	s0 =	simm.s32 @!p0 $0x0  }
0x12: {  	s1 =	sld [smem:$0x3F9D];
	s0 =	simm.s32 @p0 $0x1  }
0x13: {  	[smem:$0x3FB8] =	sst s0;
	s0 =	simm.s32 @!p1 $0x0  }
0x14: {  	s2 =	sld [smem:$0x3F9C];
	s0 =	simm.s32 @p1 $0x1  }
0x15: {  	[smem:$0x3FB9] =	sst s0;
	s0 =	simm.s32 @!p2 $0x0  }
0x16: {  	s3 =	sld [smem:$0x3FDB];
	s0 =	simm.s32 @p2 $0x1  }
0x17: {  	s4 =	simm.s32 $0x1BF5;
	[smem:$0x3FBB] =	sst s0  }
0x18: {  	s0 =	sld [smem:$0x3F9E];
	_ =	swait.ge [sflag:s4], $0x0  }
0x19: {  	s7 =	sld [smem:$0x3F9F]  }
0x1a: {  	s8 =	sadd.s32 $0xFFFFE003, lr  }
0x1b: {  	s9 =	sadd.s32 $0xFFFFFEF7, lr;
	s5 =	simm.s32 $0xFFFFFFFF;
	p2 =	slt.u32 s8, $0xFFFFF086  }
0x1c: {  	p1 =	slt.u32 s9, $0xF7A;
	s5 =	simm.s32 @!p2 $0x0  }
0x1d: {  	s5 =	simm.s32 @p1 $0x1;
	p0 =	seq.s32 s7, s2  }
0x1e: {  	s7 =	smul.u32 @!p0 $0xF7A, s2;
	p2 =	seq.s32 @!p0 s5, $0x0  }
0x1f: {  	s9 =	smul.u32 $0xF7A, s1;
	s8 =	simm.s32 @!p0 $0x1BF5;
	p2 =	por !p2, p0  }
0x20: {  	[sflag:s8] =	ssyncset.s32 @!p0 $0xFFFFF086;
	s6 =	sadd.s32 @!p0 s3, s7;
	s7 =	simm.s32 @!p0 $0x108  }
0x21: {  	s3 =	sadd.s32 s3, s9;
	s6 =	sadd.s32 @!p0 $0x88, s6;
	s7 =	simm.s32 @p2 $0x1082  }
0x22: {  	[simem:s7], [sflag:s8] =	dma.local @!p0 [hbm:s6], $0xF7A  }
0x23: {  	s9 =	sor.u32 $0xD0000000, s2;
	s6 =	simm.s32 $0x108;
	_ =	swait.ge @!p0 [sflag:s8], $0x0  }
0x24: {  	s3 =	sadd.s32 $0x88, s3;
	s6 =	simm.s32 @!p1 $0x1082;
	[sflag:s4] =	ssyncset.s32 $0xFFFFF086  }
0x25: {  	[simem:s6], [sflag:s4] =	dma.local [hbm:s3], $0xF7A  }
0x26: {  	[smem:$0x3F9F] =	sst s1;
	(tag) =	ssettag s2;
	_ =	strace s9  }
0x27: {  	s1 =	sld [smem:$0x3FAF]  }
0x28: {  	s2 =	sld [smem:$0x3FB0]  }
0x29: {  	s4 =	sld [smem:$0x3FB2]  }
0x2a: {  	p0 =	seq.s32 s5, $0x0;
	s5 =	sld [smem:$0x3FB3]  }
0x2b: {  	s6 =	sld [smem:$0x3FB4]  }
0x2c: {  	s7 =	sld [smem:$0x3FB5]  }
0x2d: {  	s3 =	simm.s32 $0x108;
	s8 =	sld [smem:$0x3FB6]  }
0x2e: {  	s3 =	simm.s32 @!p0 $0x1082;
	s9 =	sld [smem:$0x3FB7]  }
0x2f: {  	lr =	sadd.s32 s0, s3;
	s0 =	sld [smem:$0x3FAE]  }
0x30: {  	s3 =	sld [smem:$0x3FB1]  }
0x31: {  	[smem:$0x3FBA] =	sst s10  }
0x32: {  	s10 =	sld [smem:$0x3FB8];
	_ =	sdelay $0x3  }
0x33: {  	p0 =	seq.s32 s10, $0x1;
	s10 =	sld [smem:$0x3FBA];
	_ =	sdelay $0x3  }
0x34: {  	[smem:$0x3FBA] =	sst s10  }
0x35: {  	s10 =	sld [smem:$0x3FB9];
	_ =	sdelay $0x3  }
0x36: {  	p1 =	seq.s32 s10, $0x1;
	s10 =	sld [smem:$0x3FBA];
	_ =	sdelay $0x3  }
0x37: {  	[smem:$0x3FBA] =	sst s10  }
0x38: {  	s10 =	sld [smem:$0x3FBB]  }
0x39: {  	_ = 	snop;
	(pc) =	sbr.ind lr, $3  }
0x3a: {  	_ = 	snop  }
0x3b: {  	_ = 	snop  }
0x3c: {  	p2 =	seq.s32 s10, $0x1;
	s10 =	sld [smem:$0x3FBA]  }
0x3d: {  	_ =	shalt  }
0x3e: {  	_ =	shalt  }
0x3f: {  	_ =	shalt  }
0x40: {  	_ =	shalt  }
0x41: {  	_ =	shalt  }
0x42: {  	_ =	shalt  }
0x43: {  	_ =	shalt  }
0x44: {  	_ =	shalt  }
0x45: {  	_ =	shalt  }
0x46: {  	_ =	shalt  }
0x47: {  	_ =	shalt  }
0x48: {  	_ =	shalt  }
0x49: {  	_ =	shalt  }
0x4a: {  	_ =	shalt  }
0x4b: {  	_ =	shalt  }
0x4c: {  	_ =	shalt  }
0x4d: {  	_ =	shalt  }
0x4e: {  	_ =	shalt  }
0x4f: {  	_ =	shalt  }
0x50: {  	_ =	shalt  }
0x51: {  	_ =	shalt  }
0x52: {  	_ =	shalt  }
0x53: {  	_ =	shalt  }
0x54: {  	_ =	shalt  }
0x55: {  	_ =	shalt  }
0x56: {  	_ =	shalt  }
0x57: {  	_ =	shalt  }
0x58: {  	_ =	shalt  }
0x59: {  	_ =	shalt  }
0x5a: {  	_ =	shalt  }
0x5b: {  	_ =	shalt  }
0x5c: {  	_ =	shalt  }
0x5d: {  	_ =	shalt  }
0x5e: {  	_ =	shalt  }
0x5f: {  	_ =	shalt  }
0x60: {  	_ =	shalt  }
0x61: {  	_ =	shalt  }
0x62: {  	_ =	shalt  }
0x63: {  	_ =	shalt  }
0x64: {  	_ =	shalt  }
0x65: {  	_ =	shalt  }
0x66: {  	_ =	shalt  }
0x67: {  	_ =	shalt  }
0x68: {  	_ =	shalt  }
0x69: {  	_ =	shalt  }
0x6a: {  	_ =	shalt  }
0x6b: {  	_ =	shalt  }
0x6c: {  	_ =	shalt  }
0x6d: {  	_ =	shalt  }
0x6e: {  	_ =	shalt  }
0x6f: {  	_ =	shalt  }
0x70: {  	_ =	shalt  }
0x71: {  	_ =	shalt  }
0x72: {  	_ =	shalt  }
0x73: {  	_ =	shalt  }
0x74: {  	_ =	shalt  }
0x75: {  	_ =	shalt  }
0x76: {  	_ =	shalt  }
0x77: {  	_ =	shalt  }
0x78: {  	_ =	shalt  }
0x79: {  	_ =	shalt  }
0x7a: {  	_ =	shalt  }
0x7b: {  	_ =	shalt  }
0x7c: {  	_ =	shalt  }
0x7d: {  	_ =	shalt  }
0x7e: {  	_ =	shalt  }
0x7f: {  	_ =	shalt  }
0x80: {  	_ =	shalt  }
0x81: {  	_ =	shalt  }
0x82: {  	_ =	shalt  }
0x83: {  	_ =	shalt  }
0x84: {  	_ =	shalt  }
0x85: {  	_ =	shalt  }
0x86: {  	_ =	shalt  }
0x87: {  	_ =	shalt  }
.Lfunc_end0:
.L_simem_size_0:
called_computation.2_lowered:
.L_overlay_start_0:
0x88: {  	s2 =	sld [smem:$0x3FD9]  }
0x89: {  	s3 =	sld [smem:$0x3FFE];
	_ =	sdelay $0x1  }
0x8a: {  	s1 =	srdreg.scid  }
0x8b: {  	s0 =	sand.u32 $0x1, s1  }
0x8c: {  	s17 =	sshll.u32 s0, $0xA;
	s2 =	sadd.s32 s3, s2  }
0x8d: {  	s2 =	sadd.s32 s2, s17  }
0x8e: {  	[smem:$0x3FC6] =	sst s2  }
0x8f: {  	_ = 	snop  }
0x90: {  	s2 =	sld [smem:$0x3FD0];
	(tm) =	ssettm $0x1  }
0x91: {  	s18 =	sld [smem:$0x3FFB];
	_ =	sdelay $0x3  }
0x92: {  	_ =	strace s18  }
0x93: {  	s3 =	sld [smem:$0x3FFC];
	_ =	sdelay $0x3  }
0x94: {  	_ =	strace s3  }
0x95: {  	s3 =	sld [smem:$0x3FFD];
	_ =	sdelay $0x3  }
0x96: {  	_ =	strace s3  }
0x97: {  	_ =	strace $0x8FFFFFFF  }
0x98: {  	s19 =	sld [smem:$0x3FDB];
	_ =	sdelay $0x1  }
0x99: {  	s4 =	simm.s32 $_scs_section_size  }
0x9a: {  	s5 =	simm.s32 $_size__tile_overlayer_lowered;
	s6 =	simm.s32 $_tile_overlayer_lowered  }
0x9b: {  	s22 =	simm.s32 $0x1BFF;
	s21 =	sshll.u32 s6, $0x1;
	s3 =	sadd.s32 s4, s19  }
0x9c: {  	s7 =	simm.s32 $0x0;
	s20 =	sshll.u32 s5, $0x1;
	s5 =	sadd.s32 s21, s3  }
0x9d: {  	[timem:s7], [sflag:s22] =	dma.local [hbm:s5], s20  }
0x9e: {  	_ =	swait.ge [sflag:s22], s20  }
0x9f: {  	s4 =	ssub.s32 $0x0, s20;
	[sflag:s22] =	ssyncset.done $0x0  }
0xa0: {  	[sflag:s22] =	ssyncadd.s32 s4;
	_ =	sdelay $0x1  }
0xa1: {  	s23 =	simm.s32 $0x1B8B  }
0xa2: {  	_ =	swait.ge [sflag:s23], $0x1  }
0xa3: {  	[sflag:s23] =	ssyncset.done $0x0  }
0xa4: {  	s25 =	simm.s32 $0x1B8E;
	s24 =	sld [smem:$0x3FFE];
	[sflag:s23] =	ssyncadd.s32 $0xFFFFFFFF  }
0xa5: {  	s26 =	simm.s32 $execute0_lowered;
	[smem:$0x3FD2] =	sst s25  }
0xa6: {  	s5 =	sshll.u32 s26, $0x1;
	_ =	strace $0x8000004C;
	[dreg:$0x1] =	wrdreg $0xFFFFFFFF  }
0xa7: {  	s28 =	simm.s32 $_size_execute0_lowered;
	s3 =	sadd.s32 s3, s5;
	[dreg:$0x0] =	wrdreg $0x0  }
0xa8: {  	s5 =	sshll.u32 s28, $0x1;
	[dreg:$0x2] =	wrdreg s3  }
0xa9: {  	[dreg:$0x3] =	wrdreg s5  }
0xaa: {  	[dreg:$0x4] =	wrdreg $0xC0  }
0xab: {  	_ =	task [dreg:s7], $0x5FFFF  }
0xac: {  	[dreg:$0x1] =	wrdreg $0xFFFFFFFF  }
0xad: {  	[dreg:$0x0] =	wrdreg $0x60  }
0xae: {  	[dreg:$0x2] =	wrdreg s24  }
0xaf: {  	[dreg:$0x3] =	wrdreg s2  }
0xb0: {  	[dreg:$0x4] =	wrdreg $0x9  }
0xb1: {  	_ =	task.clear_ibuf [dreg:s7], $0x5FFFF;
	_ =	strace $0x9000004C  }
0xb2: {  	s29 =	simm.s32 $0x9;
	_ =	strace $0x8000004E  }
0xb3: {  	_ =	swait.ge [sflag:s29], $0x1  }
0xb4: {  	[sflag:s29] =	ssyncadd.s32 $0xFFFFFFFF  }
0xb5: {  	_ =	strace $0x9000004E  }
0xb6: {  	_ =	sfence  }
0xb7: {  	s30 =	sld [smem:$0x0];
	_ =	sdelay $0x2  }
0xb8: {  	s31 =	sshll.u32 s1, $0xD;
	s1 =	sshrl.u32 s1, $0x2  }
0xb9: {  	s3 =	sand.u32 $0x4000, s31;
	s1 =	sadd.s32 s1, s30  }
0xba: {  	s0 =	sor.u32 s3, s0;
	s1 =	sshll.u32 s1, $0x11  }
0xbb: {  	s0 =	sor.u32 s1, s0  }
0xbc: {  	s0 =	sadd.s32 $0x8F2B, s0  }
0xbd: {  	[sflag:s0] =	ssyncadd.remote.s32 $0x1  }
0xbe: {  	_ =	sfence.sel $0xFFFF  }
0xbf: {  	[dreg:$0x0] =	wrdreg $0xFFFFFFFF;
	(pc) =	sbr.abs _section_cstart, $3  }
0xc0: {  	[dreg:$0x1] =	wrdreg $0xFFFFFFFF  }
0xc1: {  	_ =	task.clear_ibuf [dreg:s7], $0x2FFFF;
	_ =	strace $0x9FFFFFFF  }
0xc2: {  	(tm) =	ssettm $0x7FFFFFFF  }
0xc3: {  	_ =	shalt  }
tec
execute0_lowered:
.L_overlay_start_1:
0x0: {  	(tag) =	ssettag $0x1  }
0x1: {  	s0 =	rddreg [dreg:$0x0];
	s1 =	srdreg.scid  }
0x2: {  	s3 =	stileid.u32;
	s2 =	rddreg [dreg:$0x1]  }
0x3: {  	s12 =	simm.s32 $0x80;
	s17 =	simm.s32 $0x1;
	s18 =	simm.s32 $0x8500  }
0x4: {  	s30 =	simm.s32 $0x2;
	s31 =	simm.s32 $0x4;
	s14 =	simm.s32 $0xA2C0  }
0x5: {  	s15 =	simm.s32 $0xA348;
	s16 =	simm.s32 $0xA3D0;
	s19 =	simm.s32 $0xA458  }
0x6: {  	v11 =	vlaneseq.u32;
	s20 =	simm.s32 $0xA4E0;
	s21 =	simm.s32 $0xA568;
	s22 =	simm.s32 $0xA5F0  }
0x7: {  	s23 =	simm.s32 $0xA678;
	s1 =	sand.u32 $0x1, s1;
	s4 =	sshll.u32 s3, $0x1;
	v0 =	vmul.u32 $0x32, v11  }
0x8: {  	s3 =	simm.s32 $0x0;
	s8 =	sadd.s32 $0x8000, s2;
	s5 =	sor.u32 s1, s4  }
0x9: {  	s9 =	sadd.s32 $0xC000, s2;
	v11 =	vmul.u32 $0x88, v11;
	s1 =	ssub.s32 $0x2, s1;
	s4 =	smul.u32 $0xC80, s5;
	v1 =	vadd.s32 $0x320, v0  }
.Ltmp0:
0xa: {  	[smem:$0x7FF] =	sst s3;
	s6 =	sshrl.u32 s1, $0x1;
	v2 =	vadd.s32 $0x640, v0;
	v3 =	vadd.s32 $0x960, v0;
	v4 =	vadd.s32 $0xC80, v0;
	(pc) =	sbr.rel .LBB2_1-.Ltmp0, $4  }
0xb: {  	_ =	strace $0x8000004D;
	s5 =	sshll.u32 s5, $0x2;
	v5 =	vadd.s32 $0xFA0, v0;
	v6 =	vadd.s32 $0x12C0, v0;
	v7 =	vadd.s32 $0x15E0, v0;
	s28 =	ssub.s32 s1, s6  }
0xc: {  	v8 =	vadd.s32 $0x1900, v0;
	v9 =	vadd.s32 $0x1C20, v0;
	v10 =	vadd.s32 $0x1F40, v0;
	s7 =	sadd.s32 s4, s0;
	s4 =	sadd.s32 $0x3D1800, s0;
	s0 =	smax.u32 s28, $0x1  }
0xd: {  	v12 =	vadd.s32 $0x2260, v0;
	v13 =	vadd.s32 $0x2580, v0;
	v14 =	vadd.s32 $0x28A0, v0;
	s1 =	simm.s32 $0x9600;
	s29 =	sadd.s32 $0x7A2200, s7;
	[dreg:$0x4] =	wrdreg s0  }
0xe: {  	v15 =	vadd.s32 $0x2BC0, v0;
	v16 =	vadd.s32 $0x2EE0, v0;
	v17 =	vadd.s32 $0x880, v11;
	s6 =	simm.s32 $0x0;
	s7 =	sadd.s32 $0x4000, s2;
	[dreg:$0x3] =	wrdreg s29  }
.LBB2_12:
0xf: {  	s0 =	simm.s32 $0x3  }
0x10: {  	_ =	swait.ge [sflag:s0], $0x400  }
0x11: {  	[sflag:s0] =	ssyncset.done $0x0  }
0x12: {  	[sflag:s0] =	ssyncadd.s32 $0xFFFFFC00  }
0x13: {  	_ =	swait.ge [sflag:s0], $0x400  }
0x14: {  	[sflag:s0] =	ssyncset.done $0x0  }
0x15: {  	[sflag:s0] =	ssyncadd.s32 $0xFFFFFC00  }
0x16: {  	_ =	swait.ge [sflag:s0], $0x400  }
0x17: {  	[sflag:s0] =	ssyncset.done $0x0  }
0x18: {  	[sflag:s0] =	ssyncadd.s32 $0xFFFFFC00  }
0x19: {  	_ =	swait.ge [sflag:s0], $0x400  }
0x1a: {  	[sflag:s0] =	ssyncset.done $0x0  }
0x1b: {  	[sflag:s0] =	ssyncadd.s32 $0xFFFFFC00  }
0x1c: {  	_ =	swait.ge [sflag:s31], $0x400  }
0x1d: {  	[sflag:s31] =	ssyncset.done $0x0  }
0x1e: {  	[sflag:s31] =	ssyncadd.s32 $0xFFFFFC00  }
0x1f: {  	_ =	swait.ge [sflag:s31], $0x400  }
0x20: {  	[sflag:s31] =	ssyncset.done $0x0  }
0x21: {  	[sflag:s31] =	ssyncadd.s32 $0xFFFFFC00  }
0x22: {  	_ =	swait.ge [sflag:s31], $0x400  }
0x23: {  	[sflag:s31] =	ssyncset.done $0x0  }
0x24: {  	[sflag:s31] =	ssyncadd.s32 $0xFFFFFC00  }
0x25: {  	_ =	swait.ge [sflag:s31], $0x400  }
0x26: {  	s6 =	rddreg [dreg:$0x5]  }
0x27: {  	s29 =	rddreg [dreg:$0x4];
	s6 =	sadd.s32 $0x1, s6  }
0x28: {  	p0 =	sne.s32 s6, s29  }
.Ltmp1:
0x29: {  	_ = 	snop;
	(pc) =	sbr.rel @!p0 .LBB2_13-.Ltmp1, $3  }
0x2a: {  	_ =	sdelay $0x1  }
0x2b: {  	[sflag:s31] =	ssyncset.done $0x0  }
0x2c: {  	[sflag:s31] =	ssyncadd.s32 $0xFFFFFC00  }
.LBB2_1:
0x2d: {  	[dreg:$0x5] =	wrdreg s6  }
0x2e: {  	s0 =	rddreg [dreg:$0x3];
	s24 =	simm.s32 $0x5  }
0x2f: {  	[tilespmem:s3], [sflag:$0x5] =	stream.linear.gather [hbm4b:s0+s3], $0x6400, $0x38;
	[tilespmem:$0xA700] =	vst v63  }
0x30: {  	_ =	swait.ge [sflag:s24], $0x6400  }
0x31: {  	[sflag:s24] =	ssyncset.done $0x0  }
0x32: {  	[sflag:s24] =	ssyncadd.s32 $0xFFFF9C00  }
0x33: {  	v18 =	vld.idx.msk [tilespmem:v0+s3+$0x0], $0xffff;
	_ =	sdelay $0x4  }
0x34: {  	[tilespmem:$0x6400] =	vst v18  }
0x35: {  	v18 =	vld.idx.msk [tilespmem:v1+s3+$0x0], $0xffff;
	_ =	sdelay $0x4  }
0x36: {  	[tilespmem:$0x6410] =	vst v18  }
0x37: {  	v18 =	vld.idx.msk [tilespmem:v2+s3+$0x0], $0xffff;
	_ =	sdelay $0x4  }
0x38: {  	[tilespmem:$0x6420] =	vst v18  }
0x39: {  	v18 =	vld.idx.msk [tilespmem:v3+s3+$0x0], $0xffff;
	_ =	sdelay $0x4  }
0x3a: {  	[tilespmem:$0x6430] =	vst v18  }
0x3b: {  	v18 =	vld.idx.msk [tilespmem:v4+s3+$0x0], $0xffff;
	_ =	sdelay $0x4  }
0x3c: {  	[tilespmem:$0x6440] =	vst v18  }
0x3d: {  	v18 =	vld.idx.msk [tilespmem:v5+s3+$0x0], $0xffff;
	_ =	sdelay $0x4  }
0x3e: {  	[tilespmem:$0x6450] =	vst v18  }
0x3f: {  	v18 =	vld.idx.msk [tilespmem:v6+s3+$0x0], $0xffff;
	_ =	sdelay $0x4  }
0x40: {  	[tilespmem:$0x6460] =	vst v18  }
0x41: {  	v18 =	vld.idx.msk [tilespmem:v7+s3+$0x0], $0xffff;
	_ =	sdelay $0x4  }
0x42: {  	s25 =	simm.s32 $0x6400;
	s26 =	simm.s32 $0x6500;
	[tilespmem:$0x6470] =	vst v18  }
0x43: {  	[tilespmem:s26], [sflag:$0x1] =	stream.indirect.gather [hbm4b:s4+s12], $0x20, s25, s12, $0xb8;
	[tilespmem:$0xA700] =	vst v63  }
0x44: {  	v18 =	vld.idx.msk [tilespmem:v8+s3+$0x0], $0xffff;
	_ =	sdelay $0x4  }
0x45: {  	[tilespmem:$0x6480] =	vst v18  }
0x46: {  	v18 =	vld.idx.msk [tilespmem:v9+s3+$0x0], $0xffff;
	_ =	sdelay $0x4  }
0x47: {  	[tilespmem:$0x6490] =	vst v18  }
0x48: {  	v18 =	vld.idx.msk [tilespmem:v10+s3+$0x0], $0xffff;
	_ =	sdelay $0x4  }
0x49: {  	[tilespmem:$0x64A0] =	vst v18  }
0x4a: {  	v18 =	vld.idx.msk [tilespmem:v12+s3+$0x0], $0xffff;
	_ =	sdelay $0x4  }
0x4b: {  	[tilespmem:$0x64B0] =	vst v18  }
0x4c: {  	v18 =	vld.idx.msk [tilespmem:v13+s3+$0x0], $0xffff;
	_ =	sdelay $0x4  }
0x4d: {  	[tilespmem:$0x64C0] =	vst v18  }
0x4e: {  	v18 =	vld.idx.msk [tilespmem:v14+s3+$0x0], $0xffff;
	_ =	sdelay $0x4  }
0x4f: {  	[tilespmem:$0x64D0] =	vst v18  }
0x50: {  	v18 =	vld.idx.msk [tilespmem:v15+s3+$0x0], $0xffff;
	_ =	sdelay $0x4  }
0x51: {  	[tilespmem:$0x64E0] =	vst v18  }
0x52: {  	v18 =	vld.idx.msk [tilespmem:v16+s3+$0x0], $0xffff;
	_ =	sdelay $0x4  }
0x53: {  	s28 =	simm.s32 $0x6480;
	s29 =	simm.s32 $0x7500;
	s24 =	simm.s32 $0x0;
	[tilespmem:$0x64F0] =	vst v18  }
0x54: {  	[tilespmem:s29], [sflag:$0x2] =	stream.indirect.gather [hbm4b:s4+s12], $0x20, s28, s12, $0xb8;
	[tilespmem:$0xA700] =	vst v63  }
.LBB2_2:
0x55: {  	_ =	swait.ge [sflag:s17], $0x1000  }
0x56: {  	p0 =	seq.s32 s24, $0x0;
	[sflag:s17] =	ssyncset.done $0x0  }
0x57: {  	s0 =	simm.s32 @!p0 $0x3;
	[sflag:s17] =	ssyncadd.s32 $0xFFFFF000  }
0x58: {  	_ =	swait.ge @!p0 [sflag:s0], $0x400  }
0x59: {  	[sflag:s0] =	ssyncset.done @!p0 $0x0  }
0x5a: {  	[sflag:s0] =	ssyncadd.s32 @!p0 $0xFFFFFC00  }
0x5b: {  	_ =	swait.ge @!p0 [sflag:s0], $0x400  }
0x5c: {  	[sflag:s0] =	ssyncset.done @!p0 $0x0  }
0x5d: {  	[sflag:s0] =	ssyncadd.s32 @!p0 $0xFFFFFC00  }
0x5e: {  	_ =	swait.ge @!p0 [sflag:s0], $0x400  }
0x5f: {  	[sflag:s0] =	ssyncset.done @!p0 $0x0  }
0x60: {  	[sflag:s0] =	ssyncadd.s32 @!p0 $0xFFFFFC00  }
0x61: {  	s6 =	simm.s32 $0x0;
	_ =	swait.ge @!p0 [sflag:s0], $0x400  }
0x62: {  	v18 =	vmov s6;
	[sflag:s0] =	ssyncset.done @!p0 $0x0  }
0x63: {  	s26 =	simm.s32 $0x6540;
	v18 =	vand.u32 $0x7C, v18;
	[sflag:s0] =	ssyncadd.s32 @!p0 $0xFFFFFC00  }
0x64: {  	v20 =	vadd.s32 v11, v18;
	v19 =	vld [tilespmem:s26+$0xFFFFFFC0]  }
0x65: {  	v18 =	vadd.s32 v17, v18;
	v21 =	vld [tilespmem:s26+$0xFFFFFFD0];
	_ =	sdelay $0x2  }
0x66: {  	s25 =	simm.s32 $0x1  }
0x67: {  	[tilespmem:v20+s18+$0x0] =	vst.idx.msk $0xffff, v19;
	v19 =	vmov s25  }
0x68: {  	[tilespmem:v18+s18+$0x0] =	vst.idx.msk $0xffff, v21;
	v18 =	vand.u32 $0x7D, v19  }
0x69: {  	v19 =	vld [tilespmem:s26+$0xFFFFFFE0];
	v20 =	vadd.s32 v11, v18  }
0x6a: {  	v21 =	vld [tilespmem:s26+$0xFFFFFFF0];
	v18 =	vadd.s32 v17, v18;
	_ =	sdelay $0x2  }
0x6b: {  	s28 =	simm.s32 $0x2  }
0x6c: {  	[tilespmem:v20+s18+$0x0] =	vst.idx.msk $0xffff, v19;
	v19 =	vmov s28  }
0x6d: {  	[tilespmem:v18+s18+$0x0] =	vst.idx.msk $0xffff, v21;
	v18 =	vand.u32 $0x7E, v19  }
0x6e: {  	v19 =	vld [tilespmem:s26+$0x0];
	v20 =	vadd.s32 v11, v18  }
0x6f: {  	v21 =	vld [tilespmem:s26+$0x10];
	v18 =	vadd.s32 v17, v18;
	_ =	sdelay $0x2  }
0x70: {  	s29 =	simm.s32 $0x3  }
0x71: {  	[tilespmem:v20+s18+$0x0] =	vst.idx.msk $0xffff, v19;
	v19 =	vmov s29  }
0x72: {  	[tilespmem:v18+s18+$0x0] =	vst.idx.msk $0xffff, v21;
	v19 =	vand.u32 $0x7F, v19  }
0x73: {  	v21 =	vld [tilespmem:s26+$0x20];
	v22 =	vadd.s32 v11, v19;
	_ =	sdelay $0x1  }
0x74: {  	v18 =	vld [tilespmem:s26+$0x30];
	v19 =	vadd.s32 v17, v19;
	_ =	sdelay $0x1  }
0x75: {  	s0 =	simm.s32 $0x4  }
0x76: {  	s6 =	simm.s32 $0x8;
	s25 =	sshll.u32 s24, $0x1;
	v20 =	vmov s0;
	[tilespmem:v22+s18+$0x0] =	vst.idx.msk $0xffff, v21  }
.LBB2_3:
0x77: {  	p1 =	sne.s32 s6, $0x7C  }
0x78: {  	v20 =	vand.u32 $0x7C, v20;
	[tilespmem:v19+s18+$0x0] =	vst.idx.msk $0xffff, v18;
	s26 =	sadd.s32 $0x80, s26;
	s10 =	smov.u32 s6;
	s6 =	sadd.s32 $0x4, s6  }
0x79: {  	v18 =	vld [tilespmem:s26+$0xFFFFFFC0];
	v19 =	vadd.s32 v11, v20  }
0x7a: {  	v20 =	vadd.s32 v17, v20;
	v21 =	vld [tilespmem:s26+$0xFFFFFFD0];
	_ =	sdelay $0x2  }
0x7b: {  	s28 =	sadd.s32 $0x1, s0  }
0x7c: {  	[tilespmem:v19+s18+$0x0] =	vst.idx.msk $0xffff, v18;
	v18 =	vmov s28  }
0x7d: {  	[tilespmem:v20+s18+$0x0] =	vst.idx.msk $0xffff, v21;
	v18 =	vand.u32 $0x7D, v18  }
0x7e: {  	v19 =	vld [tilespmem:s26+$0xFFFFFFE0];
	v20 =	vadd.s32 v11, v18  }
0x7f: {  	v18 =	vadd.s32 v17, v18;
	v21 =	vld [tilespmem:s26+$0xFFFFFFF0];
	_ =	sdelay $0x2  }
0x80: {  	s28 =	sadd.s32 $0x2, s0  }
0x81: {  	[tilespmem:v20+s18+$0x0] =	vst.idx.msk $0xffff, v19;
	v19 =	vmov s28  }
0x82: {  	[tilespmem:v18+s18+$0x0] =	vst.idx.msk $0xffff, v21;
	v18 =	vand.u32 $0x7E, v19  }
0x83: {  	v19 =	vld [tilespmem:s26+$0x0];
	v20 =	vadd.s32 v11, v18  }
0x84: {  	v18 =	vadd.s32 v17, v18;
	v21 =	vld [tilespmem:s26+$0x10];
	_ =	sdelay $0x2  }
0x85: {  	s28 =	sadd.s32 $0x3, s0;
	s0 =	smov.u32 s10  }
0x86: {  	[tilespmem:v20+s18+$0x0] =	vst.idx.msk $0xffff, v19;
	v19 =	vmov s28  }
0x87: {  	[tilespmem:v18+s18+$0x0] =	vst.idx.msk $0xffff, v21;
	v19 =	vand.u32 $0x7F, v19  }
0x88: {  	v21 =	vld [tilespmem:s26+$0x20];
	v22 =	vadd.s32 v11, v19  }
.Ltmp2:
0x89: {  	v19 =	vadd.s32 v17, v19;
	v18 =	vld [tilespmem:s26+$0x30];
	(pc) =	sbr.rel @p1 .LBB2_3-.Ltmp2, $2  }
0x8a: {  	_ =	sdelay $0x2  }
0x8b: {  	v20 =	vmov s0;
	[tilespmem:v22+s18+$0x0] =	vst.idx.msk $0xffff, v21  }
0x8c: {  	_ =	sdelay $0x3  }
0x8d: {  	v20 =	vand.u32 $0x7C, v20;
	[tilespmem:v19+s18+$0x0] =	vst.idx.msk $0xffff, v18;
	s6 =	sadd.s32 $0x80, s26  }
0x8e: {  	v18 =	vld [tilespmem:s6+$0xFFFFFFC0];
	v19 =	vadd.s32 v11, v20  }
0x8f: {  	v21 =	vld [tilespmem:s6+$0xFFFFFFD0];
	v20 =	vadd.s32 v17, v20;
	_ =	sdelay $0x2  }
0x90: {  	s10 =	sadd.s32 $0x1, s0  }
0x91: {  	[tilespmem:v19+s18+$0x0] =	vst.idx.msk $0xffff, v18;
	v18 =	vmov s10  }
0x92: {  	[tilespmem:v20+s18+$0x0] =	vst.idx.msk $0xffff, v21;
	v18 =	vand.u32 $0x7D, v18  }
0x93: {  	v19 =	vld [tilespmem:s6+$0xFFFFFFE0];
	v61 =	vadd.s32 v11, v18  }
0x94: {  	v21 =	vld [tilespmem:s6+$0xFFFFFFF0];
	v18 =	vadd.s32 v17, v18;
	_ =	sdelay $0x2  }
0x95: {  	s26 =	sadd.s32 $0x2, s0  }
0x96: {  	[tilespmem:v61+s18+$0x0] =	vst.idx.msk $0xffff, v19;
	v19 =	vmov s26  }
0x97: {  	[tilespmem:v18+s18+$0x0] =	vst.idx.msk $0xffff, v21;
	v18 =	vand.u32 $0x7E, v19  }
0x98: {  	v19 =	vld [tilespmem:s6+$0x0];
	v62 =	vadd.s32 v11, v18  }
0x99: {  	v21 =	vld [tilespmem:s6+$0x10];
	v18 =	vadd.s32 v17, v18;
	_ =	sdelay $0x2  }
0x9a: {  	s10 =	sadd.s32 $0x3, s0  }
0x9b: {  	[tilespmem:v62+s18+$0x0] =	vst.idx.msk $0xffff, v19;
	v19 =	vmov s10  }
0x9c: {  	[tilespmem:v18+s18+$0x0] =	vst.idx.msk $0xffff, v21;
	v18 =	vand.u32 $0x7F, v19  }
0x9d: {  	s0 =	sshll.u32 s24, $0x8;
	v19 =	vld [tilespmem:s6+$0x20];
	v63 =	vadd.s32 v11, v18  }
0x9e: {  	s11 =	sand.u32 $0x7E00, s0;
	v21 =	vld [tilespmem:s6+$0x30];
	v18 =	vadd.s32 v17, v18  }
0x9f: {  	s28 =	sor.u32 s5, s11;
	s26 =	sand.u32 $0x2, s25  }
0xa0: {  	s6 =	sor.u32 s26, s28  }
0xa1: {  	s6 =	sshll.u32 s6, $0x7  }
0xa2: {  	s6 =	sand.u32 $0x3F3F00, s6;
	[tilespmem:v63+s18+$0x0] =	vst.idx.msk $0xffff, v19  }
0xa3: {  	s10 =	sadd.s32 s2, s6;
	[tilespmem:v18+s18+$0x0] =	vst.idx.msk $0xffff, v21  }
0xa4: {  	[hbm4b:s10+s3] =	stream.linear.scatter [tilespmem:s18], [sflag:$0x3], $0x80, $0x38;
	[tilespmem:$0xA700] =	vst v63  }
0xa5: {  	s11 =	simm.s32 $0x8588;
	s29 =	sadd.s32 $0x10, s10  }
0xa6: {  	[hbm4b:s29+s3] =	stream.linear.scatter [tilespmem:s11], [sflag:$0x3], $0x80, $0x38;
	[tilespmem:$0xA700] =	vst v63  }
0xa7: {  	s13 =	simm.s32 $0x8610;
	s29 =	sadd.s32 $0x20, s10  }
0xa8: {  	[hbm4b:s29+s3] =	stream.linear.scatter [tilespmem:s13], [sflag:$0x3], $0x80, $0x38;
	[tilespmem:$0xA700] =	vst v63  }
0xa9: {  	s29 =	sadd.s32 $0x30, s10;
	s13 =	simm.s32 $0x8698  }
0xaa: {  	[hbm4b:s29+s3] =	stream.linear.scatter [tilespmem:s13], [sflag:$0x3], $0x80, $0x38;
	[tilespmem:$0xA700] =	vst v63  }
0xab: {  	s29 =	sadd.s32 $0x40, s10;
	s13 =	simm.s32 $0x8720  }
0xac: {  	[hbm4b:s29+s3] =	stream.linear.scatter [tilespmem:s13], [sflag:$0x3], $0x80, $0x38;
	[tilespmem:$0xA700] =	vst v63  }
0xad: {  	s29 =	sadd.s32 $0x50, s10;
	s13 =	simm.s32 $0x87A8  }
0xae: {  	[hbm4b:s29+s3] =	stream.linear.scatter [tilespmem:s13], [sflag:$0x3], $0x80, $0x38;
	[tilespmem:$0xA700] =	vst v63  }
0xaf: {  	s29 =	sadd.s32 $0x60, s10;
	s13 =	simm.s32 $0x8830  }
0xb0: {  	[hbm4b:s29+s3] =	stream.linear.scatter [tilespmem:s13], [sflag:$0x3], $0x80, $0x38;
	[tilespmem:$0xA700] =	vst v63  }
0xb1: {  	s10 =	sadd.s32 $0x70, s10;
	s13 =	simm.s32 $0x88B8  }
0xb2: {  	[hbm4b:s10+s3] =	stream.linear.scatter [tilespmem:s13], [sflag:$0x3], $0x80, $0x38;
	[tilespmem:$0xA700] =	vst v63  }
0xb3: {  	s6 =	sadd.s32 s6, s7;
	s13 =	simm.s32 $0x8940  }
0xb4: {  	[hbm4b:s6+s3] =	stream.linear.scatter [tilespmem:s13], [sflag:$0x3], $0x80, $0x38;
	[tilespmem:$0xA700] =	vst v63  }
0xb5: {  	s11 =	sadd.s32 $0x10, s6;
	s13 =	simm.s32 $0x89C8  }
0xb6: {  	[hbm4b:s11+s3] =	stream.linear.scatter [tilespmem:s13], [sflag:$0x3], $0x80, $0x38;
	[tilespmem:$0xA700] =	vst v63  }
0xb7: {  	s11 =	sadd.s32 $0x20, s6;
	s13 =	simm.s32 $0x8A50  }
0xb8: {  	[hbm4b:s11+s3] =	stream.linear.scatter [tilespmem:s13], [sflag:$0x3], $0x80, $0x38;
	[tilespmem:$0xA700] =	vst v63  }
0xb9: {  	s11 =	sadd.s32 $0x30, s6;
	s13 =	simm.s32 $0x8AD8  }
0xba: {  	[hbm4b:s11+s3] =	stream.linear.scatter [tilespmem:s13], [sflag:$0x3], $0x80, $0x38;
	[tilespmem:$0xA700] =	vst v63  }
0xbb: {  	s29 =	sor.u32 s5, s0;
	s11 =	sadd.s32 $0x40, s6;
	s13 =	simm.s32 $0x8B60  }
0xbc: {  	[hbm4b:s11+s3] =	stream.linear.scatter [tilespmem:s13], [sflag:$0x3], $0x80, $0x38;
	[tilespmem:$0xA700] =	vst v63  }
0xbd: {  	s0 =	sor.u32 s26, s29;
	s11 =	sadd.s32 $0x50, s6;
	s13 =	simm.s32 $0x8BE8  }
0xbe: {  	[hbm4b:s11+s3] =	stream.linear.scatter [tilespmem:s13], [sflag:$0x3], $0x80, $0x38;
	[tilespmem:$0xA700] =	vst v63  }
0xbf: {  	s0 =	sshll.u32 s0, $0x7;
	s11 =	sadd.s32 $0x60, s6;
	s13 =	simm.s32 $0x8C70  }
0xc0: {  	[hbm4b:s11+s3] =	stream.linear.scatter [tilespmem:s13], [sflag:$0x3], $0x80, $0x38;
	[tilespmem:$0xA700] =	vst v63  }
0xc1: {  	s0 =	sand.u32 $0x1FFF3F00, s0;
	s6 =	sadd.s32 $0x70, s6;
	s11 =	simm.s32 $0x8CF8  }
0xc2: {  	[hbm4b:s6+s3] =	stream.linear.scatter [tilespmem:s11], [sflag:$0x3], $0x80, $0x38;
	[tilespmem:$0xA700] =	vst v63  }
0xc3: {  	s13 =	simm.s32 $0x8D80;
	s6 =	sadd.s32 s0, s8  }
0xc4: {  	[hbm4b:s6+s3] =	stream.linear.scatter [tilespmem:s13], [sflag:$0x3], $0x80, $0x38;
	[tilespmem:$0xA700] =	vst v63  }
0xc5: {  	s11 =	sadd.s32 $0x10, s6;
	s13 =	simm.s32 $0x8E08  }
0xc6: {  	[hbm4b:s11+s3] =	stream.linear.scatter [tilespmem:s13], [sflag:$0x3], $0x80, $0x38;
	[tilespmem:$0xA700] =	vst v63  }
0xc7: {  	s11 =	sadd.s32 $0x20, s6;
	s13 =	simm.s32 $0x8E90  }
0xc8: {  	[hbm4b:s11+s3] =	stream.linear.scatter [tilespmem:s13], [sflag:$0x3], $0x80, $0x38;
	[tilespmem:$0xA700] =	vst v63  }
0xc9: {  	s11 =	sadd.s32 $0x30, s6;
	s13 =	simm.s32 $0x8F18  }
0xca: {  	[hbm4b:s11+s3] =	stream.linear.scatter [tilespmem:s13], [sflag:$0x3], $0x80, $0x38;
	[tilespmem:$0xA700] =	vst v63  }
0xcb: {  	s11 =	sadd.s32 $0x40, s6;
	s13 =	simm.s32 $0x8FA0  }
0xcc: {  	[hbm4b:s11+s3] =	stream.linear.scatter [tilespmem:s13], [sflag:$0x3], $0x80, $0x38;
	[tilespmem:$0xA700] =	vst v63  }
0xcd: {  	s11 =	sadd.s32 $0x50, s6;
	s13 =	simm.s32 $0x9028  }
0xce: {  	[hbm4b:s11+s3] =	stream.linear.scatter [tilespmem:s13], [sflag:$0x3], $0x80, $0x38;
	[tilespmem:$0xA700] =	vst v63  }
0xcf: {  	s11 =	sadd.s32 $0x60, s6;
	s13 =	simm.s32 $0x90B0  }
0xd0: {  	[hbm4b:s11+s3] =	stream.linear.scatter [tilespmem:s13], [sflag:$0x3], $0x80, $0x38;
	[tilespmem:$0xA700] =	vst v63  }
0xd1: {  	s6 =	sadd.s32 $0x70, s6;
	s13 =	simm.s32 $0x9138  }
0xd2: {  	[hbm4b:s6+s3] =	stream.linear.scatter [tilespmem:s13], [sflag:$0x3], $0x80, $0x38;
	[tilespmem:$0xA700] =	vst v63  }
0xd3: {  	s10 =	simm.s32 $0x91C0;
	s0 =	sadd.s32 s0, s9  }
0xd4: {  	[hbm4b:s0+s3] =	stream.linear.scatter [tilespmem:s10], [sflag:$0x3], $0x80, $0x38;
	[tilespmem:$0xA700] =	vst v63  }
0xd5: {  	s11 =	sadd.s32 $0x10, s0;
	s13 =	simm.s32 $0x9248  }
0xd6: {  	[hbm4b:s11+s3] =	stream.linear.scatter [tilespmem:s13], [sflag:$0x3], $0x80, $0x38;
	[tilespmem:$0xA700] =	vst v63  }
0xd7: {  	s11 =	sadd.s32 $0x20, s0;
	s13 =	simm.s32 $0x92D0  }
0xd8: {  	[hbm4b:s11+s3] =	stream.linear.scatter [tilespmem:s13], [sflag:$0x3], $0x80, $0x38;
	[tilespmem:$0xA700] =	vst v63  }
0xd9: {  	s11 =	sadd.s32 $0x30, s0;
	s13 =	simm.s32 $0x9358  }
0xda: {  	[hbm4b:s11+s3] =	stream.linear.scatter [tilespmem:s13], [sflag:$0x3], $0x80, $0x38;
	[tilespmem:$0xA700] =	vst v63  }
0xdb: {  	s11 =	sadd.s32 $0x40, s0;
	s13 =	simm.s32 $0x93E0  }
0xdc: {  	[hbm4b:s11+s3] =	stream.linear.scatter [tilespmem:s13], [sflag:$0x3], $0x80, $0x38;
	[tilespmem:$0xA700] =	vst v63  }
0xdd: {  	p1 =	sne.s32 s24, $0x63;
	s11 =	sadd.s32 $0x50, s0;
	s13 =	simm.s32 $0x9468  }
0xde: {  	[hbm4b:s11+s3] =	stream.linear.scatter [tilespmem:s13], [sflag:$0x3], $0x80, $0x38;
	[tilespmem:$0xA700] =	vst v63  }
.Ltmp3:
0xdf: {  	_ = 	snop;
	(pc) =	sbr.rel @p1 .LBB2_6-.Ltmp3, $4  }
0xe0: {  	s10 =	sadd.s32 $0x60, s0;
	s11 =	simm.s32 $0x94F0  }
0xe1: {  	[hbm4b:s10+s3] =	stream.linear.scatter [tilespmem:s11], [sflag:$0x3], $0x80, $0x38;
	[tilespmem:$0xA700] =	vst v63  }
0xe2: {  	s0 =	sadd.s32 $0x70, s0;
	s13 =	simm.s32 $0x9578  }
0xe3: {  	[hbm4b:s0+s3] =	stream.linear.scatter [tilespmem:s13], [sflag:$0x3], $0x80, $0x38;
	[tilespmem:$0xA700] =	vst v63  }
.Ltmp4:
0xe4: {  	(pc) =	sbr.rel .LBB2_7-.Ltmp4, $4  }
0xe5: {  	_ = 	snop  }
0xe6: {  	_ =	swait.ge [sflag:s30], $0x1000  }
0xe7: {  	[sflag:s30] =	ssyncset.done $0x0  }
0xe8: {  	[sflag:s30] =	ssyncadd.s32 $0xFFFFF000  }
.LBB2_6:
0xe9: {  	s0 =	sadd.s32 $0x2, s25  }
0xea: {  	s6 =	sand.u32 $0x2, s0  }
0xeb: {  	s6 =	smul.u32 $0x1900, s6  }
0xec: {  	s0 =	sshrl.u32 s0, $0x2  }
0xed: {  	s0 =	sadd.s32 s0, s6  }
0xee: {  	v18 =	vadd.s32 s0, v0;
	_ =	sdelay $0x4  }
0xef: {  	s6 =	sadd.s32 $0x320, s0;
	v18 =	vld.idx.msk [tilespmem:v18+s3+$0x0], $0xffff  }
0xf0: {  	v19 =	vadd.s32 s6, v0;
	_ =	sdelay $0x3  }
0xf1: {  	[tilespmem:$0x6400] =	vst v18  }
0xf2: {  	s13 =	sadd.s32 $0x640, s0;
	v18 =	vld.idx.msk [tilespmem:v19+s3+$0x0], $0xffff  }
0xf3: {  	v19 =	vadd.s32 s13, v0;
	_ =	sdelay $0x3  }
0xf4: {  	[tilespmem:$0x6410] =	vst v18  }
0xf5: {  	s10 =	sadd.s32 $0x960, s0;
	v18 =	vld.idx.msk [tilespmem:v19+s3+$0x0], $0xffff  }
0xf6: {  	v19 =	vadd.s32 s10, v0;
	_ =	sdelay $0x3  }
0xf7: {  	[tilespmem:$0x6420] =	vst v18  }
0xf8: {  	s11 =	sadd.s32 $0xC80, s0;
	v18 =	vld.idx.msk [tilespmem:v19+s3+$0x0], $0xffff  }
0xf9: {  	v19 =	vadd.s32 s11, v0;
	_ =	sdelay $0x3  }
0xfa: {  	[tilespmem:$0x6430] =	vst v18  }
0xfb: {  	s13 =	sadd.s32 $0xFA0, s0;
	v18 =	vld.idx.msk [tilespmem:v19+s3+$0x0], $0xffff  }
0xfc: {  	v19 =	vadd.s32 s13, v0;
	_ =	sdelay $0x3  }
0xfd: {  	[tilespmem:$0x6440] =	vst v18  }
0xfe: {  	s10 =	sadd.s32 $0x12C0, s0;
	v18 =	vld.idx.msk [tilespmem:v19+s3+$0x0], $0xffff  }
0xff: {  	v19 =	vadd.s32 s10, v0;
	_ =	sdelay $0x3  }
0x100: {  	[tilespmem:$0x6450] =	vst v18  }
0x101: {  	s0 =	sadd.s32 $0x15E0, s0;
	v18 =	vld.idx.msk [tilespmem:v19+s3+$0x0], $0xffff  }
0x102: {  	v19 =	vadd.s32 s0, v0;
	_ =	sdelay $0x3  }
0x103: {  	[tilespmem:$0x6460] =	vst v18  }
0x104: {  	v18 =	vld.idx.msk [tilespmem:v19+s3+$0x0], $0xffff;
	_ =	sdelay $0x4  }
.Ltmp5:
0x105: {  	s11 =	simm.s32 $0x6400;
	s13 =	simm.s32 $0x6500;
	[tilespmem:$0x6470] =	vst v18;
	(pc) =	sbr.rel @p0 .LBB2_8-.Ltmp5, $4  }
0x106: {  	[tilespmem:s13], [sflag:$0x1] =	stream.indirect.gather [hbm4b:s4+s12], $0x20, s11, s12, $0xb8;
	[tilespmem:$0xA700] =	vst v63  }
0x107: {  	_ =	swait.ge [sflag:s30], $0x1000  }
0x108: {  	[sflag:s30] =	ssyncset.done $0x0  }
0x109: {  	[sflag:s30] =	ssyncadd.s32 $0xFFFFF000  }
.LBB2_7:
0x10a: {  	_ =	swait.ge [sflag:s31], $0x400  }
0x10b: {  	[sflag:s31] =	ssyncset.done $0x0  }
0x10c: {  	[sflag:s31] =	ssyncadd.s32 $0xFFFFFC00  }
0x10d: {  	_ =	swait.ge [sflag:s31], $0x400  }
0x10e: {  	[sflag:s31] =	ssyncset.done $0x0  }
0x10f: {  	[sflag:s31] =	ssyncadd.s32 $0xFFFFFC00  }
0x110: {  	_ =	swait.ge [sflag:s31], $0x400  }
0x111: {  	[sflag:s31] =	ssyncset.done $0x0  }
0x112: {  	[sflag:s31] =	ssyncadd.s32 $0xFFFFFC00  }
0x113: {  	_ =	swait.ge [sflag:s31], $0x400  }
0x114: {  	[sflag:s31] =	ssyncset.done $0x0  }
0x115: {  	[sflag:s31] =	ssyncadd.s32 $0xFFFFFC00  }
.LBB2_8:
0x116: {  	s0 =	simm.s32 $0x0  }
0x117: {  	v18 =	vmov s0  }
0x118: {  	s0 =	simm.s32 $0x7570;
	v18 =	vand.u32 $0x7C, v18  }
0x119: {  	v19 =	vld [tilespmem:s0+$0xFFFFFF90];
	v20 =	vadd.s32 v11, v18  }
0x11a: {  	v21 =	vld [tilespmem:s0+$0xFFFFFFA0];
	v18 =	vadd.s32 v17, v18;
	_ =	sdelay $0x2  }
0x11b: {  	s6 =	simm.s32 $0x1  }
0x11c: {  	[tilespmem:v20+s1+$0x0] =	vst.idx.msk $0xffff, v19;
	v19 =	vmov s6  }
0x11d: {  	[tilespmem:v18+s1+$0x0] =	vst.idx.msk $0xffff, v21;
	v18 =	vand.u32 $0x7D, v19  }
0x11e: {  	v19 =	vld [tilespmem:s0+$0xFFFFFFB0];
	v20 =	vadd.s32 v11, v18  }
0x11f: {  	v21 =	vld [tilespmem:s0+$0xFFFFFFC0];
	v18 =	vadd.s32 v17, v18;
	_ =	sdelay $0x2  }
0x120: {  	s11 =	simm.s32 $0x2  }
0x121: {  	[tilespmem:v20+s1+$0x0] =	vst.idx.msk $0xffff, v19;
	v19 =	vmov s11  }
0x122: {  	[tilespmem:v18+s1+$0x0] =	vst.idx.msk $0xffff, v21;
	v18 =	vand.u32 $0x7E, v19  }
0x123: {  	v19 =	vld [tilespmem:s0+$0xFFFFFFD0];
	v20 =	vadd.s32 v11, v18  }
0x124: {  	v21 =	vld [tilespmem:s0+$0xFFFFFFE0];
	v18 =	vadd.s32 v17, v18;
	_ =	sdelay $0x2  }
0x125: {  	s13 =	simm.s32 $0x3  }
0x126: {  	[tilespmem:v20+s1+$0x0] =	vst.idx.msk $0xffff, v19;
	v19 =	vmov s13  }
0x127: {  	[tilespmem:v18+s1+$0x0] =	vst.idx.msk $0xffff, v21;
	v19 =	vand.u32 $0x7F, v19  }
0x128: {  	v21 =	vld [tilespmem:s0+$0xFFFFFFF0];
	v22 =	vadd.s32 v11, v19;
	_ =	sdelay $0x1  }
0x129: {  	v18 =	vld [tilespmem:s0+$0x0];
	v19 =	vadd.s32 v17, v19;
	_ =	sdelay $0x1  }
0x12a: {  	s6 =	simm.s32 $0x4  }
0x12b: {  	s10 =	simm.s32 $0x8;
	v20 =	vmov s6;
	[tilespmem:v22+s1+$0x0] =	vst.idx.msk $0xffff, v21  }
.LBB2_9:
0x12c: {  	p0 =	sne.s32 s10, $0x7C  }
0x12d: {  	v20 =	vand.u32 $0x7C, v20;
	[tilespmem:v19+s1+$0x0] =	vst.idx.msk $0xffff, v18;
	s0 =	sadd.s32 $0x80, s0;
	s11 =	smov.u32 s10;
	s10 =	sadd.s32 $0x4, s10  }
0x12e: {  	v18 =	vld [tilespmem:s0+$0xFFFFFF90];
	v19 =	vadd.s32 v11, v20  }
0x12f: {  	v20 =	vadd.s32 v17, v20;
	v21 =	vld [tilespmem:s0+$0xFFFFFFA0];
	_ =	sdelay $0x2  }
0x130: {  	s13 =	sadd.s32 $0x1, s6  }
0x131: {  	[tilespmem:v19+s1+$0x0] =	vst.idx.msk $0xffff, v18;
	v18 =	vmov s13  }
0x132: {  	[tilespmem:v20+s1+$0x0] =	vst.idx.msk $0xffff, v21;
	v18 =	vand.u32 $0x7D, v18  }
0x133: {  	v19 =	vld [tilespmem:s0+$0xFFFFFFB0];
	v20 =	vadd.s32 v11, v18  }
0x134: {  	v18 =	vadd.s32 v17, v18;
	v21 =	vld [tilespmem:s0+$0xFFFFFFC0];
	_ =	sdelay $0x2  }
0x135: {  	s13 =	sadd.s32 $0x2, s6  }
0x136: {  	[tilespmem:v20+s1+$0x0] =	vst.idx.msk $0xffff, v19;
	v19 =	vmov s13  }
0x137: {  	[tilespmem:v18+s1+$0x0] =	vst.idx.msk $0xffff, v21;
	v18 =	vand.u32 $0x7E, v19  }
0x138: {  	v19 =	vld [tilespmem:s0+$0xFFFFFFD0];
	v20 =	vadd.s32 v11, v18  }
0x139: {  	v18 =	vadd.s32 v17, v18;
	v21 =	vld [tilespmem:s0+$0xFFFFFFE0];
	_ =	sdelay $0x2  }
0x13a: {  	s13 =	sadd.s32 $0x3, s6;
	s6 =	smov.u32 s11  }
0x13b: {  	[tilespmem:v20+s1+$0x0] =	vst.idx.msk $0xffff, v19;
	v19 =	vmov s13  }
0x13c: {  	[tilespmem:v18+s1+$0x0] =	vst.idx.msk $0xffff, v21;
	v19 =	vand.u32 $0x7F, v19  }
0x13d: {  	v21 =	vld [tilespmem:s0+$0xFFFFFFF0];
	v22 =	vadd.s32 v11, v19  }
.Ltmp6:
0x13e: {  	v19 =	vadd.s32 v17, v19;
	v18 =	vld [tilespmem:s0+$0x0];
	(pc) =	sbr.rel @p0 .LBB2_9-.Ltmp6, $2  }
0x13f: {  	_ =	sdelay $0x2  }
0x140: {  	v20 =	vmov s6;
	[tilespmem:v22+s1+$0x0] =	vst.idx.msk $0xffff, v21  }
0x141: {  	_ =	sdelay $0x3  }
0x142: {  	v20 =	vand.u32 $0x7C, v20;
	[tilespmem:v19+s1+$0x0] =	vst.idx.msk $0xffff, v18;
	s0 =	sadd.s32 $0x80, s0  }
0x143: {  	v18 =	vld [tilespmem:s0+$0xFFFFFF90];
	v19 =	vadd.s32 v11, v20  }
0x144: {  	v21 =	vld [tilespmem:s0+$0xFFFFFFA0];
	v20 =	vadd.s32 v17, v20;
	_ =	sdelay $0x2  }
0x145: {  	s10 =	sadd.s32 $0x1, s6  }
0x146: {  	[tilespmem:v19+s1+$0x0] =	vst.idx.msk $0xffff, v18;
	v18 =	vmov s10  }
0x147: {  	[tilespmem:v20+s1+$0x0] =	vst.idx.msk $0xffff, v21;
	v18 =	vand.u32 $0x7D, v18  }
0x148: {  	v19 =	vld [tilespmem:s0+$0xFFFFFFB0];
	v61 =	vadd.s32 v11, v18  }
0x149: {  	v21 =	vld [tilespmem:s0+$0xFFFFFFC0];
	v18 =	vadd.s32 v17, v18;
	_ =	sdelay $0x2  }
0x14a: {  	s13 =	sadd.s32 $0x2, s6  }
0x14b: {  	v22 =	vmov s13;
	[tilespmem:v61+s1+$0x0] =	vst.idx.msk $0xffff, v19  }
0x14c: {  	[tilespmem:v18+s1+$0x0] =	vst.idx.msk $0xffff, v21;
	v18 =	vand.u32 $0x7E, v22  }
0x14d: {  	v19 =	vld [tilespmem:s0+$0xFFFFFFD0];
	v62 =	vadd.s32 v11, v18  }
0x14e: {  	v21 =	vld [tilespmem:s0+$0xFFFFFFE0];
	v18 =	vadd.s32 v17, v18;
	_ =	sdelay $0x2  }
0x14f: {  	s11 =	sadd.s32 $0x3, s6  }
0x150: {  	[tilespmem:v62+s1+$0x0] =	vst.idx.msk $0xffff, v19;
	v19 =	vmov s11  }
0x151: {  	[tilespmem:v18+s1+$0x0] =	vst.idx.msk $0xffff, v21;
	v18 =	vand.u32 $0x7F, v19  }
0x152: {  	v19 =	vld [tilespmem:s0+$0xFFFFFFF0];
	v63 =	vadd.s32 v11, v18  }
0x153: {  	v21 =	vld [tilespmem:s0+$0x0];
	v18 =	vadd.s32 v17, v18;
	_ =	sdelay $0x1  }
0x154: {  	s0 =	sor.u32 $0x1, s26  }
0x155: {  	s13 =	sor.u32 s0, s28  }
0x156: {  	s6 =	sshll.u32 s13, $0x7;
	[tilespmem:v63+s1+$0x0] =	vst.idx.msk $0xffff, v19  }
0x157: {  	s10 =	sadd.s32 s2, s6;
	[tilespmem:v18+s1+$0x0] =	vst.idx.msk $0xffff, v21  }
0x158: {  	[hbm4b:s10+s3] =	stream.linear.scatter [tilespmem:s1], [sflag:$0x4], $0x80, $0x38;
	[tilespmem:$0xA700] =	vst v63  }
0x159: {  	s13 =	simm.s32 $0x9688;
	s11 =	sadd.s32 $0x10, s10  }
0x15a: {  	[hbm4b:s11+s3] =	stream.linear.scatter [tilespmem:s13], [sflag:$0x4], $0x80, $0x38;
	[tilespmem:$0xA700] =	vst v63  }
0x15b: {  	s28 =	simm.s32 $0x9710;
	s26 =	sadd.s32 $0x20, s10  }
0x15c: {  	[hbm4b:s26+s3] =	stream.linear.scatter [tilespmem:s28], [sflag:$0x4], $0x80, $0x38;
	[tilespmem:$0xA700] =	vst v63  }
0x15d: {  	s26 =	sadd.s32 $0x30, s10;
	s28 =	simm.s32 $0x9798  }
0x15e: {  	[hbm4b:s26+s3] =	stream.linear.scatter [tilespmem:s28], [sflag:$0x4], $0x80, $0x38;
	[tilespmem:$0xA700] =	vst v63  }
0x15f: {  	s26 =	sadd.s32 $0x40, s10;
	s28 =	simm.s32 $0x9820  }
0x160: {  	[hbm4b:s26+s3] =	stream.linear.scatter [tilespmem:s28], [sflag:$0x4], $0x80, $0x38;
	[tilespmem:$0xA700] =	vst v63  }
0x161: {  	s26 =	sadd.s32 $0x50, s10;
	s28 =	simm.s32 $0x98A8  }
0x162: {  	[hbm4b:s26+s3] =	stream.linear.scatter [tilespmem:s28], [sflag:$0x4], $0x80, $0x38;
	[tilespmem:$0xA700] =	vst v63  }
0x163: {  	s13 =	sadd.s32 $0x60, s10;
	s26 =	simm.s32 $0x9930  }
0x164: {  	[hbm4b:s13+s3] =	stream.linear.scatter [tilespmem:s26], [sflag:$0x4], $0x80, $0x38;
	[tilespmem:$0xA700] =	vst v63  }
0x165: {  	s6 =	sand.u32 $0x3FBF80, s6;
	s10 =	sadd.s32 $0x70, s10;
	s28 =	simm.s32 $0x99B8  }
0x166: {  	[hbm4b:s10+s3] =	stream.linear.scatter [tilespmem:s28], [sflag:$0x4], $0x80, $0x38;
	[tilespmem:$0xA700] =	vst v63  }
0x167: {  	s6 =	sadd.s32 s6, s7;
	s13 =	simm.s32 $0x9A40  }
0x168: {  	[hbm4b:s6+s3] =	stream.linear.scatter [tilespmem:s13], [sflag:$0x4], $0x80, $0x38;
	[tilespmem:$0xA700] =	vst v63  }
0x169: {  	s26 =	sadd.s32 $0x10, s6;
	s28 =	simm.s32 $0x9AC8  }
0x16a: {  	[hbm4b:s26+s3] =	stream.linear.scatter [tilespmem:s28], [sflag:$0x4], $0x80, $0x38;
	[tilespmem:$0xA700] =	vst v63  }
0x16b: {  	s11 =	sadd.s32 $0x20, s6;
	s13 =	simm.s32 $0x9B50  }
0x16c: {  	[hbm4b:s11+s3] =	stream.linear.scatter [tilespmem:s13], [sflag:$0x4], $0x80, $0x38;
	[tilespmem:$0xA700] =	vst v63  }
0x16d: {  	s26 =	sadd.s32 $0x30, s6;
	s28 =	simm.s32 $0x9BD8  }
0x16e: {  	[hbm4b:s26+s3] =	stream.linear.scatter [tilespmem:s28], [sflag:$0x4], $0x80, $0x38;
	[tilespmem:$0xA700] =	vst v63  }
0x16f: {  	s11 =	sadd.s32 $0x40, s6;
	s13 =	simm.s32 $0x9C60  }
0x170: {  	[hbm4b:s11+s3] =	stream.linear.scatter [tilespmem:s13], [sflag:$0x4], $0x80, $0x38;
	[tilespmem:$0xA700] =	vst v63  }
0x171: {  	s0 =	sor.u32 s29, s0;
	s26 =	sadd.s32 $0x50, s6;
	s28 =	simm.s32 $0x9CE8  }
0x172: {  	[hbm4b:s26+s3] =	stream.linear.scatter [tilespmem:s28], [sflag:$0x4], $0x80, $0x38;
	[tilespmem:$0xA700] =	vst v63  }
0x173: {  	s0 =	sshll.u32 s0, $0x7;
	s13 =	sadd.s32 $0x60, s6;
	s26 =	simm.s32 $0x9D70  }
0x174: {  	[hbm4b:s13+s3] =	stream.linear.scatter [tilespmem:s26], [sflag:$0x4], $0x80, $0x38;
	[tilespmem:$0xA700] =	vst v63  }
0x175: {  	s10 =	sand.u32 $0x1FFF7F80, s0;
	s6 =	sadd.s32 $0x70, s6;
	s28 =	simm.s32 $0x9DF8  }
0x176: {  	[hbm4b:s6+s3] =	stream.linear.scatter [tilespmem:s28], [sflag:$0x4], $0x80, $0x38;
	[tilespmem:$0xA700] =	vst v63  }
0x177: {  	s11 =	simm.s32 $0x9E80;
	s6 =	sadd.s32 s10, s8  }
0x178: {  	[hbm4b:s6+s3] =	stream.linear.scatter [tilespmem:s11], [sflag:$0x4], $0x80, $0x38;
	[tilespmem:$0xA700] =	vst v63  }
0x179: {  	s26 =	simm.s32 $0x9F08;
	s13 =	sadd.s32 $0x10, s6  }
0x17a: {  	[hbm4b:s13+s3] =	stream.linear.scatter [tilespmem:s26], [sflag:$0x4], $0x80, $0x38;
	[tilespmem:$0xA700] =	vst v63  }
0x17b: {  	s29 =	simm.s32 $0x9F90;
	s28 =	sadd.s32 $0x20, s6  }
0x17c: {  	[hbm4b:s28+s3] =	stream.linear.scatter [tilespmem:s29], [sflag:$0x4], $0x80, $0x38;
	[tilespmem:$0xA700] =	vst v63  }
0x17d: {  	s13 =	sadd.s32 $0x30, s6;
	s26 =	simm.s32 $0xA018  }
0x17e: {  	[hbm4b:s13+s3] =	stream.linear.scatter [tilespmem:s26], [sflag:$0x4], $0x80, $0x38;
	[tilespmem:$0xA700] =	vst v63  }
0x17f: {  	s28 =	sadd.s32 $0x40, s6;
	s29 =	simm.s32 $0xA0A0  }
0x180: {  	[hbm4b:s28+s3] =	stream.linear.scatter [tilespmem:s29], [sflag:$0x4], $0x80, $0x38;
	[tilespmem:$0xA700] =	vst v63  }
0x181: {  	s11 =	sadd.s32 $0x50, s6;
	s13 =	simm.s32 $0xA128  }
0x182: {  	[hbm4b:s11+s3] =	stream.linear.scatter [tilespmem:s13], [sflag:$0x4], $0x80, $0x38;
	[tilespmem:$0xA700] =	vst v63  }
0x183: {  	s26 =	sadd.s32 $0x60, s6;
	s28 =	simm.s32 $0xA1B0  }
0x184: {  	[hbm4b:s26+s3] =	stream.linear.scatter [tilespmem:s28], [sflag:$0x4], $0x80, $0x38;
	[tilespmem:$0xA700] =	vst v63  }
0x185: {  	s0 =	sand.u32 $0x1FFF3F80, s0;
	s6 =	sadd.s32 $0x70, s6;
	s29 =	simm.s32 $0xA238  }
0x186: {  	[hbm4b:s6+s3] =	stream.linear.scatter [tilespmem:s29], [sflag:$0x4], $0x80, $0x38;
	[tilespmem:$0xA700] =	vst v63  }
0x187: {  	s0 =	sadd.s32 s0, s9  }
0x188: {  	[hbm4b:s0+s3] =	stream.linear.scatter [tilespmem:s14], [sflag:$0x4], $0x80, $0x38;
	[tilespmem:$0xA700] =	vst v63  }
0x189: {  	s10 =	sadd.s32 $0x10, s0  }
0x18a: {  	[hbm4b:s10+s3] =	stream.linear.scatter [tilespmem:s15], [sflag:$0x4], $0x80, $0x38;
	[tilespmem:$0xA700] =	vst v63  }
0x18b: {  	s11 =	sadd.s32 $0x20, s0  }
0x18c: {  	[hbm4b:s11+s3] =	stream.linear.scatter [tilespmem:s16], [sflag:$0x4], $0x80, $0x38;
	[tilespmem:$0xA700] =	vst v63  }
0x18d: {  	s13 =	sadd.s32 $0x30, s0  }
0x18e: {  	[hbm4b:s13+s3] =	stream.linear.scatter [tilespmem:s19], [sflag:$0x4], $0x80, $0x38;
	[tilespmem:$0xA700] =	vst v63  }
0x18f: {  	s26 =	sadd.s32 $0x40, s0  }
0x190: {  	[hbm4b:s26+s3] =	stream.linear.scatter [tilespmem:s20], [sflag:$0x4], $0x80, $0x38;
	[tilespmem:$0xA700] =	vst v63  }
0x191: {  	p0 =	seq.s32 s24, $0x63;
	s28 =	sadd.s32 $0x50, s0  }
0x192: {  	[hbm4b:s28+s3] =	stream.linear.scatter [tilespmem:s21], [sflag:$0x4], $0x80, $0x38;
	[tilespmem:$0xA700] =	vst v63  }
.Ltmp7:
0x193: {  	_ = 	snop;
	(pc) =	sbr.rel @p0 .LBB2_12-.Ltmp7, $4  }
0x194: {  	s29 =	sadd.s32 $0x60, s0  }
0x195: {  	[hbm4b:s29+s3] =	stream.linear.scatter [tilespmem:s22], [sflag:$0x4], $0x80, $0x38;
	[tilespmem:$0xA700] =	vst v63  }
0x196: {  	s0 =	sadd.s32 $0x70, s0  }
0x197: {  	[hbm4b:s0+s3] =	stream.linear.scatter [tilespmem:s23], [sflag:$0x4], $0x80, $0x38;
	[tilespmem:$0xA700] =	vst v63  }
0x198: {  	s0 =	sadd.s32 $0x3, s25  }
0x199: {  	s6 =	sand.u32 $0x3, s0  }
0x19a: {  	s6 =	smul.u32 $0x1900, s6  }
0x19b: {  	s0 =	sshrl.u32 s0, $0x2  }
0x19c: {  	s0 =	sadd.s32 s0, s6  }
0x19d: {  	v18 =	vadd.s32 s0, v0;
	_ =	sdelay $0x4  }
0x19e: {  	s6 =	sadd.s32 $0x320, s0;
	v18 =	vld.idx.msk [tilespmem:v18+s3+$0x0], $0xffff  }
0x19f: {  	v19 =	vadd.s32 s6, v0;
	_ =	sdelay $0x3  }
0x1a0: {  	[tilespmem:$0x6480] =	vst v18  }
0x1a1: {  	s10 =	sadd.s32 $0x640, s0;
	v18 =	vld.idx.msk [tilespmem:v19+s3+$0x0], $0xffff  }
0x1a2: {  	v19 =	vadd.s32 s10, v0;
	_ =	sdelay $0x3  }
0x1a3: {  	[tilespmem:$0x6490] =	vst v18  }
0x1a4: {  	s11 =	sadd.s32 $0x960, s0;
	v18 =	vld.idx.msk [tilespmem:v19+s3+$0x0], $0xffff  }
0x1a5: {  	v19 =	vadd.s32 s11, v0;
	_ =	sdelay $0x3  }
0x1a6: {  	[tilespmem:$0x64A0] =	vst v18  }
0x1a7: {  	s13 =	sadd.s32 $0xC80, s0;
	v18 =	vld.idx.msk [tilespmem:v19+s3+$0x0], $0xffff  }
0x1a8: {  	v19 =	vadd.s32 s13, v0;
	_ =	sdelay $0x3  }
0x1a9: {  	[tilespmem:$0x64B0] =	vst v18  }
0x1aa: {  	s25 =	sadd.s32 $0xFA0, s0;
	v18 =	vld.idx.msk [tilespmem:v19+s3+$0x0], $0xffff  }
0x1ab: {  	v19 =	vadd.s32 s25, v0;
	_ =	sdelay $0x3  }
0x1ac: {  	[tilespmem:$0x64C0] =	vst v18  }
0x1ad: {  	s26 =	sadd.s32 $0x12C0, s0;
	v18 =	vld.idx.msk [tilespmem:v19+s3+$0x0], $0xffff  }
0x1ae: {  	v19 =	vadd.s32 s26, v0;
	_ =	sdelay $0x3  }
0x1af: {  	[tilespmem:$0x64D0] =	vst v18  }
0x1b0: {  	s0 =	sadd.s32 $0x15E0, s0;
	v18 =	vld.idx.msk [tilespmem:v19+s3+$0x0], $0xffff  }
0x1b1: {  	v19 =	vadd.s32 s0, v0;
	_ =	sdelay $0x3  }
0x1b2: {  	[tilespmem:$0x64E0] =	vst v18  }
0x1b3: {  	v18 =	vld.idx.msk [tilespmem:v19+s3+$0x0], $0xffff;
	_ =	sdelay $0x1  }
.Ltmp8:
0x1b4: {  	_ = 	snop;
	(pc) =	sbr.rel .LBB2_2-.Ltmp8, $3  }
0x1b5: {  	_ =	sdelay $0x1  }
0x1b6: {  	s28 =	simm.s32 $0x6480;
	s29 =	simm.s32 $0x7500;
	s24 =	sadd.s32 $0x1, s24;
	[tilespmem:$0x64F0] =	vst v18  }
0x1b7: {  	[tilespmem:s29], [sflag:$0x2] =	stream.indirect.gather [hbm4b:s4+s12], $0x20, s28, s12, $0xb8;
	[tilespmem:$0xA700] =	vst v63  }
.LBB2_13:
0x1b8: {  	_ =	sfence.sel $0x180000  }
0x1b9: {  	[bflag:$0x0] =	sbarrier.arrive $0xFFFF  }
0x1ba: {  	_ =	strace $0x9000004D  }
0x1bb: {  	s0 =	stileid.u32;
	[bflag:$0x2] =	sbarrier.arrive $0xFFFF  }
0x1bc: {  	p0 =	sne.s32 s0, $0x0;
	s0 =	rddreg [dreg:$0x2]  }
0x1bd: {  	s0 =	sadd.s32 @!p0 $0x100000, s0  }
0x1be: {  	[sflag:s0] =	ssyncadd.tile.s32 @!p0 $0x1;
	_ =	shalt  }
.Lfunc_end2:
_tile_overlayer_lowered:
.L_overlay_start_2:
0x1bf: {  	(tag) =	ssettag $0x2  }
0x1c0: {  	s0 =	rddreg [dreg:$0x0];
	s2 =	stileid.u32  }
0x1c1: {  	s1 =	rddreg [dreg:$0x1];
	p0 =	sne.s32 s2, $0x0  }
0x1c2: {  	s3 =	rddreg [dreg:$0x2];
	[bflag:$0x3] =	sbarrier.arrive $0xFFFF;
	s2 =	simm.s32 @!p0 $0x1C05  }
0x1c3: {  	[timem:s3], [sflag:s2] =	dma.local @!p0 [hbm:s0], s1  }
0x1c4: {  	s0 =	simm.s32 @!p0 $0x5  }
0x1c5: {  	_ =	swait.ge @!p0 [sflag:s0], s1  }
0x1c6: {  	s1 =	ssub.s32 @!p0 $0x0, s1;
	[sflag:s0] =	ssyncset.done @!p0 $0x0  }
0x1c7: {  	[sflag:s0] =	ssyncadd.s32 @!p0 s1  }
0x1c8: {  	[bflag:$0x3] =	sbarrier.arrive $0xFFFF  }
0x1c9: {  	_ =	shalt  }

// kernel: kernel.5.cloned.1.call-start
scs
__scs_entry_jumppad:
0x0: {  	(pc) =	sbr.rel $0x88, $3  }
0x1: {  	(tag) =	ssettag $0x0;
	lr =	simm.s32 $0x1  }
0x2: {  	[smem:$0x3F9F] =	sst lr;
	_ =	strace $0xD0000000  }
0x3: {  	_ = 	snop  }
0x4: {  	_ = 	snop  }
0x5: {  	_ = 	snop  }
0x6: {  	_ = 	snop  }
0x7: {  	_ = 	snop  }
__scs_overlays_trampoline_lowered:
0x8: {  	[smem:$0x3FAE] =	sst s0  }
0x9: {  	[smem:$0x3FAF] =	sst s1  }
0xa: {  	[smem:$0x3FB0] =	sst s2  }
0xb: {  	[smem:$0x3FB1] =	sst s3  }
0xc: {  	[smem:$0x3FB2] =	sst s4  }
0xd: {  	[smem:$0x3FB3] =	sst s5  }
0xe: {  	[smem:$0x3FB4] =	sst s6  }
0xf: {  	[smem:$0x3FB5] =	sst s7  }
0x10: {  	[smem:$0x3FB6] =	sst s8  }
0x11: {  	[smem:$0x3FB7] =	sst s9;
	s0 =	simm.s32 @!p0 $0x0  }
0x12: {  	s1 =	sld [smem:$0x3F9D];
	s0 =	simm.s32 @p0 $0x1  }
0x13: {  	[smem:$0x3FB8] =	sst s0;
	s0 =	simm.s32 @!p1 $0x0  }
0x14: {  	s2 =	sld [smem:$0x3F9C];
	s0 =	simm.s32 @p1 $0x1  }
0x15: {  	[smem:$0x3FB9] =	sst s0;
	s0 =	simm.s32 @!p2 $0x0  }
0x16: {  	s3 =	sld [smem:$0x3FDB];
	s0 =	simm.s32 @p2 $0x1  }
0x17: {  	s4 =	simm.s32 $0x1BF5;
	[smem:$0x3FBB] =	sst s0  }
0x18: {  	s0 =	sld [smem:$0x3F9E];
	_ =	swait.ge [sflag:s4], $0x0  }
0x19: {  	s7 =	sld [smem:$0x3F9F]  }
0x1a: {  	s8 =	sadd.s32 $0xFFFFE003, lr  }
0x1b: {  	s9 =	sadd.s32 $0xFFFFFEF7, lr;
	s5 =	simm.s32 $0xFFFFFFFF;
	p2 =	slt.u32 s8, $0xFFFFF086  }
0x1c: {  	p1 =	slt.u32 s9, $0xF7A;
	s5 =	simm.s32 @!p2 $0x0  }
0x1d: {  	s5 =	simm.s32 @p1 $0x1;
	p0 =	seq.s32 s7, s2  }
0x1e: {  	s7 =	smul.u32 @!p0 $0xF7A, s2;
	p2 =	seq.s32 @!p0 s5, $0x0  }
0x1f: {  	s9 =	smul.u32 $0xF7A, s1;
	s8 =	simm.s32 @!p0 $0x1BF5;
	p2 =	por !p2, p0  }
0x20: {  	[sflag:s8] =	ssyncset.s32 @!p0 $0xFFFFF086;
	s6 =	sadd.s32 @!p0 s3, s7;
	s7 =	simm.s32 @!p0 $0x108  }
0x21: {  	s3 =	sadd.s32 s3, s9;
	s6 =	sadd.s32 @!p0 $0x88, s6;
	s7 =	simm.s32 @p2 $0x1082  }
0x22: {  	[simem:s7], [sflag:s8] =	dma.local @!p0 [hbm:s6], $0xF7A  }
0x23: {  	s9 =	sor.u32 $0xD0000000, s2;
	s6 =	simm.s32 $0x108;
	_ =	swait.ge @!p0 [sflag:s8], $0x0  }
0x24: {  	s3 =	sadd.s32 $0x88, s3;
	s6 =	simm.s32 @!p1 $0x1082;
	[sflag:s4] =	ssyncset.s32 $0xFFFFF086  }
0x25: {  	[simem:s6], [sflag:s4] =	dma.local [hbm:s3], $0xF7A  }
0x26: {  	[smem:$0x3F9F] =	sst s1;
	(tag) =	ssettag s2;
	_ =	strace s9  }
0x27: {  	s1 =	sld [smem:$0x3FAF]  }
0x28: {  	s2 =	sld [smem:$0x3FB0]  }
0x29: {  	s4 =	sld [smem:$0x3FB2]  }
0x2a: {  	p0 =	seq.s32 s5, $0x0;
	s5 =	sld [smem:$0x3FB3]  }
0x2b: {  	s6 =	sld [smem:$0x3FB4]  }
0x2c: {  	s7 =	sld [smem:$0x3FB5]  }
0x2d: {  	s3 =	simm.s32 $0x108;
	s8 =	sld [smem:$0x3FB6]  }
0x2e: {  	s3 =	simm.s32 @!p0 $0x1082;
	s9 =	sld [smem:$0x3FB7]  }
0x2f: {  	lr =	sadd.s32 s0, s3;
	s0 =	sld [smem:$0x3FAE]  }
0x30: {  	s3 =	sld [smem:$0x3FB1]  }
0x31: {  	[smem:$0x3FBA] =	sst s10  }
0x32: {  	s10 =	sld [smem:$0x3FB8];
	_ =	sdelay $0x3  }
0x33: {  	p0 =	seq.s32 s10, $0x1;
	s10 =	sld [smem:$0x3FBA];
	_ =	sdelay $0x3  }
0x34: {  	[smem:$0x3FBA] =	sst s10  }
0x35: {  	s10 =	sld [smem:$0x3FB9];
	_ =	sdelay $0x3  }
0x36: {  	p1 =	seq.s32 s10, $0x1;
	s10 =	sld [smem:$0x3FBA];
	_ =	sdelay $0x3  }
0x37: {  	[smem:$0x3FBA] =	sst s10  }
0x38: {  	s10 =	sld [smem:$0x3FBB]  }
0x39: {  	_ = 	snop;
	(pc) =	sbr.ind lr, $3  }
0x3a: {  	_ = 	snop  }
0x3b: {  	_ = 	snop  }
0x3c: {  	p2 =	seq.s32 s10, $0x1;
	s10 =	sld [smem:$0x3FBA]  }
0x3d: {  	_ =	shalt  }
0x3e: {  	_ =	shalt  }
0x3f: {  	_ =	shalt  }
0x40: {  	_ =	shalt  }
0x41: {  	_ =	shalt  }
0x42: {  	_ =	shalt  }
0x43: {  	_ =	shalt  }
0x44: {  	_ =	shalt  }
0x45: {  	_ =	shalt  }
0x46: {  	_ =	shalt  }
0x47: {  	_ =	shalt  }
0x48: {  	_ =	shalt  }
0x49: {  	_ =	shalt  }
0x4a: {  	_ =	shalt  }
0x4b: {  	_ =	shalt  }
0x4c: {  	_ =	shalt  }
0x4d: {  	_ =	shalt  }
0x4e: {  	_ =	shalt  }
0x4f: {  	_ =	shalt  }
0x50: {  	_ =	shalt  }
0x51: {  	_ =	shalt  }
0x52: {  	_ =	shalt  }
0x53: {  	_ =	shalt  }
0x54: {  	_ =	shalt  }
0x55: {  	_ =	shalt  }
0x56: {  	_ =	shalt  }
0x57: {  	_ =	shalt  }
0x58: {  	_ =	shalt  }
0x59: {  	_ =	shalt  }
0x5a: {  	_ =	shalt  }
0x5b: {  	_ =	shalt  }
0x5c: {  	_ =	shalt  }
0x5d: {  	_ =	shalt  }
0x5e: {  	_ =	shalt  }
0x5f: {  	_ =	shalt  }
0x60: {  	_ =	shalt  }
0x61: {  	_ =	shalt  }
0x62: {  	_ =	shalt  }
0x63: {  	_ =	shalt  }
0x64: {  	_ =	shalt  }
0x65: {  	_ =	shalt  }
0x66: {  	_ =	shalt  }
0x67: {  	_ =	shalt  }
0x68: {  	_ =	shalt  }
0x69: {  	_ =	shalt  }
0x6a: {  	_ =	shalt  }
0x6b: {  	_ =	shalt  }
0x6c: {  	_ =	shalt  }
0x6d: {  	_ =	shalt  }
0x6e: {  	_ =	shalt  }
0x6f: {  	_ =	shalt  }
0x70: {  	_ =	shalt  }
0x71: {  	_ =	shalt  }
0x72: {  	_ =	shalt  }
0x73: {  	_ =	shalt  }
0x74: {  	_ =	shalt  }
0x75: {  	_ =	shalt  }
0x76: {  	_ =	shalt  }
0x77: {  	_ =	shalt  }
0x78: {  	_ =	shalt  }
0x79: {  	_ =	shalt  }
0x7a: {  	_ =	shalt  }
0x7b: {  	_ =	shalt  }
0x7c: {  	_ =	shalt  }
0x7d: {  	_ =	shalt  }
0x7e: {  	_ =	shalt  }
0x7f: {  	_ =	shalt  }
0x80: {  	_ =	shalt  }
0x81: {  	_ =	shalt  }
0x82: {  	_ =	shalt  }
0x83: {  	_ =	shalt  }
0x84: {  	_ =	shalt  }
0x85: {  	_ =	shalt  }
0x86: {  	_ =	shalt  }
0x87: {  	_ =	shalt  }
.Lfunc_end0:
.L_simem_size_0:
called_computation_lowered:
.L_overlay_start_0:
0x88: {  	s2 =	sld [smem:$0x3FD9]  }
0x89: {  	s3 =	sld [smem:$0x3FFE];
	_ =	sdelay $0x1  }
0x8a: {  	s1 =	srdreg.scid  }
0x8b: {  	s0 =	sand.u32 $0x1, s1  }
0x8c: {  	s17 =	sshll.u32 s0, $0xA;
	s2 =	sadd.s32 s3, s2  }
0x8d: {  	s2 =	sadd.s32 s2, s17  }
0x8e: {  	[smem:$0x3FC6] =	sst s2  }
0x8f: {  	_ = 	snop  }
0x90: {  	s2 =	sld [smem:$0x3FC8]  }
0x91: {  	s18 =	sld [smem:$0x3FD0];
	(tm) =	ssettm $0x1  }
0x92: {  	s4 =	sld [smem:$0x3FFB];
	_ =	sdelay $0x3  }
0x93: {  	_ =	strace s4  }
0x94: {  	s4 =	sld [smem:$0x3FFC];
	_ =	sdelay $0x3  }
0x95: {  	_ =	strace s4  }
0x96: {  	s4 =	sld [smem:$0x3FFD];
	_ =	sdelay $0x3  }
0x97: {  	_ =	strace s4  }
0x98: {  	_ =	strace $0x8FFFFFFF  }
0x99: {  	s19 =	sld [smem:$0x3FDB];
	_ =	sdelay $0x1  }
0x9a: {  	s5 =	simm.s32 $_scs_section_size  }
0x9b: {  	s6 =	simm.s32 $_size__tile_overlayer_lowered;
	s7 =	simm.s32 $_tile_overlayer_lowered  }
0x9c: {  	s22 =	simm.s32 $0x1BFF;
	s21 =	sshll.u32 s7, $0x1;
	s4 =	sadd.s32 s5, s19  }
0x9d: {  	s8 =	simm.s32 $0x0;
	s20 =	sshll.u32 s6, $0x1;
	s6 =	sadd.s32 s21, s4  }
0x9e: {  	[timem:s8], [sflag:s22] =	dma.local [hbm:s6], s20  }
0x9f: {  	_ =	swait.ge [sflag:s22], s20  }
0xa0: {  	s5 =	ssub.s32 $0x0, s20;
	[sflag:s22] =	ssyncset.done $0x0  }
0xa1: {  	[sflag:s22] =	ssyncadd.s32 s5;
	_ =	sdelay $0x1  }
0xa2: {  	s23 =	simm.s32 $0x1B8B  }
0xa3: {  	_ =	swait.ge [sflag:s23], $0x1  }
0xa4: {  	[sflag:s23] =	ssyncset.done $0x0  }
0xa5: {  	s25 =	simm.s32 $0x1B8E;
	s24 =	sld [smem:$0x3FFE];
	[sflag:s23] =	ssyncadd.s32 $0xFFFFFFFF  }
0xa6: {  	s26 =	simm.s32 $execute0_lowered;
	[smem:$0x3FD2] =	sst s25  }
0xa7: {  	s6 =	sshll.u32 s26, $0x1;
	_ =	strace $0x80000046;
	[dreg:$0x1] =	wrdreg $0xFFFFFFFF  }
0xa8: {  	s28 =	simm.s32 $_size_execute0_lowered;
	s4 =	sadd.s32 s4, s6;
	[dreg:$0x0] =	wrdreg $0x0  }
0xa9: {  	s6 =	sshll.u32 s28, $0x1;
	[dreg:$0x2] =	wrdreg s4  }
0xaa: {  	[dreg:$0x3] =	wrdreg s6  }
0xab: {  	[dreg:$0x4] =	wrdreg $0xC0  }
0xac: {  	_ =	task [dreg:s8], $0x5FFFF  }
0xad: {  	[dreg:$0x1] =	wrdreg $0xFFFFFFFF  }
0xae: {  	[dreg:$0x0] =	wrdreg $0x60  }
0xaf: {  	[dreg:$0x2] =	wrdreg s2  }
0xb0: {  	[dreg:$0x3] =	wrdreg s18  }
0xb1: {  	[dreg:$0x4] =	wrdreg s24  }
0xb2: {  	[dreg:$0x5] =	wrdreg $0x9  }
0xb3: {  	_ =	task.clear_ibuf [dreg:s8], $0x6FFFF;
	_ =	strace $0x90000046  }
0xb4: {  	s29 =	simm.s32 $0x9;
	_ =	strace $0x80000048  }
0xb5: {  	_ =	swait.ge [sflag:s29], $0x1  }
0xb6: {  	[sflag:s29] =	ssyncadd.s32 $0xFFFFFFFF  }
0xb7: {  	_ =	strace $0x90000048  }
0xb8: {  	_ =	sfence  }
0xb9: {  	s30 =	sld [smem:$0x0];
	_ =	sdelay $0x2  }
0xba: {  	s31 =	sshll.u32 s1, $0xD;
	s1 =	sshrl.u32 s1, $0x2  }
0xbb: {  	s3 =	sand.u32 $0x4000, s31;
	s1 =	sadd.s32 s1, s30  }
0xbc: {  	s0 =	sor.u32 s3, s0;
	s1 =	sshll.u32 s1, $0x11  }
0xbd: {  	s0 =	sor.u32 s1, s0  }
0xbe: {  	s0 =	sadd.s32 $0x8F2B, s0  }
0xbf: {  	[sflag:s0] =	ssyncadd.remote.s32 $0x1  }
0xc0: {  	_ =	sfence.sel $0xFFFF  }
0xc1: {  	[dreg:$0x0] =	wrdreg $0xFFFFFFFF;
	(pc) =	sbr.abs _section_cstart, $3  }
0xc2: {  	[dreg:$0x1] =	wrdreg $0xFFFFFFFF  }
0xc3: {  	_ =	task.clear_ibuf [dreg:s8], $0x2FFFF;
	_ =	strace $0x9FFFFFFF  }
0xc4: {  	(tm) =	ssettm $0x7FFFFFFF  }
0xc5: {  	_ =	shalt  }
tec
execute0_lowered:
.L_overlay_start_1:
0x0: {  	(tag) =	ssettag $0x1  }
0x1: {  	s8 =	rddreg [dreg:$0x0]  }
0x2: {  	s0 =	rddreg [dreg:$0x2]  }
0x3: {  	s4 =	simm.s32 $0x0;
	s1 =	srdreg.scid;
	s9 =	stileid.u32  }
0x4: {  	[smem:$0x7FF] =	sst s4;
	s1 =	sand.u32 $0x1, s1;
	s3 =	sshll.u32 s9, $0x1  }
0x5: {  	s5 =	sadd.s32 $0xE00, s0;
	s0 =	sadd.s32 $0x3D1600, s0;
	s16 =	sshll.u32 s9, $0xA  }
0x6: {  	s17 =	sshll.u32 s9, $0xB;
	p1 =	sgt.u32 s9, $0x1;
	_ =	strace $0x80000047  }
0x7: {  	s2 =	ssub.s32 $0x2, s1;
	s3 =	sor.u32 s1, s3;
	[dreg:$0x7] =	wrdreg s0  }
0x8: {  	s18 =	sshll.u32 s1, $0xA;
	s0 =	sadd.s32 s16, s5;
	s1 =	sshll.u32 s1, $0x9  }
0x9: {  	s6 =	sshrl.u32 s2, $0x1;
	s13 =	sshll.u32 s3, $0x7;
	s7 =	sor.u32 $0x1E80, s3  }
0xa: {  	s0 =	sadd.s32 s1, s0;
	p0 =	sne.s32 s3, $0x4;
	s2 =	ssub.s32 s2, s6  }
0xb: {  	s10 =	sadd.s32 s8, s13;
	s14 =	sshll.u32 s7, $0x7;
	s7 =	sshll.u32 s7, $0x9  }
0xc: {  	s0 =	sadd.s32 $0x8000, s0;
	s26 =	sadd.s32 s8, s14;
	s15 =	sadd.s32 s5, s7  }
0xd: {  	s5 =	sor.u32 s18, s17;
	s2 =	smax.u32 s2, $0x1;
	[dreg:$0x9] =	wrdreg s0  }
0xe: {  	s9 =	sadd.s32 $0x1EA500, s10;
	[dreg:$0x4] =	wrdreg s10;
	s19 =	sadd.s32 $0x171BC00, s5  }
0xf: {  	[dreg:$0x6] =	wrdreg s15;
	s21 =	sadd.s32 $0xF7A800, s5;
	s23 =	sadd.s32 $0x7D9400, s5  }
0x10: {  	[dreg:$0x8] =	wrdreg s2;
	s25 =	sor.u32 $0x38000, s5;
	s2 =	sadd.s32 $0x1713C00, s5  }
0x11: {  	s7 =	sadd.s32 $0xF72800, s5;
	s17 =	sadd.s32 $0x7D1400, s5;
	[dreg:$0x12] =	wrdreg s9  }
0x12: {  	s3 =	sadd.s32 $0xF62800, s5;
	s9 =	sadd.s32 $0x2DC780, s10;
	[dreg:$0x5] =	wrdreg s26  }
0x13: {  	s20 =	sshrl.u32 s19, $0x3;
	s22 =	sshrl.u32 s21, $0x3;
	s24 =	sshrl.u32 s23, $0x3  }
0x14: {  	s1 =	sshrl.u32 s25, $0x3;
	s6 =	sshrl.u32 s2, $0x3;
	s16 =	sshrl.u32 s7, $0x3  }
0x15: {  	s18 =	sshrl.u32 s17, $0x3;
	s19 =	sor.u32 $0x30000, s5;
	s21 =	sadd.s32 $0x170BC00, s5  }
0x16: {  	s23 =	sadd.s32 $0xF6A800, s5;
	s25 =	sor.u32 $0x28000, s5;
	[dreg:$0x1a] =	wrdreg s9  }
0x17: {  	s11 =	sadd.s32 s20, s8;
	s12 =	sadd.s32 s22, s8;
	s13 =	sadd.s32 s24, s8  }
0x18: {  	s14 =	sadd.s32 s1, s8;
	s15 =	sadd.s32 s6, s8;
	s17 =	sadd.s32 s18, s8  }
0x19: {  	s20 =	sshrl.u32 s19, $0x3;
	s22 =	sshrl.u32 s21, $0x3;
	s24 =	sadd.s32 $0x7C9400, s5  }
0x1a: {  	s1 =	sshrl.u32 s23, $0x3;
	s2 =	sshrl.u32 s25, $0x3;
	s6 =	sadd.s32 $0x7C1400, s5  }
0x1b: {  	s18 =	sadd.s32 s20, s8;
	s19 =	sadd.s32 s22, s8;
	s0 =	sshrl.u32 s24, $0x3  }
0x1c: {  	s20 =	sadd.s32 s1, s8;
	s22 =	sadd.s32 s2, s8;
	s2 =	sadd.s32 $0x1703C00, s5  }
0x1d: {  	s1 =	sshrl.u32 s3, $0x3;
	s7 =	sshrl.u32 s6, $0x3;
	s3 =	sadd.s32 $0x1000, s10  }
0x1e: {  	s6 =	sadd.s32 $0xF5280, s10;
	s21 =	sadd.s32 s0, s8;
	[dreg:$0xd] =	wrdreg s3  }
0x1f: {  	s24 =	sadd.s32 s1, s8;
	s1 =	sadd.s32 $0x1E8500, s10;
	[dreg:$0xf] =	wrdreg s6  }
0x20: {  	s0 =	sshrl.u32 s2, $0x3;
	s2 =	sadd.s32 $0xF4280, s10;
	[dreg:$0xb] =	wrdreg s1  }
0x21: {  	s25 =	sadd.s32 s7, s8;
	s7 =	sadd.s32 $0x2DD780, s10;
	[dreg:$0xc] =	wrdreg s2  }
0x22: {  	s3 =	sadd.s32 $0x3000, s10;
	[dreg:$0x10] =	wrdreg s7  }
0x23: {  	s16 =	sadd.s32 s16, s8;
	s6 =	sadd.s32 $0xF7280, s10;
	[dreg:$0x15] =	wrdreg s3  }
0x24: {  	s23 =	sadd.s32 s0, s8;
	s8 =	sor.u32 $0x20000, s5;
	[dreg:$0x17] =	wrdreg s6  }
0x25: {  	s28 =	simm.s32 $0x5;
	s5 =	sadd.s32 $0x1E9500, s10;
	[dreg:$0xa] =	wrdreg s8  }
0x26: {  	s29 =	simm.s32 $0x2;
	s1 =	sadd.s32 $0x2DE780, s10;
	[dreg:$0xe] =	wrdreg s5  }
0x27: {  	s30 =	simm.s32 $0x3;
	s2 =	sadd.s32 $0xF6280, s10;
	[dreg:$0x13] =	wrdreg s1  }
0x28: {  	s31 =	simm.s32 $0x7;
	s7 =	sadd.s32 $0x2DF780, s10;
	[dreg:$0x14] =	wrdreg s2  }
0x29: {  	s6 =	simm.s32 $0x1;
	s8 =	sadd.s32 $0x2000, s10;
	[dreg:$0x18] =	wrdreg s7  }
.Ltmp0:
0x2a: {  	s5 =	sadd.s32 $0x1EB500, s10;
	[dreg:$0x11] =	wrdreg s8;
	(pc) =	sbr.rel .LBB2_1-.Ltmp0, $4  }
0x2b: {  	s0 =	simm.s32 $0x4;
	s10 =	sadd.s32 $0x1E8500, s26;
	[dreg:$0x16] =	wrdreg s5  }
0x2c: {  	s3 =	simm.s32 $0x0;
	s8 =	sadd.s32 $0xF4280, s26;
	[dreg:$0x1b] =	wrdreg s10  }
0x2d: {  	s7 =	simm.s32 $0x3000;
	s26 =	sadd.s32 $0x2DC780, s26;
	[dreg:$0x19] =	wrdreg s8  }
0x2e: {  	s5 =	simm.s32 $0x8;
	[dreg:$0x1c] =	wrdreg s26;
	s26 =	simm.s32 $0x6  }
.LBB2_4:
0x2f: {  	s1 =	simm.s32 @!p1 $0x0;
	s2 =	rddreg [dreg:$0x5]  }
0x30: {  	[tilespmem:s1], [sflag:$0x1] =	stream.linear.gather @!p1 [hbm4b:s2+s1], $0x400, $0x38;
	[tilespmem:$0x4000] =	vst v63  }
0x31: {  	s3 =	rddreg [dreg:$0x19];
	s2 =	simm.s32 @!p1 $0x400  }
0x32: {  	[tilespmem:s2], [sflag:$0x1] =	stream.linear.gather @!p1 [hbm4b:s3+s1], $0x400, $0x38;
	[tilespmem:$0x4000] =	vst v63  }
0x33: {  	s2 =	simm.s32 @!p1 $0x800;
	s3 =	rddreg [dreg:$0x1b]  }
0x34: {  	[tilespmem:s2], [sflag:$0x1] =	stream.linear.gather @!p1 [hbm4b:s3+s1], $0x400, $0x38;
	[tilespmem:$0x4000] =	vst v63  }
0x35: {  	s2 =	simm.s32 @!p1 $0xC00;
	s3 =	rddreg [dreg:$0x1c]  }
0x36: {  	[tilespmem:s2], [sflag:$0x1] =	stream.linear.gather @!p1 [hbm4b:s3+s1], $0x400, $0x38;
	[tilespmem:$0x4000] =	vst v63  }
0x37: {  	s2 =	simm.s32 @!p1 $0x1  }
0x38: {  	_ =	swait.ge @!p1 [sflag:s2], $0x400  }
0x39: {  	[sflag:s2] =	ssyncset.done @!p1 $0x0  }
0x3a: {  	[sflag:s2] =	ssyncadd.s32 @!p1 $0xFFFFFC00  }
0x3b: {  	_ =	swait.ge @!p1 [sflag:s2], $0x400  }
0x3c: {  	[sflag:s2] =	ssyncset.done @!p1 $0x0  }
0x3d: {  	[sflag:s2] =	ssyncadd.s32 @!p1 $0xFFFFFC00  }
0x3e: {  	_ =	swait.ge @!p1 [sflag:s2], $0x400  }
0x3f: {  	[sflag:s2] =	ssyncset.done @!p1 $0x0  }
0x40: {  	[sflag:s2] =	ssyncadd.s32 @!p1 $0xFFFFFC00  }
0x41: {  	_ =	swait.ge @!p1 [sflag:s2], $0x400  }
0x42: {  	[sflag:s2] =	ssyncset.done @!p1 $0x0  }
0x43: {  	[sflag:s2] =	ssyncadd.s32 @!p1 $0xFFFFFC00;
	s2 =	rddreg [dreg:$0x6]  }
0x44: {  	[hbm4b:s2+s1] =	stream.linear.scatter @!p1 [tilespmem:s1], [sflag:$0x9], $0x1000, $0x38;
	[tilespmem:$0x4000] =	vst v63  }
0x45: {  	s1 =	simm.s32 @!p1 $0x9  }
0x46: {  	_ =	swait.ge @!p1 [sflag:s1], $0x1000  }
0x47: {  	[sflag:s1] =	ssyncset.done @!p1 $0x0  }
0x48: {  	[sflag:s1] =	ssyncadd.s32 @!p1 $0xFFFFF000  }
0x49: {  	s1 =	simm.s32 @!p0 $0x0;
	s2 =	rddreg [dreg:$0x1]  }
0x4a: {  	[tilespmem:s1], [sflag:$0x9] =	stream.linear.gather @!p0 [hbm4b:s2+s1], $0x1000, $0x38;
	[tilespmem:$0x4000] =	vst v63  }
0x4b: {  	s2 =	simm.s32 @!p0 $0x9  }
0x4c: {  	_ =	swait.ge @!p0 [sflag:s2], $0x1000  }
0x4d: {  	[sflag:s2] =	ssyncset.done @!p0 $0x0  }
0x4e: {  	s3 =	rddreg [dreg:$0x7];
	[sflag:s2] =	ssyncadd.s32 @!p0 $0xFFFFF000  }
0x4f: {  	[hbm4b:s3+s1] =	stream.linear.scatter @!p0 [tilespmem:s1], [sflag:$0x9], $0x1000, $0x38;
	[tilespmem:$0x4000] =	vst v63  }
0x50: {  	_ =	swait.ge @!p0 [sflag:s2], $0x1000  }
0x51: {  	s9 =	rddreg [dreg:$0x1d]  }
0x52: {  	s10 =	rddreg [dreg:$0x8];
	s3 =	sadd.s32 $0x1, s9  }
0x53: {  	p2 =	sne.s32 s3, s10  }
.Ltmp1:
0x54: {  	_ = 	snop;
	(pc) =	sbr.rel @!p2 .LBB2_5-.Ltmp1, $3  }
0x55: {  	_ =	sdelay $0x1  }
0x56: {  	[sflag:s2] =	ssyncset.done @!p0 $0x0  }
0x57: {  	[sflag:s2] =	ssyncadd.s32 @!p0 $0xFFFFF000  }
.LBB2_1:
0x58: {  	[dreg:$0x1d] =	wrdreg s3  }
0x59: {  	s1 =	rddreg [dreg:$0x4]  }
0x5a: {  	s8 =	rddreg [dreg:$0xc]  }
0x5b: {  	s9 =	rddreg [dreg:$0xb]  }
0x5c: {  	[tilespmem:s4], [sflag:$0x1] =	stream.linear.gather [hbm4b:s1+s4], $0x400, $0x38;
	[tilespmem:$0x4000] =	vst v63  }
0x5d: {  	s2 =	simm.s32 $0x400;
	s3 =	rddreg [dreg:$0x1a]  }
0x5e: {  	[tilespmem:s2], [sflag:$0x1] =	stream.linear.gather [hbm4b:s8+s4], $0x400, $0x38;
	[tilespmem:$0x4000] =	vst v63  }
0x5f: {  	s10 =	simm.s32 $0x800;
	s1 =	rddreg [dreg:$0xa]  }
0x60: {  	[tilespmem:s10], [sflag:$0x1] =	stream.linear.gather [hbm4b:s9+s4], $0x400, $0x38;
	[tilespmem:$0x4000] =	vst v63  }
0x61: {  	s8 =	simm.s32 $0xC00;
	s2 =	rddreg [dreg:$0x13]  }
0x62: {  	[tilespmem:s8], [sflag:$0x1] =	stream.linear.gather [hbm4b:s3+s4], $0x400, $0x38;
	[tilespmem:$0x4000] =	vst v63  }
0x63: {  	s9 =	rddreg [dreg:$0xd];
	s10 =	simm.s32 $0x1000  }
0x64: {  	[tilespmem:s10], [sflag:$0x2] =	stream.linear.gather [hbm4b:s9+s4], $0x400, $0x38;
	[tilespmem:$0x4000] =	vst v63  }
0x65: {  	s3 =	rddreg [dreg:$0xf];
	s8 =	simm.s32 $0x1400  }
0x66: {  	[tilespmem:s8], [sflag:$0x2] =	stream.linear.gather [hbm4b:s3+s4], $0x400, $0x38;
	[tilespmem:$0x4000] =	vst v63  }
0x67: {  	s9 =	rddreg [dreg:$0xe];
	s10 =	simm.s32 $0x1800  }
0x68: {  	[tilespmem:s10], [sflag:$0x2] =	stream.linear.gather [hbm4b:s9+s4], $0x400, $0x38;
	[tilespmem:$0x4000] =	vst v63  }
0x69: {  	s3 =	rddreg [dreg:$0x10];
	s8 =	simm.s32 $0x1C00  }
0x6a: {  	[tilespmem:s8], [sflag:$0x2] =	stream.linear.gather [hbm4b:s3+s4], $0x400, $0x38;
	[tilespmem:$0x4000] =	vst v63  }
0x6b: {  	s9 =	rddreg [dreg:$0x11];
	s10 =	simm.s32 $0x2000  }
0x6c: {  	[tilespmem:s10], [sflag:$0x3] =	stream.linear.gather [hbm4b:s9+s4], $0x400, $0x38;
	[tilespmem:$0x4000] =	vst v63  }
0x6d: {  	s3 =	rddreg [dreg:$0x14];
	s8 =	simm.s32 $0x2400  }
0x6e: {  	[tilespmem:s8], [sflag:$0x3] =	stream.linear.gather [hbm4b:s3+s4], $0x400, $0x38;
	[tilespmem:$0x4000] =	vst v63  }
0x6f: {  	s9 =	rddreg [dreg:$0x12];
	s10 =	simm.s32 $0x2800  }
0x70: {  	[tilespmem:s10], [sflag:$0x3] =	stream.linear.gather [hbm4b:s9+s4], $0x400, $0x38;
	[tilespmem:$0x4000] =	vst v63  }
0x71: {  	s3 =	simm.s32 $0x2C00;
	s8 =	rddreg [dreg:$0x15]  }
0x72: {  	[tilespmem:s3], [sflag:$0x3] =	stream.linear.gather [hbm4b:s2+s4], $0x400, $0x38;
	[tilespmem:$0x4000] =	vst v63  }
0x73: {  	s9 =	rddreg [dreg:$0x17]  }
0x74: {  	[tilespmem:s7], [sflag:$0x4] =	stream.linear.gather [hbm4b:s8+s4], $0x400, $0x38;
	[tilespmem:$0x4000] =	vst v63  }
0x75: {  	s10 =	simm.s32 $0x3400;
	s3 =	rddreg [dreg:$0x16]  }
0x76: {  	[tilespmem:s10], [sflag:$0x4] =	stream.linear.gather [hbm4b:s9+s4], $0x400, $0x38;
	[tilespmem:$0x4000] =	vst v63  }
0x77: {  	s8 =	simm.s32 $0x3800;
	s9 =	rddreg [dreg:$0x18]  }
0x78: {  	[tilespmem:s8], [sflag:$0x4] =	stream.linear.gather [hbm4b:s3+s4], $0x400, $0x38;
	[tilespmem:$0x4000] =	vst v63  }
0x79: {  	s10 =	simm.s32 $0x3C00;
	s3 =	simm.s32 $0x0;
	s8 =	rddreg [dreg:$0x9]  }
0x7a: {  	[tilespmem:s10], [sflag:$0x4] =	stream.linear.gather [hbm4b:s9+s4], $0x400, $0x38;
	[tilespmem:$0x4000] =	vst v63  }
.LBB2_2:
0x7b: {  	_ =	swait.ge [sflag:s6], $0x400  }
0x7c: {  	[sflag:s6] =	ssyncset.done $0x0  }
0x7d: {  	[sflag:s6] =	ssyncadd.s32 $0xFFFFFC00  }
0x7e: {  	_ =	swait.ge [sflag:s6], $0x400  }
0x7f: {  	[sflag:s6] =	ssyncset.done $0x0  }
0x80: {  	[sflag:s6] =	ssyncadd.s32 $0xFFFFFC00  }
0x81: {  	_ =	swait.ge [sflag:s6], $0x400  }
0x82: {  	[sflag:s6] =	ssyncset.done $0x0  }
0x83: {  	[sflag:s6] =	ssyncadd.s32 $0xFFFFFC00  }
0x84: {  	_ =	swait.ge [sflag:s6], $0x400  }
0x85: {  	[sflag:s6] =	ssyncset.done $0x0  }
0x86: {  	s9 =	sadd.s32 $0xFFFF8000, s8;
	[sflag:s6] =	ssyncadd.s32 $0xFFFFFC00  }
0x87: {  	[hbm4b:s9+s4] =	stream.linear.scatter [tilespmem:s4], [sflag:$0x5], $0x1000, $0x38;
	[tilespmem:$0x4000] =	vst v63  }
0x88: {  	_ =	swait.ge [sflag:s28], $0x1000  }
0x89: {  	[sflag:s28] =	ssyncset.done $0x0  }
0x8a: {  	p2 =	seq.s32 s3, $0xF0000;
	[sflag:s28] =	ssyncadd.s32 $0xFFFFF000  }
0x8b: {  	s9 =	sshrl.u32 @!p2 s1, $0x3;
	s2 =	rddreg [dreg:$0x0]  }
0x8c: {  	s2 =	sadd.s32 @!p2 s2, s9;
	s9 =	simm.s32 @!p2 $0x0  }
0x8d: {  	[tilespmem:s9], [sflag:$0x1] =	stream.linear.gather @!p2 [hbm4b:s2+s9], $0x400, $0x38;
	[tilespmem:$0x4000] =	vst v63  }
0x8e: {  	s10 =	simm.s32 @!p2 $0x400;
	s2 =	sadd.s32 @!p2 s3, s25  }
0x8f: {  	[tilespmem:s10], [sflag:$0x1] =	stream.linear.gather @!p2 [hbm4b:s2+s9], $0x400, $0x38;
	[tilespmem:$0x4000] =	vst v63  }
0x90: {  	s2 =	sadd.s32 @!p2 s3, s24;
	s10 =	simm.s32 @!p2 $0x800  }
0x91: {  	[tilespmem:s10], [sflag:$0x1] =	stream.linear.gather @!p2 [hbm4b:s2+s9], $0x400, $0x38;
	[tilespmem:$0x4000] =	vst v63  }
0x92: {  	s2 =	sadd.s32 @!p2 s3, s23;
	s10 =	simm.s32 @!p2 $0xC00  }
0x93: {  	[tilespmem:s10], [sflag:$0x1] =	stream.linear.gather @!p2 [hbm4b:s2+s9], $0x400, $0x38;
	[tilespmem:$0x4000] =	vst v63  }
0x94: {  	_ =	swait.ge [sflag:s29], $0x400  }
0x95: {  	[sflag:s29] =	ssyncset.done $0x0  }
0x96: {  	[sflag:s29] =	ssyncadd.s32 $0xFFFFFC00  }
0x97: {  	_ =	swait.ge [sflag:s29], $0x400  }
0x98: {  	[sflag:s29] =	ssyncset.done $0x0  }
0x99: {  	[sflag:s29] =	ssyncadd.s32 $0xFFFFFC00  }
0x9a: {  	_ =	swait.ge [sflag:s29], $0x400  }
0x9b: {  	[sflag:s29] =	ssyncset.done $0x0  }
0x9c: {  	[sflag:s29] =	ssyncadd.s32 $0xFFFFFC00  }
0x9d: {  	_ =	swait.ge [sflag:s29], $0x400  }
0x9e: {  	[sflag:s29] =	ssyncset.done $0x0  }
0x9f: {  	s2 =	sadd.s32 $0xFFFFC000, s8;
	s10 =	simm.s32 $0x1000;
	[sflag:s29] =	ssyncadd.s32 $0xFFFFFC00  }
0xa0: {  	[hbm4b:s2+s4] =	stream.linear.scatter [tilespmem:s10], [sflag:$0x6], $0x1000, $0x38;
	[tilespmem:$0x4000] =	vst v63  }
0xa1: {  	_ =	swait.ge [sflag:s26], $0x1000  }
0xa2: {  	[sflag:s26] =	ssyncset.done $0x0  }
0xa3: {  	s2 =	sadd.s32 @!p2 s3, s22;
	s10 =	simm.s32 @!p2 $0x1000;
	[sflag:s26] =	ssyncadd.s32 $0xFFFFF000  }
0xa4: {  	[tilespmem:s10], [sflag:$0x2] =	stream.linear.gather @!p2 [hbm4b:s2+s9], $0x400, $0x38;
	[tilespmem:$0x4000] =	vst v63  }
0xa5: {  	s2 =	sadd.s32 @!p2 s3, s21;
	s10 =	simm.s32 @!p2 $0x1400  }
0xa6: {  	[tilespmem:s10], [sflag:$0x2] =	stream.linear.gather @!p2 [hbm4b:s2+s9], $0x400, $0x38;
	[tilespmem:$0x4000] =	vst v63  }
0xa7: {  	s2 =	sadd.s32 @!p2 s3, s20;
	s10 =	simm.s32 @!p2 $0x1800  }
0xa8: {  	[tilespmem:s10], [sflag:$0x2] =	stream.linear.gather @!p2 [hbm4b:s2+s9], $0x400, $0x38;
	[tilespmem:$0x4000] =	vst v63  }
0xa9: {  	s2 =	sadd.s32 @!p2 s3, s19;
	s10 =	simm.s32 @!p2 $0x1C00  }
0xaa: {  	[tilespmem:s10], [sflag:$0x2] =	stream.linear.gather @!p2 [hbm4b:s2+s9], $0x400, $0x38;
	[tilespmem:$0x4000] =	vst v63  }
0xab: {  	_ =	swait.ge [sflag:s30], $0x400  }
0xac: {  	[sflag:s30] =	ssyncset.done $0x0  }
0xad: {  	[sflag:s30] =	ssyncadd.s32 $0xFFFFFC00  }
0xae: {  	_ =	swait.ge [sflag:s30], $0x400  }
0xaf: {  	[sflag:s30] =	ssyncset.done $0x0  }
0xb0: {  	[sflag:s30] =	ssyncadd.s32 $0xFFFFFC00  }
0xb1: {  	_ =	swait.ge [sflag:s30], $0x400  }
0xb2: {  	[sflag:s30] =	ssyncset.done $0x0  }
0xb3: {  	[sflag:s30] =	ssyncadd.s32 $0xFFFFFC00  }
0xb4: {  	_ =	swait.ge [sflag:s30], $0x400  }
0xb5: {  	[sflag:s30] =	ssyncset.done $0x0  }
0xb6: {  	s10 =	simm.s32 $0x2000;
	[sflag:s30] =	ssyncadd.s32 $0xFFFFFC00  }
0xb7: {  	[hbm4b:s8+s4] =	stream.linear.scatter [tilespmem:s10], [sflag:$0x7], $0x1000, $0x38;
	[tilespmem:$0x4000] =	vst v63  }
0xb8: {  	_ =	swait.ge [sflag:s31], $0x1000  }
0xb9: {  	[sflag:s31] =	ssyncset.done $0x0  }
0xba: {  	s2 =	sadd.s32 @!p2 s3, s18;
	s10 =	simm.s32 @!p2 $0x2000;
	[sflag:s31] =	ssyncadd.s32 $0xFFFFF000  }
0xbb: {  	[tilespmem:s10], [sflag:$0x3] =	stream.linear.gather @!p2 [hbm4b:s2+s9], $0x400, $0x38;
	[tilespmem:$0x4000] =	vst v63  }
0xbc: {  	s2 =	sadd.s32 @!p2 s3, s17;
	s10 =	simm.s32 @!p2 $0x2400  }
0xbd: {  	[tilespmem:s10], [sflag:$0x3] =	stream.linear.gather @!p2 [hbm4b:s2+s9], $0x400, $0x38;
	[tilespmem:$0x4000] =	vst v63  }
0xbe: {  	s2 =	sadd.s32 @!p2 s3, s16;
	s10 =	simm.s32 @!p2 $0x2800  }
0xbf: {  	[tilespmem:s10], [sflag:$0x3] =	stream.linear.gather @!p2 [hbm4b:s2+s9], $0x400, $0x38;
	[tilespmem:$0x4000] =	vst v63  }
0xc0: {  	s2 =	sadd.s32 @!p2 s3, s15;
	s10 =	simm.s32 @!p2 $0x2C00  }
0xc1: {  	[tilespmem:s10], [sflag:$0x3] =	stream.linear.gather @!p2 [hbm4b:s2+s9], $0x400, $0x38;
	[tilespmem:$0x4000] =	vst v63  }
0xc2: {  	_ =	swait.ge [sflag:s0], $0x400  }
0xc3: {  	[sflag:s0] =	ssyncset.done $0x0  }
0xc4: {  	[sflag:s0] =	ssyncadd.s32 $0xFFFFFC00  }
0xc5: {  	_ =	swait.ge [sflag:s0], $0x400  }
0xc6: {  	[sflag:s0] =	ssyncset.done $0x0  }
0xc7: {  	[sflag:s0] =	ssyncadd.s32 $0xFFFFFC00  }
0xc8: {  	_ =	swait.ge [sflag:s0], $0x400  }
0xc9: {  	[sflag:s0] =	ssyncset.done $0x0  }
0xca: {  	[sflag:s0] =	ssyncadd.s32 $0xFFFFFC00  }
0xcb: {  	_ =	swait.ge [sflag:s0], $0x400  }
0xcc: {  	[sflag:s0] =	ssyncset.done $0x0  }
.Ltmp2:
0xcd: {  	s10 =	sadd.s32 $0x4000, s8;
	[sflag:s0] =	ssyncadd.s32 $0xFFFFFC00;
	(pc) =	sbr.rel @p2 .LBB2_4-.Ltmp2, $4  }
0xce: {  	[hbm4b:s10+s4] =	stream.linear.scatter [tilespmem:s7], [sflag:$0x8], $0x1000, $0x38;
	[tilespmem:$0x4000] =	vst v63  }
0xcf: {  	_ =	swait.ge [sflag:s5], $0x1000  }
0xd0: {  	[sflag:s5] =	ssyncset.done $0x0  }
0xd1: {  	[sflag:s5] =	ssyncadd.s32 $0xFFFFF000  }
0xd2: {  	s2 =	sadd.s32 s3, s14  }
0xd3: {  	[tilespmem:s7], [sflag:$0x4] =	stream.linear.gather [hbm4b:s2+s4], $0x400, $0x38;
	[tilespmem:$0x4000] =	vst v63  }
0xd4: {  	s10 =	sadd.s32 s3, s13;
	s9 =	simm.s32 $0x3400  }
0xd5: {  	[tilespmem:s9], [sflag:$0x4] =	stream.linear.gather [hbm4b:s10+s4], $0x400, $0x38;
	[tilespmem:$0x4000] =	vst v63  }
.Ltmp3:
0xd6: {  	s8 =	sadd.s32 $0x10000, s8;
	(pc) =	sbr.rel .LBB2_2-.Ltmp3, $4  }
0xd7: {  	s1 =	sadd.s32 $0x20000, s1;
	s9 =	sadd.s32 s3, s12;
	s10 =	simm.s32 $0x3800  }
0xd8: {  	[tilespmem:s10], [sflag:$0x4] =	stream.linear.gather [hbm4b:s9+s4], $0x400, $0x38;
	[tilespmem:$0x4000] =	vst v63  }
0xd9: {  	s9 =	sadd.s32 s3, s11;
	s10 =	simm.s32 $0x3C00;
	s3 =	sadd.s32 $0x4000, s3  }
0xda: {  	[tilespmem:s10], [sflag:$0x4] =	stream.linear.gather [hbm4b:s9+s4], $0x400, $0x38;
	[tilespmem:$0x4000] =	vst v63  }
.LBB2_5:
0xdb: {  	_ =	sfence.sel $0x180000  }
0xdc: {  	[bflag:$0x0] =	sbarrier.arrive $0xFFFF  }
0xdd: {  	_ =	strace $0x90000047  }
0xde: {  	s0 =	stileid.u32;
	[bflag:$0x2] =	sbarrier.arrive $0xFFFF  }
0xdf: {  	p0 =	sne.s32 s0, $0x0;
	s0 =	rddreg [dreg:$0x3]  }
0xe0: {  	s0 =	sadd.s32 @!p0 $0x100000, s0  }
0xe1: {  	[sflag:s0] =	ssyncadd.tile.s32 @!p0 $0x1;
	_ =	shalt  }
.Lfunc_end2:
_tile_overlayer_lowered:
.L_overlay_start_2:
0xe2: {  	(tag) =	ssettag $0x2  }
0xe3: {  	s0 =	rddreg [dreg:$0x0];
	s2 =	stileid.u32  }
0xe4: {  	s1 =	rddreg [dreg:$0x1];
	p0 =	sne.s32 s2, $0x0  }
0xe5: {  	s3 =	rddreg [dreg:$0x2];
	[bflag:$0x3] =	sbarrier.arrive $0xFFFF;
	s2 =	simm.s32 @!p0 $0x1C09  }
0xe6: {  	[timem:s3], [sflag:s2] =	dma.local @!p0 [hbm:s0], s1  }
0xe7: {  	s0 =	simm.s32 @!p0 $0x9  }
0xe8: {  	_ =	swait.ge @!p0 [sflag:s0], s1  }
0xe9: {  	s1 =	ssub.s32 @!p0 $0x0, s1;
	[sflag:s0] =	ssyncset.done @!p0 $0x0  }
0xea: {  	[sflag:s0] =	ssyncadd.s32 @!p0 s1  }
0xeb: {  	[bflag:$0x3] =	sbarrier.arrive $0xFFFF  }
0xec: {  	_ =	shalt  }

// kernel: kernel.8.cloned.1.call-start
scs
__scs_entry_jumppad:
0x0: {  	(pc) =	sbr.rel $0x88, $3  }
0x1: {  	(tag) =	ssettag $0x0;
	lr =	simm.s32 $0x1  }
0x2: {  	[smem:$0x3F9F] =	sst lr;
	_ =	strace $0xD0000000  }
0x3: {  	_ = 	snop  }
0x4: {  	_ = 	snop  }
0x5: {  	_ = 	snop  }
0x6: {  	_ = 	snop  }
0x7: {  	_ = 	snop  }
__scs_overlays_trampoline_lowered:
0x8: {  	[smem:$0x3FAE] =	sst s0  }
0x9: {  	[smem:$0x3FAF] =	sst s1  }
0xa: {  	[smem:$0x3FB0] =	sst s2  }
0xb: {  	[smem:$0x3FB1] =	sst s3  }
0xc: {  	[smem:$0x3FB2] =	sst s4  }
0xd: {  	[smem:$0x3FB3] =	sst s5  }
0xe: {  	[smem:$0x3FB4] =	sst s6  }
0xf: {  	[smem:$0x3FB5] =	sst s7  }
0x10: {  	[smem:$0x3FB6] =	sst s8  }
0x11: {  	[smem:$0x3FB7] =	sst s9;
	s0 =	simm.s32 @!p0 $0x0  }
0x12: {  	s1 =	sld [smem:$0x3F9D];
	s0 =	simm.s32 @p0 $0x1  }
0x13: {  	[smem:$0x3FB8] =	sst s0;
	s0 =	simm.s32 @!p1 $0x0  }
0x14: {  	s2 =	sld [smem:$0x3F9C];
	s0 =	simm.s32 @p1 $0x1  }
0x15: {  	[smem:$0x3FB9] =	sst s0;
	s0 =	simm.s32 @!p2 $0x0  }
0x16: {  	s3 =	sld [smem:$0x3FDB];
	s0 =	simm.s32 @p2 $0x1  }
0x17: {  	s4 =	simm.s32 $0x1BF5;
	[smem:$0x3FBB] =	sst s0  }
0x18: {  	s0 =	sld [smem:$0x3F9E];
	_ =	swait.ge [sflag:s4], $0x0  }
0x19: {  	s7 =	sld [smem:$0x3F9F]  }
0x1a: {  	s8 =	sadd.s32 $0xFFFFE003, lr  }
0x1b: {  	s9 =	sadd.s32 $0xFFFFFEF7, lr;
	s5 =	simm.s32 $0xFFFFFFFF;
	p2 =	slt.u32 s8, $0xFFFFF086  }
0x1c: {  	p1 =	slt.u32 s9, $0xF7A;
	s5 =	simm.s32 @!p2 $0x0  }
0x1d: {  	s5 =	simm.s32 @p1 $0x1;
	p0 =	seq.s32 s7, s2  }
0x1e: {  	s7 =	smul.u32 @!p0 $0xF7A, s2;
	p2 =	seq.s32 @!p0 s5, $0x0  }
0x1f: {  	s9 =	smul.u32 $0xF7A, s1;
	s8 =	simm.s32 @!p0 $0x1BF5;
	p2 =	por !p2, p0  }
0x20: {  	[sflag:s8] =	ssyncset.s32 @!p0 $0xFFFFF086;
	s6 =	sadd.s32 @!p0 s3, s7;
	s7 =	simm.s32 @!p0 $0x108  }
0x21: {  	s3 =	sadd.s32 s3, s9;
	s6 =	sadd.s32 @!p0 $0x88, s6;
	s7 =	simm.s32 @p2 $0x1082  }
0x22: {  	[simem:s7], [sflag:s8] =	dma.local @!p0 [hbm:s6], $0xF7A  }
0x23: {  	s9 =	sor.u32 $0xD0000000, s2;
	s6 =	simm.s32 $0x108;
	_ =	swait.ge @!p0 [sflag:s8], $0x0  }
0x24: {  	s3 =	sadd.s32 $0x88, s3;
	s6 =	simm.s32 @!p1 $0x1082;
	[sflag:s4] =	ssyncset.s32 $0xFFFFF086  }
0x25: {  	[simem:s6], [sflag:s4] =	dma.local [hbm:s3], $0xF7A  }
0x26: {  	[smem:$0x3F9F] =	sst s1;
	(tag) =	ssettag s2;
	_ =	strace s9  }
0x27: {  	s1 =	sld [smem:$0x3FAF]  }
0x28: {  	s2 =	sld [smem:$0x3FB0]  }
0x29: {  	s4 =	sld [smem:$0x3FB2]  }
0x2a: {  	p0 =	seq.s32 s5, $0x0;
	s5 =	sld [smem:$0x3FB3]  }
0x2b: {  	s6 =	sld [smem:$0x3FB4]  }
0x2c: {  	s7 =	sld [smem:$0x3FB5]  }
0x2d: {  	s3 =	simm.s32 $0x108;
	s8 =	sld [smem:$0x3FB6]  }
0x2e: {  	s3 =	simm.s32 @!p0 $0x1082;
	s9 =	sld [smem:$0x3FB7]  }
0x2f: {  	lr =	sadd.s32 s0, s3;
	s0 =	sld [smem:$0x3FAE]  }
0x30: {  	s3 =	sld [smem:$0x3FB1]  }
0x31: {  	[smem:$0x3FBA] =	sst s10  }
0x32: {  	s10 =	sld [smem:$0x3FB8];
	_ =	sdelay $0x3  }
0x33: {  	p0 =	seq.s32 s10, $0x1;
	s10 =	sld [smem:$0x3FBA];
	_ =	sdelay $0x3  }
0x34: {  	[smem:$0x3FBA] =	sst s10  }
0x35: {  	s10 =	sld [smem:$0x3FB9];
	_ =	sdelay $0x3  }
0x36: {  	p1 =	seq.s32 s10, $0x1;
	s10 =	sld [smem:$0x3FBA];
	_ =	sdelay $0x3  }
0x37: {  	[smem:$0x3FBA] =	sst s10  }
0x38: {  	s10 =	sld [smem:$0x3FBB]  }
0x39: {  	_ = 	snop;
	(pc) =	sbr.ind lr, $3  }
0x3a: {  	_ = 	snop  }
0x3b: {  	_ = 	snop  }
0x3c: {  	p2 =	seq.s32 s10, $0x1;
	s10 =	sld [smem:$0x3FBA]  }
0x3d: {  	_ =	shalt  }
0x3e: {  	_ =	shalt  }
0x3f: {  	_ =	shalt  }
0x40: {  	_ =	shalt  }
0x41: {  	_ =	shalt  }
0x42: {  	_ =	shalt  }
0x43: {  	_ =	shalt  }
0x44: {  	_ =	shalt  }
0x45: {  	_ =	shalt  }
0x46: {  	_ =	shalt  }
0x47: {  	_ =	shalt  }
0x48: {  	_ =	shalt  }
0x49: {  	_ =	shalt  }
0x4a: {  	_ =	shalt  }
0x4b: {  	_ =	shalt  }
0x4c: {  	_ =	shalt  }
0x4d: {  	_ =	shalt  }
0x4e: {  	_ =	shalt  }
0x4f: {  	_ =	shalt  }
0x50: {  	_ =	shalt  }
0x51: {  	_ =	shalt  }
0x52: {  	_ =	shalt  }
0x53: {  	_ =	shalt  }
0x54: {  	_ =	shalt  }
0x55: {  	_ =	shalt  }
0x56: {  	_ =	shalt  }
0x57: {  	_ =	shalt  }
0x58: {  	_ =	shalt  }
0x59: {  	_ =	shalt  }
0x5a: {  	_ =	shalt  }
0x5b: {  	_ =	shalt  }
0x5c: {  	_ =	shalt  }
0x5d: {  	_ =	shalt  }
0x5e: {  	_ =	shalt  }
0x5f: {  	_ =	shalt  }
0x60: {  	_ =	shalt  }
0x61: {  	_ =	shalt  }
0x62: {  	_ =	shalt  }
0x63: {  	_ =	shalt  }
0x64: {  	_ =	shalt  }
0x65: {  	_ =	shalt  }
0x66: {  	_ =	shalt  }
0x67: {  	_ =	shalt  }
0x68: {  	_ =	shalt  }
0x69: {  	_ =	shalt  }
0x6a: {  	_ =	shalt  }
0x6b: {  	_ =	shalt  }
0x6c: {  	_ =	shalt  }
0x6d: {  	_ =	shalt  }
0x6e: {  	_ =	shalt  }
0x6f: {  	_ =	shalt  }
0x70: {  	_ =	shalt  }
0x71: {  	_ =	shalt  }
0x72: {  	_ =	shalt  }
0x73: {  	_ =	shalt  }
0x74: {  	_ =	shalt  }
0x75: {  	_ =	shalt  }
0x76: {  	_ =	shalt  }
0x77: {  	_ =	shalt  }
0x78: {  	_ =	shalt  }
0x79: {  	_ =	shalt  }
0x7a: {  	_ =	shalt  }
0x7b: {  	_ =	shalt  }
0x7c: {  	_ =	shalt  }
0x7d: {  	_ =	shalt  }
0x7e: {  	_ =	shalt  }
0x7f: {  	_ =	shalt  }
0x80: {  	_ =	shalt  }
0x81: {  	_ =	shalt  }
0x82: {  	_ =	shalt  }
0x83: {  	_ =	shalt  }
0x84: {  	_ =	shalt  }
0x85: {  	_ =	shalt  }
0x86: {  	_ =	shalt  }
0x87: {  	_ =	shalt  }
.Lfunc_end0:
.L_simem_size_0:
called_computation.1_lowered:
.L_overlay_start_0:
0x88: {  	s2 =	sld [smem:$0x3FD9]  }
0x89: {  	s3 =	sld [smem:$0x3FFE];
	_ =	sdelay $0x1  }
0x8a: {  	s1 =	srdreg.scid  }
0x8b: {  	s0 =	sand.u32 $0x1, s1  }
0x8c: {  	s16 =	sshll.u32 s0, $0xA;
	s2 =	sadd.s32 s3, s2  }
0x8d: {  	s2 =	sadd.s32 s2, s16  }
0x8e: {  	[smem:$0x3FC6] =	sst s2  }
0x8f: {  	_ = 	snop  }
0x90: {  	(tm) =	ssettm $0x1  }
0x91: {  	s17 =	sld [smem:$0x3FFB];
	_ =	sdelay $0x3  }
0x92: {  	_ =	strace s17  }
0x93: {  	s2 =	sld [smem:$0x3FFC];
	_ =	sdelay $0x3  }
0x94: {  	_ =	strace s2  }
0x95: {  	s2 =	sld [smem:$0x3FFD];
	_ =	sdelay $0x3  }
0x96: {  	_ =	strace s2  }
0x97: {  	_ =	strace $0x8FFFFFFF  }
0x98: {  	s18 =	sld [smem:$0x3FDB];
	_ =	sdelay $0x1  }
0x99: {  	s19 =	simm.s32 $_scs_section_size  }
0x9a: {  	s4 =	simm.s32 $_size__tile_overlayer_lowered;
	s5 =	simm.s32 $_tile_overlayer_lowered  }
0x9b: {  	s22 =	simm.s32 $0x1BFF;
	s21 =	sshll.u32 s5, $0x1;
	s2 =	sadd.s32 s19, s18  }
0x9c: {  	s6 =	simm.s32 $0x0;
	s20 =	sshll.u32 s4, $0x1;
	s4 =	sadd.s32 s21, s2  }
0x9d: {  	[timem:s6], [sflag:s22] =	dma.local [hbm:s4], s20  }
0x9e: {  	_ =	swait.ge [sflag:s22], s20  }
0x9f: {  	s3 =	ssub.s32 $0x0, s20;
	[sflag:s22] =	ssyncset.done $0x0  }
0xa0: {  	[sflag:s22] =	ssyncadd.s32 s3;
	_ =	sdelay $0x1  }
0xa1: {  	s23 =	simm.s32 $0x1B8B  }
0xa2: {  	_ =	swait.ge [sflag:s23], $0x1  }
0xa3: {  	[sflag:s23] =	ssyncset.done $0x0  }
0xa4: {  	s25 =	simm.s32 $0x1B8E;
	s24 =	sld [smem:$0x3FFE];
	[sflag:s23] =	ssyncadd.s32 $0xFFFFFFFF  }
0xa5: {  	s26 =	simm.s32 $execute0_lowered;
	[smem:$0x3FD2] =	sst s25  }
0xa6: {  	s4 =	sshll.u32 s26, $0x1;
	_ =	strace $0x80000049;
	[dreg:$0x1] =	wrdreg $0xFFFFFFFF  }
0xa7: {  	s28 =	simm.s32 $_size_execute0_lowered;
	s2 =	sadd.s32 s2, s4;
	[dreg:$0x0] =	wrdreg $0x0  }
0xa8: {  	s4 =	sshll.u32 s28, $0x1;
	[dreg:$0x2] =	wrdreg s2  }
0xa9: {  	[dreg:$0x3] =	wrdreg s4  }
0xaa: {  	[dreg:$0x4] =	wrdreg $0xC0  }
0xab: {  	_ =	task [dreg:s6], $0x5FFFF  }
0xac: {  	[dreg:$0x1] =	wrdreg $0xFFFFFFFF  }
0xad: {  	[dreg:$0x0] =	wrdreg $0x60  }
0xae: {  	[dreg:$0x2] =	wrdreg s24  }
0xaf: {  	[dreg:$0x3] =	wrdreg $0x9  }
0xb0: {  	_ =	task.clear_ibuf [dreg:s6], $0x4FFFF;
	_ =	strace $0x90000049  }
0xb1: {  	s29 =	simm.s32 $0x9;
	_ =	strace $0x8000004B  }
0xb2: {  	_ =	swait.ge [sflag:s29], $0x1  }
0xb3: {  	[sflag:s29] =	ssyncadd.s32 $0xFFFFFFFF  }
0xb4: {  	_ =	strace $0x9000004B  }
0xb5: {  	_ =	sfence  }
0xb6: {  	s30 =	sld [smem:$0x0];
	_ =	sdelay $0x2  }
0xb7: {  	s31 =	sshll.u32 s1, $0xD;
	s1 =	sshrl.u32 s1, $0x2  }
0xb8: {  	s3 =	sand.u32 $0x4000, s31;
	s1 =	sadd.s32 s1, s30  }
0xb9: {  	s0 =	sor.u32 s3, s0;
	s1 =	sshll.u32 s1, $0x11  }
0xba: {  	s0 =	sor.u32 s1, s0  }
0xbb: {  	s0 =	sadd.s32 $0x8F2B, s0  }
0xbc: {  	[sflag:s0] =	ssyncadd.remote.s32 $0x1  }
0xbd: {  	_ =	sfence.sel $0xFFFF  }
0xbe: {  	[dreg:$0x0] =	wrdreg $0xFFFFFFFF;
	(pc) =	sbr.abs _section_cstart, $3  }
0xbf: {  	[dreg:$0x1] =	wrdreg $0xFFFFFFFF  }
0xc0: {  	_ =	task.clear_ibuf [dreg:s6], $0x2FFFF;
	_ =	strace $0x9FFFFFFF  }
0xc1: {  	(tm) =	ssettm $0x7FFFFFFF  }
tec
execute0_lowered:
.L_overlay_start_1:
0x0: {  	(tag) =	ssettag $0x1  }
0x1: {  	s3 =	rddreg [dreg:$0x0];
	v0 =	vlaneseq.u32  }
0x2: {  	s0 =	rddreg [dreg:$0x1];
	v0 =	vmul.u32 $0x28, v0  }
0x3: {  	s2 =	simm.s32 $0x0;
	s4 =	srdreg.scid;
	s1 =	stileid.u32  }
0x4: {  	s13 =	simm.s32 $0x1000;
	s14 =	simm.s32 $0x1;
	s15 =	simm.s32 $0x2000;
	v1 =	vor.u32 $0x1, v0  }
0x5: {  	s16 =	simm.s32 $0x3400;
	s17 =	simm.s32 $0x2;
	s18 =	simm.s32 $0x4400;
	v2 =	vor.u32 $0x2, v0;
	v3 =	vor.u32 $0x3, v0;
	v4 =	vor.u32 $0x4, v0  }
0x6: {  	s20 =	simm.s32 $0x4;
	s21 =	simm.s32 $0x5;
	s22 =	simm.s32 $0x0;
	v5 =	vor.u32 $0x5, v0;
	v6 =	vor.u32 $0x6, v0;
	v7 =	vor.u32 $0x7, v0  }
0x7: {  	[smem:$0x7FF] =	sst s2;
	s4 =	sand.u32 $0x1, s4;
	s5 =	sshll.u32 s1, $0x1;
	v8 =	vadd.s32 $0x8, v0;
	v9 =	vadd.s32 $0x9, v0;
	v10 =	vadd.s32 $0xA, v0  }
0x8: {  	s9 =	sadd.s32 $0xE00, s3;
	s3 =	sadd.s32 $0x3D1800, s3;
	s19 =	sor.u32 s4, s5;
	v11 =	vadd.s32 $0xB, v0;
	v12 =	vadd.s32 $0xC, v0;
	v13 =	vadd.s32 $0xD, v0  }
0x9: {  	_ =	strace $0x8000004A;
	s31 =	ssub.s32 $0x2, s4;
	s12 =	sshll.u32 s19, $0x9;
	v14 =	vadd.s32 $0xE, v0;
	v15 =	vadd.s32 $0xF, v0;
	v16 =	vadd.s32 $0x10, v0  }
.Ltmp0:
0xa: {  	s6 =	sshrl.u32 s31, $0x1;
	v17 =	vadd.s32 $0x11, v0;
	v18 =	vadd.s32 $0x12, v0;
	v19 =	vadd.s32 $0x13, v0;
	p0 =	sgt.u32 s19, $0x4;
	(pc) =	sbr.rel .LBB2_1-.Ltmp0, $4  }
0xb: {  	v20 =	vadd.s32 $0x14, v0;
	v21 =	vadd.s32 $0x15, v0;
	v22 =	vadd.s32 $0x16, v0;
	s19 =	simm.s32 $0x3;
	s4 =	sadd.s32 s9, s12;
	s11 =	ssub.s32 s31, s6  }
0xc: {  	v23 =	vadd.s32 $0x17, v0;
	v24 =	vadd.s32 $0x18, v0;
	v25 =	vadd.s32 $0x19, v0;
	s7 =	sadd.s32 s3, s12;
	s10 =	sor.u32 $0x3D0000, s12;
	s12 =	sor.u32 $0x4000, s12  }
0xd: {  	v26 =	vadd.s32 $0x1A, v0;
	v27 =	vadd.s32 $0x1B, v0;
	v28 =	vadd.s32 $0x1C, v0;
	s5 =	sadd.s32 $0x4000, s4;
	s6 =	sadd.s32 $0x8000, s4;
	s8 =	sadd.s32 $0xC000, s4  }
0xe: {  	v29 =	vadd.s32 $0x1D, v0;
	v30 =	vadd.s32 $0x1E, v0;
	v31 =	vadd.s32 $0x1F, v0;
	s9 =	sadd.s32 s9, s10;
	s10 =	sadd.s32 s3, s10;
	s11 =	smax.u32 s11, $0x1  }
.LBB2_17:
0xf: {  	s22 =	sadd.s32 $0x1, s22  }
0x10: {  	p1 =	sne.s32 s22, s11  }
.Ltmp1:
0x11: {  	_ = 	snop;
	(pc) =	sbr.rel @!p1 .LBB2_18-.Ltmp1, $1  }
0x12: {  	_ =	sdelay $0x3  }
.LBB2_1:
0x13: {  	[tilespmem:s2], [sflag:$0x1] =	stream.linear.gather [hbm4b:s4+s2], $0x1000, $0x38;
	[tilespmem:$0x5400] =	vst v63  }
0x14: {  	s23 =	simm.s32 $0x0  }
0x15: {  	[tilespmem:s13], [sflag:$0x2] =	stream.linear.gather [hbm4b:s5+s2], $0x1000, $0x38;
	[tilespmem:$0x5400] =	vst v63  }
.LBB2_2:
0x16: {  	_ =	swait.ge [sflag:s14], $0x1000;
	s25 =	simm.s32 $0x0  }
0x17: {  	p1 =	seq.s32 s23, $0x0;
	[sflag:s14] =	ssyncset.done $0x0;
	v32 =	vmov s25  }
0x18: {  	s24 =	simm.s32 @!p1 $0x3;
	[sflag:s14] =	ssyncadd.s32 $0xFFFFF000;
	v32 =	vmul.u32 $0x28, v32  }
0x19: {  	_ =	swait.ge @!p1 [sflag:s24], $0x1000  }
0x1a: {  	[sflag:s24] =	ssyncset.done @!p1 $0x0;
	v32 =	vbroadcast v32, $0x0  }
0x1b: {  	s26 =	simm.s32 $0x800;
	[sflag:s24] =	ssyncadd.s32 @!p1 $0xFFFFF000  }
0x1c: {  	v33 =	vld [tilespmem:s26+$0xFFFFF800];
	v34 =	vadd.s32 v0, v32;
	_ =	sdelay $0x4  }
0x1d: {  	[tilespmem:v34+s15+$0x0] =	vst.idx.msk $0xffff, v33  }
0x1e: {  	v62 =	vadd.s32 v1, v32;
	v33 =	vld [tilespmem:s26+$0xFFFFF880];
	_ =	sdelay $0x4  }
0x1f: {  	[tilespmem:v62+s15+$0x0] =	vst.idx.msk $0xffff, v33  }
0x20: {  	v63 =	vadd.s32 v2, v32;
	v33 =	vld [tilespmem:s26+$0xFFFFF900];
	_ =	sdelay $0x4  }
0x21: {  	[tilespmem:v63+s15+$0x0] =	vst.idx.msk $0xffff, v33  }
0x22: {  	v36 =	vadd.s32 v3, v32;
	v33 =	vld [tilespmem:s26+$0xFFFFF980];
	_ =	sdelay $0x4  }
0x23: {  	[tilespmem:v36+s15+$0x0] =	vst.idx.msk $0xffff, v33  }
0x24: {  	v37 =	vadd.s32 v4, v32;
	v33 =	vld [tilespmem:s26+$0xFFFFFA00];
	_ =	sdelay $0x4  }
0x25: {  	[tilespmem:v37+s15+$0x0] =	vst.idx.msk $0xffff, v33  }
0x26: {  	v38 =	vadd.s32 v5, v32;
	v33 =	vld [tilespmem:s26+$0xFFFFFA80];
	_ =	sdelay $0x4  }
0x27: {  	[tilespmem:v38+s15+$0x0] =	vst.idx.msk $0xffff, v33  }
0x28: {  	v39 =	vadd.s32 v6, v32;
	v33 =	vld [tilespmem:s26+$0xFFFFFB00];
	_ =	sdelay $0x4  }
0x29: {  	[tilespmem:v39+s15+$0x0] =	vst.idx.msk $0xffff, v33  }
0x2a: {  	v40 =	vadd.s32 v7, v32;
	v33 =	vld [tilespmem:s26+$0xFFFFFB80];
	_ =	sdelay $0x4  }
0x2b: {  	[tilespmem:v40+s15+$0x0] =	vst.idx.msk $0xffff, v33  }
0x2c: {  	v41 =	vadd.s32 v8, v32;
	v33 =	vld [tilespmem:s26+$0xFFFFFC00];
	_ =	sdelay $0x4  }
0x2d: {  	[tilespmem:v41+s15+$0x0] =	vst.idx.msk $0xffff, v33  }
0x2e: {  	v42 =	vadd.s32 v9, v32;
	v33 =	vld [tilespmem:s26+$0xFFFFFC80];
	_ =	sdelay $0x4  }
0x2f: {  	[tilespmem:v42+s15+$0x0] =	vst.idx.msk $0xffff, v33  }
0x30: {  	v43 =	vadd.s32 v10, v32;
	v33 =	vld [tilespmem:s26+$0xFFFFFD00];
	_ =	sdelay $0x4  }
0x31: {  	[tilespmem:v43+s15+$0x0] =	vst.idx.msk $0xffff, v33  }
0x32: {  	v44 =	vadd.s32 v11, v32;
	v33 =	vld [tilespmem:s26+$0xFFFFFD80];
	_ =	sdelay $0x4  }
0x33: {  	[tilespmem:v44+s15+$0x0] =	vst.idx.msk $0xffff, v33  }
0x34: {  	v45 =	vadd.s32 v12, v32;
	v33 =	vld [tilespmem:s26+$0xFFFFFE00];
	_ =	sdelay $0x4  }
0x35: {  	[tilespmem:v45+s15+$0x0] =	vst.idx.msk $0xffff, v33  }
0x36: {  	v46 =	vadd.s32 v13, v32;
	v33 =	vld [tilespmem:s26+$0xFFFFFE80];
	_ =	sdelay $0x4  }
0x37: {  	[tilespmem:v46+s15+$0x0] =	vst.idx.msk $0xffff, v33  }
0x38: {  	v47 =	vadd.s32 v14, v32;
	v33 =	vld [tilespmem:s26+$0xFFFFFF00];
	_ =	sdelay $0x4  }
0x39: {  	[tilespmem:v47+s15+$0x0] =	vst.idx.msk $0xffff, v33  }
0x3a: {  	v48 =	vadd.s32 v15, v32;
	v33 =	vld [tilespmem:s26+$0xFFFFFF80];
	_ =	sdelay $0x4  }
0x3b: {  	[tilespmem:v48+s15+$0x0] =	vst.idx.msk $0xffff, v33  }
0x3c: {  	v49 =	vadd.s32 v16, v32;
	v33 =	vld [tilespmem:s26+$0x0];
	_ =	sdelay $0x4  }
0x3d: {  	[tilespmem:v49+s15+$0x0] =	vst.idx.msk $0xffff, v33  }
0x3e: {  	v50 =	vadd.s32 v17, v32;
	v33 =	vld [tilespmem:s26+$0x80];
	_ =	sdelay $0x4  }
0x3f: {  	[tilespmem:v50+s15+$0x0] =	vst.idx.msk $0xffff, v33  }
0x40: {  	v51 =	vadd.s32 v18, v32;
	v33 =	vld [tilespmem:s26+$0x100];
	_ =	sdelay $0x4  }
0x41: {  	[tilespmem:v51+s15+$0x0] =	vst.idx.msk $0xffff, v33  }
0x42: {  	v52 =	vadd.s32 v19, v32;
	v33 =	vld [tilespmem:s26+$0x180];
	_ =	sdelay $0x4  }
0x43: {  	[tilespmem:v52+s15+$0x0] =	vst.idx.msk $0xffff, v33  }
0x44: {  	v53 =	vadd.s32 v20, v32;
	v33 =	vld [tilespmem:s26+$0x200];
	_ =	sdelay $0x4  }
0x45: {  	[tilespmem:v53+s15+$0x0] =	vst.idx.msk $0xffff, v33  }
0x46: {  	v54 =	vadd.s32 v21, v32;
	v33 =	vld [tilespmem:s26+$0x280];
	_ =	sdelay $0x4  }
0x47: {  	[tilespmem:v54+s15+$0x0] =	vst.idx.msk $0xffff, v33  }
0x48: {  	v55 =	vadd.s32 v22, v32;
	v33 =	vld [tilespmem:s26+$0x300];
	_ =	sdelay $0x4  }
0x49: {  	[tilespmem:v55+s15+$0x0] =	vst.idx.msk $0xffff, v33  }
0x4a: {  	v56 =	vadd.s32 v23, v32;
	v33 =	vld [tilespmem:s26+$0x380];
	_ =	sdelay $0x4  }
0x4b: {  	[tilespmem:v56+s15+$0x0] =	vst.idx.msk $0xffff, v33  }
0x4c: {  	v57 =	vadd.s32 v24, v32;
	v33 =	vld [tilespmem:s26+$0x400];
	_ =	sdelay $0x4  }
0x4d: {  	[tilespmem:v57+s15+$0x0] =	vst.idx.msk $0xffff, v33  }
0x4e: {  	v58 =	vadd.s32 v25, v32;
	v33 =	vld [tilespmem:s26+$0x480];
	_ =	sdelay $0x4  }
0x4f: {  	[tilespmem:v58+s15+$0x0] =	vst.idx.msk $0xffff, v33  }
0x50: {  	v59 =	vadd.s32 v26, v32;
	v33 =	vld [tilespmem:s26+$0x500];
	_ =	sdelay $0x4  }
0x51: {  	[tilespmem:v59+s15+$0x0] =	vst.idx.msk $0xffff, v33  }
0x52: {  	v60 =	vadd.s32 v27, v32;
	v33 =	vld [tilespmem:s26+$0x580];
	_ =	sdelay $0x4  }
0x53: {  	[tilespmem:v60+s15+$0x0] =	vst.idx.msk $0xffff, v33  }
0x54: {  	v61 =	vadd.s32 v28, v32;
	v33 =	vld [tilespmem:s26+$0x600];
	_ =	sdelay $0x4  }
0x55: {  	[tilespmem:v61+s15+$0x0] =	vst.idx.msk $0xffff, v33  }
0x56: {  	v62 =	vadd.s32 v29, v32;
	v33 =	vld [tilespmem:s26+$0x680];
	_ =	sdelay $0x4  }
0x57: {  	[tilespmem:v62+s15+$0x0] =	vst.idx.msk $0xffff, v33  }
0x58: {  	v63 =	vadd.s32 v30, v32;
	v33 =	vld [tilespmem:s26+$0x700];
	_ =	sdelay $0x4  }
0x59: {  	[tilespmem:v63+s15+$0x0] =	vst.idx.msk $0xffff, v33  }
0x5a: {  	s28 =	simm.s32 $0x10;
	v34 =	vadd.s32 v31, v32;
	v33 =	vld [tilespmem:s26+$0x780]  }
0x5b: {  	s24 =	sshll.u32 s23, $0xF;
	v32 =	vmov s28;
	s28 =	simm.s32 $0x20  }
.LBB2_3:
0x5c: {  	p2 =	sne.s32 s28, $0x70;
	v32 =	vmul.u32 $0x28, v32;
	_ =	sdelay $0x1  }
0x5d: {  	v32 =	vbroadcast v32, $0x0  }
0x5e: {  	s26 =	sadd.s32 $0x10, s26;
	[tilespmem:v34+s15+$0x0] =	vst.idx.msk $0xffff, v33  }
0x5f: {  	v33 =	vld [tilespmem:s26+$0xFFFFF800];
	v34 =	vadd.s32 v0, v32;
	_ =	sdelay $0x4  }
0x60: {  	[tilespmem:v34+s15+$0x0] =	vst.idx.msk $0xffff, v33  }
0x61: {  	v34 =	vadd.s32 v1, v32;
	v33 =	vld [tilespmem:s26+$0xFFFFF880];
	_ =	sdelay $0x4  }
0x62: {  	[tilespmem:v34+s15+$0x0] =	vst.idx.msk $0xffff, v33  }
0x63: {  	v34 =	vadd.s32 v2, v32;
	v33 =	vld [tilespmem:s26+$0xFFFFF900];
	_ =	sdelay $0x4  }
0x64: {  	[tilespmem:v34+s15+$0x0] =	vst.idx.msk $0xffff, v33  }
0x65: {  	v34 =	vadd.s32 v3, v32;
	v33 =	vld [tilespmem:s26+$0xFFFFF980];
	_ =	sdelay $0x4  }
0x66: {  	[tilespmem:v34+s15+$0x0] =	vst.idx.msk $0xffff, v33  }
0x67: {  	v34 =	vadd.s32 v4, v32;
	v33 =	vld [tilespmem:s26+$0xFFFFFA00];
	_ =	sdelay $0x4  }
0x68: {  	[tilespmem:v34+s15+$0x0] =	vst.idx.msk $0xffff, v33  }
0x69: {  	v34 =	vadd.s32 v5, v32;
	v33 =	vld [tilespmem:s26+$0xFFFFFA80];
	_ =	sdelay $0x4  }
0x6a: {  	[tilespmem:v34+s15+$0x0] =	vst.idx.msk $0xffff, v33  }
0x6b: {  	v34 =	vadd.s32 v6, v32;
	v33 =	vld [tilespmem:s26+$0xFFFFFB00];
	_ =	sdelay $0x4  }
0x6c: {  	[tilespmem:v34+s15+$0x0] =	vst.idx.msk $0xffff, v33  }
0x6d: {  	v34 =	vadd.s32 v7, v32;
	v33 =	vld [tilespmem:s26+$0xFFFFFB80];
	_ =	sdelay $0x4  }
0x6e: {  	[tilespmem:v34+s15+$0x0] =	vst.idx.msk $0xffff, v33  }
0x6f: {  	v34 =	vadd.s32 v8, v32;
	v33 =	vld [tilespmem:s26+$0xFFFFFC00];
	_ =	sdelay $0x4  }
0x70: {  	[tilespmem:v34+s15+$0x0] =	vst.idx.msk $0xffff, v33  }
0x71: {  	v34 =	vadd.s32 v9, v32;
	v33 =	vld [tilespmem:s26+$0xFFFFFC80];
	_ =	sdelay $0x4  }
0x72: {  	[tilespmem:v34+s15+$0x0] =	vst.idx.msk $0xffff, v33  }
0x73: {  	v34 =	vadd.s32 v10, v32;
	v33 =	vld [tilespmem:s26+$0xFFFFFD00];
	_ =	sdelay $0x4  }
0x74: {  	[tilespmem:v34+s15+$0x0] =	vst.idx.msk $0xffff, v33  }
0x75: {  	v34 =	vadd.s32 v11, v32;
	v33 =	vld [tilespmem:s26+$0xFFFFFD80];
	_ =	sdelay $0x4  }
0x76: {  	[tilespmem:v34+s15+$0x0] =	vst.idx.msk $0xffff, v33  }
0x77: {  	v34 =	vadd.s32 v12, v32;
	v33 =	vld [tilespmem:s26+$0xFFFFFE00];
	_ =	sdelay $0x4  }
0x78: {  	[tilespmem:v34+s15+$0x0] =	vst.idx.msk $0xffff, v33  }
0x79: {  	v34 =	vadd.s32 v13, v32;
	v33 =	vld [tilespmem:s26+$0xFFFFFE80];
	_ =	sdelay $0x4  }
0x7a: {  	[tilespmem:v34+s15+$0x0] =	vst.idx.msk $0xffff, v33  }
0x7b: {  	v34 =	vadd.s32 v14, v32;
	v33 =	vld [tilespmem:s26+$0xFFFFFF00];
	_ =	sdelay $0x4  }
0x7c: {  	[tilespmem:v34+s15+$0x0] =	vst.idx.msk $0xffff, v33  }
0x7d: {  	v34 =	vadd.s32 v15, v32;
	v33 =	vld [tilespmem:s26+$0xFFFFFF80];
	_ =	sdelay $0x4  }
0x7e: {  	[tilespmem:v34+s15+$0x0] =	vst.idx.msk $0xffff, v33  }
0x7f: {  	v34 =	vadd.s32 v16, v32;
	v33 =	vld [tilespmem:s26+$0x0];
	_ =	sdelay $0x4  }
0x80: {  	[tilespmem:v34+s15+$0x0] =	vst.idx.msk $0xffff, v33  }
0x81: {  	v34 =	vadd.s32 v17, v32;
	v33 =	vld [tilespmem:s26+$0x80];
	_ =	sdelay $0x4  }
0x82: {  	[tilespmem:v34+s15+$0x0] =	vst.idx.msk $0xffff, v33  }
0x83: {  	v34 =	vadd.s32 v18, v32;
	v33 =	vld [tilespmem:s26+$0x100];
	_ =	sdelay $0x4  }
0x84: {  	[tilespmem:v34+s15+$0x0] =	vst.idx.msk $0xffff, v33  }
0x85: {  	v34 =	vadd.s32 v19, v32;
	v33 =	vld [tilespmem:s26+$0x180];
	_ =	sdelay $0x4  }
0x86: {  	[tilespmem:v34+s15+$0x0] =	vst.idx.msk $0xffff, v33  }
0x87: {  	v34 =	vadd.s32 v20, v32;
	v33 =	vld [tilespmem:s26+$0x200];
	_ =	sdelay $0x4  }
0x88: {  	[tilespmem:v34+s15+$0x0] =	vst.idx.msk $0xffff, v33  }
0x89: {  	v34 =	vadd.s32 v21, v32;
	v33 =	vld [tilespmem:s26+$0x280];
	_ =	sdelay $0x4  }
0x8a: {  	[tilespmem:v34+s15+$0x0] =	vst.idx.msk $0xffff, v33  }
0x8b: {  	v34 =	vadd.s32 v22, v32;
	v33 =	vld [tilespmem:s26+$0x300];
	_ =	sdelay $0x4  }
0x8c: {  	[tilespmem:v34+s15+$0x0] =	vst.idx.msk $0xffff, v33  }
0x8d: {  	v34 =	vadd.s32 v23, v32;
	v33 =	vld [tilespmem:s26+$0x380];
	_ =	sdelay $0x4  }
0x8e: {  	[tilespmem:v34+s15+$0x0] =	vst.idx.msk $0xffff, v33  }
0x8f: {  	v34 =	vadd.s32 v24, v32;
	v33 =	vld [tilespmem:s26+$0x400];
	_ =	sdelay $0x4  }
0x90: {  	[tilespmem:v34+s15+$0x0] =	vst.idx.msk $0xffff, v33  }
0x91: {  	v34 =	vadd.s32 v25, v32;
	v33 =	vld [tilespmem:s26+$0x480];
	_ =	sdelay $0x4  }
0x92: {  	[tilespmem:v34+s15+$0x0] =	vst.idx.msk $0xffff, v33  }
0x93: {  	v34 =	vadd.s32 v26, v32;
	v33 =	vld [tilespmem:s26+$0x500];
	_ =	sdelay $0x4  }
0x94: {  	[tilespmem:v34+s15+$0x0] =	vst.idx.msk $0xffff, v33  }
0x95: {  	v34 =	vadd.s32 v27, v32;
	v33 =	vld [tilespmem:s26+$0x580];
	_ =	sdelay $0x4  }
0x96: {  	[tilespmem:v34+s15+$0x0] =	vst.idx.msk $0xffff, v33  }
0x97: {  	v34 =	vadd.s32 v28, v32;
	v33 =	vld [tilespmem:s26+$0x600];
	_ =	sdelay $0x4  }
0x98: {  	[tilespmem:v34+s15+$0x0] =	vst.idx.msk $0xffff, v33  }
0x99: {  	v34 =	vadd.s32 v29, v32;
	v33 =	vld [tilespmem:s26+$0x680];
	_ =	sdelay $0x4  }
0x9a: {  	[tilespmem:v34+s15+$0x0] =	vst.idx.msk $0xffff, v33  }
0x9b: {  	v34 =	vadd.s32 v30, v32;
	v33 =	vld [tilespmem:s26+$0x700];
	_ =	sdelay $0x2  }
.Ltmp2:
0x9c: {  	(pc) =	sbr.rel @p2 .LBB2_3-.Ltmp2, $4  }
0x9d: {  	_ = 	snop  }
0x9e: {  	[tilespmem:v34+s15+$0x0] =	vst.idx.msk $0xffff, v33  }
0x9f: {  	v34 =	vadd.s32 v31, v32;
	v33 =	vld [tilespmem:s26+$0x780]  }
0xa0: {  	v32 =	vmov s28;
	s28 =	sadd.s32 $0x10, s28  }
0xa1: {  	_ = 	snop  }
0xa2: {  	v32 =	vmul.u32 $0x28, v32;
	_ =	sdelay $0x1  }
0xa3: {  	v32 =	vbroadcast v32, $0x0  }
0xa4: {  	s26 =	sadd.s32 $0x10, s26;
	[tilespmem:v34+s15+$0x0] =	vst.idx.msk $0xffff, v33  }
0xa5: {  	v33 =	vld [tilespmem:s26+$0xFFFFF800];
	v61 =	vadd.s32 v0, v32;
	_ =	sdelay $0x4  }
0xa6: {  	[tilespmem:v61+s15+$0x0] =	vst.idx.msk $0xffff, v33  }
0xa7: {  	v62 =	vadd.s32 v1, v32;
	v33 =	vld [tilespmem:s26+$0xFFFFF880];
	_ =	sdelay $0x4  }
0xa8: {  	[tilespmem:v62+s15+$0x0] =	vst.idx.msk $0xffff, v33  }
0xa9: {  	v63 =	vadd.s32 v2, v32;
	v33 =	vld [tilespmem:s26+$0xFFFFF900];
	_ =	sdelay $0x4  }
0xaa: {  	[tilespmem:v63+s15+$0x0] =	vst.idx.msk $0xffff, v33  }
0xab: {  	v36 =	vadd.s32 v3, v32;
	v33 =	vld [tilespmem:s26+$0xFFFFF980];
	_ =	sdelay $0x4  }
0xac: {  	[tilespmem:v36+s15+$0x0] =	vst.idx.msk $0xffff, v33  }
0xad: {  	v37 =	vadd.s32 v4, v32;
	v33 =	vld [tilespmem:s26+$0xFFFFFA00];
	_ =	sdelay $0x4  }
0xae: {  	[tilespmem:v37+s15+$0x0] =	vst.idx.msk $0xffff, v33  }
0xaf: {  	v38 =	vadd.s32 v5, v32;
	v33 =	vld [tilespmem:s26+$0xFFFFFA80];
	_ =	sdelay $0x4  }
0xb0: {  	[tilespmem:v38+s15+$0x0] =	vst.idx.msk $0xffff, v33  }
0xb1: {  	v39 =	vadd.s32 v6, v32;
	v33 =	vld [tilespmem:s26+$0xFFFFFB00];
	_ =	sdelay $0x4  }
0xb2: {  	[tilespmem:v39+s15+$0x0] =	vst.idx.msk $0xffff, v33  }
0xb3: {  	v40 =	vadd.s32 v7, v32;
	v33 =	vld [tilespmem:s26+$0xFFFFFB80];
	_ =	sdelay $0x4  }
0xb4: {  	[tilespmem:v40+s15+$0x0] =	vst.idx.msk $0xffff, v33  }
0xb5: {  	v41 =	vadd.s32 v8, v32;
	v33 =	vld [tilespmem:s26+$0xFFFFFC00];
	_ =	sdelay $0x4  }
0xb6: {  	[tilespmem:v41+s15+$0x0] =	vst.idx.msk $0xffff, v33  }
0xb7: {  	v42 =	vadd.s32 v9, v32;
	v33 =	vld [tilespmem:s26+$0xFFFFFC80];
	_ =	sdelay $0x4  }
0xb8: {  	[tilespmem:v42+s15+$0x0] =	vst.idx.msk $0xffff, v33  }
0xb9: {  	v43 =	vadd.s32 v10, v32;
	v33 =	vld [tilespmem:s26+$0xFFFFFD00];
	_ =	sdelay $0x4  }
0xba: {  	[tilespmem:v43+s15+$0x0] =	vst.idx.msk $0xffff, v33  }
0xbb: {  	v44 =	vadd.s32 v11, v32;
	v33 =	vld [tilespmem:s26+$0xFFFFFD80];
	_ =	sdelay $0x4  }
0xbc: {  	[tilespmem:v44+s15+$0x0] =	vst.idx.msk $0xffff, v33  }
0xbd: {  	v45 =	vadd.s32 v12, v32;
	v33 =	vld [tilespmem:s26+$0xFFFFFE00];
	_ =	sdelay $0x4  }
0xbe: {  	[tilespmem:v45+s15+$0x0] =	vst.idx.msk $0xffff, v33  }
0xbf: {  	v46 =	vadd.s32 v13, v32;
	v33 =	vld [tilespmem:s26+$0xFFFFFE80];
	_ =	sdelay $0x4  }
0xc0: {  	[tilespmem:v46+s15+$0x0] =	vst.idx.msk $0xffff, v33  }
0xc1: {  	v47 =	vadd.s32 v14, v32;
	v33 =	vld [tilespmem:s26+$0xFFFFFF00];
	_ =	sdelay $0x4  }
0xc2: {  	[tilespmem:v47+s15+$0x0] =	vst.idx.msk $0xffff, v33  }
0xc3: {  	v48 =	vadd.s32 v15, v32;
	v33 =	vld [tilespmem:s26+$0xFFFFFF80];
	_ =	sdelay $0x4  }
0xc4: {  	[tilespmem:v48+s15+$0x0] =	vst.idx.msk $0xffff, v33  }
0xc5: {  	v49 =	vadd.s32 v16, v32;
	v33 =	vld [tilespmem:s26+$0x0];
	_ =	sdelay $0x4  }
0xc6: {  	[tilespmem:v49+s15+$0x0] =	vst.idx.msk $0xffff, v33  }
0xc7: {  	v50 =	vadd.s32 v17, v32;
	v33 =	vld [tilespmem:s26+$0x80];
	_ =	sdelay $0x4  }
0xc8: {  	[tilespmem:v50+s15+$0x0] =	vst.idx.msk $0xffff, v33  }
0xc9: {  	v51 =	vadd.s32 v18, v32;
	v33 =	vld [tilespmem:s26+$0x100];
	_ =	sdelay $0x4  }
0xca: {  	[tilespmem:v51+s15+$0x0] =	vst.idx.msk $0xffff, v33  }
0xcb: {  	v52 =	vadd.s32 v19, v32;
	v33 =	vld [tilespmem:s26+$0x180];
	_ =	sdelay $0x4  }
0xcc: {  	[tilespmem:v52+s15+$0x0] =	vst.idx.msk $0xffff, v33  }
0xcd: {  	v53 =	vadd.s32 v20, v32;
	v33 =	vld [tilespmem:s26+$0x200];
	_ =	sdelay $0x4  }
0xce: {  	[tilespmem:v53+s15+$0x0] =	vst.idx.msk $0xffff, v33  }
0xcf: {  	v54 =	vadd.s32 v21, v32;
	v33 =	vld [tilespmem:s26+$0x280];
	_ =	sdelay $0x4  }
0xd0: {  	[tilespmem:v54+s15+$0x0] =	vst.idx.msk $0xffff, v33  }
0xd1: {  	v55 =	vadd.s32 v22, v32;
	v33 =	vld [tilespmem:s26+$0x300];
	_ =	sdelay $0x4  }
0xd2: {  	[tilespmem:v55+s15+$0x0] =	vst.idx.msk $0xffff, v33  }
0xd3: {  	v56 =	vadd.s32 v23, v32;
	v33 =	vld [tilespmem:s26+$0x380];
	_ =	sdelay $0x4  }
0xd4: {  	[tilespmem:v56+s15+$0x0] =	vst.idx.msk $0xffff, v33  }
0xd5: {  	v57 =	vadd.s32 v24, v32;
	v33 =	vld [tilespmem:s26+$0x400];
	_ =	sdelay $0x4  }
0xd6: {  	[tilespmem:v57+s15+$0x0] =	vst.idx.msk $0xffff, v33  }
0xd7: {  	v58 =	vadd.s32 v25, v32;
	v33 =	vld [tilespmem:s26+$0x480];
	_ =	sdelay $0x4  }
0xd8: {  	[tilespmem:v58+s15+$0x0] =	vst.idx.msk $0xffff, v33  }
0xd9: {  	v59 =	vadd.s32 v26, v32;
	v33 =	vld [tilespmem:s26+$0x500];
	_ =	sdelay $0x4  }
0xda: {  	[tilespmem:v59+s15+$0x0] =	vst.idx.msk $0xffff, v33  }
0xdb: {  	v60 =	vadd.s32 v27, v32;
	v33 =	vld [tilespmem:s26+$0x580];
	_ =	sdelay $0x4  }
0xdc: {  	[tilespmem:v60+s15+$0x0] =	vst.idx.msk $0xffff, v33  }
0xdd: {  	v61 =	vadd.s32 v28, v32;
	v33 =	vld [tilespmem:s26+$0x600];
	_ =	sdelay $0x4  }
0xde: {  	[tilespmem:v61+s15+$0x0] =	vst.idx.msk $0xffff, v33  }
0xdf: {  	v62 =	vadd.s32 v29, v32;
	v33 =	vld [tilespmem:s26+$0x680];
	_ =	sdelay $0x4  }
0xe0: {  	[tilespmem:v62+s15+$0x0] =	vst.idx.msk $0xffff, v33  }
0xe1: {  	v63 =	vadd.s32 v30, v32;
	v33 =	vld [tilespmem:s26+$0x700];
	_ =	sdelay $0x4  }
0xe2: {  	[tilespmem:v63+s15+$0x0] =	vst.idx.msk $0xffff, v33  }
0xe3: {  	v32 =	vadd.s32 v31, v32;
	v33 =	vld [tilespmem:s26+$0x780];
	_ =	sdelay $0x4  }
0xe4: {  	s26 =	simm.s32 $0x20A0;
	[tilespmem:v32+s15+$0x0] =	vst.idx.msk $0xffff, v33  }
0xe5: {  	s28 =	simm.s32 $0x400;
	v32 =	vld [tilespmem:s26+$0xFFFFFF60]  }
.LBB2_5:
0xe6: {  	p2 =	sne.s32 s28, $0x3C00;
	_ =	sdelay $0x2  }
0xe7: {  	s29 =	sshra.s32 s25, $0x2;
	s25 =	smov.u32 s28  }
0xe8: {  	[tilespmem:s29+$0x3400] =	vst v32  }
0xe9: {  	v32 =	vld [tilespmem:s26+$0xFFFFFF70];
	_ =	sdelay $0x4  }
0xea: {  	[tilespmem:s29+$0x3410] =	vst v32  }
0xeb: {  	v32 =	vld [tilespmem:s26+$0xFFFFFF88];
	_ =	sdelay $0x4  }
0xec: {  	[tilespmem:s29+$0x3420] =	vst v32  }
0xed: {  	v32 =	vld [tilespmem:s26+$0xFFFFFF98];
	_ =	sdelay $0x4  }
0xee: {  	[tilespmem:s29+$0x3430] =	vst v32  }
0xef: {  	v32 =	vld [tilespmem:s26+$0xFFFFFFB0];
	_ =	sdelay $0x4  }
0xf0: {  	[tilespmem:s29+$0x3440] =	vst v32  }
0xf1: {  	v32 =	vld [tilespmem:s26+$0xFFFFFFC0];
	_ =	sdelay $0x4  }
0xf2: {  	[tilespmem:s29+$0x3450] =	vst v32  }
0xf3: {  	v32 =	vld [tilespmem:s26+$0xFFFFFFD8];
	_ =	sdelay $0x4  }
0xf4: {  	[tilespmem:s29+$0x3460] =	vst v32  }
0xf5: {  	v32 =	vld [tilespmem:s26+$0xFFFFFFE8];
	_ =	sdelay $0x4  }
0xf6: {  	[tilespmem:s29+$0x3470] =	vst v32  }
0xf7: {  	v32 =	vld [tilespmem:s26+$0x0];
	_ =	sdelay $0x4  }
0xf8: {  	[tilespmem:s29+$0x3480] =	vst v32  }
0xf9: {  	v32 =	vld [tilespmem:s26+$0x10];
	_ =	sdelay $0x4  }
0xfa: {  	[tilespmem:s29+$0x3490] =	vst v32  }
0xfb: {  	v32 =	vld [tilespmem:s26+$0x28];
	_ =	sdelay $0x4  }
0xfc: {  	[tilespmem:s29+$0x34A0] =	vst v32  }
0xfd: {  	v32 =	vld [tilespmem:s26+$0x38];
	_ =	sdelay $0x4  }
0xfe: {  	[tilespmem:s29+$0x34B0] =	vst v32  }
0xff: {  	v32 =	vld [tilespmem:s26+$0x50];
	_ =	sdelay $0x4  }
0x100: {  	[tilespmem:s29+$0x34C0] =	vst v32  }
0x101: {  	v32 =	vld [tilespmem:s26+$0x60];
	_ =	sdelay $0x4  }
0x102: {  	[tilespmem:s29+$0x34D0] =	vst v32  }
0x103: {  	v32 =	vld [tilespmem:s26+$0x78];
	_ =	sdelay $0x4  }
0x104: {  	[tilespmem:s29+$0x34E0] =	vst v32  }
0x105: {  	v32 =	vld [tilespmem:s26+$0x88];
	_ =	sdelay $0x1  }
.Ltmp3:
0x106: {  	(pc) =	sbr.rel @p2 .LBB2_5-.Ltmp3, $3  }
0x107: {  	_ =	sdelay $0x1  }
0x108: {  	s26 =	sadd.s32 $0x140, s26;
	[tilespmem:s29+$0x34F0] =	vst v32  }
0x109: {  	s28 =	sadd.s32 $0x400, s28;
	v32 =	vld [tilespmem:s26+$0xFFFFFF60]  }
0x10a: {  	_ =	sdelay $0x2  }
0x10b: {  	s25 =	sshra.s32 s25, $0x2  }
0x10c: {  	[tilespmem:s25+$0x3400] =	vst v32  }
0x10d: {  	v32 =	vld [tilespmem:s26+$0xFFFFFF70];
	_ =	sdelay $0x4  }
0x10e: {  	[tilespmem:s25+$0x3410] =	vst v32  }
0x10f: {  	v32 =	vld [tilespmem:s26+$0xFFFFFF88];
	_ =	sdelay $0x4  }
0x110: {  	[tilespmem:s25+$0x3420] =	vst v32  }
0x111: {  	v32 =	vld [tilespmem:s26+$0xFFFFFF98];
	_ =	sdelay $0x4  }
0x112: {  	[tilespmem:s25+$0x3430] =	vst v32  }
0x113: {  	v32 =	vld [tilespmem:s26+$0xFFFFFFB0];
	_ =	sdelay $0x4  }
0x114: {  	[tilespmem:s25+$0x3440] =	vst v32  }
0x115: {  	v32 =	vld [tilespmem:s26+$0xFFFFFFC0];
	_ =	sdelay $0x4  }
0x116: {  	[tilespmem:s25+$0x3450] =	vst v32  }
0x117: {  	v32 =	vld [tilespmem:s26+$0xFFFFFFD8];
	_ =	sdelay $0x4  }
0x118: {  	[tilespmem:s25+$0x3460] =	vst v32  }
0x119: {  	v32 =	vld [tilespmem:s26+$0xFFFFFFE8];
	_ =	sdelay $0x4  }
0x11a: {  	[tilespmem:s25+$0x3470] =	vst v32  }
0x11b: {  	v32 =	vld [tilespmem:s26+$0x0];
	_ =	sdelay $0x4  }
0x11c: {  	[tilespmem:s25+$0x3480] =	vst v32  }
0x11d: {  	v32 =	vld [tilespmem:s26+$0x10];
	_ =	sdelay $0x4  }
0x11e: {  	[tilespmem:s25+$0x3490] =	vst v32  }
0x11f: {  	v32 =	vld [tilespmem:s26+$0x28];
	_ =	sdelay $0x4  }
0x120: {  	[tilespmem:s25+$0x34A0] =	vst v32  }
0x121: {  	v32 =	vld [tilespmem:s26+$0x38];
	_ =	sdelay $0x4  }
0x122: {  	[tilespmem:s25+$0x34B0] =	vst v32  }
0x123: {  	v32 =	vld [tilespmem:s26+$0x50];
	_ =	sdelay $0x4  }
0x124: {  	[tilespmem:s25+$0x34C0] =	vst v32  }
0x125: {  	v32 =	vld [tilespmem:s26+$0x60];
	_ =	sdelay $0x4  }
0x126: {  	[tilespmem:s25+$0x34D0] =	vst v32  }
0x127: {  	v32 =	vld [tilespmem:s26+$0x78];
	_ =	sdelay $0x4  }
0x128: {  	[tilespmem:s25+$0x34E0] =	vst v32  }
0x129: {  	v32 =	vld [tilespmem:s26+$0x88];
	_ =	sdelay $0x3  }
0x12a: {  	p2 =	seq.s32 s23, $0x79  }
0x12b: {  	s26 =	simm.s32 @!p2 $0x0;
	[tilespmem:s25+$0x34F0] =	vst v32;
	s25 =	sadd.s32 @!p2 s24, s6  }
0x12c: {  	[tilespmem:s26], [sflag:$0x1] =	stream.linear.gather @!p2 [hbm4b:s25+s26], $0x1000, $0x38;
	[tilespmem:$0x5400] =	vst v63  }
0x12d: {  	s31 =	sadd.s32 s24, s7  }
0x12e: {  	[hbm4b:s31+s2] =	stream.linear.scatter [tilespmem:s16], [sflag:$0x3], $0x1000, $0x38;
	[tilespmem:$0x5400] =	vst v63  }
0x12f: {  	s25 =	simm.s32 $0x0;
	_ =	swait.ge [sflag:s17], $0x1000  }
0x130: {  	v61 =	vmov s25;
	[sflag:s17] =	ssyncset.done $0x0  }
0x131: {  	s26 =	simm.s32 @!p1 $0x4;
	v32 =	vmul.u32 $0x28, v61;
	[sflag:s17] =	ssyncadd.s32 $0xFFFFF000  }
0x132: {  	_ =	swait.ge @!p1 [sflag:s26], $0x1000  }
0x133: {  	v32 =	vbroadcast v32, $0x0;
	[sflag:s26] =	ssyncset.done @!p1 $0x0  }
0x134: {  	[sflag:s26] =	ssyncadd.s32 @!p1 $0xFFFFF000;
	s26 =	simm.s32 $0x1800  }
0x135: {  	v34 =	vadd.s32 v0, v32;
	v33 =	vld [tilespmem:s26+$0xFFFFF800];
	_ =	sdelay $0x4  }
0x136: {  	[tilespmem:v34+s15+$0x0] =	vst.idx.msk $0xffff, v33  }
0x137: {  	v62 =	vadd.s32 v1, v32;
	v33 =	vld [tilespmem:s26+$0xFFFFF880];
	_ =	sdelay $0x4  }
0x138: {  	[tilespmem:v62+s15+$0x0] =	vst.idx.msk $0xffff, v33  }
0x139: {  	v63 =	vadd.s32 v2, v32;
	v33 =	vld [tilespmem:s26+$0xFFFFF900];
	_ =	sdelay $0x4  }
0x13a: {  	[tilespmem:v63+s15+$0x0] =	vst.idx.msk $0xffff, v33  }
0x13b: {  	v36 =	vadd.s32 v3, v32;
	v33 =	vld [tilespmem:s26+$0xFFFFF980];
	_ =	sdelay $0x4  }
0x13c: {  	[tilespmem:v36+s15+$0x0] =	vst.idx.msk $0xffff, v33  }
0x13d: {  	v37 =	vadd.s32 v4, v32;
	v33 =	vld [tilespmem:s26+$0xFFFFFA00];
	_ =	sdelay $0x4  }
0x13e: {  	[tilespmem:v37+s15+$0x0] =	vst.idx.msk $0xffff, v33  }
0x13f: {  	v38 =	vadd.s32 v5, v32;
	v33 =	vld [tilespmem:s26+$0xFFFFFA80];
	_ =	sdelay $0x4  }
0x140: {  	[tilespmem:v38+s15+$0x0] =	vst.idx.msk $0xffff, v33  }
0x141: {  	v39 =	vadd.s32 v6, v32;
	v33 =	vld [tilespmem:s26+$0xFFFFFB00];
	_ =	sdelay $0x4  }
0x142: {  	[tilespmem:v39+s15+$0x0] =	vst.idx.msk $0xffff, v33  }
0x143: {  	v40 =	vadd.s32 v7, v32;
	v33 =	vld [tilespmem:s26+$0xFFFFFB80];
	_ =	sdelay $0x4  }
0x144: {  	[tilespmem:v40+s15+$0x0] =	vst.idx.msk $0xffff, v33  }
0x145: {  	v41 =	vadd.s32 v8, v32;
	v33 =	vld [tilespmem:s26+$0xFFFFFC00];
	_ =	sdelay $0x4  }
0x146: {  	[tilespmem:v41+s15+$0x0] =	vst.idx.msk $0xffff, v33  }
0x147: {  	v42 =	vadd.s32 v9, v32;
	v33 =	vld [tilespmem:s26+$0xFFFFFC80];
	_ =	sdelay $0x4  }
0x148: {  	[tilespmem:v42+s15+$0x0] =	vst.idx.msk $0xffff, v33  }
0x149: {  	v43 =	vadd.s32 v10, v32;
	v33 =	vld [tilespmem:s26+$0xFFFFFD00];
	_ =	sdelay $0x4  }
0x14a: {  	[tilespmem:v43+s15+$0x0] =	vst.idx.msk $0xffff, v33  }
0x14b: {  	v44 =	vadd.s32 v11, v32;
	v33 =	vld [tilespmem:s26+$0xFFFFFD80];
	_ =	sdelay $0x4  }
0x14c: {  	[tilespmem:v44+s15+$0x0] =	vst.idx.msk $0xffff, v33  }
0x14d: {  	v45 =	vadd.s32 v12, v32;
	v33 =	vld [tilespmem:s26+$0xFFFFFE00];
	_ =	sdelay $0x4  }
0x14e: {  	[tilespmem:v45+s15+$0x0] =	vst.idx.msk $0xffff, v33  }
0x14f: {  	v46 =	vadd.s32 v13, v32;
	v33 =	vld [tilespmem:s26+$0xFFFFFE80];
	_ =	sdelay $0x4  }
0x150: {  	[tilespmem:v46+s15+$0x0] =	vst.idx.msk $0xffff, v33  }
0x151: {  	v47 =	vadd.s32 v14, v32;
	v33 =	vld [tilespmem:s26+$0xFFFFFF00];
	_ =	sdelay $0x4  }
0x152: {  	[tilespmem:v47+s15+$0x0] =	vst.idx.msk $0xffff, v33  }
0x153: {  	v48 =	vadd.s32 v15, v32;
	v33 =	vld [tilespmem:s26+$0xFFFFFF80];
	_ =	sdelay $0x4  }
0x154: {  	[tilespmem:v48+s15+$0x0] =	vst.idx.msk $0xffff, v33  }
0x155: {  	v49 =	vadd.s32 v16, v32;
	v33 =	vld [tilespmem:s26+$0x0];
	_ =	sdelay $0x4  }
0x156: {  	[tilespmem:v49+s15+$0x0] =	vst.idx.msk $0xffff, v33  }
0x157: {  	v50 =	vadd.s32 v17, v32;
	v33 =	vld [tilespmem:s26+$0x80];
	_ =	sdelay $0x4  }
0x158: {  	[tilespmem:v50+s15+$0x0] =	vst.idx.msk $0xffff, v33  }
0x159: {  	v51 =	vadd.s32 v18, v32;
	v33 =	vld [tilespmem:s26+$0x100];
	_ =	sdelay $0x4  }
0x15a: {  	[tilespmem:v51+s15+$0x0] =	vst.idx.msk $0xffff, v33  }
0x15b: {  	v52 =	vadd.s32 v19, v32;
	v33 =	vld [tilespmem:s26+$0x180];
	_ =	sdelay $0x4  }
0x15c: {  	[tilespmem:v52+s15+$0x0] =	vst.idx.msk $0xffff, v33  }
0x15d: {  	v53 =	vadd.s32 v20, v32;
	v33 =	vld [tilespmem:s26+$0x200];
	_ =	sdelay $0x4  }
0x15e: {  	[tilespmem:v53+s15+$0x0] =	vst.idx.msk $0xffff, v33  }
0x15f: {  	v54 =	vadd.s32 v21, v32;
	v33 =	vld [tilespmem:s26+$0x280];
	_ =	sdelay $0x4  }
0x160: {  	[tilespmem:v54+s15+$0x0] =	vst.idx.msk $0xffff, v33  }
0x161: {  	v55 =	vadd.s32 v22, v32;
	v33 =	vld [tilespmem:s26+$0x300];
	_ =	sdelay $0x4  }
0x162: {  	[tilespmem:v55+s15+$0x0] =	vst.idx.msk $0xffff, v33  }
0x163: {  	v56 =	vadd.s32 v23, v32;
	v33 =	vld [tilespmem:s26+$0x380];
	_ =	sdelay $0x4  }
0x164: {  	[tilespmem:v56+s15+$0x0] =	vst.idx.msk $0xffff, v33  }
0x165: {  	v57 =	vadd.s32 v24, v32;
	v33 =	vld [tilespmem:s26+$0x400];
	_ =	sdelay $0x4  }
0x166: {  	[tilespmem:v57+s15+$0x0] =	vst.idx.msk $0xffff, v33  }
0x167: {  	v58 =	vadd.s32 v25, v32;
	v33 =	vld [tilespmem:s26+$0x480];
	_ =	sdelay $0x4  }
0x168: {  	[tilespmem:v58+s15+$0x0] =	vst.idx.msk $0xffff, v33  }
0x169: {  	v59 =	vadd.s32 v26, v32;
	v33 =	vld [tilespmem:s26+$0x500];
	_ =	sdelay $0x4  }
0x16a: {  	[tilespmem:v59+s15+$0x0] =	vst.idx.msk $0xffff, v33  }
0x16b: {  	v60 =	vadd.s32 v27, v32;
	v33 =	vld [tilespmem:s26+$0x580];
	_ =	sdelay $0x4  }
0x16c: {  	[tilespmem:v60+s15+$0x0] =	vst.idx.msk $0xffff, v33  }
0x16d: {  	v61 =	vadd.s32 v28, v32;
	v33 =	vld [tilespmem:s26+$0x600];
	_ =	sdelay $0x4  }
0x16e: {  	[tilespmem:v61+s15+$0x0] =	vst.idx.msk $0xffff, v33  }
0x16f: {  	v62 =	vadd.s32 v29, v32;
	v33 =	vld [tilespmem:s26+$0x680];
	_ =	sdelay $0x4  }
0x170: {  	[tilespmem:v62+s15+$0x0] =	vst.idx.msk $0xffff, v33  }
0x171: {  	v63 =	vadd.s32 v30, v32;
	v33 =	vld [tilespmem:s26+$0x700];
	_ =	sdelay $0x4  }
0x172: {  	[tilespmem:v63+s15+$0x0] =	vst.idx.msk $0xffff, v33  }
0x173: {  	s28 =	simm.s32 $0x10;
	v34 =	vadd.s32 v31, v32;
	v33 =	vld [tilespmem:s26+$0x780]  }
0x174: {  	v32 =	vmov s28;
	s28 =	simm.s32 $0x20  }
.LBB2_7:
0x175: {  	p1 =	sne.s32 s28, $0x70;
	v32 =	vmul.u32 $0x28, v32;
	_ =	sdelay $0x1  }
0x176: {  	v32 =	vbroadcast v32, $0x0  }
0x177: {  	s26 =	sadd.s32 $0x10, s26;
	[tilespmem:v34+s15+$0x0] =	vst.idx.msk $0xffff, v33  }
0x178: {  	v33 =	vld [tilespmem:s26+$0xFFFFF800];
	v34 =	vadd.s32 v0, v32;
	_ =	sdelay $0x4  }
0x179: {  	[tilespmem:v34+s15+$0x0] =	vst.idx.msk $0xffff, v33  }
0x17a: {  	v34 =	vadd.s32 v1, v32;
	v33 =	vld [tilespmem:s26+$0xFFFFF880];
	_ =	sdelay $0x4  }
0x17b: {  	[tilespmem:v34+s15+$0x0] =	vst.idx.msk $0xffff, v33  }
0x17c: {  	v34 =	vadd.s32 v2, v32;
	v33 =	vld [tilespmem:s26+$0xFFFFF900];
	_ =	sdelay $0x4  }
0x17d: {  	[tilespmem:v34+s15+$0x0] =	vst.idx.msk $0xffff, v33  }
0x17e: {  	v34 =	vadd.s32 v3, v32;
	v33 =	vld [tilespmem:s26+$0xFFFFF980];
	_ =	sdelay $0x4  }
0x17f: {  	[tilespmem:v34+s15+$0x0] =	vst.idx.msk $0xffff, v33  }
0x180: {  	v34 =	vadd.s32 v4, v32;
	v33 =	vld [tilespmem:s26+$0xFFFFFA00];
	_ =	sdelay $0x4  }
0x181: {  	[tilespmem:v34+s15+$0x0] =	vst.idx.msk $0xffff, v33  }
0x182: {  	v34 =	vadd.s32 v5, v32;
	v33 =	vld [tilespmem:s26+$0xFFFFFA80];
	_ =	sdelay $0x4  }
0x183: {  	[tilespmem:v34+s15+$0x0] =	vst.idx.msk $0xffff, v33  }
0x184: {  	v34 =	vadd.s32 v6, v32;
	v33 =	vld [tilespmem:s26+$0xFFFFFB00];
	_ =	sdelay $0x4  }
0x185: {  	[tilespmem:v34+s15+$0x0] =	vst.idx.msk $0xffff, v33  }
0x186: {  	v34 =	vadd.s32 v7, v32;
	v33 =	vld [tilespmem:s26+$0xFFFFFB80];
	_ =	sdelay $0x4  }
0x187: {  	[tilespmem:v34+s15+$0x0] =	vst.idx.msk $0xffff, v33  }
0x188: {  	v34 =	vadd.s32 v8, v32;
	v33 =	vld [tilespmem:s26+$0xFFFFFC00];
	_ =	sdelay $0x4  }
0x189: {  	[tilespmem:v34+s15+$0x0] =	vst.idx.msk $0xffff, v33  }
0x18a: {  	v34 =	vadd.s32 v9, v32;
	v33 =	vld [tilespmem:s26+$0xFFFFFC80];
	_ =	sdelay $0x4  }
0x18b: {  	[tilespmem:v34+s15+$0x0] =	vst.idx.msk $0xffff, v33  }
0x18c: {  	v34 =	vadd.s32 v10, v32;
	v33 =	vld [tilespmem:s26+$0xFFFFFD00];
	_ =	sdelay $0x4  }
0x18d: {  	[tilespmem:v34+s15+$0x0] =	vst.idx.msk $0xffff, v33  }
0x18e: {  	v34 =	vadd.s32 v11, v32;
	v33 =	vld [tilespmem:s26+$0xFFFFFD80];
	_ =	sdelay $0x4  }
0x18f: {  	[tilespmem:v34+s15+$0x0] =	vst.idx.msk $0xffff, v33  }
0x190: {  	v34 =	vadd.s32 v12, v32;
	v33 =	vld [tilespmem:s26+$0xFFFFFE00];
	_ =	sdelay $0x4  }
0x191: {  	[tilespmem:v34+s15+$0x0] =	vst.idx.msk $0xffff, v33  }
0x192: {  	v34 =	vadd.s32 v13, v32;
	v33 =	vld [tilespmem:s26+$0xFFFFFE80];
	_ =	sdelay $0x4  }
0x193: {  	[tilespmem:v34+s15+$0x0] =	vst.idx.msk $0xffff, v33  }
0x194: {  	v34 =	vadd.s32 v14, v32;
	v33 =	vld [tilespmem:s26+$0xFFFFFF00];
	_ =	sdelay $0x4  }
0x195: {  	[tilespmem:v34+s15+$0x0] =	vst.idx.msk $0xffff, v33  }
0x196: {  	v34 =	vadd.s32 v15, v32;
	v33 =	vld [tilespmem:s26+$0xFFFFFF80];
	_ =	sdelay $0x4  }
0x197: {  	[tilespmem:v34+s15+$0x0] =	vst.idx.msk $0xffff, v33  }
0x198: {  	v34 =	vadd.s32 v16, v32;
	v33 =	vld [tilespmem:s26+$0x0];
	_ =	sdelay $0x4  }
0x199: {  	[tilespmem:v34+s15+$0x0] =	vst.idx.msk $0xffff, v33  }
0x19a: {  	v34 =	vadd.s32 v17, v32;
	v33 =	vld [tilespmem:s26+$0x80];
	_ =	sdelay $0x4  }
0x19b: {  	[tilespmem:v34+s15+$0x0] =	vst.idx.msk $0xffff, v33  }
0x19c: {  	v34 =	vadd.s32 v18, v32;
	v33 =	vld [tilespmem:s26+$0x100];
	_ =	sdelay $0x4  }
0x19d: {  	[tilespmem:v34+s15+$0x0] =	vst.idx.msk $0xffff, v33  }
0x19e: {  	v34 =	vadd.s32 v19, v32;
	v33 =	vld [tilespmem:s26+$0x180];
	_ =	sdelay $0x4  }
0x19f: {  	[tilespmem:v34+s15+$0x0] =	vst.idx.msk $0xffff, v33  }
0x1a0: {  	v34 =	vadd.s32 v20, v32;
	v33 =	vld [tilespmem:s26+$0x200];
	_ =	sdelay $0x4  }
0x1a1: {  	[tilespmem:v34+s15+$0x0] =	vst.idx.msk $0xffff, v33  }
0x1a2: {  	v34 =	vadd.s32 v21, v32;
	v33 =	vld [tilespmem:s26+$0x280];
	_ =	sdelay $0x4  }
0x1a3: {  	[tilespmem:v34+s15+$0x0] =	vst.idx.msk $0xffff, v33  }
0x1a4: {  	v34 =	vadd.s32 v22, v32;
	v33 =	vld [tilespmem:s26+$0x300];
	_ =	sdelay $0x4  }
0x1a5: {  	[tilespmem:v34+s15+$0x0] =	vst.idx.msk $0xffff, v33  }
0x1a6: {  	v34 =	vadd.s32 v23, v32;
	v33 =	vld [tilespmem:s26+$0x380];
	_ =	sdelay $0x4  }
0x1a7: {  	[tilespmem:v34+s15+$0x0] =	vst.idx.msk $0xffff, v33  }
0x1a8: {  	v34 =	vadd.s32 v24, v32;
	v33 =	vld [tilespmem:s26+$0x400];
	_ =	sdelay $0x4  }
0x1a9: {  	[tilespmem:v34+s15+$0x0] =	vst.idx.msk $0xffff, v33  }
0x1aa: {  	v34 =	vadd.s32 v25, v32;
	v33 =	vld [tilespmem:s26+$0x480];
	_ =	sdelay $0x4  }
0x1ab: {  	[tilespmem:v34+s15+$0x0] =	vst.idx.msk $0xffff, v33  }
0x1ac: {  	v34 =	vadd.s32 v26, v32;
	v33 =	vld [tilespmem:s26+$0x500];
	_ =	sdelay $0x4  }
0x1ad: {  	[tilespmem:v34+s15+$0x0] =	vst.idx.msk $0xffff, v33  }
0x1ae: {  	v34 =	vadd.s32 v27, v32;
	v33 =	vld [tilespmem:s26+$0x580];
	_ =	sdelay $0x4  }
0x1af: {  	[tilespmem:v34+s15+$0x0] =	vst.idx.msk $0xffff, v33  }
0x1b0: {  	v34 =	vadd.s32 v28, v32;
	v33 =	vld [tilespmem:s26+$0x600];
	_ =	sdelay $0x4  }
0x1b1: {  	[tilespmem:v34+s15+$0x0] =	vst.idx.msk $0xffff, v33  }
0x1b2: {  	v34 =	vadd.s32 v29, v32;
	v33 =	vld [tilespmem:s26+$0x680];
	_ =	sdelay $0x4  }
0x1b3: {  	[tilespmem:v34+s15+$0x0] =	vst.idx.msk $0xffff, v33  }
0x1b4: {  	v34 =	vadd.s32 v30, v32;
	v33 =	vld [tilespmem:s26+$0x700];
	_ =	sdelay $0x2  }
.Ltmp4:
0x1b5: {  	(pc) =	sbr.rel @p1 .LBB2_7-.Ltmp4, $4  }
0x1b6: {  	_ = 	snop  }
0x1b7: {  	[tilespmem:v34+s15+$0x0] =	vst.idx.msk $0xffff, v33  }
0x1b8: {  	v34 =	vadd.s32 v31, v32;
	v33 =	vld [tilespmem:s26+$0x780]  }
0x1b9: {  	v32 =	vmov s28;
	s28 =	sadd.s32 $0x10, s28  }
0x1ba: {  	_ = 	snop  }
0x1bb: {  	v32 =	vmul.u32 $0x28, v32;
	_ =	sdelay $0x1  }
0x1bc: {  	v32 =	vbroadcast v32, $0x0  }
0x1bd: {  	s26 =	sadd.s32 $0x10, s26;
	[tilespmem:v34+s15+$0x0] =	vst.idx.msk $0xffff, v33  }
0x1be: {  	v33 =	vld [tilespmem:s26+$0xFFFFF800];
	v61 =	vadd.s32 v0, v32;
	_ =	sdelay $0x4  }
0x1bf: {  	[tilespmem:v61+s15+$0x0] =	vst.idx.msk $0xffff, v33  }
0x1c0: {  	v62 =	vadd.s32 v1, v32;
	v33 =	vld [tilespmem:s26+$0xFFFFF880];
	_ =	sdelay $0x4  }
0x1c1: {  	[tilespmem:v62+s15+$0x0] =	vst.idx.msk $0xffff, v33  }
0x1c2: {  	v63 =	vadd.s32 v2, v32;
	v33 =	vld [tilespmem:s26+$0xFFFFF900];
	_ =	sdelay $0x4  }
0x1c3: {  	[tilespmem:v63+s15+$0x0] =	vst.idx.msk $0xffff, v33  }
0x1c4: {  	v36 =	vadd.s32 v3, v32;
	v33 =	vld [tilespmem:s26+$0xFFFFF980];
	_ =	sdelay $0x4  }
0x1c5: {  	[tilespmem:v36+s15+$0x0] =	vst.idx.msk $0xffff, v33  }
0x1c6: {  	v37 =	vadd.s32 v4, v32;
	v33 =	vld [tilespmem:s26+$0xFFFFFA00];
	_ =	sdelay $0x4  }
0x1c7: {  	[tilespmem:v37+s15+$0x0] =	vst.idx.msk $0xffff, v33  }
0x1c8: {  	v38 =	vadd.s32 v5, v32;
	v33 =	vld [tilespmem:s26+$0xFFFFFA80];
	_ =	sdelay $0x4  }
0x1c9: {  	[tilespmem:v38+s15+$0x0] =	vst.idx.msk $0xffff, v33  }
0x1ca: {  	v39 =	vadd.s32 v6, v32;
	v33 =	vld [tilespmem:s26+$0xFFFFFB00];
	_ =	sdelay $0x4  }
0x1cb: {  	[tilespmem:v39+s15+$0x0] =	vst.idx.msk $0xffff, v33  }
0x1cc: {  	v40 =	vadd.s32 v7, v32;
	v33 =	vld [tilespmem:s26+$0xFFFFFB80];
	_ =	sdelay $0x4  }
0x1cd: {  	[tilespmem:v40+s15+$0x0] =	vst.idx.msk $0xffff, v33  }
0x1ce: {  	v41 =	vadd.s32 v8, v32;
	v33 =	vld [tilespmem:s26+$0xFFFFFC00];
	_ =	sdelay $0x4  }
0x1cf: {  	[tilespmem:v41+s15+$0x0] =	vst.idx.msk $0xffff, v33  }
0x1d0: {  	v42 =	vadd.s32 v9, v32;
	v33 =	vld [tilespmem:s26+$0xFFFFFC80];
	_ =	sdelay $0x4  }
0x1d1: {  	[tilespmem:v42+s15+$0x0] =	vst.idx.msk $0xffff, v33  }
0x1d2: {  	v43 =	vadd.s32 v10, v32;
	v33 =	vld [tilespmem:s26+$0xFFFFFD00];
	_ =	sdelay $0x4  }
0x1d3: {  	[tilespmem:v43+s15+$0x0] =	vst.idx.msk $0xffff, v33  }
0x1d4: {  	v44 =	vadd.s32 v11, v32;
	v33 =	vld [tilespmem:s26+$0xFFFFFD80];
	_ =	sdelay $0x4  }
0x1d5: {  	[tilespmem:v44+s15+$0x0] =	vst.idx.msk $0xffff, v33  }
0x1d6: {  	v45 =	vadd.s32 v12, v32;
	v33 =	vld [tilespmem:s26+$0xFFFFFE00];
	_ =	sdelay $0x4  }
0x1d7: {  	[tilespmem:v45+s15+$0x0] =	vst.idx.msk $0xffff, v33  }
0x1d8: {  	v46 =	vadd.s32 v13, v32;
	v33 =	vld [tilespmem:s26+$0xFFFFFE80];
	_ =	sdelay $0x4  }
0x1d9: {  	[tilespmem:v46+s15+$0x0] =	vst.idx.msk $0xffff, v33  }
0x1da: {  	v47 =	vadd.s32 v14, v32;
	v33 =	vld [tilespmem:s26+$0xFFFFFF00];
	_ =	sdelay $0x4  }
0x1db: {  	[tilespmem:v47+s15+$0x0] =	vst.idx.msk $0xffff, v33  }
0x1dc: {  	v48 =	vadd.s32 v15, v32;
	v33 =	vld [tilespmem:s26+$0xFFFFFF80];
	_ =	sdelay $0x4  }
0x1dd: {  	[tilespmem:v48+s15+$0x0] =	vst.idx.msk $0xffff, v33  }
0x1de: {  	v49 =	vadd.s32 v16, v32;
	v33 =	vld [tilespmem:s26+$0x0];
	_ =	sdelay $0x4  }
0x1df: {  	[tilespmem:v49+s15+$0x0] =	vst.idx.msk $0xffff, v33  }
0x1e0: {  	v50 =	vadd.s32 v17, v32;
	v33 =	vld [tilespmem:s26+$0x80];
	_ =	sdelay $0x4  }
0x1e1: {  	[tilespmem:v50+s15+$0x0] =	vst.idx.msk $0xffff, v33  }
0x1e2: {  	v51 =	vadd.s32 v18, v32;
	v33 =	vld [tilespmem:s26+$0x100];
	_ =	sdelay $0x4  }
0x1e3: {  	[tilespmem:v51+s15+$0x0] =	vst.idx.msk $0xffff, v33  }
0x1e4: {  	v52 =	vadd.s32 v19, v32;
	v33 =	vld [tilespmem:s26+$0x180];
	_ =	sdelay $0x4  }
0x1e5: {  	[tilespmem:v52+s15+$0x0] =	vst.idx.msk $0xffff, v33  }
0x1e6: {  	v53 =	vadd.s32 v20, v32;
	v33 =	vld [tilespmem:s26+$0x200];
	_ =	sdelay $0x4  }
0x1e7: {  	[tilespmem:v53+s15+$0x0] =	vst.idx.msk $0xffff, v33  }
0x1e8: {  	v54 =	vadd.s32 v21, v32;
	v33 =	vld [tilespmem:s26+$0x280];
	_ =	sdelay $0x4  }
0x1e9: {  	[tilespmem:v54+s15+$0x0] =	vst.idx.msk $0xffff, v33  }
0x1ea: {  	v55 =	vadd.s32 v22, v32;
	v33 =	vld [tilespmem:s26+$0x300];
	_ =	sdelay $0x4  }
0x1eb: {  	[tilespmem:v55+s15+$0x0] =	vst.idx.msk $0xffff, v33  }
0x1ec: {  	v56 =	vadd.s32 v23, v32;
	v33 =	vld [tilespmem:s26+$0x380];
	_ =	sdelay $0x4  }
0x1ed: {  	[tilespmem:v56+s15+$0x0] =	vst.idx.msk $0xffff, v33  }
0x1ee: {  	v57 =	vadd.s32 v24, v32;
	v33 =	vld [tilespmem:s26+$0x400];
	_ =	sdelay $0x4  }
0x1ef: {  	[tilespmem:v57+s15+$0x0] =	vst.idx.msk $0xffff, v33  }
0x1f0: {  	v58 =	vadd.s32 v25, v32;
	v33 =	vld [tilespmem:s26+$0x480];
	_ =	sdelay $0x4  }
0x1f1: {  	[tilespmem:v58+s15+$0x0] =	vst.idx.msk $0xffff, v33  }
0x1f2: {  	v59 =	vadd.s32 v26, v32;
	v33 =	vld [tilespmem:s26+$0x500];
	_ =	sdelay $0x4  }
0x1f3: {  	[tilespmem:v59+s15+$0x0] =	vst.idx.msk $0xffff, v33  }
0x1f4: {  	v60 =	vadd.s32 v27, v32;
	v33 =	vld [tilespmem:s26+$0x580];
	_ =	sdelay $0x4  }
0x1f5: {  	[tilespmem:v60+s15+$0x0] =	vst.idx.msk $0xffff, v33  }
0x1f6: {  	v61 =	vadd.s32 v28, v32;
	v33 =	vld [tilespmem:s26+$0x600];
	_ =	sdelay $0x4  }
0x1f7: {  	[tilespmem:v61+s15+$0x0] =	vst.idx.msk $0xffff, v33  }
0x1f8: {  	v62 =	vadd.s32 v29, v32;
	v33 =	vld [tilespmem:s26+$0x680];
	_ =	sdelay $0x4  }
0x1f9: {  	[tilespmem:v62+s15+$0x0] =	vst.idx.msk $0xffff, v33  }
0x1fa: {  	v63 =	vadd.s32 v30, v32;
	v33 =	vld [tilespmem:s26+$0x700];
	_ =	sdelay $0x4  }
0x1fb: {  	[tilespmem:v63+s15+$0x0] =	vst.idx.msk $0xffff, v33  }
0x1fc: {  	v32 =	vadd.s32 v31, v32;
	v33 =	vld [tilespmem:s26+$0x780];
	_ =	sdelay $0x4  }
0x1fd: {  	s26 =	simm.s32 $0x20A0;
	[tilespmem:v32+s15+$0x0] =	vst.idx.msk $0xffff, v33  }
0x1fe: {  	s28 =	simm.s32 $0x400;
	v32 =	vld [tilespmem:s26+$0xFFFFFF60]  }
.LBB2_9:
0x1ff: {  	p1 =	sne.s32 s28, $0x3C00;
	_ =	sdelay $0x2  }
0x200: {  	s29 =	sshra.s32 s25, $0x2;
	s25 =	smov.u32 s28  }
0x201: {  	[tilespmem:s29+$0x4400] =	vst v32  }
0x202: {  	v32 =	vld [tilespmem:s26+$0xFFFFFF70];
	_ =	sdelay $0x4  }
0x203: {  	[tilespmem:s29+$0x4410] =	vst v32  }
0x204: {  	v32 =	vld [tilespmem:s26+$0xFFFFFF88];
	_ =	sdelay $0x4  }
0x205: {  	[tilespmem:s29+$0x4420] =	vst v32  }
0x206: {  	v32 =	vld [tilespmem:s26+$0xFFFFFF98];
	_ =	sdelay $0x4  }
0x207: {  	[tilespmem:s29+$0x4430] =	vst v32  }
0x208: {  	v32 =	vld [tilespmem:s26+$0xFFFFFFB0];
	_ =	sdelay $0x4  }
0x209: {  	[tilespmem:s29+$0x4440] =	vst v32  }
0x20a: {  	v32 =	vld [tilespmem:s26+$0xFFFFFFC0];
	_ =	sdelay $0x4  }
0x20b: {  	[tilespmem:s29+$0x4450] =	vst v32  }
0x20c: {  	v32 =	vld [tilespmem:s26+$0xFFFFFFD8];
	_ =	sdelay $0x4  }
0x20d: {  	[tilespmem:s29+$0x4460] =	vst v32  }
0x20e: {  	v32 =	vld [tilespmem:s26+$0xFFFFFFE8];
	_ =	sdelay $0x4  }
0x20f: {  	[tilespmem:s29+$0x4470] =	vst v32  }
0x210: {  	v32 =	vld [tilespmem:s26+$0x0];
	_ =	sdelay $0x4  }
0x211: {  	[tilespmem:s29+$0x4480] =	vst v32  }
0x212: {  	v32 =	vld [tilespmem:s26+$0x10];
	_ =	sdelay $0x4  }
0x213: {  	[tilespmem:s29+$0x4490] =	vst v32  }
0x214: {  	v32 =	vld [tilespmem:s26+$0x28];
	_ =	sdelay $0x4  }
0x215: {  	[tilespmem:s29+$0x44A0] =	vst v32  }
0x216: {  	v32 =	vld [tilespmem:s26+$0x38];
	_ =	sdelay $0x4  }
0x217: {  	[tilespmem:s29+$0x44B0] =	vst v32  }
0x218: {  	v32 =	vld [tilespmem:s26+$0x50];
	_ =	sdelay $0x4  }
0x219: {  	[tilespmem:s29+$0x44C0] =	vst v32  }
0x21a: {  	v32 =	vld [tilespmem:s26+$0x60];
	_ =	sdelay $0x4  }
0x21b: {  	[tilespmem:s29+$0x44D0] =	vst v32  }
0x21c: {  	v32 =	vld [tilespmem:s26+$0x78];
	_ =	sdelay $0x4  }
0x21d: {  	[tilespmem:s29+$0x44E0] =	vst v32  }
0x21e: {  	v32 =	vld [tilespmem:s26+$0x88];
	_ =	sdelay $0x1  }
.Ltmp5:
0x21f: {  	(pc) =	sbr.rel @p1 .LBB2_9-.Ltmp5, $3  }
0x220: {  	_ =	sdelay $0x1  }
0x221: {  	s26 =	sadd.s32 $0x140, s26;
	[tilespmem:s29+$0x44F0] =	vst v32  }
0x222: {  	s28 =	sadd.s32 $0x400, s28;
	v32 =	vld [tilespmem:s26+$0xFFFFFF60]  }
0x223: {  	_ =	sdelay $0x2  }
0x224: {  	s25 =	sshra.s32 s25, $0x2  }
0x225: {  	[tilespmem:s25+$0x4400] =	vst v32  }
0x226: {  	v32 =	vld [tilespmem:s26+$0xFFFFFF70];
	_ =	sdelay $0x4  }
0x227: {  	[tilespmem:s25+$0x4410] =	vst v32  }
0x228: {  	v32 =	vld [tilespmem:s26+$0xFFFFFF88];
	_ =	sdelay $0x4  }
0x229: {  	[tilespmem:s25+$0x4420] =	vst v32  }
0x22a: {  	v32 =	vld [tilespmem:s26+$0xFFFFFF98];
	_ =	sdelay $0x4  }
0x22b: {  	[tilespmem:s25+$0x4430] =	vst v32  }
0x22c: {  	v32 =	vld [tilespmem:s26+$0xFFFFFFB0];
	_ =	sdelay $0x4  }
0x22d: {  	[tilespmem:s25+$0x4440] =	vst v32  }
0x22e: {  	v32 =	vld [tilespmem:s26+$0xFFFFFFC0];
	_ =	sdelay $0x4  }
0x22f: {  	[tilespmem:s25+$0x4450] =	vst v32  }
0x230: {  	v32 =	vld [tilespmem:s26+$0xFFFFFFD8];
	_ =	sdelay $0x4  }
0x231: {  	[tilespmem:s25+$0x4460] =	vst v32  }
0x232: {  	v32 =	vld [tilespmem:s26+$0xFFFFFFE8];
	_ =	sdelay $0x4  }
0x233: {  	[tilespmem:s25+$0x4470] =	vst v32  }
0x234: {  	v32 =	vld [tilespmem:s26+$0x0];
	_ =	sdelay $0x4  }
0x235: {  	[tilespmem:s25+$0x4480] =	vst v32  }
0x236: {  	v32 =	vld [tilespmem:s26+$0x10];
	_ =	sdelay $0x4  }
0x237: {  	[tilespmem:s25+$0x4490] =	vst v32  }
0x238: {  	v32 =	vld [tilespmem:s26+$0x28];
	_ =	sdelay $0x4  }
0x239: {  	[tilespmem:s25+$0x44A0] =	vst v32  }
0x23a: {  	v32 =	vld [tilespmem:s26+$0x38];
	_ =	sdelay $0x4  }
0x23b: {  	[tilespmem:s25+$0x44B0] =	vst v32  }
0x23c: {  	v32 =	vld [tilespmem:s26+$0x50];
	_ =	sdelay $0x4  }
0x23d: {  	[tilespmem:s25+$0x44C0] =	vst v32  }
0x23e: {  	v32 =	vld [tilespmem:s26+$0x60];
	_ =	sdelay $0x4  }
0x23f: {  	[tilespmem:s25+$0x44D0] =	vst v32  }
0x240: {  	v32 =	vld [tilespmem:s26+$0x78];
	_ =	sdelay $0x4  }
0x241: {  	[tilespmem:s25+$0x44E0] =	vst v32  }
0x242: {  	v32 =	vld [tilespmem:s26+$0x88];
	_ =	sdelay $0x1  }
0x243: {  	s23 =	sadd.s32 $0x1, s23  }
0x244: {  	p1 =	sne.s32 s23, $0x7A  }
.Ltmp6:
0x245: {  	s28 =	simm.s32 @!p2 $0x1000;
	(pc) =	sbr.rel @p1 .LBB2_2-.Ltmp6, $4  }
0x246: {  	s31 =	sor.u32 s12, s24;
	s26 =	simm.s32 @!p2 $0x0;
	[tilespmem:s25+$0x44F0] =	vst v32;
	s25 =	sadd.s32 @!p2 s24, s8  }
0x247: {  	[tilespmem:s28], [sflag:$0x2] =	stream.linear.gather @!p2 [hbm4b:s25+s26], $0x1000, $0x38;
	[tilespmem:$0x5400] =	vst v63  }
0x248: {  	s24 =	sadd.s32 s3, s31  }
0x249: {  	[hbm4b:s24+s2] =	stream.linear.scatter [tilespmem:s18], [sflag:$0x4], $0x1000, $0x38;
	[tilespmem:$0x5400] =	vst v63  }
0x24a: {  	_ =	swait.ge [sflag:s19], $0x1000  }
.Ltmp7:
0x24b: {  	[sflag:s19] =	ssyncset.done $0x0;
	(pc) =	sbr.rel @p0 .LBB2_17-.Ltmp7, $4  }
0x24c: {  	[sflag:s19] =	ssyncadd.s32 $0xFFFFF000  }
0x24d: {  	_ =	swait.ge [sflag:s20], $0x1000  }
0x24e: {  	[sflag:s20] =	ssyncset.done $0x0  }
0x24f: {  	[sflag:s20] =	ssyncadd.s32 $0xFFFFF000  }
0x250: {  	s23 =	simm.s32 $0x0  }
0x251: {  	v32 =	vmov s23  }
0x252: {  	[tilespmem:s23], [sflag:$0x1] =	stream.linear.gather [hbm4b:s9+s23], $0x1000, $0x38;
	v32 =	vmul.u32 $0x28, v32;
	[tilespmem:$0x5400] =	vst v63  }
0x253: {  	_ =	swait.ge [sflag:s14], $0x1000  }
0x254: {  	[sflag:s14] =	ssyncset.done $0x0;
	v32 =	vbroadcast v32, $0x0  }
0x255: {  	s24 =	simm.s32 $0x800;
	[sflag:s14] =	ssyncadd.s32 $0xFFFFF000  }
0x256: {  	v33 =	vld [tilespmem:s24+$0xFFFFF800];
	v34 =	vadd.s32 v0, v32;
	_ =	sdelay $0x4  }
0x257: {  	[tilespmem:v34+s15+$0x0] =	vst.idx.msk $0xffff, v33  }
0x258: {  	v62 =	vadd.s32 v1, v32;
	v33 =	vld [tilespmem:s24+$0xFFFFF880];
	_ =	sdelay $0x4  }
0x259: {  	[tilespmem:v62+s15+$0x0] =	vst.idx.msk $0xffff, v33  }
0x25a: {  	v63 =	vadd.s32 v2, v32;
	v33 =	vld [tilespmem:s24+$0xFFFFF900];
	_ =	sdelay $0x4  }
0x25b: {  	[tilespmem:v63+s15+$0x0] =	vst.idx.msk $0xffff, v33  }
0x25c: {  	v36 =	vadd.s32 v3, v32;
	v33 =	vld [tilespmem:s24+$0xFFFFF980];
	_ =	sdelay $0x4  }
0x25d: {  	[tilespmem:v36+s15+$0x0] =	vst.idx.msk $0xffff, v33  }
0x25e: {  	v37 =	vadd.s32 v4, v32;
	v33 =	vld [tilespmem:s24+$0xFFFFFA00];
	_ =	sdelay $0x4  }
0x25f: {  	[tilespmem:v37+s15+$0x0] =	vst.idx.msk $0xffff, v33  }
0x260: {  	v38 =	vadd.s32 v5, v32;
	v33 =	vld [tilespmem:s24+$0xFFFFFA80];
	_ =	sdelay $0x4  }
0x261: {  	[tilespmem:v38+s15+$0x0] =	vst.idx.msk $0xffff, v33  }
0x262: {  	v39 =	vadd.s32 v6, v32;
	v33 =	vld [tilespmem:s24+$0xFFFFFB00];
	_ =	sdelay $0x4  }
0x263: {  	[tilespmem:v39+s15+$0x0] =	vst.idx.msk $0xffff, v33  }
0x264: {  	v40 =	vadd.s32 v7, v32;
	v33 =	vld [tilespmem:s24+$0xFFFFFB80];
	_ =	sdelay $0x4  }
0x265: {  	[tilespmem:v40+s15+$0x0] =	vst.idx.msk $0xffff, v33  }
0x266: {  	v41 =	vadd.s32 v8, v32;
	v33 =	vld [tilespmem:s24+$0xFFFFFC00];
	_ =	sdelay $0x4  }
0x267: {  	[tilespmem:v41+s15+$0x0] =	vst.idx.msk $0xffff, v33  }
0x268: {  	v42 =	vadd.s32 v9, v32;
	v33 =	vld [tilespmem:s24+$0xFFFFFC80];
	_ =	sdelay $0x4  }
0x269: {  	[tilespmem:v42+s15+$0x0] =	vst.idx.msk $0xffff, v33  }
0x26a: {  	v43 =	vadd.s32 v10, v32;
	v33 =	vld [tilespmem:s24+$0xFFFFFD00];
	_ =	sdelay $0x4  }
0x26b: {  	[tilespmem:v43+s15+$0x0] =	vst.idx.msk $0xffff, v33  }
0x26c: {  	v44 =	vadd.s32 v11, v32;
	v33 =	vld [tilespmem:s24+$0xFFFFFD80];
	_ =	sdelay $0x4  }
0x26d: {  	[tilespmem:v44+s15+$0x0] =	vst.idx.msk $0xffff, v33  }
0x26e: {  	v45 =	vadd.s32 v12, v32;
	v33 =	vld [tilespmem:s24+$0xFFFFFE00];
	_ =	sdelay $0x4  }
0x26f: {  	[tilespmem:v45+s15+$0x0] =	vst.idx.msk $0xffff, v33  }
0x270: {  	v46 =	vadd.s32 v13, v32;
	v33 =	vld [tilespmem:s24+$0xFFFFFE80];
	_ =	sdelay $0x4  }
0x271: {  	[tilespmem:v46+s15+$0x0] =	vst.idx.msk $0xffff, v33  }
0x272: {  	v47 =	vadd.s32 v14, v32;
	v33 =	vld [tilespmem:s24+$0xFFFFFF00];
	_ =	sdelay $0x4  }
0x273: {  	[tilespmem:v47+s15+$0x0] =	vst.idx.msk $0xffff, v33  }
0x274: {  	v48 =	vadd.s32 v15, v32;
	v33 =	vld [tilespmem:s24+$0xFFFFFF80];
	_ =	sdelay $0x4  }
0x275: {  	[tilespmem:v48+s15+$0x0] =	vst.idx.msk $0xffff, v33  }
0x276: {  	v49 =	vadd.s32 v16, v32;
	v33 =	vld [tilespmem:s24+$0x0];
	_ =	sdelay $0x4  }
0x277: {  	[tilespmem:v49+s15+$0x0] =	vst.idx.msk $0xffff, v33  }
0x278: {  	v50 =	vadd.s32 v17, v32;
	v33 =	vld [tilespmem:s24+$0x80];
	_ =	sdelay $0x4  }
0x279: {  	[tilespmem:v50+s15+$0x0] =	vst.idx.msk $0xffff, v33  }
0x27a: {  	v51 =	vadd.s32 v18, v32;
	v33 =	vld [tilespmem:s24+$0x100];
	_ =	sdelay $0x4  }
0x27b: {  	[tilespmem:v51+s15+$0x0] =	vst.idx.msk $0xffff, v33  }
0x27c: {  	v52 =	vadd.s32 v19, v32;
	v33 =	vld [tilespmem:s24+$0x180];
	_ =	sdelay $0x4  }
0x27d: {  	[tilespmem:v52+s15+$0x0] =	vst.idx.msk $0xffff, v33  }
0x27e: {  	v53 =	vadd.s32 v20, v32;
	v33 =	vld [tilespmem:s24+$0x200];
	_ =	sdelay $0x4  }
0x27f: {  	[tilespmem:v53+s15+$0x0] =	vst.idx.msk $0xffff, v33  }
0x280: {  	v54 =	vadd.s32 v21, v32;
	v33 =	vld [tilespmem:s24+$0x280];
	_ =	sdelay $0x4  }
0x281: {  	[tilespmem:v54+s15+$0x0] =	vst.idx.msk $0xffff, v33  }
0x282: {  	v55 =	vadd.s32 v22, v32;
	v33 =	vld [tilespmem:s24+$0x300];
	_ =	sdelay $0x4  }
0x283: {  	[tilespmem:v55+s15+$0x0] =	vst.idx.msk $0xffff, v33  }
0x284: {  	v56 =	vadd.s32 v23, v32;
	v33 =	vld [tilespmem:s24+$0x380];
	_ =	sdelay $0x4  }
0x285: {  	[tilespmem:v56+s15+$0x0] =	vst.idx.msk $0xffff, v33  }
0x286: {  	v57 =	vadd.s32 v24, v32;
	v33 =	vld [tilespmem:s24+$0x400];
	_ =	sdelay $0x4  }
0x287: {  	[tilespmem:v57+s15+$0x0] =	vst.idx.msk $0xffff, v33  }
0x288: {  	v58 =	vadd.s32 v25, v32;
	v33 =	vld [tilespmem:s24+$0x480];
	_ =	sdelay $0x4  }
0x289: {  	[tilespmem:v58+s15+$0x0] =	vst.idx.msk $0xffff, v33  }
0x28a: {  	v59 =	vadd.s32 v26, v32;
	v33 =	vld [tilespmem:s24+$0x500];
	_ =	sdelay $0x4  }
0x28b: {  	[tilespmem:v59+s15+$0x0] =	vst.idx.msk $0xffff, v33  }
0x28c: {  	v60 =	vadd.s32 v27, v32;
	v33 =	vld [tilespmem:s24+$0x580];
	_ =	sdelay $0x4  }
0x28d: {  	[tilespmem:v60+s15+$0x0] =	vst.idx.msk $0xffff, v33  }
0x28e: {  	v61 =	vadd.s32 v28, v32;
	v33 =	vld [tilespmem:s24+$0x600];
	_ =	sdelay $0x4  }
0x28f: {  	[tilespmem:v61+s15+$0x0] =	vst.idx.msk $0xffff, v33  }
0x290: {  	v62 =	vadd.s32 v29, v32;
	v33 =	vld [tilespmem:s24+$0x680];
	_ =	sdelay $0x4  }
0x291: {  	[tilespmem:v62+s15+$0x0] =	vst.idx.msk $0xffff, v33  }
0x292: {  	v63 =	vadd.s32 v30, v32;
	v33 =	vld [tilespmem:s24+$0x700];
	_ =	sdelay $0x4  }
0x293: {  	[tilespmem:v63+s15+$0x0] =	vst.idx.msk $0xffff, v33  }
0x294: {  	s25 =	simm.s32 $0x10;
	v34 =	vadd.s32 v31, v32;
	v33 =	vld [tilespmem:s24+$0x780]  }
0x295: {  	v32 =	vmov s25;
	s25 =	simm.s32 $0x20  }
.LBB2_13:
0x296: {  	p1 =	sne.s32 s25, $0x70;
	v32 =	vmul.u32 $0x28, v32;
	_ =	sdelay $0x1  }
0x297: {  	v32 =	vbroadcast v32, $0x0  }
0x298: {  	s24 =	sadd.s32 $0x10, s24;
	[tilespmem:v34+s15+$0x0] =	vst.idx.msk $0xffff, v33  }
0x299: {  	v33 =	vld [tilespmem:s24+$0xFFFFF800];
	v34 =	vadd.s32 v0, v32;
	_ =	sdelay $0x4  }
0x29a: {  	[tilespmem:v34+s15+$0x0] =	vst.idx.msk $0xffff, v33  }
0x29b: {  	v34 =	vadd.s32 v1, v32;
	v33 =	vld [tilespmem:s24+$0xFFFFF880];
	_ =	sdelay $0x4  }
0x29c: {  	[tilespmem:v34+s15+$0x0] =	vst.idx.msk $0xffff, v33  }
0x29d: {  	v34 =	vadd.s32 v2, v32;
	v33 =	vld [tilespmem:s24+$0xFFFFF900];
	_ =	sdelay $0x4  }
0x29e: {  	[tilespmem:v34+s15+$0x0] =	vst.idx.msk $0xffff, v33  }
0x29f: {  	v34 =	vadd.s32 v3, v32;
	v33 =	vld [tilespmem:s24+$0xFFFFF980];
	_ =	sdelay $0x4  }
0x2a0: {  	[tilespmem:v34+s15+$0x0] =	vst.idx.msk $0xffff, v33  }
0x2a1: {  	v34 =	vadd.s32 v4, v32;
	v33 =	vld [tilespmem:s24+$0xFFFFFA00];
	_ =	sdelay $0x4  }
0x2a2: {  	[tilespmem:v34+s15+$0x0] =	vst.idx.msk $0xffff, v33  }
0x2a3: {  	v34 =	vadd.s32 v5, v32;
	v33 =	vld [tilespmem:s24+$0xFFFFFA80];
	_ =	sdelay $0x4  }
0x2a4: {  	[tilespmem:v34+s15+$0x0] =	vst.idx.msk $0xffff, v33  }
0x2a5: {  	v34 =	vadd.s32 v6, v32;
	v33 =	vld [tilespmem:s24+$0xFFFFFB00];
	_ =	sdelay $0x4  }
0x2a6: {  	[tilespmem:v34+s15+$0x0] =	vst.idx.msk $0xffff, v33  }
0x2a7: {  	v34 =	vadd.s32 v7, v32;
	v33 =	vld [tilespmem:s24+$0xFFFFFB80];
	_ =	sdelay $0x4  }
0x2a8: {  	[tilespmem:v34+s15+$0x0] =	vst.idx.msk $0xffff, v33  }
0x2a9: {  	v34 =	vadd.s32 v8, v32;
	v33 =	vld [tilespmem:s24+$0xFFFFFC00];
	_ =	sdelay $0x4  }
0x2aa: {  	[tilespmem:v34+s15+$0x0] =	vst.idx.msk $0xffff, v33  }
0x2ab: {  	v34 =	vadd.s32 v9, v32;
	v33 =	vld [tilespmem:s24+$0xFFFFFC80];
	_ =	sdelay $0x4  }
0x2ac: {  	[tilespmem:v34+s15+$0x0] =	vst.idx.msk $0xffff, v33  }
0x2ad: {  	v34 =	vadd.s32 v10, v32;
	v33 =	vld [tilespmem:s24+$0xFFFFFD00];
	_ =	sdelay $0x4  }
0x2ae: {  	[tilespmem:v34+s15+$0x0] =	vst.idx.msk $0xffff, v33  }
0x2af: {  	v34 =	vadd.s32 v11, v32;
	v33 =	vld [tilespmem:s24+$0xFFFFFD80];
	_ =	sdelay $0x4  }
0x2b0: {  	[tilespmem:v34+s15+$0x0] =	vst.idx.msk $0xffff, v33  }
0x2b1: {  	v34 =	vadd.s32 v12, v32;
	v33 =	vld [tilespmem:s24+$0xFFFFFE00];
	_ =	sdelay $0x4  }
0x2b2: {  	[tilespmem:v34+s15+$0x0] =	vst.idx.msk $0xffff, v33  }
0x2b3: {  	v34 =	vadd.s32 v13, v32;
	v33 =	vld [tilespmem:s24+$0xFFFFFE80];
	_ =	sdelay $0x4  }
0x2b4: {  	[tilespmem:v34+s15+$0x0] =	vst.idx.msk $0xffff, v33  }
0x2b5: {  	v34 =	vadd.s32 v14, v32;
	v33 =	vld [tilespmem:s24+$0xFFFFFF00];
	_ =	sdelay $0x4  }
0x2b6: {  	[tilespmem:v34+s15+$0x0] =	vst.idx.msk $0xffff, v33  }
0x2b7: {  	v34 =	vadd.s32 v15, v32;
	v33 =	vld [tilespmem:s24+$0xFFFFFF80];
	_ =	sdelay $0x4  }
0x2b8: {  	[tilespmem:v34+s15+$0x0] =	vst.idx.msk $0xffff, v33  }
0x2b9: {  	v34 =	vadd.s32 v16, v32;
	v33 =	vld [tilespmem:s24+$0x0];
	_ =	sdelay $0x4  }
0x2ba: {  	[tilespmem:v34+s15+$0x0] =	vst.idx.msk $0xffff, v33  }
0x2bb: {  	v34 =	vadd.s32 v17, v32;
	v33 =	vld [tilespmem:s24+$0x80];
	_ =	sdelay $0x4  }
0x2bc: {  	[tilespmem:v34+s15+$0x0] =	vst.idx.msk $0xffff, v33  }
0x2bd: {  	v34 =	vadd.s32 v18, v32;
	v33 =	vld [tilespmem:s24+$0x100];
	_ =	sdelay $0x4  }
0x2be: {  	[tilespmem:v34+s15+$0x0] =	vst.idx.msk $0xffff, v33  }
0x2bf: {  	v34 =	vadd.s32 v19, v32;
	v33 =	vld [tilespmem:s24+$0x180];
	_ =	sdelay $0x4  }
0x2c0: {  	[tilespmem:v34+s15+$0x0] =	vst.idx.msk $0xffff, v33  }
0x2c1: {  	v34 =	vadd.s32 v20, v32;
	v33 =	vld [tilespmem:s24+$0x200];
	_ =	sdelay $0x4  }
0x2c2: {  	[tilespmem:v34+s15+$0x0] =	vst.idx.msk $0xffff, v33  }
0x2c3: {  	v34 =	vadd.s32 v21, v32;
	v33 =	vld [tilespmem:s24+$0x280];
	_ =	sdelay $0x4  }
0x2c4: {  	[tilespmem:v34+s15+$0x0] =	vst.idx.msk $0xffff, v33  }
0x2c5: {  	v34 =	vadd.s32 v22, v32;
	v33 =	vld [tilespmem:s24+$0x300];
	_ =	sdelay $0x4  }
0x2c6: {  	[tilespmem:v34+s15+$0x0] =	vst.idx.msk $0xffff, v33  }
0x2c7: {  	v34 =	vadd.s32 v23, v32;
	v33 =	vld [tilespmem:s24+$0x380];
	_ =	sdelay $0x4  }
0x2c8: {  	[tilespmem:v34+s15+$0x0] =	vst.idx.msk $0xffff, v33  }
0x2c9: {  	v34 =	vadd.s32 v24, v32;
	v33 =	vld [tilespmem:s24+$0x400];
	_ =	sdelay $0x4  }
0x2ca: {  	[tilespmem:v34+s15+$0x0] =	vst.idx.msk $0xffff, v33  }
0x2cb: {  	v34 =	vadd.s32 v25, v32;
	v33 =	vld [tilespmem:s24+$0x480];
	_ =	sdelay $0x4  }
0x2cc: {  	[tilespmem:v34+s15+$0x0] =	vst.idx.msk $0xffff, v33  }
0x2cd: {  	v34 =	vadd.s32 v26, v32;
	v33 =	vld [tilespmem:s24+$0x500];
	_ =	sdelay $0x4  }
0x2ce: {  	[tilespmem:v34+s15+$0x0] =	vst.idx.msk $0xffff, v33  }
0x2cf: {  	v34 =	vadd.s32 v27, v32;
	v33 =	vld [tilespmem:s24+$0x580];
	_ =	sdelay $0x4  }
0x2d0: {  	[tilespmem:v34+s15+$0x0] =	vst.idx.msk $0xffff, v33  }
0x2d1: {  	v34 =	vadd.s32 v28, v32;
	v33 =	vld [tilespmem:s24+$0x600];
	_ =	sdelay $0x4  }
0x2d2: {  	[tilespmem:v34+s15+$0x0] =	vst.idx.msk $0xffff, v33  }
0x2d3: {  	v34 =	vadd.s32 v29, v32;
	v33 =	vld [tilespmem:s24+$0x680];
	_ =	sdelay $0x4  }
0x2d4: {  	[tilespmem:v34+s15+$0x0] =	vst.idx.msk $0xffff, v33  }
0x2d5: {  	v34 =	vadd.s32 v30, v32;
	v33 =	vld [tilespmem:s24+$0x700];
	_ =	sdelay $0x2  }
.Ltmp8:
0x2d6: {  	(pc) =	sbr.rel @p1 .LBB2_13-.Ltmp8, $4  }
0x2d7: {  	_ = 	snop  }
0x2d8: {  	[tilespmem:v34+s15+$0x0] =	vst.idx.msk $0xffff, v33  }
0x2d9: {  	v34 =	vadd.s32 v31, v32;
	v33 =	vld [tilespmem:s24+$0x780]  }
0x2da: {  	v32 =	vmov s25;
	s25 =	sadd.s32 $0x10, s25  }
0x2db: {  	_ = 	snop  }
0x2dc: {  	v32 =	vmul.u32 $0x28, v32;
	_ =	sdelay $0x1  }
0x2dd: {  	v32 =	vbroadcast v32, $0x0  }
0x2de: {  	s24 =	sadd.s32 $0x10, s24;
	[tilespmem:v34+s15+$0x0] =	vst.idx.msk $0xffff, v33  }
0x2df: {  	v33 =	vld [tilespmem:s24+$0xFFFFF800];
	v61 =	vadd.s32 v0, v32;
	_ =	sdelay $0x4  }
0x2e0: {  	[tilespmem:v61+s15+$0x0] =	vst.idx.msk $0xffff, v33  }
0x2e1: {  	v62 =	vadd.s32 v1, v32;
	v33 =	vld [tilespmem:s24+$0xFFFFF880];
	_ =	sdelay $0x4  }
0x2e2: {  	[tilespmem:v62+s15+$0x0] =	vst.idx.msk $0xffff, v33  }
0x2e3: {  	v63 =	vadd.s32 v2, v32;
	v33 =	vld [tilespmem:s24+$0xFFFFF900];
	_ =	sdelay $0x4  }
0x2e4: {  	[tilespmem:v63+s15+$0x0] =	vst.idx.msk $0xffff, v33  }
0x2e5: {  	v36 =	vadd.s32 v3, v32;
	v33 =	vld [tilespmem:s24+$0xFFFFF980];
	_ =	sdelay $0x4  }
0x2e6: {  	[tilespmem:v36+s15+$0x0] =	vst.idx.msk $0xffff, v33  }
0x2e7: {  	v37 =	vadd.s32 v4, v32;
	v33 =	vld [tilespmem:s24+$0xFFFFFA00];
	_ =	sdelay $0x4  }
0x2e8: {  	[tilespmem:v37+s15+$0x0] =	vst.idx.msk $0xffff, v33  }
0x2e9: {  	v38 =	vadd.s32 v5, v32;
	v33 =	vld [tilespmem:s24+$0xFFFFFA80];
	_ =	sdelay $0x4  }
0x2ea: {  	[tilespmem:v38+s15+$0x0] =	vst.idx.msk $0xffff, v33  }
0x2eb: {  	v39 =	vadd.s32 v6, v32;
	v33 =	vld [tilespmem:s24+$0xFFFFFB00];
	_ =	sdelay $0x4  }
0x2ec: {  	[tilespmem:v39+s15+$0x0] =	vst.idx.msk $0xffff, v33  }
0x2ed: {  	v40 =	vadd.s32 v7, v32;
	v33 =	vld [tilespmem:s24+$0xFFFFFB80];
	_ =	sdelay $0x4  }
0x2ee: {  	[tilespmem:v40+s15+$0x0] =	vst.idx.msk $0xffff, v33  }
0x2ef: {  	v41 =	vadd.s32 v8, v32;
	v33 =	vld [tilespmem:s24+$0xFFFFFC00];
	_ =	sdelay $0x4  }
0x2f0: {  	[tilespmem:v41+s15+$0x0] =	vst.idx.msk $0xffff, v33  }
0x2f1: {  	v42 =	vadd.s32 v9, v32;
	v33 =	vld [tilespmem:s24+$0xFFFFFC80];
	_ =	sdelay $0x4  }
0x2f2: {  	[tilespmem:v42+s15+$0x0] =	vst.idx.msk $0xffff, v33  }
0x2f3: {  	v43 =	vadd.s32 v10, v32;
	v33 =	vld [tilespmem:s24+$0xFFFFFD00];
	_ =	sdelay $0x4  }
0x2f4: {  	[tilespmem:v43+s15+$0x0] =	vst.idx.msk $0xffff, v33  }
0x2f5: {  	v44 =	vadd.s32 v11, v32;
	v33 =	vld [tilespmem:s24+$0xFFFFFD80];
	_ =	sdelay $0x4  }
0x2f6: {  	[tilespmem:v44+s15+$0x0] =	vst.idx.msk $0xffff, v33  }
0x2f7: {  	v45 =	vadd.s32 v12, v32;
	v33 =	vld [tilespmem:s24+$0xFFFFFE00];
	_ =	sdelay $0x4  }
0x2f8: {  	[tilespmem:v45+s15+$0x0] =	vst.idx.msk $0xffff, v33  }
0x2f9: {  	v46 =	vadd.s32 v13, v32;
	v33 =	vld [tilespmem:s24+$0xFFFFFE80];
	_ =	sdelay $0x4  }
0x2fa: {  	[tilespmem:v46+s15+$0x0] =	vst.idx.msk $0xffff, v33  }
0x2fb: {  	v47 =	vadd.s32 v14, v32;
	v33 =	vld [tilespmem:s24+$0xFFFFFF00];
	_ =	sdelay $0x4  }
0x2fc: {  	[tilespmem:v47+s15+$0x0] =	vst.idx.msk $0xffff, v33  }
0x2fd: {  	v48 =	vadd.s32 v15, v32;
	v33 =	vld [tilespmem:s24+$0xFFFFFF80];
	_ =	sdelay $0x4  }
0x2fe: {  	[tilespmem:v48+s15+$0x0] =	vst.idx.msk $0xffff, v33  }
0x2ff: {  	v49 =	vadd.s32 v16, v32;
	v33 =	vld [tilespmem:s24+$0x0];
	_ =	sdelay $0x4  }
0x300: {  	[tilespmem:v49+s15+$0x0] =	vst.idx.msk $0xffff, v33  }
0x301: {  	v50 =	vadd.s32 v17, v32;
	v33 =	vld [tilespmem:s24+$0x80];
	_ =	sdelay $0x4  }
0x302: {  	[tilespmem:v50+s15+$0x0] =	vst.idx.msk $0xffff, v33  }
0x303: {  	v51 =	vadd.s32 v18, v32;
	v33 =	vld [tilespmem:s24+$0x100];
	_ =	sdelay $0x4  }
0x304: {  	[tilespmem:v51+s15+$0x0] =	vst.idx.msk $0xffff, v33  }
0x305: {  	v52 =	vadd.s32 v19, v32;
	v33 =	vld [tilespmem:s24+$0x180];
	_ =	sdelay $0x4  }
0x306: {  	[tilespmem:v52+s15+$0x0] =	vst.idx.msk $0xffff, v33  }
0x307: {  	v53 =	vadd.s32 v20, v32;
	v33 =	vld [tilespmem:s24+$0x200];
	_ =	sdelay $0x4  }
0x308: {  	[tilespmem:v53+s15+$0x0] =	vst.idx.msk $0xffff, v33  }
0x309: {  	v54 =	vadd.s32 v21, v32;
	v33 =	vld [tilespmem:s24+$0x280];
	_ =	sdelay $0x4  }
0x30a: {  	[tilespmem:v54+s15+$0x0] =	vst.idx.msk $0xffff, v33  }
0x30b: {  	v55 =	vadd.s32 v22, v32;
	v33 =	vld [tilespmem:s24+$0x300];
	_ =	sdelay $0x4  }
0x30c: {  	[tilespmem:v55+s15+$0x0] =	vst.idx.msk $0xffff, v33  }
0x30d: {  	v56 =	vadd.s32 v23, v32;
	v33 =	vld [tilespmem:s24+$0x380];
	_ =	sdelay $0x4  }
0x30e: {  	[tilespmem:v56+s15+$0x0] =	vst.idx.msk $0xffff, v33  }
0x30f: {  	v57 =	vadd.s32 v24, v32;
	v33 =	vld [tilespmem:s24+$0x400];
	_ =	sdelay $0x4  }
0x310: {  	[tilespmem:v57+s15+$0x0] =	vst.idx.msk $0xffff, v33  }
0x311: {  	v58 =	vadd.s32 v25, v32;
	v33 =	vld [tilespmem:s24+$0x480];
	_ =	sdelay $0x4  }
0x312: {  	[tilespmem:v58+s15+$0x0] =	vst.idx.msk $0xffff, v33  }
0x313: {  	v59 =	vadd.s32 v26, v32;
	v33 =	vld [tilespmem:s24+$0x500];
	_ =	sdelay $0x4  }
0x314: {  	[tilespmem:v59+s15+$0x0] =	vst.idx.msk $0xffff, v33  }
0x315: {  	v60 =	vadd.s32 v27, v32;
	v33 =	vld [tilespmem:s24+$0x580];
	_ =	sdelay $0x4  }
0x316: {  	[tilespmem:v60+s15+$0x0] =	vst.idx.msk $0xffff, v33  }
0x317: {  	v61 =	vadd.s32 v28, v32;
	v33 =	vld [tilespmem:s24+$0x600];
	_ =	sdelay $0x4  }
0x318: {  	[tilespmem:v61+s15+$0x0] =	vst.idx.msk $0xffff, v33  }
0x319: {  	v62 =	vadd.s32 v29, v32;
	v33 =	vld [tilespmem:s24+$0x680];
	_ =	sdelay $0x4  }
0x31a: {  	[tilespmem:v62+s15+$0x0] =	vst.idx.msk $0xffff, v33  }
0x31b: {  	v63 =	vadd.s32 v30, v32;
	v33 =	vld [tilespmem:s24+$0x700];
	_ =	sdelay $0x4  }
0x31c: {  	[tilespmem:v63+s15+$0x0] =	vst.idx.msk $0xffff, v33  }
0x31d: {  	v32 =	vadd.s32 v31, v32;
	v33 =	vld [tilespmem:s24+$0x780];
	_ =	sdelay $0x4  }
0x31e: {  	s24 =	simm.s32 $0x20A0;
	[tilespmem:v32+s15+$0x0] =	vst.idx.msk $0xffff, v33  }
0x31f: {  	s25 =	simm.s32 $0x400;
	v32 =	vld [tilespmem:s24+$0xFFFFFF60]  }
.LBB2_15:
0x320: {  	p1 =	sne.s32 s25, $0x3C00;
	_ =	sdelay $0x2  }
0x321: {  	s26 =	sshra.s32 s23, $0x2;
	s23 =	smov.u32 s25  }
0x322: {  	[tilespmem:s26+$0x3400] =	vst v32  }
0x323: {  	v32 =	vld [tilespmem:s24+$0xFFFFFF70];
	_ =	sdelay $0x4  }
0x324: {  	[tilespmem:s26+$0x3410] =	vst v32  }
0x325: {  	v32 =	vld [tilespmem:s24+$0xFFFFFF88];
	_ =	sdelay $0x4  }
0x326: {  	[tilespmem:s26+$0x3420] =	vst v32  }
0x327: {  	v32 =	vld [tilespmem:s24+$0xFFFFFF98];
	_ =	sdelay $0x4  }
0x328: {  	[tilespmem:s26+$0x3430] =	vst v32  }
0x329: {  	v32 =	vld [tilespmem:s24+$0xFFFFFFB0];
	_ =	sdelay $0x4  }
0x32a: {  	[tilespmem:s26+$0x3440] =	vst v32  }
0x32b: {  	v32 =	vld [tilespmem:s24+$0xFFFFFFC0];
	_ =	sdelay $0x4  }
0x32c: {  	[tilespmem:s26+$0x3450] =	vst v32  }
0x32d: {  	v32 =	vld [tilespmem:s24+$0xFFFFFFD8];
	_ =	sdelay $0x4  }
0x32e: {  	[tilespmem:s26+$0x3460] =	vst v32  }
0x32f: {  	v32 =	vld [tilespmem:s24+$0xFFFFFFE8];
	_ =	sdelay $0x4  }
0x330: {  	[tilespmem:s26+$0x3470] =	vst v32  }
0x331: {  	v32 =	vld [tilespmem:s24+$0x0];
	_ =	sdelay $0x4  }
0x332: {  	[tilespmem:s26+$0x3480] =	vst v32  }
0x333: {  	v32 =	vld [tilespmem:s24+$0x10];
	_ =	sdelay $0x4  }
0x334: {  	[tilespmem:s26+$0x3490] =	vst v32  }
0x335: {  	v32 =	vld [tilespmem:s24+$0x28];
	_ =	sdelay $0x4  }
0x336: {  	[tilespmem:s26+$0x34A0] =	vst v32  }
0x337: {  	v32 =	vld [tilespmem:s24+$0x38];
	_ =	sdelay $0x4  }
0x338: {  	[tilespmem:s26+$0x34B0] =	vst v32  }
0x339: {  	v32 =	vld [tilespmem:s24+$0x50];
	_ =	sdelay $0x4  }
0x33a: {  	[tilespmem:s26+$0x34C0] =	vst v32  }
0x33b: {  	v32 =	vld [tilespmem:s24+$0x60];
	_ =	sdelay $0x4  }
0x33c: {  	[tilespmem:s26+$0x34D0] =	vst v32  }
0x33d: {  	v32 =	vld [tilespmem:s24+$0x78];
	_ =	sdelay $0x4  }
0x33e: {  	[tilespmem:s26+$0x34E0] =	vst v32  }
0x33f: {  	v32 =	vld [tilespmem:s24+$0x88];
	_ =	sdelay $0x1  }
.Ltmp9:
0x340: {  	(pc) =	sbr.rel @p1 .LBB2_15-.Ltmp9, $3  }
0x341: {  	_ =	sdelay $0x1  }
0x342: {  	s24 =	sadd.s32 $0x140, s24;
	[tilespmem:s26+$0x34F0] =	vst v32  }
0x343: {  	s25 =	sadd.s32 $0x400, s25;
	v32 =	vld [tilespmem:s24+$0xFFFFFF60]  }
0x344: {  	_ =	sdelay $0x2  }
0x345: {  	s23 =	sshra.s32 s23, $0x2  }
0x346: {  	[tilespmem:s23+$0x3400] =	vst v32  }
0x347: {  	v32 =	vld [tilespmem:s24+$0xFFFFFF70];
	_ =	sdelay $0x4  }
0x348: {  	[tilespmem:s23+$0x3410] =	vst v32  }
0x349: {  	v32 =	vld [tilespmem:s24+$0xFFFFFF88];
	_ =	sdelay $0x4  }
0x34a: {  	[tilespmem:s23+$0x3420] =	vst v32  }
0x34b: {  	v32 =	vld [tilespmem:s24+$0xFFFFFF98];
	_ =	sdelay $0x4  }
0x34c: {  	[tilespmem:s23+$0x3430] =	vst v32  }
0x34d: {  	v32 =	vld [tilespmem:s24+$0xFFFFFFB0];
	_ =	sdelay $0x4  }
0x34e: {  	[tilespmem:s23+$0x3440] =	vst v32  }
0x34f: {  	v32 =	vld [tilespmem:s24+$0xFFFFFFC0];
	_ =	sdelay $0x4  }
0x350: {  	[tilespmem:s23+$0x3450] =	vst v32  }
0x351: {  	v32 =	vld [tilespmem:s24+$0xFFFFFFD8];
	_ =	sdelay $0x4  }
0x352: {  	[tilespmem:s23+$0x3460] =	vst v32  }
0x353: {  	v32 =	vld [tilespmem:s24+$0xFFFFFFE8];
	_ =	sdelay $0x4  }
0x354: {  	[tilespmem:s23+$0x3470] =	vst v32  }
0x355: {  	v32 =	vld [tilespmem:s24+$0x0];
	_ =	sdelay $0x4  }
0x356: {  	[tilespmem:s23+$0x3480] =	vst v32  }
0x357: {  	v32 =	vld [tilespmem:s24+$0x10];
	_ =	sdelay $0x4  }
0x358: {  	[tilespmem:s23+$0x3490] =	vst v32  }
0x359: {  	v32 =	vld [tilespmem:s24+$0x28];
	_ =	sdelay $0x4  }
0x35a: {  	[tilespmem:s23+$0x34A0] =	vst v32  }
0x35b: {  	v32 =	vld [tilespmem:s24+$0x38];
	_ =	sdelay $0x4  }
0x35c: {  	[tilespmem:s23+$0x34B0] =	vst v32  }
0x35d: {  	v32 =	vld [tilespmem:s24+$0x50];
	_ =	sdelay $0x4  }
0x35e: {  	[tilespmem:s23+$0x34C0] =	vst v32  }
0x35f: {  	v32 =	vld [tilespmem:s24+$0x60];
	_ =	sdelay $0x4  }
0x360: {  	[tilespmem:s23+$0x34D0] =	vst v32  }
0x361: {  	v32 =	vld [tilespmem:s24+$0x78];
	_ =	sdelay $0x4  }
0x362: {  	[tilespmem:s23+$0x34E0] =	vst v32  }
0x363: {  	v32 =	vld [tilespmem:s24+$0x88];
	_ =	sdelay $0x4  }
.Ltmp10:
0x364: {  	[tilespmem:s23+$0x34F0] =	vst v32;
	(pc) =	sbr.rel .LBB2_17-.Ltmp10, $4  }
0x365: {  	[hbm4b:s10+s2] =	stream.linear.scatter [tilespmem:s16], [sflag:$0x5], $0x1000, $0x38;
	[tilespmem:$0x5400] =	vst v63  }
0x366: {  	_ =	swait.ge [sflag:s21], $0x1000  }
0x367: {  	[sflag:s21] =	ssyncset.done $0x0  }
0x368: {  	[sflag:s21] =	ssyncadd.s32 $0xFFFFF000  }
.LBB2_18:
0x369: {  	_ =	sfence.sel $0x180000  }
0x36a: {  	[bflag:$0x0] =	sbarrier.arrive $0xFFFF  }
0x36b: {  	p0 =	sne.s32 s1, $0x0;
	_ =	strace $0x9000004A  }
0x36c: {  	s0 =	sadd.s32 @!p0 $0x100000, s0;
	[bflag:$0x2] =	sbarrier.arrive $0xFFFF  }
0x36d: {  	[sflag:s0] =	ssyncadd.tile.s32 @!p0 $0x1;
	_ =	shalt  }
.Lfunc_end2:
_tile_overlayer_lowered:
.L_overlay_start_2:
0x36e: {  	(tag) =	ssettag $0x2  }
0x36f: {  	s0 =	rddreg [dreg:$0x0];
	s2 =	stileid.u32  }
0x370: {  	s1 =	rddreg [dreg:$0x1];
	p0 =	sne.s32 s2, $0x0  }
0x371: {  	s3 =	rddreg [dreg:$0x2];
	[bflag:$0x3] =	sbarrier.arrive $0xFFFF;
	s2 =	simm.s32 @!p0 $0x1C05  }
0x372: {  	[timem:s3], [sflag:s2] =	dma.local @!p0 [hbm:s0], s1  }
0x373: {  	s0 =	simm.s32 @!p0 $0x5  }
0x374: {  	_ =	swait.ge @!p0 [sflag:s0], s1  }
0x375: {  	s1 =	ssub.s32 @!p0 $0x0, s1;
	[sflag:s0] =	ssyncset.done @!p0 $0x0  }
0x376: {  	[sflag:s0] =	ssyncadd.s32 @!p0 s1  }
0x377: {  	[bflag:$0x3] =	sbarrier.arrive $0xFFFF  }
0x378: {  	_ =	shalt  }

</sc_bundles>
